<compile_context>
chip_gen: v7x
topology: tpu7x:2x2x1
jax: 0.10.2.dev20260603
libtpu: 0.0.44.dev20260713+nightly
codegen_flags: <defaults>
</compile_context>

<pallas_src>
import functools
import math

import jax
import jax.numpy as jnp
from jax import lax
from jax.experimental import pallas as pl
from jax.experimental.pallas import tpu as pltpu
from jax.experimental.pallas import tpu_sc as plsc

N = 10000
E = 160000
IN_C = 128
OUT_C = 128
NA = 7
FD = 2 * IN_C + 1

NS = 16
CHUNK = 80
NBUF = 3
E_PAD = 160000
EPT = E_PAD // NS
NCHUNK = EPT // CHUNK
CNT_PAD = 71680
DEG_PAD = 10240
ROWS_N = DEG_PAD // NS

_T2 = [float(math.cos(k * math.pi / NA) ** 2) for k in range(1, NA)]


def _sc_edge_kernel(pk_ref, px_ref, py_ref, pz_ref, z_ref, u_ref,
                    z2d_ref, z1d_ref,
                    g2_out, sxu_out, cnt_out, sab_out, deg_out, sea_out,
                    acc, s1, s2, *scr):
    pk = scr[0:NBUF]
    ea = scr[NBUF:2 * NBUF]
    zidx = scr[2 * NBUF:3 * NBUF]
    ridx = scr[3 * NBUF:4 * NBUF]
    pos = [scr[4 * NBUF + 6 * b:4 * NBUF + 6 * b + 6] for b in range(NBUF)]
    rows = scr[10 * NBUF:11 * NBUF]
    ones_v = scr[11 * NBUF]
    sem_i = scr[11 * NBUF + 1:12 * NBUF + 1]
    sem_p = scr[12 * NBUF + 1:13 * NBUF + 1]
    sem_z = scr[13 * NBUF + 1:14 * NBUF + 1]
    sem_s = scr[14 * NBUF + 1]
    cid = lax.axis_index("c")
    sid = lax.axis_index("s")

    pltpu.sync_copy(z2d_ref, acc.at[pl.ds(sid * ROWS_N, ROWS_N), :])
    pltpu.sync_copy(z1d_ref.at[pl.ds(0, CNT_PAD // NS)],
                    s1.at[pl.ds(sid * (CNT_PAD // NS), CNT_PAD // NS)])
    pltpu.sync_copy(z1d_ref.at[pl.ds(0, CNT_PAD // NS)],
                    s2.at[pl.ds(sid * (CNT_PAD // NS), CNT_PAD // NS)])

    for g in range(CHUNK // 16):
        ones_v[pl.ds(g * 16, 16)] = jnp.ones((16,), jnp.float32)

    plsc.subcore_barrier()

    cbase = sid * NCHUNK

    def issue_pos(b):
        pkb = pk[b]
        pxr, pyr, pzr, pxc, pyc, pzc = pos[b]
        return (pltpu.async_copy(px_ref.at[pkb.at[0]], pxr, sem_p[b]),
                pltpu.async_copy(py_ref.at[pkb.at[0]], pyr, sem_p[b]),
                pltpu.async_copy(pz_ref.at[pkb.at[0]], pzr, sem_p[b]),
                pltpu.async_copy(px_ref.at[pkb.at[1]], pxc, sem_p[b]),
                pltpu.async_copy(py_ref.at[pkb.at[1]], pyc, sem_p[b]),
                pltpu.async_copy(pz_ref.at[pkb.at[1]], pzc, sem_p[b]))

    def unpack_ea(b):
        pkb, ea_v = pk[b], ea[b]
        for g in range(CHUNK // 16):
            bits = pkb[2, pl.ds(g * 16, 16)]
            ea_v[pl.ds(g * 16, 16)] = plsc.bitcast(bits, jnp.float32)

    def compute_bins(b):
        pkb, zidx_v, ridx_v = pk[b], zidx[b], ridx[b]
        pxr, pyr, pzr, pxc, pyc, pzc = pos[b]
        for g in range(CHUNK // 16):
            r16 = pkb[0, pl.ds(g * 16, 16)]
            c16 = pkb[1, pl.ds(g * 16, 16)]
            dx = pxc[pl.ds(g * 16, 16)] - pxr[pl.ds(g * 16, 16)]
            dy = pyc[pl.ds(g * 16, 16)] - pyr[pl.ds(g * 16, 16)]
            dz = pzc[pl.ds(g * 16, 16)] - pzr[pl.ds(g * 16, 16)]
            s = dx * dx + dy * dy + dz * dz
            vx2 = dx * dx
            neg = dx < 0.0
            bins = jnp.zeros((16,), jnp.int32)
            for k in range(NA - 1):
                if k < 3:
                    hit = neg | (vx2 < _T2[k] * s)
                else:
                    hit = neg & (vx2 > _T2[k] * s)
                bins = bins + hit.astype(jnp.int32)
            bins = jnp.where(s == 0.0, 3, bins)
            zidx_v[pl.ds(g * 16, 16)] = c16 * NA + bins
            ridx_v[pl.ds(g * 16, 16)] = r16 * NA + bins

    def scatter_c0(b):
        return (pltpu.async_copy(rows[b], acc.at[pk[b].at[0]], sem_s, add=True),
                pltpu.async_copy(ones_v, s1.at[ridx[b]], sem_s, add=True),
                pltpu.async_copy(ea[b], s2.at[ridx[b]], sem_s, add=True))

    def scatter_c1(b):
        return (pltpu.async_copy(rows[b], acc.at[pk[b].at[1]], sem_s, add=True),
                pltpu.async_copy(ones_v, s1.at[pk[b].at[1]], sem_s, add=True),
                pltpu.async_copy(ea[b], s2.at[pk[b].at[1]], sem_s, add=True))

    def do_c0(ls):
        nact = len(ls)
        ps = []
        for b in range(nact):
            ls[b].wait()
            ps.append(issue_pos(b))
        zs = []
        for b in range(nact):
            for c in ps[b]:
                c.wait()
            compute_bins(b)
            zs.append(pltpu.async_copy(z_ref.at[zidx[b]], rows[b], sem_z[b]))
            unpack_ea(b)
        ss = []
        for b in range(nact):
            zs[b].wait()
            ss.extend(scatter_c0(b))
        for c in ss:
            c.wait()

    def do_c1(ls):
        nact = len(ls)
        us = []
        for b in range(nact):
            ls[b].wait()
            us.append(pltpu.async_copy(u_ref.at[pk[b].at[0]], rows[b], sem_z[b]))
        ss = []
        for b in range(nact):
            us[b].wait()
            unpack_ea(b)
            ss.extend(scatter_c1(b))
        for c in ss:
            c.wait()

    def grp_body(i, carry):
        ls = [pltpu.async_copy(pk_ref.at[cbase + NBUF * i + b], pk[b], sem_i[b])
              for b in range(NBUF)]

        @pl.when(cid == 0)
        def _c0():
            do_c0(ls)

        @pl.when(cid == 1)
        def _c1():
            do_c1(ls)

        return carry

    lax.fori_loop(0, NCHUNK // NBUF, grp_body, 0)

    _TAIL = NCHUNK % NBUF
    if _TAIL:
        lt = [pltpu.async_copy(pk_ref.at[cbase + NCHUNK - _TAIL + b], pk[b],
                               sem_i[b]) for b in range(_TAIL)]

        @pl.when(cid == 0)
        def _t0():
            do_c0(lt)

        @pl.when(cid == 1)
        def _t1():
            do_c1(lt)

    plsc.subcore_barrier()

    @pl.when(cid == 0)
    def _out0():
        pltpu.sync_copy(acc.at[pl.ds(sid * ROWS_N, ROWS_N), :],
                        g2_out.at[pl.ds(sid * ROWS_N, ROWS_N), :])
        pltpu.sync_copy(s1.at[pl.ds(sid * (CNT_PAD // NS), CNT_PAD // NS)],
                        cnt_out.at[pl.ds(sid * (CNT_PAD // NS), CNT_PAD // NS)])
        pltpu.sync_copy(s2.at[pl.ds(sid * (CNT_PAD // NS), CNT_PAD // NS)],
                        sab_out.at[pl.ds(sid * (CNT_PAD // NS), CNT_PAD // NS)])

    @pl.when(cid == 1)
    def _out1():
        pltpu.sync_copy(acc.at[pl.ds(sid * ROWS_N, ROWS_N), :],
                        sxu_out.at[pl.ds(sid * ROWS_N, ROWS_N), :])
        pltpu.sync_copy(s1.at[pl.ds(sid * (DEG_PAD // NS), DEG_PAD // NS)],
                        deg_out.at[pl.ds(sid * (DEG_PAD // NS), DEG_PAD // NS)])
        pltpu.sync_copy(s2.at[pl.ds(sid * (DEG_PAD // NS), DEG_PAD // NS)],
                        sea_out.at[pl.ds(sid * (DEG_PAD // NS), DEG_PAD // NS)])


@functools.lru_cache(maxsize=1)
def _sc_edge_built():
    return functools.partial(
        pl.kernel,
        out_type=[
            jax.ShapeDtypeStruct((DEG_PAD, OUT_C), jnp.float32),
            jax.ShapeDtypeStruct((DEG_PAD, OUT_C), jnp.float32),
            jax.ShapeDtypeStruct((CNT_PAD,), jnp.float32),
            jax.ShapeDtypeStruct((CNT_PAD,), jnp.float32),
            jax.ShapeDtypeStruct((DEG_PAD,), jnp.float32),
            jax.ShapeDtypeStruct((DEG_PAD,), jnp.float32),
        ],
        mesh=plsc.VectorSubcoreMesh(core_axis_name="c", subcore_axis_name="s",
                                    num_cores=2, num_subcores=NS),
        compiler_params=pltpu.CompilerParams(needs_layout_passes=False),
        scratch_types=[
            pltpu.VMEM_SHARED((DEG_PAD, OUT_C), jnp.float32),
            pltpu.VMEM_SHARED((CNT_PAD,), jnp.float32),
            pltpu.VMEM_SHARED((CNT_PAD,), jnp.float32),
        ] + [pltpu.VMEM((3, CHUNK), jnp.int32)] * NBUF
          + [pltpu.VMEM((CHUNK,), jnp.float32)] * NBUF
          + [pltpu.VMEM((CHUNK,), jnp.int32)] * NBUF
          + [pltpu.VMEM((CHUNK,), jnp.int32)] * NBUF
          + [pltpu.VMEM((CHUNK,), jnp.float32)] * (6 * NBUF)
          + [pltpu.VMEM((CHUNK, OUT_C), jnp.float32)] * NBUF
          + [pltpu.VMEM((CHUNK,), jnp.float32)]
          + [pltpu.SemaphoreType.DMA] * (3 * NBUF + 1),
    )(_sc_edge_kernel)


def _tc_pre_kernel(x_ref, zuw_ref, z_out, u_out):
    r = jnp.dot(x_ref[...], zuw_ref[...], preferred_element_type=jnp.float32)
    z_out[...] = r[:, :NA * OUT_C]
    u_out[...] = r[:, NA * OUT_C:]


def _tc_pre(x, zuw):
    blk = 1024
    grid = DEG_PAD // blk
    return pl.pallas_call(
        _tc_pre_kernel,
        grid=(grid,),
        in_specs=[
            pl.BlockSpec((blk, IN_C), lambda i: (i, 0)),
            pl.BlockSpec((IN_C, (NA + 1) * OUT_C), lambda i: (0, 0)),
        ],
        out_specs=[
            pl.BlockSpec((blk, NA * OUT_C), lambda i: (i, 0)),
            pl.BlockSpec((blk, OUT_C), lambda i: (i, 0)),
        ],
        out_shape=[
            jax.ShapeDtypeStruct((DEG_PAD, NA * OUT_C), jnp.float32),
            jax.ShapeDtypeStruct((DEG_PAD, OUT_C), jnp.float32),
        ],
    )(x, zuw)


def _tc_combine_kernel(x_ref, g2_ref, sxu_ref, cnt_ref, sab_ref, deg_ref,
                       sea_ref, w12_ref, w3_ref, ws3_ref, b_ref, out_ref):
    cnt = cnt_ref[...]
    deg = deg_ref[...]
    sea = sea_ref[...]
    y = jnp.dot(x_ref[...], w12_ref[...], preferred_element_type=jnp.float32)
    acc = y[:, NA * OUT_C:] + g2_ref[...] + b_ref[...]
    acc = acc + jnp.dot(sab_ref[...], w3_ref[...],
                        preferred_element_type=jnp.float32)
    for b in range(NA):
        acc = acc + cnt[:, b:b + 1] * y[:, b * OUT_C:(b + 1) * OUT_C]
    out_ref[...] = sxu_ref[...] + sea * ws3_ref[...] + deg * acc


def _tc_combine(x, g2, sxu, cnt, sab, deg, sea, w12, w3t, ws3, bvec):
    blk = 1000
    grid = N // blk
    return pl.pallas_call(
        _tc_combine_kernel,
        grid=(grid,),
        in_specs=[
            pl.BlockSpec((blk, IN_C), lambda i: (i, 0)),
            pl.BlockSpec((blk, OUT_C), lambda i: (i, 0)),
            pl.BlockSpec((blk, OUT_C), lambda i: (i, 0)),
            pl.BlockSpec((blk, NA), lambda i: (i, 0)),
            pl.BlockSpec((blk, NA), lambda i: (i, 0)),
            pl.BlockSpec((blk, 1), lambda i: (i, 0)),
            pl.BlockSpec((blk, 1), lambda i: (i, 0)),
            pl.BlockSpec((IN_C, (NA + 1) * OUT_C), lambda i: (0, 0)),
            pl.BlockSpec((NA, OUT_C), lambda i: (0, 0)),
            pl.BlockSpec((1, OUT_C), lambda i: (0, 0)),
            pl.BlockSpec((1, OUT_C), lambda i: (0, 0)),
        ],
        out_specs=pl.BlockSpec((blk, OUT_C), lambda i: (i, 0)),
        out_shape=jax.ShapeDtypeStruct((N, OUT_C), jnp.float32),
    )(x, g2, sxu, cnt, sab, deg, sea, w12, w3t, ws3, bvec)


def kernel(x, edge_index, edge_attr, pos, W_message, b_message):
    Wr = W_message.reshape(OUT_C, NA, 2, FD)
    Ws = jnp.sum(Wr[:, :, 0, :], axis=1)
    ws1t = Ws[:, :IN_C].T
    ws2t = Ws[:, IN_C:2 * IN_C].T
    ws3 = Ws[:, 2 * IN_C].reshape(1, OUT_C)
    W2 = Wr[:, :, 1, IN_C:2 * IN_C]
    zw = jnp.transpose(W2, (2, 1, 0)).reshape(IN_C, NA * OUT_C)
    W1 = Wr[:, :, 1, :IN_C]
    w1 = jnp.transpose(W1, (2, 1, 0)).reshape(IN_C, NA * OUT_C)
    w3t = Wr[:, :, 1, 2 * IN_C].T
    bvec = b_message.reshape(1, OUT_C)

    ea_flat = edge_attr.reshape(E)
    posp = jnp.pad(pos, ((0, DEG_PAD - N), (0, 0)))
    px = posp[:, 0]
    py = posp[:, 1]
    pz = posp[:, 2]
    ea_bits = lax.bitcast_convert_type(ea_flat, jnp.int32)
    npad = E_PAD - E
    pad_idx = N + (jnp.arange(npad, dtype=jnp.int32) % (DEG_PAD - N))
    rowp = jnp.concatenate([edge_index[0], pad_idx])
    colp = jnp.concatenate([edge_index[1], pad_idx])
    eap = jnp.concatenate([ea_bits, jnp.zeros((npad,), jnp.int32)])
    pk = jnp.stack(
        [rowp.reshape(E_PAD // CHUNK, CHUNK),
         colp.reshape(E_PAD // CHUNK, CHUNK),
         eap.reshape(E_PAD // CHUNK, CHUNK)], axis=1)

    xp = jnp.pad(x, ((0, DEG_PAD - N), (0, 0)))
    z_tab, u_tab = _tc_pre(xp, jnp.concatenate([zw, ws1t], axis=1))
    z_tab = z_tab.reshape(DEG_PAD * NA, OUT_C)

    z2d = jnp.zeros((ROWS_N, OUT_C), jnp.float32)
    z1d = jnp.zeros((CNT_PAD // NS,), jnp.float32)
    g2, sxu, cnt, sab, deg, sea = _sc_edge_built()(
        pk, px, py, pz, z_tab, u_tab, z2d, z1d)

    g2 = g2[:N]
    sxu = sxu[:N]
    cnt = cnt[:N * NA].reshape(N, NA)
    sab = sab[:N * NA].reshape(N, NA)
    deg = deg[:N].reshape(N, 1)
    sea = sea[:N].reshape(N, 1)

    w12 = jnp.concatenate([w1, ws2t], axis=1)
    return _tc_combine(x, g2, sxu, cnt, sab, deg, sea, w12, w3t, ws3, bvec)

# --- scband reference (transcript-rebuilt; emitter-appended) ---
"""Pipeline reference for scband-ginet-conv-layer-28381143892712 (READ-ONLY COPY).

The authoritative reference and input builder live on the scoring server;
editing this copy changes nothing except your own understanding.
"""

import jax, jax.numpy as jnp
import numpy as np

N = 10000
E = 160000
IN_C = 128
OUT_C = 128
NUM_ANGLE = 7
EDGE_FDIM = 2 * IN_C + 1  # 257


def setup_inputs(seed: int = 0) -> dict:
    key = jax.random.key(seed)
    k1, k2, k3, k4, k5 = jax.random.split(key, 5)
    x = jax.random.normal(k1, (N, IN_C), dtype=jnp.float32)
    edge_index = jax.random.randint(k2, (2, E), 0, N)
    edge_attr = jax.random.normal(k3, (E, 1), dtype=jnp.float32)
    pos = jax.random.normal(k4, (N, 3), dtype=jnp.float32)
    # learned params of self.message = nn.Linear(num_angle * (edge_fdim*2), out_channels)
    W_message = jax.random.normal(k5, (OUT_C, NUM_ANGLE * 2 * EDGE_FDIM), dtype=jnp.float32) * 0.02
    b_message = jnp.zeros((OUT_C,), dtype=jnp.float32)
    return {"x": x, "edge_index": edge_index, "edge_attr": edge_attr, "pos": pos,
            "W_message": W_message, "b_message": b_message}


def _forward(x, edge_attr, pos, W_message, b_message, edge_index):
    row = edge_index[0]
    col = edge_index[1]
    ea = edge_attr if edge_attr.ndim == 2 else edge_attr[:, None]
    # edge_f = cat([x[row], x[col], edge_attr])  -> [E, 2*in+1]
    xrow = jnp.take(x, row, axis=0)
    xcol = jnp.take(x, col, axis=0)
    edge_f = jnp.concatenate([xrow, xcol, ea], axis=1)
    # Spatial line graph with angle binning (LineGraph reconstruction):
    # each edge is binned by the angle of its geometric direction vector.
    v = jnp.take(pos, col, axis=0) - jnp.take(pos, row, axis=0)
    nrm = jnp.sqrt(jnp.sum(v * v, axis=1)) + 1e-8
    cosang = jnp.clip(v[:, 0] / nrm, -1.0, 1.0)
    ang = jnp.arccos(cosang)  # [0, pi]
    bins = jnp.clip((ang / jnp.pi * NUM_ANGLE).astype(jnp.int32), 0, NUM_ANGLE - 1)
    bins = jax.lax.stop_gradient(bins)
    # per (src-node, angle-bin) aggregation of edge features (scatter-add / segment_sum)
    seg = row.astype(jnp.int32) * NUM_ANGLE + bins
    agg = jax.ops.segment_sum(edge_f, seg, num_segments=N * NUM_ANGLE)
    agg = agg.reshape(N, NUM_ANGLE, EDGE_FDIM)
    # line-graph message per edge: for each angle bin, concat([own edge_f, agg at dst node, bin]),
    # then self.message linear layer. Computed blockwise to avoid materializing [E, 3598].
    Wr = W_message.reshape(OUT_C, NUM_ANGLE, 2, EDGE_FDIM)
    Ws = jnp.sum(Wr[:, :, 0, :], axis=1)  # own edge_f repeated over bins -> summed weight
    out_msg = edge_f @ Ws.T
    for b in range(NUM_ANGLE):
        agg_col_b = jnp.take(agg[:, b, :], col, axis=0)  # gather dst-node aggregate for bin b
        out_msg = out_msg + agg_col_b @ Wr[:, b, 1, :].T
    out_msg = out_msg + b_message
    # scatter-add edge messages into destination nodes
    update = jnp.zeros((N, OUT_C), dtype=out_msg.dtype).at[col].add(out_msg)
    return update


def reference(x, edge_index, edge_attr, pos, W_message, b_message):
    return _forward(x, edge_attr, pos, W_message, b_message, edge_index)

if __name__ == "__main__":
    import jax
    _d = setup_inputs()
    print(jax.jit(kernel)(*tuple(_d.values())))

</pallas_src>

<mosaic_0001>
#map = affine_map<(d0, d1) -> (0, 0, 0)>
#map1 = affine_map<(d0, d1) -> (0)>
#map2 = affine_map<(d0, d1) -> (0, 0)>
module attributes {stable_mosaic.version = 14 : i64} {
  func.func @_sc_edge_kernel(%arg0: i32, %arg1: i32, %arg2: memref<2000x3x80xi32, #tpu.memory_space<hbm>>, %arg3: memref<10240xf32, #tpu.memory_space<hbm>>, %arg4: memref<10240xf32, #tpu.memory_space<hbm>>, %arg5: memref<10240xf32, #tpu.memory_space<hbm>>, %arg6: memref<71680x128xf32, #tpu.memory_space<hbm>>, %arg7: memref<10240x128xf32, #tpu.memory_space<hbm>>, %arg8: memref<640x128xf32, #tpu.memory_space<hbm>>, %arg9: memref<4480xf32, #tpu.memory_space<hbm>>, %arg10: memref<10240x128xf32, #tpu.memory_space<hbm>>, %arg11: memref<10240x128xf32, #tpu.memory_space<hbm>>, %arg12: memref<71680xf32, #tpu.memory_space<hbm>>, %arg13: memref<71680xf32, #tpu.memory_space<hbm>>, %arg14: memref<10240xf32, #tpu.memory_space<hbm>>, %arg15: memref<10240xf32, #tpu.memory_space<hbm>>, %arg16: memref<10240x128xf32, #tpu.memory_space<vmem_shared>>, %arg17: memref<71680xf32, #tpu.memory_space<vmem_shared>>, %arg18: memref<71680xf32, #tpu.memory_space<vmem_shared>>, %arg19: memref<3x80xi32, #tpu.memory_space<vmem>>, %arg20: memref<3x80xi32, #tpu.memory_space<vmem>>, %arg21: memref<3x80xi32, #tpu.memory_space<vmem>>, %arg22: memref<80xf32, #tpu.memory_space<vmem>>, %arg23: memref<80xf32, #tpu.memory_space<vmem>>, %arg24: memref<80xf32, #tpu.memory_space<vmem>>, %arg25: memref<80xi32, #tpu.memory_space<vmem>>, %arg26: memref<80xi32, #tpu.memory_space<vmem>>, %arg27: memref<80xi32, #tpu.memory_space<vmem>>, %arg28: memref<80xi32, #tpu.memory_space<vmem>>, %arg29: memref<80xi32, #tpu.memory_space<vmem>>, %arg30: memref<80xi32, #tpu.memory_space<vmem>>, %arg31: memref<80xf32, #tpu.memory_space<vmem>>, %arg32: memref<80xf32, #tpu.memory_space<vmem>>, %arg33: memref<80xf32, #tpu.memory_space<vmem>>, %arg34: memref<80xf32, #tpu.memory_space<vmem>>, %arg35: memref<80xf32, #tpu.memory_space<vmem>>, %arg36: memref<80xf32, #tpu.memory_space<vmem>>, %arg37: memref<80xf32, #tpu.memory_space<vmem>>, %arg38: memref<80xf32, #tpu.memory_space<vmem>>, %arg39: memref<80xf32, #tpu.memory_space<vmem>>, %arg40: memref<80xf32, #tpu.memory_space<vmem>>, %arg41: memref<80xf32, #tpu.memory_space<vmem>>, %arg42: memref<80xf32, #tpu.memory_space<vmem>>, %arg43: memref<80xf32, #tpu.memory_space<vmem>>, %arg44: memref<80xf32, #tpu.memory_space<vmem>>, %arg45: memref<80xf32, #tpu.memory_space<vmem>>, %arg46: memref<80xf32, #tpu.memory_space<vmem>>, %arg47: memref<80xf32, #tpu.memory_space<vmem>>, %arg48: memref<80xf32, #tpu.memory_space<vmem>>, %arg49: memref<80x128xf32, #tpu.memory_space<vmem>>, %arg50: memref<80x128xf32, #tpu.memory_space<vmem>>, %arg51: memref<80x128xf32, #tpu.memory_space<vmem>>, %arg52: memref<80xf32, #tpu.memory_space<vmem>>, %arg53: memref<!tpu.dma_semaphore, #tpu.memory_space<semaphore_mem>>, %arg54: memref<!tpu.dma_semaphore, #tpu.memory_space<semaphore_mem>>, %arg55: memref<!tpu.dma_semaphore, #tpu.memory_space<semaphore_mem>>, %arg56: memref<!tpu.dma_semaphore, #tpu.memory_space<semaphore_mem>>, %arg57: memref<!tpu.dma_semaphore, #tpu.memory_space<semaphore_mem>>, %arg58: memref<!tpu.dma_semaphore, #tpu.memory_space<semaphore_mem>>, %arg59: memref<!tpu.dma_semaphore, #tpu.memory_space<semaphore_mem>>, %arg60: memref<!tpu.dma_semaphore, #tpu.memory_space<semaphore_mem>>, %arg61: memref<!tpu.dma_semaphore, #tpu.memory_space<semaphore_mem>>, %arg62: memref<!tpu.dma_semaphore, #tpu.memory_space<semaphore_mem>>) attributes {dimension_semantics = [#tpu.dimension_semantics<core_parallel>, #tpu.dimension_semantics<subcore_parallel>], iteration_bounds = array<i64: 2, 16>, scalar_prefetch = 0 : i64, scratch_operands = 47 : i64, tpu.core_type = #tpu.core_type<sc_vector_subcore>, window_params = [{transform_indices = #map}, {transform_indices = #map1}, {transform_indices = #map1}, {transform_indices = #map1}, {transform_indices = #map2}, {transform_indices = #map2}, {transform_indices = #map2}, {transform_indices = #map1}, {transform_indices = #map2}, {transform_indices = #map2}, {transform_indices = #map1}, {transform_indices = #map1}, {transform_indices = #map1}, {transform_indices = #map1}]} {
    %mul3A = arith.constant 640 : i32
    %mul3A_0 = arith.muli %arg1, %mul3A : i32
    "tpu.region"() ({
      %run_scoped3A = tpu.sem_alloc : memref<!tpu.dma_semaphore, #tpu.memory_space<semaphore_mem>>
      %dma_start3A_73 = arith.constant 0 : i32
      %dma_start3A_74 = tpu.memref_slice %arg16[%mul3A_0, %dma_start3A_73] : memref<10240x128xf32, #tpu.memory_space<vmem_shared>> -> memref<640x128xf32, #tpu.memory_space<vmem_shared>>
      tpu.enqueue_dma source(%arg8 : memref<640x128xf32, #tpu.memory_space<hbm>>) target(%dma_start3A_74 : memref<640x128xf32, #tpu.memory_space<vmem_shared>>) target_semaphore(%run_scoped3A : memref<!tpu.dma_semaphore, #tpu.memory_space<semaphore_mem>>)
      %dma_wait3A = arith.constant 0 : i32
      %dma_wait3A_75 = tpu.memref_slice %arg16[%mul3A_0, %dma_wait3A] : memref<10240x128xf32, #tpu.memory_space<vmem_shared>> -> memref<640x128xf32, #tpu.memory_space<vmem_shared>>
      tpu.wait_dma2 semaphore(%run_scoped3A : memref<!tpu.dma_semaphore, #tpu.memory_space<semaphore_mem>>) src(%arg8 : memref<640x128xf32, #tpu.memory_space<hbm>>) dst(%dma_wait3A_75 : memref<640x128xf32, #tpu.memory_space<vmem_shared>>)
      tpu.yield
    }) : () -> ()
    %mul3A_1 = arith.constant 4480 : i32
    %mul3A_2 = arith.muli %arg1, %mul3A_1 : i32
    "tpu.region"() ({
      %run_scoped3A = tpu.sem_alloc : memref<!tpu.dma_semaphore, #tpu.memory_space<semaphore_mem>>
      %dma_start3A_73 = tpu.memref_slice %arg17[%mul3A_2] : memref<71680xf32, #tpu.memory_space<vmem_shared>> -> memref<4480xf32, #tpu.memory_space<vmem_shared>>
      %dma_start3A_74 = arith.constant 0 : i32
      %dma_start3A_75 = tpu.memref_slice %arg9[%dma_start3A_74] : memref<4480xf32, #tpu.memory_space<hbm>> -> memref<4480xf32, #tpu.memory_space<hbm>>
      tpu.enqueue_dma source(%dma_start3A_75 : memref<4480xf32, #tpu.memory_space<hbm>>) target(%dma_start3A_73 : memref<4480xf32, #tpu.memory_space<vmem_shared>>) target_semaphore(%run_scoped3A : memref<!tpu.dma_semaphore, #tpu.memory_space<semaphore_mem>>)
      %dma_wait3A = tpu.memref_slice %arg17[%mul3A_2] : memref<71680xf32, #tpu.memory_space<vmem_shared>> -> memref<4480xf32, #tpu.memory_space<vmem_shared>>
      %dma_wait3A_76 = arith.constant 0 : i32
      %dma_wait3A_77 = tpu.memref_slice %arg9[%dma_wait3A_76] : memref<4480xf32, #tpu.memory_space<hbm>> -> memref<4480xf32, #tpu.memory_space<hbm>>
      tpu.wait_dma2 semaphore(%run_scoped3A : memref<!tpu.dma_semaphore, #tpu.memory_space<semaphore_mem>>) src(%dma_wait3A_77 : memref<4480xf32, #tpu.memory_space<hbm>>) dst(%dma_wait3A : memref<4480xf32, #tpu.memory_space<vmem_shared>>)
      tpu.yield
    }) : () -> ()
    %mul3A_3 = arith.constant 4480 : i32
    %mul3A_4 = arith.muli %arg1, %mul3A_3 : i32
    "tpu.region"() ({
      %run_scoped3A = tpu.sem_alloc : memref<!tpu.dma_semaphore, #tpu.memory_space<semaphore_mem>>
      %dma_start3A_73 = tpu.memref_slice %arg18[%mul3A_4] : memref<71680xf32, #tpu.memory_space<vmem_shared>> -> memref<4480xf32, #tpu.memory_space<vmem_shared>>
      %dma_start3A_74 = arith.constant 0 : i32
      %dma_start3A_75 = tpu.memref_slice %arg9[%dma_start3A_74] : memref<4480xf32, #tpu.memory_space<hbm>> -> memref<4480xf32, #tpu.memory_space<hbm>>
      tpu.enqueue_dma source(%dma_start3A_75 : memref<4480xf32, #tpu.memory_space<hbm>>) target(%dma_start3A_73 : memref<4480xf32, #tpu.memory_space<vmem_shared>>) target_semaphore(%run_scoped3A : memref<!tpu.dma_semaphore, #tpu.memory_space<semaphore_mem>>)
      %dma_wait3A = tpu.memref_slice %arg18[%mul3A_4] : memref<71680xf32, #tpu.memory_space<vmem_shared>> -> memref<4480xf32, #tpu.memory_space<vmem_shared>>
      %dma_wait3A_76 = arith.constant 0 : i32
      %dma_wait3A_77 = tpu.memref_slice %arg9[%dma_wait3A_76] : memref<4480xf32, #tpu.memory_space<hbm>> -> memref<4480xf32, #tpu.memory_space<hbm>>
      tpu.wait_dma2 semaphore(%run_scoped3A : memref<!tpu.dma_semaphore, #tpu.memory_space<semaphore_mem>>) src(%dma_wait3A_77 : memref<4480xf32, #tpu.memory_space<hbm>>) dst(%dma_wait3A : memref<4480xf32, #tpu.memory_space<vmem_shared>>)
      tpu.yield
    }) : () -> ()
    %broadcast_in_dim3A = arith.constant 1.000000e+00 : f32
    %broadcast_in_dim3A_5 = vector.broadcast %broadcast_in_dim3A : f32 to vector<16xf32>
    %swap3A = arith.constant 0 : index
    %swap3A_6 = tpu.vector_load %arg52[%swap3A] {strides = array<i32>} : memref<80xf32, #tpu.memory_space<vmem>>, vector<16xf32>,
    tpu.vector_store %arg52[%swap3A], %broadcast_in_dim3A_5 {strides = array<i32>} : memref<80xf32, #tpu.memory_space<vmem>>, vector<16xf32>,
    %broadcast_in_dim3A_7 = arith.constant 1.000000e+00 : f32
    %broadcast_in_dim3A_8 = vector.broadcast %broadcast_in_dim3A_7 : f32 to vector<16xf32>
    %swap3A_9 = arith.constant 16 : index
    %swap3A_10 = tpu.vector_load %arg52[%swap3A_9] {strides = array<i32>} : memref<80xf32, #tpu.memory_space<vmem>>, vector<16xf32>,
    tpu.vector_store %arg52[%swap3A_9], %broadcast_in_dim3A_8 {strides = array<i32>} : memref<80xf32, #tpu.memory_space<vmem>>, vector<16xf32>,
    %broadcast_in_dim3A_11 = arith.constant 1.000000e+00 : f32
    %broadcast_in_dim3A_12 = vector.broadcast %broadcast_in_dim3A_11 : f32 to vector<16xf32>
    %swap3A_13 = arith.constant 32 : index
    %swap3A_14 = tpu.vector_load %arg52[%swap3A_13] {strides = array<i32>} : memref<80xf32, #tpu.memory_space<vmem>>, vector<16xf32>,
    tpu.vector_store %arg52[%swap3A_13], %broadcast_in_dim3A_12 {strides = array<i32>} : memref<80xf32, #tpu.memory_space<vmem>>, vector<16xf32>,
    %broadcast_in_dim3A_15 = arith.constant 1.000000e+00 : f32
    %broadcast_in_dim3A_16 = vector.broadcast %broadcast_in_dim3A_15 : f32 to vector<16xf32>
    %swap3A_17 = arith.constant 48 : index
    %swap3A_18 = tpu.vector_load %arg52[%swap3A_17] {strides = array<i32>} : memref<80xf32, #tpu.memory_space<vmem>>, vector<16xf32>,
    tpu.vector_store %arg52[%swap3A_17], %broadcast_in_dim3A_16 {strides = array<i32>} : memref<80xf32, #tpu.memory_space<vmem>>, vector<16xf32>,
    %broadcast_in_dim3A_19 = arith.constant 1.000000e+00 : f32
    %broadcast_in_dim3A_20 = vector.broadcast %broadcast_in_dim3A_19 : f32 to vector<16xf32>
    %swap3A_21 = arith.constant 64 : index
    %swap3A_22 = tpu.vector_load %arg52[%swap3A_21] {strides = array<i32>} : memref<80xf32, #tpu.memory_space<vmem>>, vector<16xf32>,
    tpu.vector_store %arg52[%swap3A_21], %broadcast_in_dim3A_20 {strides = array<i32>} : memref<80xf32, #tpu.memory_space<vmem>>, vector<16xf32>,
    %barrier3A = arith.constant 0 : index
    tpu.barrier barrier_id(%barrier3A)
    %mul3A_23 = arith.constant 125 : i32
    %mul3A_24 = arith.muli %arg1, %mul3A_23 : i32
    %scan3A = arith.constant 0 : i32
    %scan3A_25 = arith.constant 0 : i32
    %scan3A_26 = arith.constant 41 : i32
    %scan3A_27 = arith.addi %scan3A_25, %scan3A_26 : i32
    %scan3A_28 = arith.constant 1 : i32
    scf.for %scan3A_73 = %scan3A_25 to %scan3A_27 step %scan3A_28  : i32 {
      %mul3A_74 = arith.constant 3 : i32
      %mul3A_75 = arith.muli %mul3A_74, %scan3A_73 : i32
      %add3A_76 = arith.addi %mul3A_24, %mul3A_75 : i32
      %add3A_77 = arith.constant 0 : i32
      %add3A_78 = arith.addi %add3A_76, %add3A_77 : i32
      %dma_start3A_79 = arith.constant 0 : i32
      %dma_start3A_80 = arith.constant 0 : i32
      %dma_start3A_81 = tpu.memref_slice %arg2[%add3A_78, %dma_start3A_79, %dma_start3A_80] : memref<2000x3x80xi32, #tpu.memory_space<hbm>> -> memref<1x3x80xi32, #tpu.memory_space<hbm>>
      %dma_start3A_82 = tpu.memref_squeeze %dma_start3A_81 : memref<1x3x80xi32, #tpu.memory_space<hbm>> -> memref<3x80xi32, #tpu.memory_space<hbm>>
      %dma_start3A_83 = arith.constant 0 : i32
      %dma_start3A_84 = arith.constant 0 : i32
      %dma_start3A_85 = tpu.memref_slice %arg2[%add3A_78, %dma_start3A_83, %dma_start3A_84] : memref<2000x3x80xi32, #tpu.memory_space<hbm>> -> memref<1x3x80xi32, #tpu.memory_space<hbm>>
      %dma_start3A_86 = tpu.memref_squeeze %dma_start3A_85 : memref<1x3x80xi32, #tpu.memory_space<hbm>> -> memref<3x80xi32, #tpu.memory_space<hbm>>
      tpu.enqueue_dma source(%dma_start3A_86 : memref<3x80xi32, #tpu.memory_space<hbm>>) target(%arg19 : memref<3x80xi32, #tpu.memory_space<vmem>>) target_semaphore(%arg53 : memref<!tpu.dma_semaphore, #tpu.memory_space<semaphore_mem>>)
      %mul3A_87 = arith.constant 3 : i32
      %mul3A_88 = arith.muli %mul3A_87, %scan3A_73 : i32
      %add3A_89 = arith.addi %mul3A_24, %mul3A_88 : i32
      %add3A_90 = arith.constant 1 : i32
      %add3A_91 = arith.addi %add3A_89, %add3A_90 : i32
      %dma_start3A_92 = arith.constant 0 : i32
      %dma_start3A_93 = arith.constant 0 : i32
      %dma_start3A_94 = tpu.memref_slice %arg2[%add3A_91, %dma_start3A_92, %dma_start3A_93] : memref<2000x3x80xi32, #tpu.memory_space<hbm>> -> memref<1x3x80xi32, #tpu.memory_space<hbm>>
      %dma_start3A_95 = tpu.memref_squeeze %dma_start3A_94 : memref<1x3x80xi32, #tpu.memory_space<hbm>> -> memref<3x80xi32, #tpu.memory_space<hbm>>
      %dma_start3A_96 = arith.constant 0 : i32
      %dma_start3A_97 = arith.constant 0 : i32
      %dma_start3A_98 = tpu.memref_slice %arg2[%add3A_91, %dma_start3A_96, %dma_start3A_97] : memref<2000x3x80xi32, #tpu.memory_space<hbm>> -> memref<1x3x80xi32, #tpu.memory_space<hbm>>
      %dma_start3A_99 = tpu.memref_squeeze %dma_start3A_98 : memref<1x3x80xi32, #tpu.memory_space<hbm>> -> memref<3x80xi32, #tpu.memory_space<hbm>>
      tpu.enqueue_dma source(%dma_start3A_99 : memref<3x80xi32, #tpu.memory_space<hbm>>) target(%arg20 : memref<3x80xi32, #tpu.memory_space<vmem>>) target_semaphore(%arg54 : memref<!tpu.dma_semaphore, #tpu.memory_space<semaphore_mem>>)
      %mul3A_100 = arith.constant 3 : i32
      %mul3A_101 = arith.muli %mul3A_100, %scan3A_73 : i32
      %add3A_102 = arith.addi %mul3A_24, %mul3A_101 : i32
      %add3A_103 = arith.constant 2 : i32
      %add3A_104 = arith.addi %add3A_102, %add3A_103 : i32
      %dma_start3A_105 = arith.constant 0 : i32
      %dma_start3A_106 = arith.constant 0 : i32
      %dma_start3A_107 = tpu.memref_slice %arg2[%add3A_104, %dma_start3A_105, %dma_start3A_106] : memref<2000x3x80xi32, #tpu.memory_space<hbm>> -> memref<1x3x80xi32, #tpu.memory_space<hbm>>
      %dma_start3A_108 = tpu.memref_squeeze %dma_start3A_107 : memref<1x3x80xi32, #tpu.memory_space<hbm>> -> memref<3x80xi32, #tpu.memory_space<hbm>>
      %dma_start3A_109 = arith.constant 0 : i32
      %dma_start3A_110 = arith.constant 0 : i32
      %dma_start3A_111 = tpu.memref_slice %arg2[%add3A_104, %dma_start3A_109, %dma_start3A_110] : memref<2000x3x80xi32, #tpu.memory_space<hbm>> -> memref<1x3x80xi32, #tpu.memory_space<hbm>>
      %dma_start3A_112 = tpu.memref_squeeze %dma_start3A_111 : memref<1x3x80xi32, #tpu.memory_space<hbm>> -> memref<3x80xi32, #tpu.memory_space<hbm>>
      tpu.enqueue_dma source(%dma_start3A_112 : memref<3x80xi32, #tpu.memory_space<hbm>>) target(%arg21 : memref<3x80xi32, #tpu.memory_space<vmem>>) target_semaphore(%arg55 : memref<!tpu.dma_semaphore, #tpu.memory_space<semaphore_mem>>)
      %eq3A_113 = arith.constant 0 : i32
      %eq3A_114 = arith.cmpi eq, %arg0, %eq3A_113 : i32
      %convert_element_type3A_115 = arith.extui %eq3A_114 : i1 to i32
      %cond3A_116 = arith.constant 0 : i32
      %cond3A_117 = arith.cmpi ne, %convert_element_type3A_115, %cond3A_116 : i32
      scf.if %cond3A_117 {
        %dma_wait3A = arith.constant 0 : i32
        %dma_wait3A_123 = arith.constant 0 : i32
        %dma_wait3A_124 = tpu.memref_slice %arg2[%add3A_78, %dma_wait3A, %dma_wait3A_123] : memref<2000x3x80xi32, #tpu.memory_space<hbm>> -> memref<1x3x80xi32, #tpu.memory_space<hbm>>
        %dma_wait3A_125 = tpu.memref_squeeze %dma_wait3A_124 : memref<1x3x80xi32, #tpu.memory_space<hbm>> -> memref<3x80xi32, #tpu.memory_space<hbm>>
        %dma_wait3A_126 = arith.constant 0 : i32
        %dma_wait3A_127 = arith.constant 0 : i32
        %dma_wait3A_128 = tpu.memref_slice %arg2[%add3A_78, %dma_wait3A_126, %dma_wait3A_127] : memref<2000x3x80xi32, #tpu.memory_space<hbm>> -> memref<1x3x80xi32, #tpu.memory_space<hbm>>
        %dma_wait3A_129 = tpu.memref_squeeze %dma_wait3A_128 : memref<1x3x80xi32, #tpu.memory_space<hbm>> -> memref<3x80xi32, #tpu.memory_space<hbm>>
        tpu.wait_dma2 semaphore(%arg53 : memref<!tpu.dma_semaphore, #tpu.memory_space<semaphore_mem>>) src(%dma_wait3A_129 : memref<3x80xi32, #tpu.memory_space<hbm>>) dst(%arg19 : memref<3x80xi32, #tpu.memory_space<vmem>>)
        %dma_start3A_130 = arith.constant 0 : i32
        %dma_start3A_131 = arith.constant 0 : i32
        %dma_start3A_132 = tpu.memref_slice %arg19[%dma_start3A_130, %dma_start3A_131] : memref<3x80xi32, #tpu.memory_space<vmem>> -> memref<1x80xi32, #tpu.memory_space<vmem>>
        %dma_start3A_133 = tpu.memref_squeeze %dma_start3A_132 : memref<1x80xi32, #tpu.memory_space<vmem>> -> memref<80xi32, #tpu.memory_space<vmem>>
        %dma_start3A_134 = arith.constant 0 : i32
        %dma_start3A_135 = tpu.memref_slice %arg3[%dma_start3A_134] : memref<10240xf32, #tpu.memory_space<hbm>> -> memref<10240xf32, #tpu.memory_space<hbm>>
        tpu.enqueue_indirect_dma source(%dma_start3A_135 : memref<10240xf32, #tpu.memory_space<hbm>>) target(%arg31 : memref<80xf32, #tpu.memory_space<vmem>>) offsets(%dma_start3A_133 : memref<80xi32, #tpu.memory_space<vmem>>) semaphore(%arg56 : memref<!tpu.dma_semaphore, #tpu.memory_space<semaphore_mem>>)
        %dma_start3A_136 = arith.constant 0 : i32
        %dma_start3A_137 = arith.constant 0 : i32
        %dma_start3A_138 = tpu.memref_slice %arg19[%dma_start3A_136, %dma_start3A_137] : memref<3x80xi32, #tpu.memory_space<vmem>> -> memref<1x80xi32, #tpu.memory_space<vmem>>
        %dma_start3A_139 = tpu.memref_squeeze %dma_start3A_138 : memref<1x80xi32, #tpu.memory_space<vmem>> -> memref<80xi32, #tpu.memory_space<vmem>>
        %dma_start3A_140 = arith.constant 0 : i32
        %dma_start3A_141 = tpu.memref_slice %arg4[%dma_start3A_140] : memref<10240xf32, #tpu.memory_space<hbm>> -> memref<10240xf32, #tpu.memory_space<hbm>>
        tpu.enqueue_indirect_dma source(%dma_start3A_141 : memref<10240xf32, #tpu.memory_space<hbm>>) target(%arg32 : memref<80xf32, #tpu.memory_space<vmem>>) offsets(%dma_start3A_139 : memref<80xi32, #tpu.memory_space<vmem>>) semaphore(%arg56 : memref<!tpu.dma_semaphore, #tpu.memory_space<semaphore_mem>>)
        %dma_start3A_142 = arith.constant 0 : i32
        %dma_start3A_143 = arith.constant 0 : i32
        %dma_start3A_144 = tpu.memref_slice %arg19[%dma_start3A_142, %dma_start3A_143] : memref<3x80xi32, #tpu.memory_space<vmem>> -> memref<1x80xi32, #tpu.memory_space<vmem>>
        %dma_start3A_145 = tpu.memref_squeeze %dma_start3A_144 : memref<1x80xi32, #tpu.memory_space<vmem>> -> memref<80xi32, #tpu.memory_space<vmem>>
        %dma_start3A_146 = arith.constant 0 : i32
        %dma_start3A_147 = tpu.memref_slice %arg5[%dma_start3A_146] : memref<10240xf32, #tpu.memory_space<hbm>> -> memref<10240xf32, #tpu.memory_space<hbm>>
        tpu.enqueue_indirect_dma source(%dma_start3A_147 : memref<10240xf32, #tpu.memory_space<hbm>>) target(%arg33 : memref<80xf32, #tpu.memory_space<vmem>>) offsets(%dma_start3A_145 : memref<80xi32, #tpu.memory_space<vmem>>) semaphore(%arg56 : memref<!tpu.dma_semaphore, #tpu.memory_space<semaphore_mem>>)
        %dma_start3A_148 = arith.constant 1 : i32
        %dma_start3A_149 = arith.constant 0 : i32
        %dma_start3A_150 = tpu.memref_slice %arg19[%dma_start3A_148, %dma_start3A_149] : memref<3x80xi32, #tpu.memory_space<vmem>> -> memref<1x80xi32, #tpu.memory_space<vmem>>
        %dma_start3A_151 = tpu.memref_squeeze %dma_start3A_150 : memref<1x80xi32, #tpu.memory_space<vmem>> -> memref<80xi32, #tpu.memory_space<vmem>>
        %dma_start3A_152 = arith.constant 0 : i32
        %dma_start3A_153 = tpu.memref_slice %arg3[%dma_start3A_152] : memref<10240xf32, #tpu.memory_space<hbm>> -> memref<10240xf32, #tpu.memory_space<hbm>>
        tpu.enqueue_indirect_dma source(%dma_start3A_153 : memref<10240xf32, #tpu.memory_space<hbm>>) target(%arg34 : memref<80xf32, #tpu.memory_space<vmem>>) offsets(%dma_start3A_151 : memref<80xi32, #tpu.memory_space<vmem>>) semaphore(%arg56 : memref<!tpu.dma_semaphore, #tpu.memory_space<semaphore_mem>>)
        %dma_start3A_154 = arith.constant 1 : i32
        %dma_start3A_155 = arith.constant 0 : i32
        %dma_start3A_156 = tpu.memref_slice %arg19[%dma_start3A_154, %dma_start3A_155] : memref<3x80xi32, #tpu.memory_space<vmem>> -> memref<1x80xi32, #tpu.memory_space<vmem>>
        %dma_start3A_157 = tpu.memref_squeeze %dma_start3A_156 : memref<1x80xi32, #tpu.memory_space<vmem>> -> memref<80xi32, #tpu.memory_space<vmem>>
        %dma_start3A_158 = arith.constant 0 : i32
        %dma_start3A_159 = tpu.memref_slice %arg4[%dma_start3A_158] : memref<10240xf32, #tpu.memory_space<hbm>> -> memref<10240xf32, #tpu.memory_space<hbm>>
        tpu.enqueue_indirect_dma source(%dma_start3A_159 : memref<10240xf32, #tpu.memory_space<hbm>>) target(%arg35 : memref<80xf32, #tpu.memory_space<vmem>>) offsets(%dma_start3A_157 : memref<80xi32, #tpu.memory_space<vmem>>) semaphore(%arg56 : memref<!tpu.dma_semaphore, #tpu.memory_space<semaphore_mem>>)
        %dma_start3A_160 = arith.constant 1 : i32
        %dma_start3A_161 = arith.constant 0 : i32
        %dma_start3A_162 = tpu.memref_slice %arg19[%dma_start3A_160, %dma_start3A_161] : memref<3x80xi32, #tpu.memory_space<vmem>> -> memref<1x80xi32, #tpu.memory_space<vmem>>
        %dma_start3A_163 = tpu.memref_squeeze %dma_start3A_162 : memref<1x80xi32, #tpu.memory_space<vmem>> -> memref<80xi32, #tpu.memory_space<vmem>>
        %dma_start3A_164 = arith.constant 0 : i32
        %dma_start3A_165 = tpu.memref_slice %arg5[%dma_start3A_164] : memref<10240xf32, #tpu.memory_space<hbm>> -> memref<10240xf32, #tpu.memory_space<hbm>>
        tpu.enqueue_indirect_dma source(%dma_start3A_165 : memref<10240xf32, #tpu.memory_space<hbm>>) target(%arg36 : memref<80xf32, #tpu.memory_space<vmem>>) offsets(%dma_start3A_163 : memref<80xi32, #tpu.memory_space<vmem>>) semaphore(%arg56 : memref<!tpu.dma_semaphore, #tpu.memory_space<semaphore_mem>>)
        %dma_wait3A_166 = arith.constant 0 : i32
        %dma_wait3A_167 = arith.constant 0 : i32
        %dma_wait3A_168 = tpu.memref_slice %arg2[%add3A_91, %dma_wait3A_166, %dma_wait3A_167] : memref<2000x3x80xi32, #tpu.memory_space<hbm>> -> memref<1x3x80xi32, #tpu.memory_space<hbm>>
        %dma_wait3A_169 = tpu.memref_squeeze %dma_wait3A_168 : memref<1x3x80xi32, #tpu.memory_space<hbm>> -> memref<3x80xi32, #tpu.memory_space<hbm>>
        %dma_wait3A_170 = arith.constant 0 : i32
        %dma_wait3A_171 = arith.constant 0 : i32
        %dma_wait3A_172 = tpu.memref_slice %arg2[%add3A_91, %dma_wait3A_170, %dma_wait3A_171] : memref<2000x3x80xi32, #tpu.memory_space<hbm>> -> memref<1x3x80xi32, #tpu.memory_space<hbm>>
        %dma_wait3A_173 = tpu.memref_squeeze %dma_wait3A_172 : memref<1x3x80xi32, #tpu.memory_space<hbm>> -> memref<3x80xi32, #tpu.memory_space<hbm>>
        tpu.wait_dma2 semaphore(%arg54 : memref<!tpu.dma_semaphore, #tpu.memory_space<semaphore_mem>>) src(%dma_wait3A_173 : memref<3x80xi32, #tpu.memory_space<hbm>>) dst(%arg20 : memref<3x80xi32, #tpu.memory_space<vmem>>)
        %dma_start3A_174 = arith.constant 0 : i32
        %dma_start3A_175 = arith.constant 0 : i32
        %dma_start3A_176 = tpu.memref_slice %arg20[%dma_start3A_174, %dma_start3A_175] : memref<3x80xi32, #tpu.memory_space<vmem>> -> memref<1x80xi32, #tpu.memory_space<vmem>>
        %dma_start3A_177 = tpu.memref_squeeze %dma_start3A_176 : memref<1x80xi32, #tpu.memory_space<vmem>> -> memref<80xi32, #tpu.memory_space<vmem>>
        %dma_start3A_178 = arith.constant 0 : i32
        %dma_start3A_179 = tpu.memref_slice %arg3[%dma_start3A_178] : memref<10240xf32, #tpu.memory_space<hbm>> -> memref<10240xf32, #tpu.memory_space<hbm>>
        tpu.enqueue_indirect_dma source(%dma_start3A_179 : memref<10240xf32, #tpu.memory_space<hbm>>) target(%arg37 : memref<80xf32, #tpu.memory_space<vmem>>) offsets(%dma_start3A_177 : memref<80xi32, #tpu.memory_space<vmem>>) semaphore(%arg57 : memref<!tpu.dma_semaphore, #tpu.memory_space<semaphore_mem>>)
        %dma_start3A_180 = arith.constant 0 : i32
        %dma_start3A_181 = arith.constant 0 : i32
        %dma_start3A_182 = tpu.memref_slice %arg20[%dma_start3A_180, %dma_start3A_181] : memref<3x80xi32, #tpu.memory_space<vmem>> -> memref<1x80xi32, #tpu.memory_space<vmem>>
        %dma_start3A_183 = tpu.memref_squeeze %dma_start3A_182 : memref<1x80xi32, #tpu.memory_space<vmem>> -> memref<80xi32, #tpu.memory_space<vmem>>
        %dma_start3A_184 = arith.constant 0 : i32
        %dma_start3A_185 = tpu.memref_slice %arg4[%dma_start3A_184] : memref<10240xf32, #tpu.memory_space<hbm>> -> memref<10240xf32, #tpu.memory_space<hbm>>
        tpu.enqueue_indirect_dma source(%dma_start3A_185 : memref<10240xf32, #tpu.memory_space<hbm>>) target(%arg38 : memref<80xf32, #tpu.memory_space<vmem>>) offsets(%dma_start3A_183 : memref<80xi32, #tpu.memory_space<vmem>>) semaphore(%arg57 : memref<!tpu.dma_semaphore, #tpu.memory_space<semaphore_mem>>)
        %dma_start3A_186 = arith.constant 0 : i32
        %dma_start3A_187 = arith.constant 0 : i32
        %dma_start3A_188 = tpu.memref_slice %arg20[%dma_start3A_186, %dma_start3A_187] : memref<3x80xi32, #tpu.memory_space<vmem>> -> memref<1x80xi32, #tpu.memory_space<vmem>>
        %dma_start3A_189 = tpu.memref_squeeze %dma_start3A_188 : memref<1x80xi32, #tpu.memory_space<vmem>> -> memref<80xi32, #tpu.memory_space<vmem>>
        %dma_start3A_190 = arith.constant 0 : i32
        %dma_start3A_191 = tpu.memref_slice %arg5[%dma_start3A_190] : memref<10240xf32, #tpu.memory_space<hbm>> -> memref<10240xf32, #tpu.memory_space<hbm>>
        tpu.enqueue_indirect_dma source(%dma_start3A_191 : memref<10240xf32, #tpu.memory_space<hbm>>) target(%arg39 : memref<80xf32, #tpu.memory_space<vmem>>) offsets(%dma_start3A_189 : memref<80xi32, #tpu.memory_space<vmem>>) semaphore(%arg57 : memref<!tpu.dma_semaphore, #tpu.memory_space<semaphore_mem>>)
        %dma_start3A_192 = arith.constant 1 : i32
        %dma_start3A_193 = arith.constant 0 : i32
        %dma_start3A_194 = tpu.memref_slice %arg20[%dma_start3A_192, %dma_start3A_193] : memref<3x80xi32, #tpu.memory_space<vmem>> -> memref<1x80xi32, #tpu.memory_space<vmem>>
        %dma_start3A_195 = tpu.memref_squeeze %dma_start3A_194 : memref<1x80xi32, #tpu.memory_space<vmem>> -> memref<80xi32, #tpu.memory_space<vmem>>
        %dma_start3A_196 = arith.constant 0 : i32
        %dma_start3A_197 = tpu.memref_slice %arg3[%dma_start3A_196] : memref<10240xf32, #tpu.memory_space<hbm>> -> memref<10240xf32, #tpu.memory_space<hbm>>
        tpu.enqueue_indirect_dma source(%dma_start3A_197 : memref<10240xf32, #tpu.memory_space<hbm>>) target(%arg40 : memref<80xf32, #tpu.memory_space<vmem>>) offsets(%dma_start3A_195 : memref<80xi32, #tpu.memory_space<vmem>>) semaphore(%arg57 : memref<!tpu.dma_semaphore, #tpu.memory_space<semaphore_mem>>)
        %dma_start3A_198 = arith.constant 1 : i32
        %dma_start3A_199 = arith.constant 0 : i32
        %dma_start3A_200 = tpu.memref_slice %arg20[%dma_start3A_198, %dma_start3A_199] : memref<3x80xi32, #tpu.memory_space<vmem>> -> memref<1x80xi32, #tpu.memory_space<vmem>>
        %dma_start3A_201 = tpu.memref_squeeze %dma_start3A_200 : memref<1x80xi32, #tpu.memory_space<vmem>> -> memref<80xi32, #tpu.memory_space<vmem>>
        %dma_start3A_202 = arith.constant 0 : i32
        %dma_start3A_203 = tpu.memref_slice %arg4[%dma_start3A_202] : memref<10240xf32, #tpu.memory_space<hbm>> -> memref<10240xf32, #tpu.memory_space<hbm>>
        tpu.enqueue_indirect_dma source(%dma_start3A_203 : memref<10240xf32, #tpu.memory_space<hbm>>) target(%arg41 : memref<80xf32, #tpu.memory_space<vmem>>) offsets(%dma_start3A_201 : memref<80xi32, #tpu.memory_space<vmem>>) semaphore(%arg57 : memref<!tpu.dma_semaphore, #tpu.memory_space<semaphore_mem>>)
        %dma_start3A_204 = arith.constant 1 : i32
        %dma_start3A_205 = arith.constant 0 : i32
        %dma_start3A_206 = tpu.memref_slice %arg20[%dma_start3A_204, %dma_start3A_205] : memref<3x80xi32, #tpu.memory_space<vmem>> -> memref<1x80xi32, #tpu.memory_space<vmem>>
        %dma_start3A_207 = tpu.memref_squeeze %dma_start3A_206 : memref<1x80xi32, #tpu.memory_space<vmem>> -> memref<80xi32, #tpu.memory_space<vmem>>
        %dma_start3A_208 = arith.constant 0 : i32
        %dma_start3A_209 = tpu.memref_slice %arg5[%dma_start3A_208] : memref<10240xf32, #tpu.memory_space<hbm>> -> memref<10240xf32, #tpu.memory_space<hbm>>
        tpu.enqueue_indirect_dma source(%dma_start3A_209 : memref<10240xf32, #tpu.memory_space<hbm>>) target(%arg42 : memref<80xf32, #tpu.memory_space<vmem>>) offsets(%dma_start3A_207 : memref<80xi32, #tpu.memory_space<vmem>>) semaphore(%arg57 : memref<!tpu.dma_semaphore, #tpu.memory_space<semaphore_mem>>)
        %dma_wait3A_210 = arith.constant 0 : i32
        %dma_wait3A_211 = arith.constant 0 : i32
        %dma_wait3A_212 = tpu.memref_slice %arg2[%add3A_104, %dma_wait3A_210, %dma_wait3A_211] : memref<2000x3x80xi32, #tpu.memory_space<hbm>> -> memref<1x3x80xi32, #tpu.memory_space<hbm>>
        %dma_wait3A_213 = tpu.memref_squeeze %dma_wait3A_212 : memref<1x3x80xi32, #tpu.memory_space<hbm>> -> memref<3x80xi32, #tpu.memory_space<hbm>>
        %dma_wait3A_214 = arith.constant 0 : i32
        %dma_wait3A_215 = arith.constant 0 : i32
        %dma_wait3A_216 = tpu.memref_slice %arg2[%add3A_104, %dma_wait3A_214, %dma_wait3A_215] : memref<2000x3x80xi32, #tpu.memory_space<hbm>> -> memref<1x3x80xi32, #tpu.memory_space<hbm>>
        %dma_wait3A_217 = tpu.memref_squeeze %dma_wait3A_216 : memref<1x3x80xi32, #tpu.memory_space<hbm>> -> memref<3x80xi32, #tpu.memory_space<hbm>>
        tpu.wait_dma2 semaphore(%arg55 : memref<!tpu.dma_semaphore, #tpu.memory_space<semaphore_mem>>) src(%dma_wait3A_217 : memref<3x80xi32, #tpu.memory_space<hbm>>) dst(%arg21 : memref<3x80xi32, #tpu.memory_space<vmem>>)
        %dma_start3A_218 = arith.constant 0 : i32
        %dma_start3A_219 = arith.constant 0 : i32
        %dma_start3A_220 = tpu.memref_slice %arg21[%dma_start3A_218, %dma_start3A_219] : memref<3x80xi32, #tpu.memory_space<vmem>> -> memref<1x80xi32, #tpu.memory_space<vmem>>
        %dma_start3A_221 = tpu.memref_squeeze %dma_start3A_220 : memref<1x80xi32, #tpu.memory_space<vmem>> -> memref<80xi32, #tpu.memory_space<vmem>>
        %dma_start3A_222 = arith.constant 0 : i32
        %dma_start3A_223 = tpu.memref_slice %arg3[%dma_start3A_222] : memref<10240xf32, #tpu.memory_space<hbm>> -> memref<10240xf32, #tpu.memory_space<hbm>>
        tpu.enqueue_indirect_dma source(%dma_start3A_223 : memref<10240xf32, #tpu.memory_space<hbm>>) target(%arg43 : memref<80xf32, #tpu.memory_space<vmem>>) offsets(%dma_start3A_221 : memref<80xi32, #tpu.memory_space<vmem>>) semaphore(%arg58 : memref<!tpu.dma_semaphore, #tpu.memory_space<semaphore_mem>>)
        %dma_start3A_224 = arith.constant 0 : i32
        %dma_start3A_225 = arith.constant 0 : i32
        %dma_start3A_226 = tpu.memref_slice %arg21[%dma_start3A_224, %dma_start3A_225] : memref<3x80xi32, #tpu.memory_space<vmem>> -> memref<1x80xi32, #tpu.memory_space<vmem>>
        %dma_start3A_227 = tpu.memref_squeeze %dma_start3A_226 : memref<1x80xi32, #tpu.memory_space<vmem>> -> memref<80xi32, #tpu.memory_space<vmem>>
        %dma_start3A_228 = arith.constant 0 : i32
        %dma_start3A_229 = tpu.memref_slice %arg4[%dma_start3A_228] : memref<10240xf32, #tpu.memory_space<hbm>> -> memref<10240xf32, #tpu.memory_space<hbm>>
        tpu.enqueue_indirect_dma source(%dma_start3A_229 : memref<10240xf32, #tpu.memory_space<hbm>>) target(%arg44 : memref<80xf32, #tpu.memory_space<vmem>>) offsets(%dma_start3A_227 : memref<80xi32, #tpu.memory_space<vmem>>) semaphore(%arg58 : memref<!tpu.dma_semaphore, #tpu.memory_space<semaphore_mem>>)
        %dma_start3A_230 = arith.constant 0 : i32
        %dma_start3A_231 = arith.constant 0 : i32
        %dma_start3A_232 = tpu.memref_slice %arg21[%dma_start3A_230, %dma_start3A_231] : memref<3x80xi32, #tpu.memory_space<vmem>> -> memref<1x80xi32, #tpu.memory_space<vmem>>
        %dma_start3A_233 = tpu.memref_squeeze %dma_start3A_232 : memref<1x80xi32, #tpu.memory_space<vmem>> -> memref<80xi32, #tpu.memory_space<vmem>>
        %dma_start3A_234 = arith.constant 0 : i32
        %dma_start3A_235 = tpu.memref_slice %arg5[%dma_start3A_234] : memref<10240xf32, #tpu.memory_space<hbm>> -> memref<10240xf32, #tpu.memory_space<hbm>>
        tpu.enqueue_indirect_dma source(%dma_start3A_235 : memref<10240xf32, #tpu.memory_space<hbm>>) target(%arg45 : memref<80xf32, #tpu.memory_space<vmem>>) offsets(%dma_start3A_233 : memref<80xi32, #tpu.memory_space<vmem>>) semaphore(%arg58 : memref<!tpu.dma_semaphore, #tpu.memory_space<semaphore_mem>>)
        %dma_start3A_236 = arith.constant 1 : i32
        %dma_start3A_237 = arith.constant 0 : i32
        %dma_start3A_238 = tpu.memref_slice %arg21[%dma_start3A_236, %dma_start3A_237] : memref<3x80xi32, #tpu.memory_space<vmem>> -> memref<1x80xi32, #tpu.memory_space<vmem>>
        %dma_start3A_239 = tpu.memref_squeeze %dma_start3A_238 : memref<1x80xi32, #tpu.memory_space<vmem>> -> memref<80xi32, #tpu.memory_space<vmem>>
        %dma_start3A_240 = arith.constant 0 : i32
        %dma_start3A_241 = tpu.memref_slice %arg3[%dma_start3A_240] : memref<10240xf32, #tpu.memory_space<hbm>> -> memref<10240xf32, #tpu.memory_space<hbm>>
        tpu.enqueue_indirect_dma source(%dma_start3A_241 : memref<10240xf32, #tpu.memory_space<hbm>>) target(%arg46 : memref<80xf32, #tpu.memory_space<vmem>>) offsets(%dma_start3A_239 : memref<80xi32, #tpu.memory_space<vmem>>) semaphore(%arg58 : memref<!tpu.dma_semaphore, #tpu.memory_space<semaphore_mem>>)
        %dma_start3A_242 = arith.constant 1 : i32
        %dma_start3A_243 = arith.constant 0 : i32
        %dma_start3A_244 = tpu.memref_slice %arg21[%dma_start3A_242, %dma_start3A_243] : memref<3x80xi32, #tpu.memory_space<vmem>> -> memref<1x80xi32, #tpu.memory_space<vmem>>
        %dma_start3A_245 = tpu.memref_squeeze %dma_start3A_244 : memref<1x80xi32, #tpu.memory_space<vmem>> -> memref<80xi32, #tpu.memory_space<vmem>>
        %dma_start3A_246 = arith.constant 0 : i32
        %dma_start3A_247 = tpu.memref_slice %arg4[%dma_start3A_246] : memref<10240xf32, #tpu.memory_space<hbm>> -> memref<10240xf32, #tpu.memory_space<hbm>>
        tpu.enqueue_indirect_dma source(%dma_start3A_247 : memref<10240xf32, #tpu.memory_space<hbm>>) target(%arg47 : memref<80xf32, #tpu.memory_space<vmem>>) offsets(%dma_start3A_245 : memref<80xi32, #tpu.memory_space<vmem>>) semaphore(%arg58 : memref<!tpu.dma_semaphore, #tpu.memory_space<semaphore_mem>>)
        %dma_start3A_248 = arith.constant 1 : i32
        %dma_start3A_249 = arith.constant 0 : i32
        %dma_start3A_250 = tpu.memref_slice %arg21[%dma_start3A_248, %dma_start3A_249] : memref<3x80xi32, #tpu.memory_space<vmem>> -> memref<1x80xi32, #tpu.memory_space<vmem>>
        %dma_start3A_251 = tpu.memref_squeeze %dma_start3A_250 : memref<1x80xi32, #tpu.memory_space<vmem>> -> memref<80xi32, #tpu.memory_space<vmem>>
        %dma_start3A_252 = arith.constant 0 : i32
        %dma_start3A_253 = tpu.memref_slice %arg5[%dma_start3A_252] : memref<10240xf32, #tpu.memory_space<hbm>> -> memref<10240xf32, #tpu.memory_space<hbm>>
        tpu.enqueue_indirect_dma source(%dma_start3A_253 : memref<10240xf32, #tpu.memory_space<hbm>>) target(%arg48 : memref<80xf32, #tpu.memory_space<vmem>>) offsets(%dma_start3A_251 : memref<80xi32, #tpu.memory_space<vmem>>) semaphore(%arg58 : memref<!tpu.dma_semaphore, #tpu.memory_space<semaphore_mem>>)
        %dma_wait3A_254 = arith.constant 0 : i32
        %dma_wait3A_255 = arith.constant 0 : i32
        %dma_wait3A_256 = tpu.memref_slice %arg19[%dma_wait3A_254, %dma_wait3A_255] : memref<3x80xi32, #tpu.memory_space<vmem>> -> memref<1x80xi32, #tpu.memory_space<vmem>>
        %dma_wait3A_257 = tpu.memref_squeeze %dma_wait3A_256 : memref<1x80xi32, #tpu.memory_space<vmem>> -> memref<80xi32, #tpu.memory_space<vmem>>
        %dma_wait3A_258 = arith.constant 0 : i32
        %dma_wait3A_259 = tpu.memref_slice %arg3[%dma_wait3A_258] : memref<10240xf32, #tpu.memory_space<hbm>> -> memref<10240xf32, #tpu.memory_space<hbm>>
        tpu.wait_indirect_dma semaphore(%arg56 : memref<!tpu.dma_semaphore, #tpu.memory_space<semaphore_mem>>) src(%dma_wait3A_259 : memref<10240xf32, #tpu.memory_space<hbm>>) dst(%arg31 : memref<80xf32, #tpu.memory_space<vmem>>)
        %dma_wait3A_260 = arith.constant 0 : i32
        %dma_wait3A_261 = arith.constant 0 : i32
        %dma_wait3A_262 = tpu.memref_slice %arg19[%dma_wait3A_260, %dma_wait3A_261] : memref<3x80xi32, #tpu.memory_space<vmem>> -> memref<1x80xi32, #tpu.memory_space<vmem>>
        %dma_wait3A_263 = tpu.memref_squeeze %dma_wait3A_262 : memref<1x80xi32, #tpu.memory_space<vmem>> -> memref<80xi32, #tpu.memory_space<vmem>>
        %dma_wait3A_264 = arith.constant 0 : i32
        %dma_wait3A_265 = tpu.memref_slice %arg4[%dma_wait3A_264] : memref<10240xf32, #tpu.memory_space<hbm>> -> memref<10240xf32, #tpu.memory_space<hbm>>
        tpu.wait_indirect_dma semaphore(%arg56 : memref<!tpu.dma_semaphore, #tpu.memory_space<semaphore_mem>>) src(%dma_wait3A_265 : memref<10240xf32, #tpu.memory_space<hbm>>) dst(%arg32 : memref<80xf32, #tpu.memory_space<vmem>>)
        %dma_wait3A_266 = arith.constant 0 : i32
        %dma_wait3A_267 = arith.constant 0 : i32
        %dma_wait3A_268 = tpu.memref_slice %arg19[%dma_wait3A_266, %dma_wait3A_267] : memref<3x80xi32, #tpu.memory_space<vmem>> -> memref<1x80xi32, #tpu.memory_space<vmem>>
        %dma_wait3A_269 = tpu.memref_squeeze %dma_wait3A_268 : memref<1x80xi32, #tpu.memory_space<vmem>> -> memref<80xi32, #tpu.memory_space<vmem>>
        %dma_wait3A_270 = arith.constant 0 : i32
        %dma_wait3A_271 = tpu.memref_slice %arg5[%dma_wait3A_270] : memref<10240xf32, #tpu.memory_space<hbm>> -> memref<10240xf32, #tpu.memory_space<hbm>>
        tpu.wait_indirect_dma semaphore(%arg56 : memref<!tpu.dma_semaphore, #tpu.memory_space<semaphore_mem>>) src(%dma_wait3A_271 : memref<10240xf32, #tpu.memory_space<hbm>>) dst(%arg33 : memref<80xf32, #tpu.memory_space<vmem>>)
        %dma_wait3A_272 = arith.constant 1 : i32
        %dma_wait3A_273 = arith.constant 0 : i32
        %dma_wait3A_274 = tpu.memref_slice %arg19[%dma_wait3A_272, %dma_wait3A_273] : memref<3x80xi32, #tpu.memory_space<vmem>> -> memref<1x80xi32, #tpu.memory_space<vmem>>
        %dma_wait3A_275 = tpu.memref_squeeze %dma_wait3A_274 : memref<1x80xi32, #tpu.memory_space<vmem>> -> memref<80xi32, #tpu.memory_space<vmem>>
        %dma_wait3A_276 = arith.constant 0 : i32
        %dma_wait3A_277 = tpu.memref_slice %arg3[%dma_wait3A_276] : memref<10240xf32, #tpu.memory_space<hbm>> -> memref<10240xf32, #tpu.memory_space<hbm>>
        tpu.wait_indirect_dma semaphore(%arg56 : memref<!tpu.dma_semaphore, #tpu.memory_space<semaphore_mem>>) src(%dma_wait3A_277 : memref<10240xf32, #tpu.memory_space<hbm>>) dst(%arg34 : memref<80xf32, #tpu.memory_space<vmem>>)
        %dma_wait3A_278 = arith.constant 1 : i32
        %dma_wait3A_279 = arith.constant 0 : i32
        %dma_wait3A_280 = tpu.memref_slice %arg19[%dma_wait3A_278, %dma_wait3A_279] : memref<3x80xi32, #tpu.memory_space<vmem>> -> memref<1x80xi32, #tpu.memory_space<vmem>>
        %dma_wait3A_281 = tpu.memref_squeeze %dma_wait3A_280 : memref<1x80xi32, #tpu.memory_space<vmem>> -> memref<80xi32, #tpu.memory_space<vmem>>
        %dma_wait3A_282 = arith.constant 0 : i32
        %dma_wait3A_283 = tpu.memref_slice %arg4[%dma_wait3A_282] : memref<10240xf32, #tpu.memory_space<hbm>> -> memref<10240xf32, #tpu.memory_space<hbm>>
        tpu.wait_indirect_dma semaphore(%arg56 : memref<!tpu.dma_semaphore, #tpu.memory_space<semaphore_mem>>) src(%dma_wait3A_283 : memref<10240xf32, #tpu.memory_space<hbm>>) dst(%arg35 : memref<80xf32, #tpu.memory_space<vmem>>)
        %dma_wait3A_284 = arith.constant 1 : i32
        %dma_wait3A_285 = arith.constant 0 : i32
        %dma_wait3A_286 = tpu.memref_slice %arg19[%dma_wait3A_284, %dma_wait3A_285] : memref<3x80xi32, #tpu.memory_space<vmem>> -> memref<1x80xi32, #tpu.memory_space<vmem>>
        %dma_wait3A_287 = tpu.memref_squeeze %dma_wait3A_286 : memref<1x80xi32, #tpu.memory_space<vmem>> -> memref<80xi32, #tpu.memory_space<vmem>>
        %dma_wait3A_288 = arith.constant 0 : i32
        %dma_wait3A_289 = tpu.memref_slice %arg5[%dma_wait3A_288] : memref<10240xf32, #tpu.memory_space<hbm>> -> memref<10240xf32, #tpu.memory_space<hbm>>
        tpu.wait_indirect_dma semaphore(%arg56 : memref<!tpu.dma_semaphore, #tpu.memory_space<semaphore_mem>>) src(%dma_wait3A_289 : memref<10240xf32, #tpu.memory_space<hbm>>) dst(%arg36 : memref<80xf32, #tpu.memory_space<vmem>>)
        %get3A = arith.constant 0 : i32
        %get3A_290 = arith.index_cast %get3A : i32 to index
        %get3A_291 = arith.constant 0 : index
        %get3A_292 = tpu.vector_load %arg19[%get3A_290, %get3A_291] {strides = array<i32>} : memref<3x80xi32, #tpu.memory_space<vmem>>, vector<16xi32>,
        %get3A_293 = arith.constant 1 : i32
        %get3A_294 = arith.index_cast %get3A_293 : i32 to index
        %get3A_295 = arith.constant 0 : index
        %get3A_296 = tpu.vector_load %arg19[%get3A_294, %get3A_295] {strides = array<i32>} : memref<3x80xi32, #tpu.memory_space<vmem>>, vector<16xi32>,
        %get3A_297 = arith.constant 0 : index
        %get3A_298 = tpu.vector_load %arg34[%get3A_297] {strides = array<i32>} : memref<80xf32, #tpu.memory_space<vmem>>, vector<16xf32>,
        %get3A_299 = arith.constant 0 : index
        %get3A_300 = tpu.vector_load %arg31[%get3A_299] {strides = array<i32>} : memref<80xf32, #tpu.memory_space<vmem>>, vector<16xf32>,
        %sub3A_301 = arith.subf %get3A_298, %get3A_300 : vector<16xf32>
        %get3A_302 = arith.constant 0 : index
        %get3A_303 = tpu.vector_load %arg35[%get3A_302] {strides = array<i32>} : memref<80xf32, #tpu.memory_space<vmem>>, vector<16xf32>,
        %get3A_304 = arith.constant 0 : index
        %get3A_305 = tpu.vector_load %arg32[%get3A_304] {strides = array<i32>} : memref<80xf32, #tpu.memory_space<vmem>>, vector<16xf32>,
        %sub3A_306 = arith.subf %get3A_303, %get3A_305 : vector<16xf32>
        %get3A_307 = arith.constant 0 : index
        %get3A_308 = tpu.vector_load %arg36[%get3A_307] {strides = array<i32>} : memref<80xf32, #tpu.memory_space<vmem>>, vector<16xf32>,
        %get3A_309 = arith.constant 0 : index
        %get3A_310 = tpu.vector_load %arg33[%get3A_309] {strides = array<i32>} : memref<80xf32, #tpu.memory_space<vmem>>, vector<16xf32>,
        %sub3A_311 = arith.subf %get3A_308, %get3A_310 : vector<16xf32>
        %mul3A_312 = arith.mulf %sub3A_301, %sub3A_301 : vector<16xf32>
        %mul3A_313 = arith.mulf %sub3A_306, %sub3A_306 : vector<16xf32>
        %add3A_314 = arith.addf %mul3A_312, %mul3A_313 : vector<16xf32>
        %mul3A_315 = arith.mulf %sub3A_311, %sub3A_311 : vector<16xf32>
        %add3A_316 = arith.addf %add3A_314, %mul3A_315 : vector<16xf32>
        %mul3A_317 = arith.mulf %sub3A_301, %sub3A_301 : vector<16xf32>
        %lt3A = arith.constant 0.000000e+00 : f32
        %lt3A_318 = vector.broadcast %lt3A : f32 to vector<16xf32>
        %lt3A_319 = arith.cmpf olt, %sub3A_301, %lt3A_318 : vector<16xf32>
        %broadcast_in_dim3A_320 = arith.constant 0 : i32
        %broadcast_in_dim3A_321 = vector.broadcast %broadcast_in_dim3A_320 : i32 to vector<16xi32>
        %mul3A_322 = arith.constant 0.811744928 : f32
        %mul3A_323 = vector.broadcast %mul3A_322 : f32 to vector<16xf32>
        %mul3A_324 = arith.mulf %mul3A_323, %add3A_316 : vector<16xf32>
        %lt3A_325 = arith.cmpf olt, %mul3A_317, %mul3A_324 : vector<16xf32>
        %or3A = arith.ori %lt3A_319, %lt3A_325 : vector<16xi1>
        %convert_element_type3A_326 = arith.extui %or3A : vector<16xi1> to vector<16xi32>
        %add3A_327 = arith.addi %broadcast_in_dim3A_321, %convert_element_type3A_326 : vector<16xi32>
        %mul3A_328 = arith.constant 0.388739526 : f32
        %mul3A_329 = vector.broadcast %mul3A_328 : f32 to vector<16xf32>
        %mul3A_330 = arith.mulf %mul3A_329, %add3A_316 : vector<16xf32>
        %lt3A_331 = arith.cmpf olt, %mul3A_317, %mul3A_330 : vector<16xf32>
        %or3A_332 = arith.ori %lt3A_319, %lt3A_331 : vector<16xi1>
        %convert_element_type3A_333 = arith.extui %or3A_332 : vector<16xi1> to vector<16xi32>
        %add3A_334 = arith.addi %add3A_327, %convert_element_type3A_333 : vector<16xi32>
        %mul3A_335 = arith.constant 0.0495155677 : f32
        %mul3A_336 = vector.broadcast %mul3A_335 : f32 to vector<16xf32>
        %mul3A_337 = arith.mulf %mul3A_336, %add3A_316 : vector<16xf32>
        %lt3A_338 = arith.cmpf olt, %mul3A_317, %mul3A_337 : vector<16xf32>
        %or3A_339 = arith.ori %lt3A_319, %lt3A_338 : vector<16xi1>
        %convert_element_type3A_340 = arith.extui %or3A_339 : vector<16xi1> to vector<16xi32>
        %add3A_341 = arith.addi %add3A_334, %convert_element_type3A_340 : vector<16xi32>
        %mul3A_342 = arith.constant 0.0495155677 : f32
        %mul3A_343 = vector.broadcast %mul3A_342 : f32 to vector<16xf32>
        %mul3A_344 = arith.mulf %mul3A_343, %add3A_316 : vector<16xf32>
        %gt3A = arith.cmpf ogt, %mul3A_317, %mul3A_344 : vector<16xf32>
        %and3A = arith.andi %lt3A_319, %gt3A : vector<16xi1>
        %convert_element_type3A_345 = arith.extui %and3A : vector<16xi1> to vector<16xi32>
        %add3A_346 = arith.addi %add3A_341, %convert_element_type3A_345 : vector<16xi32>
        %mul3A_347 = arith.constant 0.388739526 : f32
        %mul3A_348 = vector.broadcast %mul3A_347 : f32 to vector<16xf32>
        %mul3A_349 = arith.mulf %mul3A_348, %add3A_316 : vector<16xf32>
        %gt3A_350 = arith.cmpf ogt, %mul3A_317, %mul3A_349 : vector<16xf32>
        %and3A_351 = arith.andi %lt3A_319, %gt3A_350 : vector<16xi1>
        %convert_element_type3A_352 = arith.extui %and3A_351 : vector<16xi1> to vector<16xi32>
        %add3A_353 = arith.addi %add3A_346, %convert_element_type3A_352 : vector<16xi32>
        %mul3A_354 = arith.constant 0.811744928 : f32
        %mul3A_355 = vector.broadcast %mul3A_354 : f32 to vector<16xf32>
        %mul3A_356 = arith.mulf %mul3A_355, %add3A_316 : vector<16xf32>
        %gt3A_357 = arith.cmpf ogt, %mul3A_317, %mul3A_356 : vector<16xf32>
        %and3A_358 = arith.andi %lt3A_319, %gt3A_357 : vector<16xi1>
        %convert_element_type3A_359 = arith.extui %and3A_358 : vector<16xi1> to vector<16xi32>
        %add3A_360 = arith.addi %add3A_353, %convert_element_type3A_359 : vector<16xi32>
        %eq3A_361 = arith.constant 0.000000e+00 : f32
        %eq3A_362 = vector.broadcast %eq3A_361 : f32 to vector<16xf32>
        %eq3A_363 = arith.cmpf oeq, %add3A_316, %eq3A_362 : vector<16xf32>
        %jit3A = arith.constant 3 : i32
        %broadcast_in_dim3A_364 = vector.broadcast %jit3A : i32 to vector<16xi32>
        %select_n3A = arith.select %eq3A_363, %broadcast_in_dim3A_364, %add3A_360 : vector<16xi1>, vector<16xi32>
        %mul3A_365 = arith.constant 7 : i32
        %mul3A_366 = vector.broadcast %mul3A_365 : i32 to vector<16xi32>
        %mul3A_367 = arith.muli %get3A_296, %mul3A_366 : vector<16xi32>
        %add3A_368 = arith.addi %mul3A_367, %select_n3A : vector<16xi32>
        %swap3A_369 = arith.constant 0 : index
        %swap3A_370 = tpu.vector_load %arg25[%swap3A_369] {strides = array<i32>} : memref<80xi32, #tpu.memory_space<vmem>>, vector<16xi32>,
        tpu.vector_store %arg25[%swap3A_369], %add3A_368 {strides = array<i32>} : memref<80xi32, #tpu.memory_space<vmem>>, vector<16xi32>,
        %mul3A_371 = arith.constant 7 : i32
        %mul3A_372 = vector.broadcast %mul3A_371 : i32 to vector<16xi32>
        %mul3A_373 = arith.muli %get3A_292, %mul3A_372 : vector<16xi32>
        %add3A_374 = arith.addi %mul3A_373, %select_n3A : vector<16xi32>
        %swap3A_375 = arith.constant 0 : index
        %swap3A_376 = tpu.vector_load %arg28[%swap3A_375] {strides = array<i32>} : memref<80xi32, #tpu.memory_space<vmem>>, vector<16xi32>,
        tpu.vector_store %arg28[%swap3A_375], %add3A_374 {strides = array<i32>} : memref<80xi32, #tpu.memory_space<vmem>>, vector<16xi32>,
        %get3A_377 = arith.constant 0 : i32
        %get3A_378 = arith.index_cast %get3A_377 : i32 to index
        %get3A_379 = arith.constant 16 : index
        %get3A_380 = tpu.vector_load %arg19[%get3A_378, %get3A_379] {strides = array<i32>} : memref<3x80xi32, #tpu.memory_space<vmem>>, vector<16xi32>,
        %get3A_381 = arith.constant 1 : i32
        %get3A_382 = arith.index_cast %get3A_381 : i32 to index
        %get3A_383 = arith.constant 16 : index
        %get3A_384 = tpu.vector_load %arg19[%get3A_382, %get3A_383] {strides = array<i32>} : memref<3x80xi32, #tpu.memory_space<vmem>>, vector<16xi32>,
        %get3A_385 = arith.constant 16 : index
        %get3A_386 = tpu.vector_load %arg34[%get3A_385] {strides = array<i32>} : memref<80xf32, #tpu.memory_space<vmem>>, vector<16xf32>,
        %get3A_387 = arith.constant 16 : index
        %get3A_388 = tpu.vector_load %arg31[%get3A_387] {strides = array<i32>} : memref<80xf32, #tpu.memory_space<vmem>>, vector<16xf32>,
        %sub3A_389 = arith.subf %get3A_386, %get3A_388 : vector<16xf32>
        %get3A_390 = arith.constant 16 : index
        %get3A_391 = tpu.vector_load %arg35[%get3A_390] {strides = array<i32>} : memref<80xf32, #tpu.memory_space<vmem>>, vector<16xf32>,
        %get3A_392 = arith.constant 16 : index
        %get3A_393 = tpu.vector_load %arg32[%get3A_392] {strides = array<i32>} : memref<80xf32, #tpu.memory_space<vmem>>, vector<16xf32>,
        %sub3A_394 = arith.subf %get3A_391, %get3A_393 : vector<16xf32>
        %get3A_395 = arith.constant 16 : index
        %get3A_396 = tpu.vector_load %arg36[%get3A_395] {strides = array<i32>} : memref<80xf32, #tpu.memory_space<vmem>>, vector<16xf32>,
        %get3A_397 = arith.constant 16 : index
        %get3A_398 = tpu.vector_load %arg33[%get3A_397] {strides = array<i32>} : memref<80xf32, #tpu.memory_space<vmem>>, vector<16xf32>,
        %sub3A_399 = arith.subf %get3A_396, %get3A_398 : vector<16xf32>
        %mul3A_400 = arith.mulf %sub3A_389, %sub3A_389 : vector<16xf32>
        %mul3A_401 = arith.mulf %sub3A_394, %sub3A_394 : vector<16xf32>
        %add3A_402 = arith.addf %mul3A_400, %mul3A_401 : vector<16xf32>
        %mul3A_403 = arith.mulf %sub3A_399, %sub3A_399 : vector<16xf32>
        %add3A_404 = arith.addf %add3A_402, %mul3A_403 : vector<16xf32>
        %mul3A_405 = arith.mulf %sub3A_389, %sub3A_389 : vector<16xf32>
        %lt3A_406 = arith.constant 0.000000e+00 : f32
        %lt3A_407 = vector.broadcast %lt3A_406 : f32 to vector<16xf32>
        %lt3A_408 = arith.cmpf olt, %sub3A_389, %lt3A_407 : vector<16xf32>
        %broadcast_in_dim3A_409 = arith.constant 0 : i32
        %broadcast_in_dim3A_410 = vector.broadcast %broadcast_in_dim3A_409 : i32 to vector<16xi32>
        %mul3A_411 = arith.constant 0.811744928 : f32
        %mul3A_412 = vector.broadcast %mul3A_411 : f32 to vector<16xf32>
        %mul3A_413 = arith.mulf %mul3A_412, %add3A_404 : vector<16xf32>
        %lt3A_414 = arith.cmpf olt, %mul3A_405, %mul3A_413 : vector<16xf32>
        %or3A_415 = arith.ori %lt3A_408, %lt3A_414 : vector<16xi1>
        %convert_element_type3A_416 = arith.extui %or3A_415 : vector<16xi1> to vector<16xi32>
        %add3A_417 = arith.addi %broadcast_in_dim3A_410, %convert_element_type3A_416 : vector<16xi32>
        %mul3A_418 = arith.constant 0.388739526 : f32
        %mul3A_419 = vector.broadcast %mul3A_418 : f32 to vector<16xf32>
        %mul3A_420 = arith.mulf %mul3A_419, %add3A_404 : vector<16xf32>
        %lt3A_421 = arith.cmpf olt, %mul3A_405, %mul3A_420 : vector<16xf32>
        %or3A_422 = arith.ori %lt3A_408, %lt3A_421 : vector<16xi1>
        %convert_element_type3A_423 = arith.extui %or3A_422 : vector<16xi1> to vector<16xi32>
        %add3A_424 = arith.addi %add3A_417, %convert_element_type3A_423 : vector<16xi32>
        %mul3A_425 = arith.constant 0.0495155677 : f32
        %mul3A_426 = vector.broadcast %mul3A_425 : f32 to vector<16xf32>
        %mul3A_427 = arith.mulf %mul3A_426, %add3A_404 : vector<16xf32>
        %lt3A_428 = arith.cmpf olt, %mul3A_405, %mul3A_427 : vector<16xf32>
        %or3A_429 = arith.ori %lt3A_408, %lt3A_428 : vector<16xi1>
        %convert_element_type3A_430 = arith.extui %or3A_429 : vector<16xi1> to vector<16xi32>
        %add3A_431 = arith.addi %add3A_424, %convert_element_type3A_430 : vector<16xi32>
        %mul3A_432 = arith.constant 0.0495155677 : f32
        %mul3A_433 = vector.broadcast %mul3A_432 : f32 to vector<16xf32>
        %mul3A_434 = arith.mulf %mul3A_433, %add3A_404 : vector<16xf32>
        %gt3A_435 = arith.cmpf ogt, %mul3A_405, %mul3A_434 : vector<16xf32>
        %and3A_436 = arith.andi %lt3A_408, %gt3A_435 : vector<16xi1>
        %convert_element_type3A_437 = arith.extui %and3A_436 : vector<16xi1> to vector<16xi32>
        %add3A_438 = arith.addi %add3A_431, %convert_element_type3A_437 : vector<16xi32>
        %mul3A_439 = arith.constant 0.388739526 : f32
        %mul3A_440 = vector.broadcast %mul3A_439 : f32 to vector<16xf32>
        %mul3A_441 = arith.mulf %mul3A_440, %add3A_404 : vector<16xf32>
        %gt3A_442 = arith.cmpf ogt, %mul3A_405, %mul3A_441 : vector<16xf32>
        %and3A_443 = arith.andi %lt3A_408, %gt3A_442 : vector<16xi1>
        %convert_element_type3A_444 = arith.extui %and3A_443 : vector<16xi1> to vector<16xi32>
        %add3A_445 = arith.addi %add3A_438, %convert_element_type3A_444 : vector<16xi32>
        %mul3A_446 = arith.constant 0.811744928 : f32
        %mul3A_447 = vector.broadcast %mul3A_446 : f32 to vector<16xf32>
        %mul3A_448 = arith.mulf %mul3A_447, %add3A_404 : vector<16xf32>
        %gt3A_449 = arith.cmpf ogt, %mul3A_405, %mul3A_448 : vector<16xf32>
        %and3A_450 = arith.andi %lt3A_408, %gt3A_449 : vector<16xi1>
        %convert_element_type3A_451 = arith.extui %and3A_450 : vector<16xi1> to vector<16xi32>
        %add3A_452 = arith.addi %add3A_445, %convert_element_type3A_451 : vector<16xi32>
        %eq3A_453 = arith.constant 0.000000e+00 : f32
        %eq3A_454 = vector.broadcast %eq3A_453 : f32 to vector<16xf32>
        %eq3A_455 = arith.cmpf oeq, %add3A_404, %eq3A_454 : vector<16xf32>
        %jit3A_456 = arith.constant 3 : i32
        %broadcast_in_dim3A_457 = vector.broadcast %jit3A_456 : i32 to vector<16xi32>
        %select_n3A_458 = arith.select %eq3A_455, %broadcast_in_dim3A_457, %add3A_452 : vector<16xi1>, vector<16xi32>
        %mul3A_459 = arith.constant 7 : i32
        %mul3A_460 = vector.broadcast %mul3A_459 : i32 to vector<16xi32>
        %mul3A_461 = arith.muli %get3A_384, %mul3A_460 : vector<16xi32>
        %add3A_462 = arith.addi %mul3A_461, %select_n3A_458 : vector<16xi32>
        %swap3A_463 = arith.constant 16 : index
        %swap3A_464 = tpu.vector_load %arg25[%swap3A_463] {strides = array<i32>} : memref<80xi32, #tpu.memory_space<vmem>>, vector<16xi32>,
        tpu.vector_store %arg25[%swap3A_463], %add3A_462 {strides = array<i32>} : memref<80xi32, #tpu.memory_space<vmem>>, vector<16xi32>,
        %mul3A_465 = arith.constant 7 : i32
        %mul3A_466 = vector.broadcast %mul3A_465 : i32 to vector<16xi32>
        %mul3A_467 = arith.muli %get3A_380, %mul3A_466 : vector<16xi32>
        %add3A_468 = arith.addi %mul3A_467, %select_n3A_458 : vector<16xi32>
        %swap3A_469 = arith.constant 16 : index
        %swap3A_470 = tpu.vector_load %arg28[%swap3A_469] {strides = array<i32>} : memref<80xi32, #tpu.memory_space<vmem>>, vector<16xi32>,
        tpu.vector_store %arg28[%swap3A_469], %add3A_468 {strides = array<i32>} : memref<80xi32, #tpu.memory_space<vmem>>, vector<16xi32>,
        %get3A_471 = arith.constant 0 : i32
        %get3A_472 = arith.index_cast %get3A_471 : i32 to index
        %get3A_473 = arith.constant 32 : index
        %get3A_474 = tpu.vector_load %arg19[%get3A_472, %get3A_473] {strides = array<i32>} : memref<3x80xi32, #tpu.memory_space<vmem>>, vector<16xi32>,
        %get3A_475 = arith.constant 1 : i32
        %get3A_476 = arith.index_cast %get3A_475 : i32 to index
        %get3A_477 = arith.constant 32 : index
        %get3A_478 = tpu.vector_load %arg19[%get3A_476, %get3A_477] {strides = array<i32>} : memref<3x80xi32, #tpu.memory_space<vmem>>, vector<16xi32>,
        %get3A_479 = arith.constant 32 : index
        %get3A_480 = tpu.vector_load %arg34[%get3A_479] {strides = array<i32>} : memref<80xf32, #tpu.memory_space<vmem>>, vector<16xf32>,
        %get3A_481 = arith.constant 32 : index
        %get3A_482 = tpu.vector_load %arg31[%get3A_481] {strides = array<i32>} : memref<80xf32, #tpu.memory_space<vmem>>, vector<16xf32>,
        %sub3A_483 = arith.subf %get3A_480, %get3A_482 : vector<16xf32>
        %get3A_484 = arith.constant 32 : index
        %get3A_485 = tpu.vector_load %arg35[%get3A_484] {strides = array<i32>} : memref<80xf32, #tpu.memory_space<vmem>>, vector<16xf32>,
        %get3A_486 = arith.constant 32 : index
        %get3A_487 = tpu.vector_load %arg32[%get3A_486] {strides = array<i32>} : memref<80xf32, #tpu.memory_space<vmem>>, vector<16xf32>,
        %sub3A_488 = arith.subf %get3A_485, %get3A_487 : vector<16xf32>
        %get3A_489 = arith.constant 32 : index
        %get3A_490 = tpu.vector_load %arg36[%get3A_489] {strides = array<i32>} : memref<80xf32, #tpu.memory_space<vmem>>, vector<16xf32>,
        %get3A_491 = arith.constant 32 : index
        %get3A_492 = tpu.vector_load %arg33[%get3A_491] {strides = array<i32>} : memref<80xf32, #tpu.memory_space<vmem>>, vector<16xf32>,
        %sub3A_493 = arith.subf %get3A_490, %get3A_492 : vector<16xf32>
        %mul3A_494 = arith.mulf %sub3A_483, %sub3A_483 : vector<16xf32>
        %mul3A_495 = arith.mulf %sub3A_488, %sub3A_488 : vector<16xf32>
        %add3A_496 = arith.addf %mul3A_494, %mul3A_495 : vector<16xf32>
        %mul3A_497 = arith.mulf %sub3A_493, %sub3A_493 : vector<16xf32>
        %add3A_498 = arith.addf %add3A_496, %mul3A_497 : vector<16xf32>
        %mul3A_499 = arith.mulf %sub3A_483, %sub3A_483 : vector<16xf32>
        %lt3A_500 = arith.constant 0.000000e+00 : f32
        %lt3A_501 = vector.broadcast %lt3A_500 : f32 to vector<16xf32>
        %lt3A_502 = arith.cmpf olt, %sub3A_483, %lt3A_501 : vector<16xf32>
        %broadcast_in_dim3A_503 = arith.constant 0 : i32
        %broadcast_in_dim3A_504 = vector.broadcast %broadcast_in_dim3A_503 : i32 to vector<16xi32>
        %mul3A_505 = arith.constant 0.811744928 : f32
        %mul3A_506 = vector.broadcast %mul3A_505 : f32 to vector<16xf32>
        %mul3A_507 = arith.mulf %mul3A_506, %add3A_498 : vector<16xf32>
        %lt3A_508 = arith.cmpf olt, %mul3A_499, %mul3A_507 : vector<16xf32>
        %or3A_509 = arith.ori %lt3A_502, %lt3A_508 : vector<16xi1>
        %convert_element_type3A_510 = arith.extui %or3A_509 : vector<16xi1> to vector<16xi32>
        %add3A_511 = arith.addi %broadcast_in_dim3A_504, %convert_element_type3A_510 : vector<16xi32>
        %mul3A_512 = arith.constant 0.388739526 : f32
        %mul3A_513 = vector.broadcast %mul3A_512 : f32 to vector<16xf32>
        %mul3A_514 = arith.mulf %mul3A_513, %add3A_498 : vector<16xf32>
        %lt3A_515 = arith.cmpf olt, %mul3A_499, %mul3A_514 : vector<16xf32>
        %or3A_516 = arith.ori %lt3A_502, %lt3A_515 : vector<16xi1>
        %convert_element_type3A_517 = arith.extui %or3A_516 : vector<16xi1> to vector<16xi32>
        %add3A_518 = arith.addi %add3A_511, %convert_element_type3A_517 : vector<16xi32>
        %mul3A_519 = arith.constant 0.0495155677 : f32
        %mul3A_520 = vector.broadcast %mul3A_519 : f32 to vector<16xf32>
        %mul3A_521 = arith.mulf %mul3A_520, %add3A_498 : vector<16xf32>
        %lt3A_522 = arith.cmpf olt, %mul3A_499, %mul3A_521 : vector<16xf32>
        %or3A_523 = arith.ori %lt3A_502, %lt3A_522 : vector<16xi1>
        %convert_element_type3A_524 = arith.extui %or3A_523 : vector<16xi1> to vector<16xi32>
        %add3A_525 = arith.addi %add3A_518, %convert_element_type3A_524 : vector<16xi32>
        %mul3A_526 = arith.constant 0.0495155677 : f32
        %mul3A_527 = vector.broadcast %mul3A_526 : f32 to vector<16xf32>
        %mul3A_528 = arith.mulf %mul3A_527, %add3A_498 : vector<16xf32>
        %gt3A_529 = arith.cmpf ogt, %mul3A_499, %mul3A_528 : vector<16xf32>
        %and3A_530 = arith.andi %lt3A_502, %gt3A_529 : vector<16xi1>
        %convert_element_type3A_531 = arith.extui %and3A_530 : vector<16xi1> to vector<16xi32>
        %add3A_532 = arith.addi %add3A_525, %convert_element_type3A_531 : vector<16xi32>
        %mul3A_533 = arith.constant 0.388739526 : f32
        %mul3A_534 = vector.broadcast %mul3A_533 : f32 to vector<16xf32>
        %mul3A_535 = arith.mulf %mul3A_534, %add3A_498 : vector<16xf32>
        %gt3A_536 = arith.cmpf ogt, %mul3A_499, %mul3A_535 : vector<16xf32>
        %and3A_537 = arith.andi %lt3A_502, %gt3A_536 : vector<16xi1>
        %convert_element_type3A_538 = arith.extui %and3A_537 : vector<16xi1> to vector<16xi32>
        %add3A_539 = arith.addi %add3A_532, %convert_element_type3A_538 : vector<16xi32>
        %mul3A_540 = arith.constant 0.811744928 : f32
        %mul3A_541 = vector.broadcast %mul3A_540 : f32 to vector<16xf32>
        %mul3A_542 = arith.mulf %mul3A_541, %add3A_498 : vector<16xf32>
        %gt3A_543 = arith.cmpf ogt, %mul3A_499, %mul3A_542 : vector<16xf32>
        %and3A_544 = arith.andi %lt3A_502, %gt3A_543 : vector<16xi1>
        %convert_element_type3A_545 = arith.extui %and3A_544 : vector<16xi1> to vector<16xi32>
        %add3A_546 = arith.addi %add3A_539, %convert_element_type3A_545 : vector<16xi32>
        %eq3A_547 = arith.constant 0.000000e+00 : f32
        %eq3A_548 = vector.broadcast %eq3A_547 : f32 to vector<16xf32>
        %eq3A_549 = arith.cmpf oeq, %add3A_498, %eq3A_548 : vector<16xf32>
        %jit3A_550 = arith.constant 3 : i32
        %broadcast_in_dim3A_551 = vector.broadcast %jit3A_550 : i32 to vector<16xi32>
        %select_n3A_552 = arith.select %eq3A_549, %broadcast_in_dim3A_551, %add3A_546 : vector<16xi1>, vector<16xi32>
        %mul3A_553 = arith.constant 7 : i32
        %mul3A_554 = vector.broadcast %mul3A_553 : i32 to vector<16xi32>
        %mul3A_555 = arith.muli %get3A_478, %mul3A_554 : vector<16xi32>
        %add3A_556 = arith.addi %mul3A_555, %select_n3A_552 : vector<16xi32>
        %swap3A_557 = arith.constant 32 : index
        %swap3A_558 = tpu.vector_load %arg25[%swap3A_557] {strides = array<i32>} : memref<80xi32, #tpu.memory_space<vmem>>, vector<16xi32>,
        tpu.vector_store %arg25[%swap3A_557], %add3A_556 {strides = array<i32>} : memref<80xi32, #tpu.memory_space<vmem>>, vector<16xi32>,
        %mul3A_559 = arith.constant 7 : i32
        %mul3A_560 = vector.broadcast %mul3A_559 : i32 to vector<16xi32>
        %mul3A_561 = arith.muli %get3A_474, %mul3A_560 : vector<16xi32>
        %add3A_562 = arith.addi %mul3A_561, %select_n3A_552 : vector<16xi32>
        %swap3A_563 = arith.constant 32 : index
        %swap3A_564 = tpu.vector_load %arg28[%swap3A_563] {strides = array<i32>} : memref<80xi32, #tpu.memory_space<vmem>>, vector<16xi32>,
        tpu.vector_store %arg28[%swap3A_563], %add3A_562 {strides = array<i32>} : memref<80xi32, #tpu.memory_space<vmem>>, vector<16xi32>,
        %get3A_565 = arith.constant 0 : i32
        %get3A_566 = arith.index_cast %get3A_565 : i32 to index
        %get3A_567 = arith.constant 48 : index
        %get3A_568 = tpu.vector_load %arg19[%get3A_566, %get3A_567] {strides = array<i32>} : memref<3x80xi32, #tpu.memory_space<vmem>>, vector<16xi32>,
        %get3A_569 = arith.constant 1 : i32
        %get3A_570 = arith.index_cast %get3A_569 : i32 to index
        %get3A_571 = arith.constant 48 : index
        %get3A_572 = tpu.vector_load %arg19[%get3A_570, %get3A_571] {strides = array<i32>} : memref<3x80xi32, #tpu.memory_space<vmem>>, vector<16xi32>,
        %get3A_573 = arith.constant 48 : index
        %get3A_574 = tpu.vector_load %arg34[%get3A_573] {strides = array<i32>} : memref<80xf32, #tpu.memory_space<vmem>>, vector<16xf32>,
        %get3A_575 = arith.constant 48 : index
        %get3A_576 = tpu.vector_load %arg31[%get3A_575] {strides = array<i32>} : memref<80xf32, #tpu.memory_space<vmem>>, vector<16xf32>,
        %sub3A_577 = arith.subf %get3A_574, %get3A_576 : vector<16xf32>
        %get3A_578 = arith.constant 48 : index
        %get3A_579 = tpu.vector_load %arg35[%get3A_578] {strides = array<i32>} : memref<80xf32, #tpu.memory_space<vmem>>, vector<16xf32>,
        %get3A_580 = arith.constant 48 : index
        %get3A_581 = tpu.vector_load %arg32[%get3A_580] {strides = array<i32>} : memref<80xf32, #tpu.memory_space<vmem>>, vector<16xf32>,
        %sub3A_582 = arith.subf %get3A_579, %get3A_581 : vector<16xf32>
        %get3A_583 = arith.constant 48 : index
        %get3A_584 = tpu.vector_load %arg36[%get3A_583] {strides = array<i32>} : memref<80xf32, #tpu.memory_space<vmem>>, vector<16xf32>,
        %get3A_585 = arith.constant 48 : index
        %get3A_586 = tpu.vector_load %arg33[%get3A_585] {strides = array<i32>} : memref<80xf32, #tpu.memory_space<vmem>>, vector<16xf32>,
        %sub3A_587 = arith.subf %get3A_584, %get3A_586 : vector<16xf32>
        %mul3A_588 = arith.mulf %sub3A_577, %sub3A_577 : vector<16xf32>
        %mul3A_589 = arith.mulf %sub3A_582, %sub3A_582 : vector<16xf32>
        %add3A_590 = arith.addf %mul3A_588, %mul3A_589 : vector<16xf32>
        %mul3A_591 = arith.mulf %sub3A_587, %sub3A_587 : vector<16xf32>
        %add3A_592 = arith.addf %add3A_590, %mul3A_591 : vector<16xf32>
        %mul3A_593 = arith.mulf %sub3A_577, %sub3A_577 : vector<16xf32>
        %lt3A_594 = arith.constant 0.000000e+00 : f32
        %lt3A_595 = vector.broadcast %lt3A_594 : f32 to vector<16xf32>
        %lt3A_596 = arith.cmpf olt, %sub3A_577, %lt3A_595 : vector<16xf32>
        %broadcast_in_dim3A_597 = arith.constant 0 : i32
        %broadcast_in_dim3A_598 = vector.broadcast %broadcast_in_dim3A_597 : i32 to vector<16xi32>
        %mul3A_599 = arith.constant 0.811744928 : f32
        %mul3A_600 = vector.broadcast %mul3A_599 : f32 to vector<16xf32>
        %mul3A_601 = arith.mulf %mul3A_600, %add3A_592 : vector<16xf32>
        %lt3A_602 = arith.cmpf olt, %mul3A_593, %mul3A_601 : vector<16xf32>
        %or3A_603 = arith.ori %lt3A_596, %lt3A_602 : vector<16xi1>
        %convert_element_type3A_604 = arith.extui %or3A_603 : vector<16xi1> to vector<16xi32>
        %add3A_605 = arith.addi %broadcast_in_dim3A_598, %convert_element_type3A_604 : vector<16xi32>
        %mul3A_606 = arith.constant 0.388739526 : f32
        %mul3A_607 = vector.broadcast %mul3A_606 : f32 to vector<16xf32>
        %mul3A_608 = arith.mulf %mul3A_607, %add3A_592 : vector<16xf32>
        %lt3A_609 = arith.cmpf olt, %mul3A_593, %mul3A_608 : vector<16xf32>
        %or3A_610 = arith.ori %lt3A_596, %lt3A_609 : vector<16xi1>
        %convert_element_type3A_611 = arith.extui %or3A_610 : vector<16xi1> to vector<16xi32>
        %add3A_612 = arith.addi %add3A_605, %convert_element_type3A_611 : vector<16xi32>
        %mul3A_613 = arith.constant 0.0495155677 : f32
        %mul3A_614 = vector.broadcast %mul3A_613 : f32 to vector<16xf32>
        %mul3A_615 = arith.mulf %mul3A_614, %add3A_592 : vector<16xf32>
        %lt3A_616 = arith.cmpf olt, %mul3A_593, %mul3A_615 : vector<16xf32>
        %or3A_617 = arith.ori %lt3A_596, %lt3A_616 : vector<16xi1>
        %convert_element_type3A_618 = arith.extui %or3A_617 : vector<16xi1> to vector<16xi32>
        %add3A_619 = arith.addi %add3A_612, %convert_element_type3A_618 : vector<16xi32>
        %mul3A_620 = arith.constant 0.0495155677 : f32
        %mul3A_621 = vector.broadcast %mul3A_620 : f32 to vector<16xf32>
        %mul3A_622 = arith.mulf %mul3A_621, %add3A_592 : vector<16xf32>
        %gt3A_623 = arith.cmpf ogt, %mul3A_593, %mul3A_622 : vector<16xf32>
        %and3A_624 = arith.andi %lt3A_596, %gt3A_623 : vector<16xi1>
        %convert_element_type3A_625 = arith.extui %and3A_624 : vector<16xi1> to vector<16xi32>
        %add3A_626 = arith.addi %add3A_619, %convert_element_type3A_625 : vector<16xi32>
        %mul3A_627 = arith.constant 0.388739526 : f32
        %mul3A_628 = vector.broadcast %mul3A_627 : f32 to vector<16xf32>
        %mul3A_629 = arith.mulf %mul3A_628, %add3A_592 : vector<16xf32>
        %gt3A_630 = arith.cmpf ogt, %mul3A_593, %mul3A_629 : vector<16xf32>
        %and3A_631 = arith.andi %lt3A_596, %gt3A_630 : vector<16xi1>
        %convert_element_type3A_632 = arith.extui %and3A_631 : vector<16xi1> to vector<16xi32>
        %add3A_633 = arith.addi %add3A_626, %convert_element_type3A_632 : vector<16xi32>
        %mul3A_634 = arith.constant 0.811744928 : f32
        %mul3A_635 = vector.broadcast %mul3A_634 : f32 to vector<16xf32>
        %mul3A_636 = arith.mulf %mul3A_635, %add3A_592 : vector<16xf32>
        %gt3A_637 = arith.cmpf ogt, %mul3A_593, %mul3A_636 : vector<16xf32>
        %and3A_638 = arith.andi %lt3A_596, %gt3A_637 : vector<16xi1>
        %convert_element_type3A_639 = arith.extui %and3A_638 : vector<16xi1> to vector<16xi32>
        %add3A_640 = arith.addi %add3A_633, %convert_element_type3A_639 : vector<16xi32>
        %eq3A_641 = arith.constant 0.000000e+00 : f32
        %eq3A_642 = vector.broadcast %eq3A_641 : f32 to vector<16xf32>
        %eq3A_643 = arith.cmpf oeq, %add3A_592, %eq3A_642 : vector<16xf32>
        %jit3A_644 = arith.constant 3 : i32
        %broadcast_in_dim3A_645 = vector.broadcast %jit3A_644 : i32 to vector<16xi32>
        %select_n3A_646 = arith.select %eq3A_643, %broadcast_in_dim3A_645, %add3A_640 : vector<16xi1>, vector<16xi32>
        %mul3A_647 = arith.constant 7 : i32
        %mul3A_648 = vector.broadcast %mul3A_647 : i32 to vector<16xi32>
        %mul3A_649 = arith.muli %get3A_572, %mul3A_648 : vector<16xi32>
        %add3A_650 = arith.addi %mul3A_649, %select_n3A_646 : vector<16xi32>
        %swap3A_651 = arith.constant 48 : index
        %swap3A_652 = tpu.vector_load %arg25[%swap3A_651] {strides = array<i32>} : memref<80xi32, #tpu.memory_space<vmem>>, vector<16xi32>,
        tpu.vector_store %arg25[%swap3A_651], %add3A_650 {strides = array<i32>} : memref<80xi32, #tpu.memory_space<vmem>>, vector<16xi32>,
        %mul3A_653 = arith.constant 7 : i32
        %mul3A_654 = vector.broadcast %mul3A_653 : i32 to vector<16xi32>
        %mul3A_655 = arith.muli %get3A_568, %mul3A_654 : vector<16xi32>
        %add3A_656 = arith.addi %mul3A_655, %select_n3A_646 : vector<16xi32>
        %swap3A_657 = arith.constant 48 : index
        %swap3A_658 = tpu.vector_load %arg28[%swap3A_657] {strides = array<i32>} : memref<80xi32, #tpu.memory_space<vmem>>, vector<16xi32>,
        tpu.vector_store %arg28[%swap3A_657], %add3A_656 {strides = array<i32>} : memref<80xi32, #tpu.memory_space<vmem>>, vector<16xi32>,
        %get3A_659 = arith.constant 0 : i32
        %get3A_660 = arith.index_cast %get3A_659 : i32 to index
        %get3A_661 = arith.constant 64 : index
        %get3A_662 = tpu.vector_load %arg19[%get3A_660, %get3A_661] {strides = array<i32>} : memref<3x80xi32, #tpu.memory_space<vmem>>, vector<16xi32>,
        %get3A_663 = arith.constant 1 : i32
        %get3A_664 = arith.index_cast %get3A_663 : i32 to index
        %get3A_665 = arith.constant 64 : index
        %get3A_666 = tpu.vector_load %arg19[%get3A_664, %get3A_665] {strides = array<i32>} : memref<3x80xi32, #tpu.memory_space<vmem>>, vector<16xi32>,
        %get3A_667 = arith.constant 64 : index
        %get3A_668 = tpu.vector_load %arg34[%get3A_667] {strides = array<i32>} : memref<80xf32, #tpu.memory_space<vmem>>, vector<16xf32>,
        %get3A_669 = arith.constant 64 : index
        %get3A_670 = tpu.vector_load %arg31[%get3A_669] {strides = array<i32>} : memref<80xf32, #tpu.memory_space<vmem>>, vector<16xf32>,
        %sub3A_671 = arith.subf %get3A_668, %get3A_670 : vector<16xf32>
        %get3A_672 = arith.constant 64 : index
        %get3A_673 = tpu.vector_load %arg35[%get3A_672] {strides = array<i32>} : memref<80xf32, #tpu.memory_space<vmem>>, vector<16xf32>,
        %get3A_674 = arith.constant 64 : index
        %get3A_675 = tpu.vector_load %arg32[%get3A_674] {strides = array<i32>} : memref<80xf32, #tpu.memory_space<vmem>>, vector<16xf32>,
        %sub3A_676 = arith.subf %get3A_673, %get3A_675 : vector<16xf32>
        %get3A_677 = arith.constant 64 : index
        %get3A_678 = tpu.vector_load %arg36[%get3A_677] {strides = array<i32>} : memref<80xf32, #tpu.memory_space<vmem>>, vector<16xf32>,
        %get3A_679 = arith.constant 64 : index
        %get3A_680 = tpu.vector_load %arg33[%get3A_679] {strides = array<i32>} : memref<80xf32, #tpu.memory_space<vmem>>, vector<16xf32>,
        %sub3A_681 = arith.subf %get3A_678, %get3A_680 : vector<16xf32>
        %mul3A_682 = arith.mulf %sub3A_671, %sub3A_671 : vector<16xf32>
        %mul3A_683 = arith.mulf %sub3A_676, %sub3A_676 : vector<16xf32>
        %add3A_684 = arith.addf %mul3A_682, %mul3A_683 : vector<16xf32>
        %mul3A_685 = arith.mulf %sub3A_681, %sub3A_681 : vector<16xf32>
        %add3A_686 = arith.addf %add3A_684, %mul3A_685 : vector<16xf32>
        %mul3A_687 = arith.mulf %sub3A_671, %sub3A_671 : vector<16xf32>
        %lt3A_688 = arith.constant 0.000000e+00 : f32
        %lt3A_689 = vector.broadcast %lt3A_688 : f32 to vector<16xf32>
        %lt3A_690 = arith.cmpf olt, %sub3A_671, %lt3A_689 : vector<16xf32>
        %broadcast_in_dim3A_691 = arith.constant 0 : i32
        %broadcast_in_dim3A_692 = vector.broadcast %broadcast_in_dim3A_691 : i32 to vector<16xi32>
        %mul3A_693 = arith.constant 0.811744928 : f32
        %mul3A_694 = vector.broadcast %mul3A_693 : f32 to vector<16xf32>
        %mul3A_695 = arith.mulf %mul3A_694, %add3A_686 : vector<16xf32>
        %lt3A_696 = arith.cmpf olt, %mul3A_687, %mul3A_695 : vector<16xf32>
        %or3A_697 = arith.ori %lt3A_690, %lt3A_696 : vector<16xi1>
        %convert_element_type3A_698 = arith.extui %or3A_697 : vector<16xi1> to vector<16xi32>
        %add3A_699 = arith.addi %broadcast_in_dim3A_692, %convert_element_type3A_698 : vector<16xi32>
        %mul3A_700 = arith.constant 0.388739526 : f32
        %mul3A_701 = vector.broadcast %mul3A_700 : f32 to vector<16xf32>
        %mul3A_702 = arith.mulf %mul3A_701, %add3A_686 : vector<16xf32>
        %lt3A_703 = arith.cmpf olt, %mul3A_687, %mul3A_702 : vector<16xf32>
        %or3A_704 = arith.ori %lt3A_690, %lt3A_703 : vector<16xi1>
        %convert_element_type3A_705 = arith.extui %or3A_704 : vector<16xi1> to vector<16xi32>
        %add3A_706 = arith.addi %add3A_699, %convert_element_type3A_705 : vector<16xi32>
        %mul3A_707 = arith.constant 0.0495155677 : f32
        %mul3A_708 = vector.broadcast %mul3A_707 : f32 to vector<16xf32>
        %mul3A_709 = arith.mulf %mul3A_708, %add3A_686 : vector<16xf32>
        %lt3A_710 = arith.cmpf olt, %mul3A_687, %mul3A_709 : vector<16xf32>
        %or3A_711 = arith.ori %lt3A_690, %lt3A_710 : vector<16xi1>
        %convert_element_type3A_712 = arith.extui %or3A_711 : vector<16xi1> to vector<16xi32>
        %add3A_713 = arith.addi %add3A_706, %convert_element_type3A_712 : vector<16xi32>
        %mul3A_714 = arith.constant 0.0495155677 : f32
        %mul3A_715 = vector.broadcast %mul3A_714 : f32 to vector<16xf32>
        %mul3A_716 = arith.mulf %mul3A_715, %add3A_686 : vector<16xf32>
        %gt3A_717 = arith.cmpf ogt, %mul3A_687, %mul3A_716 : vector<16xf32>
        %and3A_718 = arith.andi %lt3A_690, %gt3A_717 : vector<16xi1>
        %convert_element_type3A_719 = arith.extui %and3A_718 : vector<16xi1> to vector<16xi32>
        %add3A_720 = arith.addi %add3A_713, %convert_element_type3A_719 : vector<16xi32>
        %mul3A_721 = arith.constant 0.388739526 : f32
        %mul3A_722 = vector.broadcast %mul3A_721 : f32 to vector<16xf32>
        %mul3A_723 = arith.mulf %mul3A_722, %add3A_686 : vector<16xf32>
        %gt3A_724 = arith.cmpf ogt, %mul3A_687, %mul3A_723 : vector<16xf32>
        %and3A_725 = arith.andi %lt3A_690, %gt3A_724 : vector<16xi1>
        %convert_element_type3A_726 = arith.extui %and3A_725 : vector<16xi1> to vector<16xi32>
        %add3A_727 = arith.addi %add3A_720, %convert_element_type3A_726 : vector<16xi32>
        %mul3A_728 = arith.constant 0.811744928 : f32
        %mul3A_729 = vector.broadcast %mul3A_728 : f32 to vector<16xf32>
        %mul3A_730 = arith.mulf %mul3A_729, %add3A_686 : vector<16xf32>
        %gt3A_731 = arith.cmpf ogt, %mul3A_687, %mul3A_730 : vector<16xf32>
        %and3A_732 = arith.andi %lt3A_690, %gt3A_731 : vector<16xi1>
        %convert_element_type3A_733 = arith.extui %and3A_732 : vector<16xi1> to vector<16xi32>
        %add3A_734 = arith.addi %add3A_727, %convert_element_type3A_733 : vector<16xi32>
        %eq3A_735 = arith.constant 0.000000e+00 : f32
        %eq3A_736 = vector.broadcast %eq3A_735 : f32 to vector<16xf32>
        %eq3A_737 = arith.cmpf oeq, %add3A_686, %eq3A_736 : vector<16xf32>
        %jit3A_738 = arith.constant 3 : i32
        %broadcast_in_dim3A_739 = vector.broadcast %jit3A_738 : i32 to vector<16xi32>
        %select_n3A_740 = arith.select %eq3A_737, %broadcast_in_dim3A_739, %add3A_734 : vector<16xi1>, vector<16xi32>
        %mul3A_741 = arith.constant 7 : i32
        %mul3A_742 = vector.broadcast %mul3A_741 : i32 to vector<16xi32>
        %mul3A_743 = arith.muli %get3A_666, %mul3A_742 : vector<16xi32>
        %add3A_744 = arith.addi %mul3A_743, %select_n3A_740 : vector<16xi32>
        %swap3A_745 = arith.constant 64 : index
        %swap3A_746 = tpu.vector_load %arg25[%swap3A_745] {strides = array<i32>} : memref<80xi32, #tpu.memory_space<vmem>>, vector<16xi32>,
        tpu.vector_store %arg25[%swap3A_745], %add3A_744 {strides = array<i32>} : memref<80xi32, #tpu.memory_space<vmem>>, vector<16xi32>,
        %mul3A_747 = arith.constant 7 : i32
        %mul3A_748 = vector.broadcast %mul3A_747 : i32 to vector<16xi32>
        %mul3A_749 = arith.muli %get3A_662, %mul3A_748 : vector<16xi32>
        %add3A_750 = arith.addi %mul3A_749, %select_n3A_740 : vector<16xi32>
        %swap3A_751 = arith.constant 64 : index
        %swap3A_752 = tpu.vector_load %arg28[%swap3A_751] {strides = array<i32>} : memref<80xi32, #tpu.memory_space<vmem>>, vector<16xi32>,
        tpu.vector_store %arg28[%swap3A_751], %add3A_750 {strides = array<i32>} : memref<80xi32, #tpu.memory_space<vmem>>, vector<16xi32>,
        %dma_start3A_753 = arith.constant 0 : i32
        %dma_start3A_754 = arith.constant 0 : i32
        %dma_start3A_755 = tpu.memref_slice %arg6[%dma_start3A_753, %dma_start3A_754] : memref<71680x128xf32, #tpu.memory_space<hbm>> -> memref<71680x128xf32, #tpu.memory_space<hbm>>
        tpu.enqueue_indirect_dma source(%dma_start3A_755 : memref<71680x128xf32, #tpu.memory_space<hbm>>) target(%arg49 : memref<80x128xf32, #tpu.memory_space<vmem>>) offsets(%arg25 : memref<80xi32, #tpu.memory_space<vmem>>) semaphore(%arg59 : memref<!tpu.dma_semaphore, #tpu.memory_space<semaphore_mem>>)
        %get3A_756 = arith.constant 2 : i32
        %get3A_757 = arith.index_cast %get3A_756 : i32 to index
        %get3A_758 = arith.constant 0 : index
        %get3A_759 = tpu.vector_load %arg19[%get3A_757, %get3A_758] {strides = array<i32>} : memref<3x80xi32, #tpu.memory_space<vmem>>, vector<16xi32>,
        %bitcast3A = vector.bitcast %get3A_759 : vector<16xi32> to vector<16xf32>
        %swap3A_760 = arith.constant 0 : index
        %swap3A_761 = tpu.vector_load %arg22[%swap3A_760] {strides = array<i32>} : memref<80xf32, #tpu.memory_space<vmem>>, vector<16xf32>,
        tpu.vector_store %arg22[%swap3A_760], %bitcast3A {strides = array<i32>} : memref<80xf32, #tpu.memory_space<vmem>>, vector<16xf32>,
        %get3A_762 = arith.constant 2 : i32
        %get3A_763 = arith.index_cast %get3A_762 : i32 to index
        %get3A_764 = arith.constant 16 : index
        %get3A_765 = tpu.vector_load %arg19[%get3A_763, %get3A_764] {strides = array<i32>} : memref<3x80xi32, #tpu.memory_space<vmem>>, vector<16xi32>,
        %bitcast3A_766 = vector.bitcast %get3A_765 : vector<16xi32> to vector<16xf32>
        %swap3A_767 = arith.constant 16 : index
        %swap3A_768 = tpu.vector_load %arg22[%swap3A_767] {strides = array<i32>} : memref<80xf32, #tpu.memory_space<vmem>>, vector<16xf32>,
        tpu.vector_store %arg22[%swap3A_767], %bitcast3A_766 {strides = array<i32>} : memref<80xf32, #tpu.memory_space<vmem>>, vector<16xf32>,
        %get3A_769 = arith.constant 2 : i32
        %get3A_770 = arith.index_cast %get3A_769 : i32 to index
        %get3A_771 = arith.constant 32 : index
        %get3A_772 = tpu.vector_load %arg19[%get3A_770, %get3A_771] {strides = array<i32>} : memref<3x80xi32, #tpu.memory_space<vmem>>, vector<16xi32>,
        %bitcast3A_773 = vector.bitcast %get3A_772 : vector<16xi32> to vector<16xf32>
        %swap3A_774 = arith.constant 32 : index
        %swap3A_775 = tpu.vector_load %arg22[%swap3A_774] {strides = array<i32>} : memref<80xf32, #tpu.memory_space<vmem>>, vector<16xf32>,
        tpu.vector_store %arg22[%swap3A_774], %bitcast3A_773 {strides = array<i32>} : memref<80xf32, #tpu.memory_space<vmem>>, vector<16xf32>,
        %get3A_776 = arith.constant 2 : i32
        %get3A_777 = arith.index_cast %get3A_776 : i32 to index
        %get3A_778 = arith.constant 48 : index
        %get3A_779 = tpu.vector_load %arg19[%get3A_777, %get3A_778] {strides = array<i32>} : memref<3x80xi32, #tpu.memory_space<vmem>>, vector<16xi32>,
        %bitcast3A_780 = vector.bitcast %get3A_779 : vector<16xi32> to vector<16xf32>
        %swap3A_781 = arith.constant 48 : index
        %swap3A_782 = tpu.vector_load %arg22[%swap3A_781] {strides = array<i32>} : memref<80xf32, #tpu.memory_space<vmem>>, vector<16xf32>,
        tpu.vector_store %arg22[%swap3A_781], %bitcast3A_780 {strides = array<i32>} : memref<80xf32, #tpu.memory_space<vmem>>, vector<16xf32>,
        %get3A_783 = arith.constant 2 : i32
        %get3A_784 = arith.index_cast %get3A_783 : i32 to index
        %get3A_785 = arith.constant 64 : index
        %get3A_786 = tpu.vector_load %arg19[%get3A_784, %get3A_785] {strides = array<i32>} : memref<3x80xi32, #tpu.memory_space<vmem>>, vector<16xi32>,
        %bitcast3A_787 = vector.bitcast %get3A_786 : vector<16xi32> to vector<16xf32>
        %swap3A_788 = arith.constant 64 : index
        %swap3A_789 = tpu.vector_load %arg22[%swap3A_788] {strides = array<i32>} : memref<80xf32, #tpu.memory_space<vmem>>, vector<16xf32>,
        tpu.vector_store %arg22[%swap3A_788], %bitcast3A_787 {strides = array<i32>} : memref<80xf32, #tpu.memory_space<vmem>>, vector<16xf32>,
        %dma_wait3A_790 = arith.constant 0 : i32
        %dma_wait3A_791 = arith.constant 0 : i32
        %dma_wait3A_792 = tpu.memref_slice %arg20[%dma_wait3A_790, %dma_wait3A_791] : memref<3x80xi32, #tpu.memory_space<vmem>> -> memref<1x80xi32, #tpu.memory_space<vmem>>
        %dma_wait3A_793 = tpu.memref_squeeze %dma_wait3A_792 : memref<1x80xi32, #tpu.memory_space<vmem>> -> memref<80xi32, #tpu.memory_space<vmem>>
        %dma_wait3A_794 = arith.constant 0 : i32
        %dma_wait3A_795 = tpu.memref_slice %arg3[%dma_wait3A_794] : memref<10240xf32, #tpu.memory_space<hbm>> -> memref<10240xf32, #tpu.memory_space<hbm>>
        tpu.wait_indirect_dma semaphore(%arg57 : memref<!tpu.dma_semaphore, #tpu.memory_space<semaphore_mem>>) src(%dma_wait3A_795 : memref<10240xf32, #tpu.memory_space<hbm>>) dst(%arg37 : memref<80xf32, #tpu.memory_space<vmem>>)
        %dma_wait3A_796 = arith.constant 0 : i32
        %dma_wait3A_797 = arith.constant 0 : i32
        %dma_wait3A_798 = tpu.memref_slice %arg20[%dma_wait3A_796, %dma_wait3A_797] : memref<3x80xi32, #tpu.memory_space<vmem>> -> memref<1x80xi32, #tpu.memory_space<vmem>>
        %dma_wait3A_799 = tpu.memref_squeeze %dma_wait3A_798 : memref<1x80xi32, #tpu.memory_space<vmem>> -> memref<80xi32, #tpu.memory_space<vmem>>
        %dma_wait3A_800 = arith.constant 0 : i32
        %dma_wait3A_801 = tpu.memref_slice %arg4[%dma_wait3A_800] : memref<10240xf32, #tpu.memory_space<hbm>> -> memref<10240xf32, #tpu.memory_space<hbm>>
        tpu.wait_indirect_dma semaphore(%arg57 : memref<!tpu.dma_semaphore, #tpu.memory_space<semaphore_mem>>) src(%dma_wait3A_801 : memref<10240xf32, #tpu.memory_space<hbm>>) dst(%arg38 : memref<80xf32, #tpu.memory_space<vmem>>)
        %dma_wait3A_802 = arith.constant 0 : i32
        %dma_wait3A_803 = arith.constant 0 : i32
        %dma_wait3A_804 = tpu.memref_slice %arg20[%dma_wait3A_802, %dma_wait3A_803] : memref<3x80xi32, #tpu.memory_space<vmem>> -> memref<1x80xi32, #tpu.memory_space<vmem>>
        %dma_wait3A_805 = tpu.memref_squeeze %dma_wait3A_804 : memref<1x80xi32, #tpu.memory_space<vmem>> -> memref<80xi32, #tpu.memory_space<vmem>>
        %dma_wait3A_806 = arith.constant 0 : i32
        %dma_wait3A_807 = tpu.memref_slice %arg5[%dma_wait3A_806] : memref<10240xf32, #tpu.memory_space<hbm>> -> memref<10240xf32, #tpu.memory_space<hbm>>
        tpu.wait_indirect_dma semaphore(%arg57 : memref<!tpu.dma_semaphore, #tpu.memory_space<semaphore_mem>>) src(%dma_wait3A_807 : memref<10240xf32, #tpu.memory_space<hbm>>) dst(%arg39 : memref<80xf32, #tpu.memory_space<vmem>>)
        %dma_wait3A_808 = arith.constant 1 : i32
        %dma_wait3A_809 = arith.constant 0 : i32
        %dma_wait3A_810 = tpu.memref_slice %arg20[%dma_wait3A_808, %dma_wait3A_809] : memref<3x80xi32, #tpu.memory_space<vmem>> -> memref<1x80xi32, #tpu.memory_space<vmem>>
        %dma_wait3A_811 = tpu.memref_squeeze %dma_wait3A_810 : memref<1x80xi32, #tpu.memory_space<vmem>> -> memref<80xi32, #tpu.memory_space<vmem>>
        %dma_wait3A_812 = arith.constant 0 : i32
        %dma_wait3A_813 = tpu.memref_slice %arg3[%dma_wait3A_812] : memref<10240xf32, #tpu.memory_space<hbm>> -> memref<10240xf32, #tpu.memory_space<hbm>>
        tpu.wait_indirect_dma semaphore(%arg57 : memref<!tpu.dma_semaphore, #tpu.memory_space<semaphore_mem>>) src(%dma_wait3A_813 : memref<10240xf32, #tpu.memory_space<hbm>>) dst(%arg40 : memref<80xf32, #tpu.memory_space<vmem>>)
        %dma_wait3A_814 = arith.constant 1 : i32
        %dma_wait3A_815 = arith.constant 0 : i32
        %dma_wait3A_816 = tpu.memref_slice %arg20[%dma_wait3A_814, %dma_wait3A_815] : memref<3x80xi32, #tpu.memory_space<vmem>> -> memref<1x80xi32, #tpu.memory_space<vmem>>
        %dma_wait3A_817 = tpu.memref_squeeze %dma_wait3A_816 : memref<1x80xi32, #tpu.memory_space<vmem>> -> memref<80xi32, #tpu.memory_space<vmem>>
        %dma_wait3A_818 = arith.constant 0 : i32
        %dma_wait3A_819 = tpu.memref_slice %arg4[%dma_wait3A_818] : memref<10240xf32, #tpu.memory_space<hbm>> -> memref<10240xf32, #tpu.memory_space<hbm>>
        tpu.wait_indirect_dma semaphore(%arg57 : memref<!tpu.dma_semaphore, #tpu.memory_space<semaphore_mem>>) src(%dma_wait3A_819 : memref<10240xf32, #tpu.memory_space<hbm>>) dst(%arg41 : memref<80xf32, #tpu.memory_space<vmem>>)
        %dma_wait3A_820 = arith.constant 1 : i32
        %dma_wait3A_821 = arith.constant 0 : i32
        %dma_wait3A_822 = tpu.memref_slice %arg20[%dma_wait3A_820, %dma_wait3A_821] : memref<3x80xi32, #tpu.memory_space<vmem>> -> memref<1x80xi32, #tpu.memory_space<vmem>>
        %dma_wait3A_823 = tpu.memref_squeeze %dma_wait3A_822 : memref<1x80xi32, #tpu.memory_space<vmem>> -> memref<80xi32, #tpu.memory_space<vmem>>
        %dma_wait3A_824 = arith.constant 0 : i32
        %dma_wait3A_825 = tpu.memref_slice %arg5[%dma_wait3A_824] : memref<10240xf32, #tpu.memory_space<hbm>> -> memref<10240xf32, #tpu.memory_space<hbm>>
        tpu.wait_indirect_dma semaphore(%arg57 : memref<!tpu.dma_semaphore, #tpu.memory_space<semaphore_mem>>) src(%dma_wait3A_825 : memref<10240xf32, #tpu.memory_space<hbm>>) dst(%arg42 : memref<80xf32, #tpu.memory_space<vmem>>)
        %get3A_826 = arith.constant 0 : i32
        %get3A_827 = arith.index_cast %get3A_826 : i32 to index
        %get3A_828 = arith.constant 0 : index
        %get3A_829 = tpu.vector_load %arg20[%get3A_827, %get3A_828] {strides = array<i32>} : memref<3x80xi32, #tpu.memory_space<vmem>>, vector<16xi32>,
        %get3A_830 = arith.constant 1 : i32
        %get3A_831 = arith.index_cast %get3A_830 : i32 to index
        %get3A_832 = arith.constant 0 : index
        %get3A_833 = tpu.vector_load %arg20[%get3A_831, %get3A_832] {strides = array<i32>} : memref<3x80xi32, #tpu.memory_space<vmem>>, vector<16xi32>,
        %get3A_834 = arith.constant 0 : index
        %get3A_835 = tpu.vector_load %arg40[%get3A_834] {strides = array<i32>} : memref<80xf32, #tpu.memory_space<vmem>>, vector<16xf32>,
        %get3A_836 = arith.constant 0 : index
        %get3A_837 = tpu.vector_load %arg37[%get3A_836] {strides = array<i32>} : memref<80xf32, #tpu.memory_space<vmem>>, vector<16xf32>,
        %sub3A_838 = arith.subf %get3A_835, %get3A_837 : vector<16xf32>
        %get3A_839 = arith.constant 0 : index
        %get3A_840 = tpu.vector_load %arg41[%get3A_839] {strides = array<i32>} : memref<80xf32, #tpu.memory_space<vmem>>, vector<16xf32>,
        %get3A_841 = arith.constant 0 : index
        %get3A_842 = tpu.vector_load %arg38[%get3A_841] {strides = array<i32>} : memref<80xf32, #tpu.memory_space<vmem>>, vector<16xf32>,
        %sub3A_843 = arith.subf %get3A_840, %get3A_842 : vector<16xf32>
        %get3A_844 = arith.constant 0 : index
        %get3A_845 = tpu.vector_load %arg42[%get3A_844] {strides = array<i32>} : memref<80xf32, #tpu.memory_space<vmem>>, vector<16xf32>,
        %get3A_846 = arith.constant 0 : index
        %get3A_847 = tpu.vector_load %arg39[%get3A_846] {strides = array<i32>} : memref<80xf32, #tpu.memory_space<vmem>>, vector<16xf32>,
        %sub3A_848 = arith.subf %get3A_845, %get3A_847 : vector<16xf32>
        %mul3A_849 = arith.mulf %sub3A_838, %sub3A_838 : vector<16xf32>
        %mul3A_850 = arith.mulf %sub3A_843, %sub3A_843 : vector<16xf32>
        %add3A_851 = arith.addf %mul3A_849, %mul3A_850 : vector<16xf32>
        %mul3A_852 = arith.mulf %sub3A_848, %sub3A_848 : vector<16xf32>
        %add3A_853 = arith.addf %add3A_851, %mul3A_852 : vector<16xf32>
        %mul3A_854 = arith.mulf %sub3A_838, %sub3A_838 : vector<16xf32>
        %lt3A_855 = arith.constant 0.000000e+00 : f32
        %lt3A_856 = vector.broadcast %lt3A_855 : f32 to vector<16xf32>
        %lt3A_857 = arith.cmpf olt, %sub3A_838, %lt3A_856 : vector<16xf32>
        %broadcast_in_dim3A_858 = arith.constant 0 : i32
        %broadcast_in_dim3A_859 = vector.broadcast %broadcast_in_dim3A_858 : i32 to vector<16xi32>
        %mul3A_860 = arith.constant 0.811744928 : f32
        %mul3A_861 = vector.broadcast %mul3A_860 : f32 to vector<16xf32>
        %mul3A_862 = arith.mulf %mul3A_861, %add3A_853 : vector<16xf32>
        %lt3A_863 = arith.cmpf olt, %mul3A_854, %mul3A_862 : vector<16xf32>
        %or3A_864 = arith.ori %lt3A_857, %lt3A_863 : vector<16xi1>
        %convert_element_type3A_865 = arith.extui %or3A_864 : vector<16xi1> to vector<16xi32>
        %add3A_866 = arith.addi %broadcast_in_dim3A_859, %convert_element_type3A_865 : vector<16xi32>
        %mul3A_867 = arith.constant 0.388739526 : f32
        %mul3A_868 = vector.broadcast %mul3A_867 : f32 to vector<16xf32>
        %mul3A_869 = arith.mulf %mul3A_868, %add3A_853 : vector<16xf32>
        %lt3A_870 = arith.cmpf olt, %mul3A_854, %mul3A_869 : vector<16xf32>
        %or3A_871 = arith.ori %lt3A_857, %lt3A_870 : vector<16xi1>
        %convert_element_type3A_872 = arith.extui %or3A_871 : vector<16xi1> to vector<16xi32>
        %add3A_873 = arith.addi %add3A_866, %convert_element_type3A_872 : vector<16xi32>
        %mul3A_874 = arith.constant 0.0495155677 : f32
        %mul3A_875 = vector.broadcast %mul3A_874 : f32 to vector<16xf32>
        %mul3A_876 = arith.mulf %mul3A_875, %add3A_853 : vector<16xf32>
        %lt3A_877 = arith.cmpf olt, %mul3A_854, %mul3A_876 : vector<16xf32>
        %or3A_878 = arith.ori %lt3A_857, %lt3A_877 : vector<16xi1>
        %convert_element_type3A_879 = arith.extui %or3A_878 : vector<16xi1> to vector<16xi32>
        %add3A_880 = arith.addi %add3A_873, %convert_element_type3A_879 : vector<16xi32>
        %mul3A_881 = arith.constant 0.0495155677 : f32
        %mul3A_882 = vector.broadcast %mul3A_881 : f32 to vector<16xf32>
        %mul3A_883 = arith.mulf %mul3A_882, %add3A_853 : vector<16xf32>
        %gt3A_884 = arith.cmpf ogt, %mul3A_854, %mul3A_883 : vector<16xf32>
        %and3A_885 = arith.andi %lt3A_857, %gt3A_884 : vector<16xi1>
        %convert_element_type3A_886 = arith.extui %and3A_885 : vector<16xi1> to vector<16xi32>
        %add3A_887 = arith.addi %add3A_880, %convert_element_type3A_886 : vector<16xi32>
        %mul3A_888 = arith.constant 0.388739526 : f32
        %mul3A_889 = vector.broadcast %mul3A_888 : f32 to vector<16xf32>
        %mul3A_890 = arith.mulf %mul3A_889, %add3A_853 : vector<16xf32>
        %gt3A_891 = arith.cmpf ogt, %mul3A_854, %mul3A_890 : vector<16xf32>
        %and3A_892 = arith.andi %lt3A_857, %gt3A_891 : vector<16xi1>
        %convert_element_type3A_893 = arith.extui %and3A_892 : vector<16xi1> to vector<16xi32>
        %add3A_894 = arith.addi %add3A_887, %convert_element_type3A_893 : vector<16xi32>
        %mul3A_895 = arith.constant 0.811744928 : f32
        %mul3A_896 = vector.broadcast %mul3A_895 : f32 to vector<16xf32>
        %mul3A_897 = arith.mulf %mul3A_896, %add3A_853 : vector<16xf32>
        %gt3A_898 = arith.cmpf ogt, %mul3A_854, %mul3A_897 : vector<16xf32>
        %and3A_899 = arith.andi %lt3A_857, %gt3A_898 : vector<16xi1>
        %convert_element_type3A_900 = arith.extui %and3A_899 : vector<16xi1> to vector<16xi32>
        %add3A_901 = arith.addi %add3A_894, %convert_element_type3A_900 : vector<16xi32>
        %eq3A_902 = arith.constant 0.000000e+00 : f32
        %eq3A_903 = vector.broadcast %eq3A_902 : f32 to vector<16xf32>
        %eq3A_904 = arith.cmpf oeq, %add3A_853, %eq3A_903 : vector<16xf32>
        %jit3A_905 = arith.constant 3 : i32
        %broadcast_in_dim3A_906 = vector.broadcast %jit3A_905 : i32 to vector<16xi32>
        %select_n3A_907 = arith.select %eq3A_904, %broadcast_in_dim3A_906, %add3A_901 : vector<16xi1>, vector<16xi32>
        %mul3A_908 = arith.constant 7 : i32
        %mul3A_909 = vector.broadcast %mul3A_908 : i32 to vector<16xi32>
        %mul3A_910 = arith.muli %get3A_833, %mul3A_909 : vector<16xi32>
        %add3A_911 = arith.addi %mul3A_910, %select_n3A_907 : vector<16xi32>
        %swap3A_912 = arith.constant 0 : index
        %swap3A_913 = tpu.vector_load %arg26[%swap3A_912] {strides = array<i32>} : memref<80xi32, #tpu.memory_space<vmem>>, vector<16xi32>,
        tpu.vector_store %arg26[%swap3A_912], %add3A_911 {strides = array<i32>} : memref<80xi32, #tpu.memory_space<vmem>>, vector<16xi32>,
        %mul3A_914 = arith.constant 7 : i32
        %mul3A_915 = vector.broadcast %mul3A_914 : i32 to vector<16xi32>
        %mul3A_916 = arith.muli %get3A_829, %mul3A_915 : vector<16xi32>
        %add3A_917 = arith.addi %mul3A_916, %select_n3A_907 : vector<16xi32>
        %swap3A_918 = arith.constant 0 : index
        %swap3A_919 = tpu.vector_load %arg29[%swap3A_918] {strides = array<i32>} : memref<80xi32, #tpu.memory_space<vmem>>, vector<16xi32>,
        tpu.vector_store %arg29[%swap3A_918], %add3A_917 {strides = array<i32>} : memref<80xi32, #tpu.memory_space<vmem>>, vector<16xi32>,
        %get3A_920 = arith.constant 0 : i32
        %get3A_921 = arith.index_cast %get3A_920 : i32 to index
        %get3A_922 = arith.constant 16 : index
        %get3A_923 = tpu.vector_load %arg20[%get3A_921, %get3A_922] {strides = array<i32>} : memref<3x80xi32, #tpu.memory_space<vmem>>, vector<16xi32>,
        %get3A_924 = arith.constant 1 : i32
        %get3A_925 = arith.index_cast %get3A_924 : i32 to index
        %get3A_926 = arith.constant 16 : index
        %get3A_927 = tpu.vector_load %arg20[%get3A_925, %get3A_926] {strides = array<i32>} : memref<3x80xi32, #tpu.memory_space<vmem>>, vector<16xi32>,
        %get3A_928 = arith.constant 16 : index
        %get3A_929 = tpu.vector_load %arg40[%get3A_928] {strides = array<i32>} : memref<80xf32, #tpu.memory_space<vmem>>, vector<16xf32>,
        %get3A_930 = arith.constant 16 : index
        %get3A_931 = tpu.vector_load %arg37[%get3A_930] {strides = array<i32>} : memref<80xf32, #tpu.memory_space<vmem>>, vector<16xf32>,
        %sub3A_932 = arith.subf %get3A_929, %get3A_931 : vector<16xf32>
        %get3A_933 = arith.constant 16 : index
        %get3A_934 = tpu.vector_load %arg41[%get3A_933] {strides = array<i32>} : memref<80xf32, #tpu.memory_space<vmem>>, vector<16xf32>,
        %get3A_935 = arith.constant 16 : index
        %get3A_936 = tpu.vector_load %arg38[%get3A_935] {strides = array<i32>} : memref<80xf32, #tpu.memory_space<vmem>>, vector<16xf32>,
        %sub3A_937 = arith.subf %get3A_934, %get3A_936 : vector<16xf32>
        %get3A_938 = arith.constant 16 : index
        %get3A_939 = tpu.vector_load %arg42[%get3A_938] {strides = array<i32>} : memref<80xf32, #tpu.memory_space<vmem>>, vector<16xf32>,
        %get3A_940 = arith.constant 16 : index
        %get3A_941 = tpu.vector_load %arg39[%get3A_940] {strides = array<i32>} : memref<80xf32, #tpu.memory_space<vmem>>, vector<16xf32>,
        %sub3A_942 = arith.subf %get3A_939, %get3A_941 : vector<16xf32>
        %mul3A_943 = arith.mulf %sub3A_932, %sub3A_932 : vector<16xf32>
        %mul3A_944 = arith.mulf %sub3A_937, %sub3A_937 : vector<16xf32>
        %add3A_945 = arith.addf %mul3A_943, %mul3A_944 : vector<16xf32>
        %mul3A_946 = arith.mulf %sub3A_942, %sub3A_942 : vector<16xf32>
        %add3A_947 = arith.addf %add3A_945, %mul3A_946 : vector<16xf32>
        %mul3A_948 = arith.mulf %sub3A_932, %sub3A_932 : vector<16xf32>
        %lt3A_949 = arith.constant 0.000000e+00 : f32
        %lt3A_950 = vector.broadcast %lt3A_949 : f32 to vector<16xf32>
        %lt3A_951 = arith.cmpf olt, %sub3A_932, %lt3A_950 : vector<16xf32>
        %broadcast_in_dim3A_952 = arith.constant 0 : i32
        %broadcast_in_dim3A_953 = vector.broadcast %broadcast_in_dim3A_952 : i32 to vector<16xi32>
        %mul3A_954 = arith.constant 0.811744928 : f32
        %mul3A_955 = vector.broadcast %mul3A_954 : f32 to vector<16xf32>
        %mul3A_956 = arith.mulf %mul3A_955, %add3A_947 : vector<16xf32>
        %lt3A_957 = arith.cmpf olt, %mul3A_948, %mul3A_956 : vector<16xf32>
        %or3A_958 = arith.ori %lt3A_951, %lt3A_957 : vector<16xi1>
        %convert_element_type3A_959 = arith.extui %or3A_958 : vector<16xi1> to vector<16xi32>
        %add3A_960 = arith.addi %broadcast_in_dim3A_953, %convert_element_type3A_959 : vector<16xi32>
        %mul3A_961 = arith.constant 0.388739526 : f32
        %mul3A_962 = vector.broadcast %mul3A_961 : f32 to vector<16xf32>
        %mul3A_963 = arith.mulf %mul3A_962, %add3A_947 : vector<16xf32>
        %lt3A_964 = arith.cmpf olt, %mul3A_948, %mul3A_963 : vector<16xf32>
        %or3A_965 = arith.ori %lt3A_951, %lt3A_964 : vector<16xi1>
        %convert_element_type3A_966 = arith.extui %or3A_965 : vector<16xi1> to vector<16xi32>
        %add3A_967 = arith.addi %add3A_960, %convert_element_type3A_966 : vector<16xi32>
        %mul3A_968 = arith.constant 0.0495155677 : f32
        %mul3A_969 = vector.broadcast %mul3A_968 : f32 to vector<16xf32>
        %mul3A_970 = arith.mulf %mul3A_969, %add3A_947 : vector<16xf32>
        %lt3A_971 = arith.cmpf olt, %mul3A_948, %mul3A_970 : vector<16xf32>
        %or3A_972 = arith.ori %lt3A_951, %lt3A_971 : vector<16xi1>
        %convert_element_type3A_973 = arith.extui %or3A_972 : vector<16xi1> to vector<16xi32>
        %add3A_974 = arith.addi %add3A_967, %convert_element_type3A_973 : vector<16xi32>
        %mul3A_975 = arith.constant 0.0495155677 : f32
        %mul3A_976 = vector.broadcast %mul3A_975 : f32 to vector<16xf32>
        %mul3A_977 = arith.mulf %mul3A_976, %add3A_947 : vector<16xf32>
        %gt3A_978 = arith.cmpf ogt, %mul3A_948, %mul3A_977 : vector<16xf32>
        %and3A_979 = arith.andi %lt3A_951, %gt3A_978 : vector<16xi1>
        %convert_element_type3A_980 = arith.extui %and3A_979 : vector<16xi1> to vector<16xi32>
        %add3A_981 = arith.addi %add3A_974, %convert_element_type3A_980 : vector<16xi32>
        %mul3A_982 = arith.constant 0.388739526 : f32
        %mul3A_983 = vector.broadcast %mul3A_982 : f32 to vector<16xf32>
        %mul3A_984 = arith.mulf %mul3A_983, %add3A_947 : vector<16xf32>
        %gt3A_985 = arith.cmpf ogt, %mul3A_948, %mul3A_984 : vector<16xf32>
        %and3A_986 = arith.andi %lt3A_951, %gt3A_985 : vector<16xi1>
        %convert_element_type3A_987 = arith.extui %and3A_986 : vector<16xi1> to vector<16xi32>
        %add3A_988 = arith.addi %add3A_981, %convert_element_type3A_987 : vector<16xi32>
        %mul3A_989 = arith.constant 0.811744928 : f32
        %mul3A_990 = vector.broadcast %mul3A_989 : f32 to vector<16xf32>
        %mul3A_991 = arith.mulf %mul3A_990, %add3A_947 : vector<16xf32>
        %gt3A_992 = arith.cmpf ogt, %mul3A_948, %mul3A_991 : vector<16xf32>
        %and3A_993 = arith.andi %lt3A_951, %gt3A_992 : vector<16xi1>
        %convert_element_type3A_994 = arith.extui %and3A_993 : vector<16xi1> to vector<16xi32>
        %add3A_995 = arith.addi %add3A_988, %convert_element_type3A_994 : vector<16xi32>
        %eq3A_996 = arith.constant 0.000000e+00 : f32
        %eq3A_997 = vector.broadcast %eq3A_996 : f32 to vector<16xf32>
        %eq3A_998 = arith.cmpf oeq, %add3A_947, %eq3A_997 : vector<16xf32>
        %jit3A_999 = arith.constant 3 : i32
        %broadcast_in_dim3A_1000 = vector.broadcast %jit3A_999 : i32 to vector<16xi32>
        %select_n3A_1001 = arith.select %eq3A_998, %broadcast_in_dim3A_1000, %add3A_995 : vector<16xi1>, vector<16xi32>
        %mul3A_1002 = arith.constant 7 : i32
        %mul3A_1003 = vector.broadcast %mul3A_1002 : i32 to vector<16xi32>
        %mul3A_1004 = arith.muli %get3A_927, %mul3A_1003 : vector<16xi32>
        %add3A_1005 = arith.addi %mul3A_1004, %select_n3A_1001 : vector<16xi32>
        %swap3A_1006 = arith.constant 16 : index
        %swap3A_1007 = tpu.vector_load %arg26[%swap3A_1006] {strides = array<i32>} : memref<80xi32, #tpu.memory_space<vmem>>, vector<16xi32>,
        tpu.vector_store %arg26[%swap3A_1006], %add3A_1005 {strides = array<i32>} : memref<80xi32, #tpu.memory_space<vmem>>, vector<16xi32>,
        %mul3A_1008 = arith.constant 7 : i32
        %mul3A_1009 = vector.broadcast %mul3A_1008 : i32 to vector<16xi32>
        %mul3A_1010 = arith.muli %get3A_923, %mul3A_1009 : vector<16xi32>
        %add3A_1011 = arith.addi %mul3A_1010, %select_n3A_1001 : vector<16xi32>
        %swap3A_1012 = arith.constant 16 : index
        %swap3A_1013 = tpu.vector_load %arg29[%swap3A_1012] {strides = array<i32>} : memref<80xi32, #tpu.memory_space<vmem>>, vector<16xi32>,
        tpu.vector_store %arg29[%swap3A_1012], %add3A_1011 {strides = array<i32>} : memref<80xi32, #tpu.memory_space<vmem>>, vector<16xi32>,
        %get3A_1014 = arith.constant 0 : i32
        %get3A_1015 = arith.index_cast %get3A_1014 : i32 to index
        %get3A_1016 = arith.constant 32 : index
        %get3A_1017 = tpu.vector_load %arg20[%get3A_1015, %get3A_1016] {strides = array<i32>} : memref<3x80xi32, #tpu.memory_space<vmem>>, vector<16xi32>,
        %get3A_1018 = arith.constant 1 : i32
        %get3A_1019 = arith.index_cast %get3A_1018 : i32 to index
        %get3A_1020 = arith.constant 32 : index
        %get3A_1021 = tpu.vector_load %arg20[%get3A_1019, %get3A_1020] {strides = array<i32>} : memref<3x80xi32, #tpu.memory_space<vmem>>, vector<16xi32>,
        %get3A_1022 = arith.constant 32 : index
        %get3A_1023 = tpu.vector_load %arg40[%get3A_1022] {strides = array<i32>} : memref<80xf32, #tpu.memory_space<vmem>>, vector<16xf32>,
        %get3A_1024 = arith.constant 32 : index
        %get3A_1025 = tpu.vector_load %arg37[%get3A_1024] {strides = array<i32>} : memref<80xf32, #tpu.memory_space<vmem>>, vector<16xf32>,
        %sub3A_1026 = arith.subf %get3A_1023, %get3A_1025 : vector<16xf32>
        %get3A_1027 = arith.constant 32 : index
        %get3A_1028 = tpu.vector_load %arg41[%get3A_1027] {strides = array<i32>} : memref<80xf32, #tpu.memory_space<vmem>>, vector<16xf32>,
        %get3A_1029 = arith.constant 32 : index
        %get3A_1030 = tpu.vector_load %arg38[%get3A_1029] {strides = array<i32>} : memref<80xf32, #tpu.memory_space<vmem>>, vector<16xf32>,
        %sub3A_1031 = arith.subf %get3A_1028, %get3A_1030 : vector<16xf32>
        %get3A_1032 = arith.constant 32 : index
        %get3A_1033 = tpu.vector_load %arg42[%get3A_1032] {strides = array<i32>} : memref<80xf32, #tpu.memory_space<vmem>>, vector<16xf32>,
        %get3A_1034 = arith.constant 32 : index
        %get3A_1035 = tpu.vector_load %arg39[%get3A_1034] {strides = array<i32>} : memref<80xf32, #tpu.memory_space<vmem>>, vector<16xf32>,
        %sub3A_1036 = arith.subf %get3A_1033, %get3A_1035 : vector<16xf32>
        %mul3A_1037 = arith.mulf %sub3A_1026, %sub3A_1026 : vector<16xf32>
        %mul3A_1038 = arith.mulf %sub3A_1031, %sub3A_1031 : vector<16xf32>
        %add3A_1039 = arith.addf %mul3A_1037, %mul3A_1038 : vector<16xf32>
        %mul3A_1040 = arith.mulf %sub3A_1036, %sub3A_1036 : vector<16xf32>
        %add3A_1041 = arith.addf %add3A_1039, %mul3A_1040 : vector<16xf32>
        %mul3A_1042 = arith.mulf %sub3A_1026, %sub3A_1026 : vector<16xf32>
        %lt3A_1043 = arith.constant 0.000000e+00 : f32
        %lt3A_1044 = vector.broadcast %lt3A_1043 : f32 to vector<16xf32>
        %lt3A_1045 = arith.cmpf olt, %sub3A_1026, %lt3A_1044 : vector<16xf32>
        %broadcast_in_dim3A_1046 = arith.constant 0 : i32
        %broadcast_in_dim3A_1047 = vector.broadcast %broadcast_in_dim3A_1046 : i32 to vector<16xi32>
        %mul3A_1048 = arith.constant 0.811744928 : f32
        %mul3A_1049 = vector.broadcast %mul3A_1048 : f32 to vector<16xf32>
        %mul3A_1050 = arith.mulf %mul3A_1049, %add3A_1041 : vector<16xf32>
        %lt3A_1051 = arith.cmpf olt, %mul3A_1042, %mul3A_1050 : vector<16xf32>
        %or3A_1052 = arith.ori %lt3A_1045, %lt3A_1051 : vector<16xi1>
        %convert_element_type3A_1053 = arith.extui %or3A_1052 : vector<16xi1> to vector<16xi32>
        %add3A_1054 = arith.addi %broadcast_in_dim3A_1047, %convert_element_type3A_1053 : vector<16xi32>
        %mul3A_1055 = arith.constant 0.388739526 : f32
        %mul3A_1056 = vector.broadcast %mul3A_1055 : f32 to vector<16xf32>
        %mul3A_1057 = arith.mulf %mul3A_1056, %add3A_1041 : vector<16xf32>
        %lt3A_1058 = arith.cmpf olt, %mul3A_1042, %mul3A_1057 : vector<16xf32>
        %or3A_1059 = arith.ori %lt3A_1045, %lt3A_1058 : vector<16xi1>
        %convert_element_type3A_1060 = arith.extui %or3A_1059 : vector<16xi1> to vector<16xi32>
        %add3A_1061 = arith.addi %add3A_1054, %convert_element_type3A_1060 : vector<16xi32>
        %mul3A_1062 = arith.constant 0.0495155677 : f32
        %mul3A_1063 = vector.broadcast %mul3A_1062 : f32 to vector<16xf32>
        %mul3A_1064 = arith.mulf %mul3A_1063, %add3A_1041 : vector<16xf32>
        %lt3A_1065 = arith.cmpf olt, %mul3A_1042, %mul3A_1064 : vector<16xf32>
        %or3A_1066 = arith.ori %lt3A_1045, %lt3A_1065 : vector<16xi1>
        %convert_element_type3A_1067 = arith.extui %or3A_1066 : vector<16xi1> to vector<16xi32>
        %add3A_1068 = arith.addi %add3A_1061, %convert_element_type3A_1067 : vector<16xi32>
        %mul3A_1069 = arith.constant 0.0495155677 : f32
        %mul3A_1070 = vector.broadcast %mul3A_1069 : f32 to vector<16xf32>
        %mul3A_1071 = arith.mulf %mul3A_1070, %add3A_1041 : vector<16xf32>
        %gt3A_1072 = arith.cmpf ogt, %mul3A_1042, %mul3A_1071 : vector<16xf32>
        %and3A_1073 = arith.andi %lt3A_1045, %gt3A_1072 : vector<16xi1>
        %convert_element_type3A_1074 = arith.extui %and3A_1073 : vector<16xi1> to vector<16xi32>
        %add3A_1075 = arith.addi %add3A_1068, %convert_element_type3A_1074 : vector<16xi32>
        %mul3A_1076 = arith.constant 0.388739526 : f32
        %mul3A_1077 = vector.broadcast %mul3A_1076 : f32 to vector<16xf32>
        %mul3A_1078 = arith.mulf %mul3A_1077, %add3A_1041 : vector<16xf32>
        %gt3A_1079 = arith.cmpf ogt, %mul3A_1042, %mul3A_1078 : vector<16xf32>
        %and3A_1080 = arith.andi %lt3A_1045, %gt3A_1079 : vector<16xi1>
        %convert_element_type3A_1081 = arith.extui %and3A_1080 : vector<16xi1> to vector<16xi32>
        %add3A_1082 = arith.addi %add3A_1075, %convert_element_type3A_1081 : vector<16xi32>
        %mul3A_1083 = arith.constant 0.811744928 : f32
        %mul3A_1084 = vector.broadcast %mul3A_1083 : f32 to vector<16xf32>
        %mul3A_1085 = arith.mulf %mul3A_1084, %add3A_1041 : vector<16xf32>
        %gt3A_1086 = arith.cmpf ogt, %mul3A_1042, %mul3A_1085 : vector<16xf32>
        %and3A_1087 = arith.andi %lt3A_1045, %gt3A_1086 : vector<16xi1>
        %convert_element_type3A_1088 = arith.extui %and3A_1087 : vector<16xi1> to vector<16xi32>
        %add3A_1089 = arith.addi %add3A_1082, %convert_element_type3A_1088 : vector<16xi32>
        %eq3A_1090 = arith.constant 0.000000e+00 : f32
        %eq3A_1091 = vector.broadcast %eq3A_1090 : f32 to vector<16xf32>
        %eq3A_1092 = arith.cmpf oeq, %add3A_1041, %eq3A_1091 : vector<16xf32>
        %jit3A_1093 = arith.constant 3 : i32
        %broadcast_in_dim3A_1094 = vector.broadcast %jit3A_1093 : i32 to vector<16xi32>
        %select_n3A_1095 = arith.select %eq3A_1092, %broadcast_in_dim3A_1094, %add3A_1089 : vector<16xi1>, vector<16xi32>
        %mul3A_1096 = arith.constant 7 : i32
        %mul3A_1097 = vector.broadcast %mul3A_1096 : i32 to vector<16xi32>
        %mul3A_1098 = arith.muli %get3A_1021, %mul3A_1097 : vector<16xi32>
        %add3A_1099 = arith.addi %mul3A_1098, %select_n3A_1095 : vector<16xi32>
        %swap3A_1100 = arith.constant 32 : index
        %swap3A_1101 = tpu.vector_load %arg26[%swap3A_1100] {strides = array<i32>} : memref<80xi32, #tpu.memory_space<vmem>>, vector<16xi32>,
        tpu.vector_store %arg26[%swap3A_1100], %add3A_1099 {strides = array<i32>} : memref<80xi32, #tpu.memory_space<vmem>>, vector<16xi32>,
        %mul3A_1102 = arith.constant 7 : i32
        %mul3A_1103 = vector.broadcast %mul3A_1102 : i32 to vector<16xi32>
        %mul3A_1104 = arith.muli %get3A_1017, %mul3A_1103 : vector<16xi32>
        %add3A_1105 = arith.addi %mul3A_1104, %select_n3A_1095 : vector<16xi32>
        %swap3A_1106 = arith.constant 32 : index
        %swap3A_1107 = tpu.vector_load %arg29[%swap3A_1106] {strides = array<i32>} : memref<80xi32, #tpu.memory_space<vmem>>, vector<16xi32>,
        tpu.vector_store %arg29[%swap3A_1106], %add3A_1105 {strides = array<i32>} : memref<80xi32, #tpu.memory_space<vmem>>, vector<16xi32>,
        %get3A_1108 = arith.constant 0 : i32
        %get3A_1109 = arith.index_cast %get3A_1108 : i32 to index
        %get3A_1110 = arith.constant 48 : index
        %get3A_1111 = tpu.vector_load %arg20[%get3A_1109, %get3A_1110] {strides = array<i32>} : memref<3x80xi32, #tpu.memory_space<vmem>>, vector<16xi32>,
        %get3A_1112 = arith.constant 1 : i32
        %get3A_1113 = arith.index_cast %get3A_1112 : i32 to index
        %get3A_1114 = arith.constant 48 : index
        %get3A_1115 = tpu.vector_load %arg20[%get3A_1113, %get3A_1114] {strides = array<i32>} : memref<3x80xi32, #tpu.memory_space<vmem>>, vector<16xi32>,
        %get3A_1116 = arith.constant 48 : index
        %get3A_1117 = tpu.vector_load %arg40[%get3A_1116] {strides = array<i32>} : memref<80xf32, #tpu.memory_space<vmem>>, vector<16xf32>,
        %get3A_1118 = arith.constant 48 : index
        %get3A_1119 = tpu.vector_load %arg37[%get3A_1118] {strides = array<i32>} : memref<80xf32, #tpu.memory_space<vmem>>, vector<16xf32>,
        %sub3A_1120 = arith.subf %get3A_1117, %get3A_1119 : vector<16xf32>
        %get3A_1121 = arith.constant 48 : index
        %get3A_1122 = tpu.vector_load %arg41[%get3A_1121] {strides = array<i32>} : memref<80xf32, #tpu.memory_space<vmem>>, vector<16xf32>,
        %get3A_1123 = arith.constant 48 : index
        %get3A_1124 = tpu.vector_load %arg38[%get3A_1123] {strides = array<i32>} : memref<80xf32, #tpu.memory_space<vmem>>, vector<16xf32>,
        %sub3A_1125 = arith.subf %get3A_1122, %get3A_1124 : vector<16xf32>
        %get3A_1126 = arith.constant 48 : index
        %get3A_1127 = tpu.vector_load %arg42[%get3A_1126] {strides = array<i32>} : memref<80xf32, #tpu.memory_space<vmem>>, vector<16xf32>,
        %get3A_1128 = arith.constant 48 : index
        %get3A_1129 = tpu.vector_load %arg39[%get3A_1128] {strides = array<i32>} : memref<80xf32, #tpu.memory_space<vmem>>, vector<16xf32>,
        %sub3A_1130 = arith.subf %get3A_1127, %get3A_1129 : vector<16xf32>
        %mul3A_1131 = arith.mulf %sub3A_1120, %sub3A_1120 : vector<16xf32>
        %mul3A_1132 = arith.mulf %sub3A_1125, %sub3A_1125 : vector<16xf32>
        %add3A_1133 = arith.addf %mul3A_1131, %mul3A_1132 : vector<16xf32>
        %mul3A_1134 = arith.mulf %sub3A_1130, %sub3A_1130 : vector<16xf32>
        %add3A_1135 = arith.addf %add3A_1133, %mul3A_1134 : vector<16xf32>
        %mul3A_1136 = arith.mulf %sub3A_1120, %sub3A_1120 : vector<16xf32>
        %lt3A_1137 = arith.constant 0.000000e+00 : f32
        %lt3A_1138 = vector.broadcast %lt3A_1137 : f32 to vector<16xf32>
        %lt3A_1139 = arith.cmpf olt, %sub3A_1120, %lt3A_1138 : vector<16xf32>
        %broadcast_in_dim3A_1140 = arith.constant 0 : i32
        %broadcast_in_dim3A_1141 = vector.broadcast %broadcast_in_dim3A_1140 : i32 to vector<16xi32>
        %mul3A_1142 = arith.constant 0.811744928 : f32
        %mul3A_1143 = vector.broadcast %mul3A_1142 : f32 to vector<16xf32>
        %mul3A_1144 = arith.mulf %mul3A_1143, %add3A_1135 : vector<16xf32>
        %lt3A_1145 = arith.cmpf olt, %mul3A_1136, %mul3A_1144 : vector<16xf32>
        %or3A_1146 = arith.ori %lt3A_1139, %lt3A_1145 : vector<16xi1>
        %convert_element_type3A_1147 = arith.extui %or3A_1146 : vector<16xi1> to vector<16xi32>
        %add3A_1148 = arith.addi %broadcast_in_dim3A_1141, %convert_element_type3A_1147 : vector<16xi32>
        %mul3A_1149 = arith.constant 0.388739526 : f32
        %mul3A_1150 = vector.broadcast %mul3A_1149 : f32 to vector<16xf32>
        %mul3A_1151 = arith.mulf %mul3A_1150, %add3A_1135 : vector<16xf32>
        %lt3A_1152 = arith.cmpf olt, %mul3A_1136, %mul3A_1151 : vector<16xf32>
        %or3A_1153 = arith.ori %lt3A_1139, %lt3A_1152 : vector<16xi1>
        %convert_element_type3A_1154 = arith.extui %or3A_1153 : vector<16xi1> to vector<16xi32>
        %add3A_1155 = arith.addi %add3A_1148, %convert_element_type3A_1154 : vector<16xi32>
        %mul3A_1156 = arith.constant 0.0495155677 : f32
        %mul3A_1157 = vector.broadcast %mul3A_1156 : f32 to vector<16xf32>
        %mul3A_1158 = arith.mulf %mul3A_1157, %add3A_1135 : vector<16xf32>
        %lt3A_1159 = arith.cmpf olt, %mul3A_1136, %mul3A_1158 : vector<16xf32>
        %or3A_1160 = arith.ori %lt3A_1139, %lt3A_1159 : vector<16xi1>
        %convert_element_type3A_1161 = arith.extui %or3A_1160 : vector<16xi1> to vector<16xi32>
        %add3A_1162 = arith.addi %add3A_1155, %convert_element_type3A_1161 : vector<16xi32>
        %mul3A_1163 = arith.constant 0.0495155677 : f32
        %mul3A_1164 = vector.broadcast %mul3A_1163 : f32 to vector<16xf32>
        %mul3A_1165 = arith.mulf %mul3A_1164, %add3A_1135 : vector<16xf32>
        %gt3A_1166 = arith.cmpf ogt, %mul3A_1136, %mul3A_1165 : vector<16xf32>
        %and3A_1167 = arith.andi %lt3A_1139, %gt3A_1166 : vector<16xi1>
        %convert_element_type3A_1168 = arith.extui %and3A_1167 : vector<16xi1> to vector<16xi32>
        %add3A_1169 = arith.addi %add3A_1162, %convert_element_type3A_1168 : vector<16xi32>
        %mul3A_1170 = arith.constant 0.388739526 : f32
        %mul3A_1171 = vector.broadcast %mul3A_1170 : f32 to vector<16xf32>
        %mul3A_1172 = arith.mulf %mul3A_1171, %add3A_1135 : vector<16xf32>
        %gt3A_1173 = arith.cmpf ogt, %mul3A_1136, %mul3A_1172 : vector<16xf32>
        %and3A_1174 = arith.andi %lt3A_1139, %gt3A_1173 : vector<16xi1>
        %convert_element_type3A_1175 = arith.extui %and3A_1174 : vector<16xi1> to vector<16xi32>
        %add3A_1176 = arith.addi %add3A_1169, %convert_element_type3A_1175 : vector<16xi32>
        %mul3A_1177 = arith.constant 0.811744928 : f32
        %mul3A_1178 = vector.broadcast %mul3A_1177 : f32 to vector<16xf32>
        %mul3A_1179 = arith.mulf %mul3A_1178, %add3A_1135 : vector<16xf32>
        %gt3A_1180 = arith.cmpf ogt, %mul3A_1136, %mul3A_1179 : vector<16xf32>
        %and3A_1181 = arith.andi %lt3A_1139, %gt3A_1180 : vector<16xi1>
        %convert_element_type3A_1182 = arith.extui %and3A_1181 : vector<16xi1> to vector<16xi32>
        %add3A_1183 = arith.addi %add3A_1176, %convert_element_type3A_1182 : vector<16xi32>
        %eq3A_1184 = arith.constant 0.000000e+00 : f32
        %eq3A_1185 = vector.broadcast %eq3A_1184 : f32 to vector<16xf32>
        %eq3A_1186 = arith.cmpf oeq, %add3A_1135, %eq3A_1185 : vector<16xf32>
        %jit3A_1187 = arith.constant 3 : i32
        %broadcast_in_dim3A_1188 = vector.broadcast %jit3A_1187 : i32 to vector<16xi32>
        %select_n3A_1189 = arith.select %eq3A_1186, %broadcast_in_dim3A_1188, %add3A_1183 : vector<16xi1>, vector<16xi32>
        %mul3A_1190 = arith.constant 7 : i32
        %mul3A_1191 = vector.broadcast %mul3A_1190 : i32 to vector<16xi32>
        %mul3A_1192 = arith.muli %get3A_1115, %mul3A_1191 : vector<16xi32>
        %add3A_1193 = arith.addi %mul3A_1192, %select_n3A_1189 : vector<16xi32>
        %swap3A_1194 = arith.constant 48 : index
        %swap3A_1195 = tpu.vector_load %arg26[%swap3A_1194] {strides = array<i32>} : memref<80xi32, #tpu.memory_space<vmem>>, vector<16xi32>,
        tpu.vector_store %arg26[%swap3A_1194], %add3A_1193 {strides = array<i32>} : memref<80xi32, #tpu.memory_space<vmem>>, vector<16xi32>,
        %mul3A_1196 = arith.constant 7 : i32
        %mul3A_1197 = vector.broadcast %mul3A_1196 : i32 to vector<16xi32>
        %mul3A_1198 = arith.muli %get3A_1111, %mul3A_1197 : vector<16xi32>
        %add3A_1199 = arith.addi %mul3A_1198, %select_n3A_1189 : vector<16xi32>
        %swap3A_1200 = arith.constant 48 : index
        %swap3A_1201 = tpu.vector_load %arg29[%swap3A_1200] {strides = array<i32>} : memref<80xi32, #tpu.memory_space<vmem>>, vector<16xi32>,
        tpu.vector_store %arg29[%swap3A_1200], %add3A_1199 {strides = array<i32>} : memref<80xi32, #tpu.memory_space<vmem>>, vector<16xi32>,
        %get3A_1202 = arith.constant 0 : i32
        %get3A_1203 = arith.index_cast %get3A_1202 : i32 to index
        %get3A_1204 = arith.constant 64 : index
        %get3A_1205 = tpu.vector_load %arg20[%get3A_1203, %get3A_1204] {strides = array<i32>} : memref<3x80xi32, #tpu.memory_space<vmem>>, vector<16xi32>,
        %get3A_1206 = arith.constant 1 : i32
        %get3A_1207 = arith.index_cast %get3A_1206 : i32 to index
        %get3A_1208 = arith.constant 64 : index
        %get3A_1209 = tpu.vector_load %arg20[%get3A_1207, %get3A_1208] {strides = array<i32>} : memref<3x80xi32, #tpu.memory_space<vmem>>, vector<16xi32>,
        %get3A_1210 = arith.constant 64 : index
        %get3A_1211 = tpu.vector_load %arg40[%get3A_1210] {strides = array<i32>} : memref<80xf32, #tpu.memory_space<vmem>>, vector<16xf32>,
        %get3A_1212 = arith.constant 64 : index
        %get3A_1213 = tpu.vector_load %arg37[%get3A_1212] {strides = array<i32>} : memref<80xf32, #tpu.memory_space<vmem>>, vector<16xf32>,
        %sub3A_1214 = arith.subf %get3A_1211, %get3A_1213 : vector<16xf32>
        %get3A_1215 = arith.constant 64 : index
        %get3A_1216 = tpu.vector_load %arg41[%get3A_1215] {strides = array<i32>} : memref<80xf32, #tpu.memory_space<vmem>>, vector<16xf32>,
        %get3A_1217 = arith.constant 64 : index
        %get3A_1218 = tpu.vector_load %arg38[%get3A_1217] {strides = array<i32>} : memref<80xf32, #tpu.memory_space<vmem>>, vector<16xf32>,
        %sub3A_1219 = arith.subf %get3A_1216, %get3A_1218 : vector<16xf32>
        %get3A_1220 = arith.constant 64 : index
        %get3A_1221 = tpu.vector_load %arg42[%get3A_1220] {strides = array<i32>} : memref<80xf32, #tpu.memory_space<vmem>>, vector<16xf32>,
        %get3A_1222 = arith.constant 64 : index
        %get3A_1223 = tpu.vector_load %arg39[%get3A_1222] {strides = array<i32>} : memref<80xf32, #tpu.memory_space<vmem>>, vector<16xf32>,
        %sub3A_1224 = arith.subf %get3A_1221, %get3A_1223 : vector<16xf32>
        %mul3A_1225 = arith.mulf %sub3A_1214, %sub3A_1214 : vector<16xf32>
        %mul3A_1226 = arith.mulf %sub3A_1219, %sub3A_1219 : vector<16xf32>
        %add3A_1227 = arith.addf %mul3A_1225, %mul3A_1226 : vector<16xf32>
        %mul3A_1228 = arith.mulf %sub3A_1224, %sub3A_1224 : vector<16xf32>
        %add3A_1229 = arith.addf %add3A_1227, %mul3A_1228 : vector<16xf32>
        %mul3A_1230 = arith.mulf %sub3A_1214, %sub3A_1214 : vector<16xf32>
        %lt3A_1231 = arith.constant 0.000000e+00 : f32
        %lt3A_1232 = vector.broadcast %lt3A_1231 : f32 to vector<16xf32>
        %lt3A_1233 = arith.cmpf olt, %sub3A_1214, %lt3A_1232 : vector<16xf32>
        %broadcast_in_dim3A_1234 = arith.constant 0 : i32
        %broadcast_in_dim3A_1235 = vector.broadcast %broadcast_in_dim3A_1234 : i32 to vector<16xi32>
        %mul3A_1236 = arith.constant 0.811744928 : f32
        %mul3A_1237 = vector.broadcast %mul3A_1236 : f32 to vector<16xf32>
        %mul3A_1238 = arith.mulf %mul3A_1237, %add3A_1229 : vector<16xf32>
        %lt3A_1239 = arith.cmpf olt, %mul3A_1230, %mul3A_1238 : vector<16xf32>
        %or3A_1240 = arith.ori %lt3A_1233, %lt3A_1239 : vector<16xi1>
        %convert_element_type3A_1241 = arith.extui %or3A_1240 : vector<16xi1> to vector<16xi32>
        %add3A_1242 = arith.addi %broadcast_in_dim3A_1235, %convert_element_type3A_1241 : vector<16xi32>
        %mul3A_1243 = arith.constant 0.388739526 : f32
        %mul3A_1244 = vector.broadcast %mul3A_1243 : f32 to vector<16xf32>
        %mul3A_1245 = arith.mulf %mul3A_1244, %add3A_1229 : vector<16xf32>
        %lt3A_1246 = arith.cmpf olt, %mul3A_1230, %mul3A_1245 : vector<16xf32>
        %or3A_1247 = arith.ori %lt3A_1233, %lt3A_1246 : vector<16xi1>
        %convert_element_type3A_1248 = arith.extui %or3A_1247 : vector<16xi1> to vector<16xi32>
        %add3A_1249 = arith.addi %add3A_1242, %convert_element_type3A_1248 : vector<16xi32>
        %mul3A_1250 = arith.constant 0.0495155677 : f32
        %mul3A_1251 = vector.broadcast %mul3A_1250 : f32 to vector<16xf32>
        %mul3A_1252 = arith.mulf %mul3A_1251, %add3A_1229 : vector<16xf32>
        %lt3A_1253 = arith.cmpf olt, %mul3A_1230, %mul3A_1252 : vector<16xf32>
        %or3A_1254 = arith.ori %lt3A_1233, %lt3A_1253 : vector<16xi1>
        %convert_element_type3A_1255 = arith.extui %or3A_1254 : vector<16xi1> to vector<16xi32>
        %add3A_1256 = arith.addi %add3A_1249, %convert_element_type3A_1255 : vector<16xi32>
        %mul3A_1257 = arith.constant 0.0495155677 : f32
        %mul3A_1258 = vector.broadcast %mul3A_1257 : f32 to vector<16xf32>
        %mul3A_1259 = arith.mulf %mul3A_1258, %add3A_1229 : vector<16xf32>
        %gt3A_1260 = arith.cmpf ogt, %mul3A_1230, %mul3A_1259 : vector<16xf32>
        %and3A_1261 = arith.andi %lt3A_1233, %gt3A_1260 : vector<16xi1>
        %convert_element_type3A_1262 = arith.extui %and3A_1261 : vector<16xi1> to vector<16xi32>
        %add3A_1263 = arith.addi %add3A_1256, %convert_element_type3A_1262 : vector<16xi32>
        %mul3A_1264 = arith.constant 0.388739526 : f32
        %mul3A_1265 = vector.broadcast %mul3A_1264 : f32 to vector<16xf32>
        %mul3A_1266 = arith.mulf %mul3A_1265, %add3A_1229 : vector<16xf32>
        %gt3A_1267 = arith.cmpf ogt, %mul3A_1230, %mul3A_1266 : vector<16xf32>
        %and3A_1268 = arith.andi %lt3A_1233, %gt3A_1267 : vector<16xi1>
        %convert_element_type3A_1269 = arith.extui %and3A_1268 : vector<16xi1> to vector<16xi32>
        %add3A_1270 = arith.addi %add3A_1263, %convert_element_type3A_1269 : vector<16xi32>
        %mul3A_1271 = arith.constant 0.811744928 : f32
        %mul3A_1272 = vector.broadcast %mul3A_1271 : f32 to vector<16xf32>
        %mul3A_1273 = arith.mulf %mul3A_1272, %add3A_1229 : vector<16xf32>
        %gt3A_1274 = arith.cmpf ogt, %mul3A_1230, %mul3A_1273 : vector<16xf32>
        %and3A_1275 = arith.andi %lt3A_1233, %gt3A_1274 : vector<16xi1>
        %convert_element_type3A_1276 = arith.extui %and3A_1275 : vector<16xi1> to vector<16xi32>
        %add3A_1277 = arith.addi %add3A_1270, %convert_element_type3A_1276 : vector<16xi32>
        %eq3A_1278 = arith.constant 0.000000e+00 : f32
        %eq3A_1279 = vector.broadcast %eq3A_1278 : f32 to vector<16xf32>
        %eq3A_1280 = arith.cmpf oeq, %add3A_1229, %eq3A_1279 : vector<16xf32>
        %jit3A_1281 = arith.constant 3 : i32
        %broadcast_in_dim3A_1282 = vector.broadcast %jit3A_1281 : i32 to vector<16xi32>
        %select_n3A_1283 = arith.select %eq3A_1280, %broadcast_in_dim3A_1282, %add3A_1277 : vector<16xi1>, vector<16xi32>
        %mul3A_1284 = arith.constant 7 : i32
        %mul3A_1285 = vector.broadcast %mul3A_1284 : i32 to vector<16xi32>
        %mul3A_1286 = arith.muli %get3A_1209, %mul3A_1285 : vector<16xi32>
        %add3A_1287 = arith.addi %mul3A_1286, %select_n3A_1283 : vector<16xi32>
        %swap3A_1288 = arith.constant 64 : index
        %swap3A_1289 = tpu.vector_load %arg26[%swap3A_1288] {strides = array<i32>} : memref<80xi32, #tpu.memory_space<vmem>>, vector<16xi32>,
        tpu.vector_store %arg26[%swap3A_1288], %add3A_1287 {strides = array<i32>} : memref<80xi32, #tpu.memory_space<vmem>>, vector<16xi32>,
        %mul3A_1290 = arith.constant 7 : i32
        %mul3A_1291 = vector.broadcast %mul3A_1290 : i32 to vector<16xi32>
        %mul3A_1292 = arith.muli %get3A_1205, %mul3A_1291 : vector<16xi32>
        %add3A_1293 = arith.addi %mul3A_1292, %select_n3A_1283 : vector<16xi32>
        %swap3A_1294 = arith.constant 64 : index
        %swap3A_1295 = tpu.vector_load %arg29[%swap3A_1294] {strides = array<i32>} : memref<80xi32, #tpu.memory_space<vmem>>, vector<16xi32>,
        tpu.vector_store %arg29[%swap3A_1294], %add3A_1293 {strides = array<i32>} : memref<80xi32, #tpu.memory_space<vmem>>, vector<16xi32>,
        %dma_start3A_1296 = arith.constant 0 : i32
        %dma_start3A_1297 = arith.constant 0 : i32
        %dma_start3A_1298 = tpu.memref_slice %arg6[%dma_start3A_1296, %dma_start3A_1297] : memref<71680x128xf32, #tpu.memory_space<hbm>> -> memref<71680x128xf32, #tpu.memory_space<hbm>>
        tpu.enqueue_indirect_dma source(%dma_start3A_1298 : memref<71680x128xf32, #tpu.memory_space<hbm>>) target(%arg50 : memref<80x128xf32, #tpu.memory_space<vmem>>) offsets(%arg26 : memref<80xi32, #tpu.memory_space<vmem>>) semaphore(%arg60 : memref<!tpu.dma_semaphore, #tpu.memory_space<semaphore_mem>>)
        %get3A_1299 = arith.constant 2 : i32
        %get3A_1300 = arith.index_cast %get3A_1299 : i32 to index
        %get3A_1301 = arith.constant 0 : index
        %get3A_1302 = tpu.vector_load %arg20[%get3A_1300, %get3A_1301] {strides = array<i32>} : memref<3x80xi32, #tpu.memory_space<vmem>>, vector<16xi32>,
        %bitcast3A_1303 = vector.bitcast %get3A_1302 : vector<16xi32> to vector<16xf32>
        %swap3A_1304 = arith.constant 0 : index
        %swap3A_1305 = tpu.vector_load %arg23[%swap3A_1304] {strides = array<i32>} : memref<80xf32, #tpu.memory_space<vmem>>, vector<16xf32>,
        tpu.vector_store %arg23[%swap3A_1304], %bitcast3A_1303 {strides = array<i32>} : memref<80xf32, #tpu.memory_space<vmem>>, vector<16xf32>,
        %get3A_1306 = arith.constant 2 : i32
        %get3A_1307 = arith.index_cast %get3A_1306 : i32 to index
        %get3A_1308 = arith.constant 16 : index
        %get3A_1309 = tpu.vector_load %arg20[%get3A_1307, %get3A_1308] {strides = array<i32>} : memref<3x80xi32, #tpu.memory_space<vmem>>, vector<16xi32>,
        %bitcast3A_1310 = vector.bitcast %get3A_1309 : vector<16xi32> to vector<16xf32>
        %swap3A_1311 = arith.constant 16 : index
        %swap3A_1312 = tpu.vector_load %arg23[%swap3A_1311] {strides = array<i32>} : memref<80xf32, #tpu.memory_space<vmem>>, vector<16xf32>,
        tpu.vector_store %arg23[%swap3A_1311], %bitcast3A_1310 {strides = array<i32>} : memref<80xf32, #tpu.memory_space<vmem>>, vector<16xf32>,
        %get3A_1313 = arith.constant 2 : i32
        %get3A_1314 = arith.index_cast %get3A_1313 : i32 to index
        %get3A_1315 = arith.constant 32 : index
        %get3A_1316 = tpu.vector_load %arg20[%get3A_1314, %get3A_1315] {strides = array<i32>} : memref<3x80xi32, #tpu.memory_space<vmem>>, vector<16xi32>,
        %bitcast3A_1317 = vector.bitcast %get3A_1316 : vector<16xi32> to vector<16xf32>
        %swap3A_1318 = arith.constant 32 : index
        %swap3A_1319 = tpu.vector_load %arg23[%swap3A_1318] {strides = array<i32>} : memref<80xf32, #tpu.memory_space<vmem>>, vector<16xf32>,
        tpu.vector_store %arg23[%swap3A_1318], %bitcast3A_1317 {strides = array<i32>} : memref<80xf32, #tpu.memory_space<vmem>>, vector<16xf32>,
        %get3A_1320 = arith.constant 2 : i32
        %get3A_1321 = arith.index_cast %get3A_1320 : i32 to index
        %get3A_1322 = arith.constant 48 : index
        %get3A_1323 = tpu.vector_load %arg20[%get3A_1321, %get3A_1322] {strides = array<i32>} : memref<3x80xi32, #tpu.memory_space<vmem>>, vector<16xi32>,
        %bitcast3A_1324 = vector.bitcast %get3A_1323 : vector<16xi32> to vector<16xf32>
        %swap3A_1325 = arith.constant 48 : index
        %swap3A_1326 = tpu.vector_load %arg23[%swap3A_1325] {strides = array<i32>} : memref<80xf32, #tpu.memory_space<vmem>>, vector<16xf32>,
        tpu.vector_store %arg23[%swap3A_1325], %bitcast3A_1324 {strides = array<i32>} : memref<80xf32, #tpu.memory_space<vmem>>, vector<16xf32>,
        %get3A_1327 = arith.constant 2 : i32
        %get3A_1328 = arith.index_cast %get3A_1327 : i32 to index
        %get3A_1329 = arith.constant 64 : index
        %get3A_1330 = tpu.vector_load %arg20[%get3A_1328, %get3A_1329] {strides = array<i32>} : memref<3x80xi32, #tpu.memory_space<vmem>>, vector<16xi32>,
        %bitcast3A_1331 = vector.bitcast %get3A_1330 : vector<16xi32> to vector<16xf32>
        %swap3A_1332 = arith.constant 64 : index
        %swap3A_1333 = tpu.vector_load %arg23[%swap3A_1332] {strides = array<i32>} : memref<80xf32, #tpu.memory_space<vmem>>, vector<16xf32>,
        tpu.vector_store %arg23[%swap3A_1332], %bitcast3A_1331 {strides = array<i32>} : memref<80xf32, #tpu.memory_space<vmem>>, vector<16xf32>,
        %dma_wait3A_1334 = arith.constant 0 : i32
        %dma_wait3A_1335 = arith.constant 0 : i32
        %dma_wait3A_1336 = tpu.memref_slice %arg21[%dma_wait3A_1334, %dma_wait3A_1335] : memref<3x80xi32, #tpu.memory_space<vmem>> -> memref<1x80xi32, #tpu.memory_space<vmem>>
        %dma_wait3A_1337 = tpu.memref_squeeze %dma_wait3A_1336 : memref<1x80xi32, #tpu.memory_space<vmem>> -> memref<80xi32, #tpu.memory_space<vmem>>
        %dma_wait3A_1338 = arith.constant 0 : i32
        %dma_wait3A_1339 = tpu.memref_slice %arg3[%dma_wait3A_1338] : memref<10240xf32, #tpu.memory_space<hbm>> -> memref<10240xf32, #tpu.memory_space<hbm>>
        tpu.wait_indirect_dma semaphore(%arg58 : memref<!tpu.dma_semaphore, #tpu.memory_space<semaphore_mem>>) src(%dma_wait3A_1339 : memref<10240xf32, #tpu.memory_space<hbm>>) dst(%arg43 : memref<80xf32, #tpu.memory_space<vmem>>)
        %dma_wait3A_1340 = arith.constant 0 : i32
        %dma_wait3A_1341 = arith.constant 0 : i32
        %dma_wait3A_1342 = tpu.memref_slice %arg21[%dma_wait3A_1340, %dma_wait3A_1341] : memref<3x80xi32, #tpu.memory_space<vmem>> -> memref<1x80xi32, #tpu.memory_space<vmem>>
        %dma_wait3A_1343 = tpu.memref_squeeze %dma_wait3A_1342 : memref<1x80xi32, #tpu.memory_space<vmem>> -> memref<80xi32, #tpu.memory_space<vmem>>
        %dma_wait3A_1344 = arith.constant 0 : i32
        %dma_wait3A_1345 = tpu.memref_slice %arg4[%dma_wait3A_1344] : memref<10240xf32, #tpu.memory_space<hbm>> -> memref<10240xf32, #tpu.memory_space<hbm>>
        tpu.wait_indirect_dma semaphore(%arg58 : memref<!tpu.dma_semaphore, #tpu.memory_space<semaphore_mem>>) src(%dma_wait3A_1345 : memref<10240xf32, #tpu.memory_space<hbm>>) dst(%arg44 : memref<80xf32, #tpu.memory_space<vmem>>)
        %dma_wait3A_1346 = arith.constant 0 : i32
        %dma_wait3A_1347 = arith.constant 0 : i32
        %dma_wait3A_1348 = tpu.memref_slice %arg21[%dma_wait3A_1346, %dma_wait3A_1347] : memref<3x80xi32, #tpu.memory_space<vmem>> -> memref<1x80xi32, #tpu.memory_space<vmem>>
        %dma_wait3A_1349 = tpu.memref_squeeze %dma_wait3A_1348 : memref<1x80xi32, #tpu.memory_space<vmem>> -> memref<80xi32, #tpu.memory_space<vmem>>
        %dma_wait3A_1350 = arith.constant 0 : i32
        %dma_wait3A_1351 = tpu.memref_slice %arg5[%dma_wait3A_1350] : memref<10240xf32, #tpu.memory_space<hbm>> -> memref<10240xf32, #tpu.memory_space<hbm>>
        tpu.wait_indirect_dma semaphore(%arg58 : memref<!tpu.dma_semaphore, #tpu.memory_space<semaphore_mem>>) src(%dma_wait3A_1351 : memref<10240xf32, #tpu.memory_space<hbm>>) dst(%arg45 : memref<80xf32, #tpu.memory_space<vmem>>)
        %dma_wait3A_1352 = arith.constant 1 : i32
        %dma_wait3A_1353 = arith.constant 0 : i32
        %dma_wait3A_1354 = tpu.memref_slice %arg21[%dma_wait3A_1352, %dma_wait3A_1353] : memref<3x80xi32, #tpu.memory_space<vmem>> -> memref<1x80xi32, #tpu.memory_space<vmem>>
        %dma_wait3A_1355 = tpu.memref_squeeze %dma_wait3A_1354 : memref<1x80xi32, #tpu.memory_space<vmem>> -> memref<80xi32, #tpu.memory_space<vmem>>
        %dma_wait3A_1356 = arith.constant 0 : i32
        %dma_wait3A_1357 = tpu.memref_slice %arg3[%dma_wait3A_1356] : memref<10240xf32, #tpu.memory_space<hbm>> -> memref<10240xf32, #tpu.memory_space<hbm>>
        tpu.wait_indirect_dma semaphore(%arg58 : memref<!tpu.dma_semaphore, #tpu.memory_space<semaphore_mem>>) src(%dma_wait3A_1357 : memref<10240xf32, #tpu.memory_space<hbm>>) dst(%arg46 : memref<80xf32, #tpu.memory_space<vmem>>)
        %dma_wait3A_1358 = arith.constant 1 : i32
        %dma_wait3A_1359 = arith.constant 0 : i32
        %dma_wait3A_1360 = tpu.memref_slice %arg21[%dma_wait3A_1358, %dma_wait3A_1359] : memref<3x80xi32, #tpu.memory_space<vmem>> -> memref<1x80xi32, #tpu.memory_space<vmem>>
        %dma_wait3A_1361 = tpu.memref_squeeze %dma_wait3A_1360 : memref<1x80xi32, #tpu.memory_space<vmem>> -> memref<80xi32, #tpu.memory_space<vmem>>
        %dma_wait3A_1362 = arith.constant 0 : i32
        %dma_wait3A_1363 = tpu.memref_slice %arg4[%dma_wait3A_1362] : memref<10240xf32, #tpu.memory_space<hbm>> -> memref<10240xf32, #tpu.memory_space<hbm>>
        tpu.wait_indirect_dma semaphore(%arg58 : memref<!tpu.dma_semaphore, #tpu.memory_space<semaphore_mem>>) src(%dma_wait3A_1363 : memref<10240xf32, #tpu.memory_space<hbm>>) dst(%arg47 : memref<80xf32, #tpu.memory_space<vmem>>)
        %dma_wait3A_1364 = arith.constant 1 : i32
        %dma_wait3A_1365 = arith.constant 0 : i32
        %dma_wait3A_1366 = tpu.memref_slice %arg21[%dma_wait3A_1364, %dma_wait3A_1365] : memref<3x80xi32, #tpu.memory_space<vmem>> -> memref<1x80xi32, #tpu.memory_space<vmem>>
        %dma_wait3A_1367 = tpu.memref_squeeze %dma_wait3A_1366 : memref<1x80xi32, #tpu.memory_space<vmem>> -> memref<80xi32, #tpu.memory_space<vmem>>
        %dma_wait3A_1368 = arith.constant 0 : i32
        %dma_wait3A_1369 = tpu.memref_slice %arg5[%dma_wait3A_1368] : memref<10240xf32, #tpu.memory_space<hbm>> -> memref<10240xf32, #tpu.memory_space<hbm>>
        tpu.wait_indirect_dma semaphore(%arg58 : memref<!tpu.dma_semaphore, #tpu.memory_space<semaphore_mem>>) src(%dma_wait3A_1369 : memref<10240xf32, #tpu.memory_space<hbm>>) dst(%arg48 : memref<80xf32, #tpu.memory_space<vmem>>)
        %get3A_1370 = arith.constant 0 : i32
        %get3A_1371 = arith.index_cast %get3A_1370 : i32 to index
        %get3A_1372 = arith.constant 0 : index
        %get3A_1373 = tpu.vector_load %arg21[%get3A_1371, %get3A_1372] {strides = array<i32>} : memref<3x80xi32, #tpu.memory_space<vmem>>, vector<16xi32>,
        %get3A_1374 = arith.constant 1 : i32
        %get3A_1375 = arith.index_cast %get3A_1374 : i32 to index
        %get3A_1376 = arith.constant 0 : index
        %get3A_1377 = tpu.vector_load %arg21[%get3A_1375, %get3A_1376] {strides = array<i32>} : memref<3x80xi32, #tpu.memory_space<vmem>>, vector<16xi32>,
        %get3A_1378 = arith.constant 0 : index
        %get3A_1379 = tpu.vector_load %arg46[%get3A_1378] {strides = array<i32>} : memref<80xf32, #tpu.memory_space<vmem>>, vector<16xf32>,
        %get3A_1380 = arith.constant 0 : index
        %get3A_1381 = tpu.vector_load %arg43[%get3A_1380] {strides = array<i32>} : memref<80xf32, #tpu.memory_space<vmem>>, vector<16xf32>,
        %sub3A_1382 = arith.subf %get3A_1379, %get3A_1381 : vector<16xf32>
        %get3A_1383 = arith.constant 0 : index
        %get3A_1384 = tpu.vector_load %arg47[%get3A_1383] {strides = array<i32>} : memref<80xf32, #tpu.memory_space<vmem>>, vector<16xf32>,
        %get3A_1385 = arith.constant 0 : index
        %get3A_1386 = tpu.vector_load %arg44[%get3A_1385] {strides = array<i32>} : memref<80xf32, #tpu.memory_space<vmem>>, vector<16xf32>,
        %sub3A_1387 = arith.subf %get3A_1384, %get3A_1386 : vector<16xf32>
        %get3A_1388 = arith.constant 0 : index
        %get3A_1389 = tpu.vector_load %arg48[%get3A_1388] {strides = array<i32>} : memref<80xf32, #tpu.memory_space<vmem>>, vector<16xf32>,
        %get3A_1390 = arith.constant 0 : index
        %get3A_1391 = tpu.vector_load %arg45[%get3A_1390] {strides = array<i32>} : memref<80xf32, #tpu.memory_space<vmem>>, vector<16xf32>,
        %sub3A_1392 = arith.subf %get3A_1389, %get3A_1391 : vector<16xf32>
        %mul3A_1393 = arith.mulf %sub3A_1382, %sub3A_1382 : vector<16xf32>
        %mul3A_1394 = arith.mulf %sub3A_1387, %sub3A_1387 : vector<16xf32>
        %add3A_1395 = arith.addf %mul3A_1393, %mul3A_1394 : vector<16xf32>
        %mul3A_1396 = arith.mulf %sub3A_1392, %sub3A_1392 : vector<16xf32>
        %add3A_1397 = arith.addf %add3A_1395, %mul3A_1396 : vector<16xf32>
        %mul3A_1398 = arith.mulf %sub3A_1382, %sub3A_1382 : vector<16xf32>
        %lt3A_1399 = arith.constant 0.000000e+00 : f32
        %lt3A_1400 = vector.broadcast %lt3A_1399 : f32 to vector<16xf32>
        %lt3A_1401 = arith.cmpf olt, %sub3A_1382, %lt3A_1400 : vector<16xf32>
        %broadcast_in_dim3A_1402 = arith.constant 0 : i32
        %broadcast_in_dim3A_1403 = vector.broadcast %broadcast_in_dim3A_1402 : i32 to vector<16xi32>
        %mul3A_1404 = arith.constant 0.811744928 : f32
        %mul3A_1405 = vector.broadcast %mul3A_1404 : f32 to vector<16xf32>
        %mul3A_1406 = arith.mulf %mul3A_1405, %add3A_1397 : vector<16xf32>
        %lt3A_1407 = arith.cmpf olt, %mul3A_1398, %mul3A_1406 : vector<16xf32>
        %or3A_1408 = arith.ori %lt3A_1401, %lt3A_1407 : vector<16xi1>
        %convert_element_type3A_1409 = arith.extui %or3A_1408 : vector<16xi1> to vector<16xi32>
        %add3A_1410 = arith.addi %broadcast_in_dim3A_1403, %convert_element_type3A_1409 : vector<16xi32>
        %mul3A_1411 = arith.constant 0.388739526 : f32
        %mul3A_1412 = vector.broadcast %mul3A_1411 : f32 to vector<16xf32>
        %mul3A_1413 = arith.mulf %mul3A_1412, %add3A_1397 : vector<16xf32>
        %lt3A_1414 = arith.cmpf olt, %mul3A_1398, %mul3A_1413 : vector<16xf32>
        %or3A_1415 = arith.ori %lt3A_1401, %lt3A_1414 : vector<16xi1>
        %convert_element_type3A_1416 = arith.extui %or3A_1415 : vector<16xi1> to vector<16xi32>
        %add3A_1417 = arith.addi %add3A_1410, %convert_element_type3A_1416 : vector<16xi32>
        %mul3A_1418 = arith.constant 0.0495155677 : f32
        %mul3A_1419 = vector.broadcast %mul3A_1418 : f32 to vector<16xf32>
        %mul3A_1420 = arith.mulf %mul3A_1419, %add3A_1397 : vector<16xf32>
        %lt3A_1421 = arith.cmpf olt, %mul3A_1398, %mul3A_1420 : vector<16xf32>
        %or3A_1422 = arith.ori %lt3A_1401, %lt3A_1421 : vector<16xi1>
        %convert_element_type3A_1423 = arith.extui %or3A_1422 : vector<16xi1> to vector<16xi32>
        %add3A_1424 = arith.addi %add3A_1417, %convert_element_type3A_1423 : vector<16xi32>
        %mul3A_1425 = arith.constant 0.0495155677 : f32
        %mul3A_1426 = vector.broadcast %mul3A_1425 : f32 to vector<16xf32>
        %mul3A_1427 = arith.mulf %mul3A_1426, %add3A_1397 : vector<16xf32>
        %gt3A_1428 = arith.cmpf ogt, %mul3A_1398, %mul3A_1427 : vector<16xf32>
        %and3A_1429 = arith.andi %lt3A_1401, %gt3A_1428 : vector<16xi1>
        %convert_element_type3A_1430 = arith.extui %and3A_1429 : vector<16xi1> to vector<16xi32>
        %add3A_1431 = arith.addi %add3A_1424, %convert_element_type3A_1430 : vector<16xi32>
        %mul3A_1432 = arith.constant 0.388739526 : f32
        %mul3A_1433 = vector.broadcast %mul3A_1432 : f32 to vector<16xf32>
        %mul3A_1434 = arith.mulf %mul3A_1433, %add3A_1397 : vector<16xf32>
        %gt3A_1435 = arith.cmpf ogt, %mul3A_1398, %mul3A_1434 : vector<16xf32>
        %and3A_1436 = arith.andi %lt3A_1401, %gt3A_1435 : vector<16xi1>
        %convert_element_type3A_1437 = arith.extui %and3A_1436 : vector<16xi1> to vector<16xi32>
        %add3A_1438 = arith.addi %add3A_1431, %convert_element_type3A_1437 : vector<16xi32>
        %mul3A_1439 = arith.constant 0.811744928 : f32
        %mul3A_1440 = vector.broadcast %mul3A_1439 : f32 to vector<16xf32>
        %mul3A_1441 = arith.mulf %mul3A_1440, %add3A_1397 : vector<16xf32>
        %gt3A_1442 = arith.cmpf ogt, %mul3A_1398, %mul3A_1441 : vector<16xf32>
        %and3A_1443 = arith.andi %lt3A_1401, %gt3A_1442 : vector<16xi1>
        %convert_element_type3A_1444 = arith.extui %and3A_1443 : vector<16xi1> to vector<16xi32>
        %add3A_1445 = arith.addi %add3A_1438, %convert_element_type3A_1444 : vector<16xi32>
        %eq3A_1446 = arith.constant 0.000000e+00 : f32
        %eq3A_1447 = vector.broadcast %eq3A_1446 : f32 to vector<16xf32>
        %eq3A_1448 = arith.cmpf oeq, %add3A_1397, %eq3A_1447 : vector<16xf32>
        %jit3A_1449 = arith.constant 3 : i32
        %broadcast_in_dim3A_1450 = vector.broadcast %jit3A_1449 : i32 to vector<16xi32>
        %select_n3A_1451 = arith.select %eq3A_1448, %broadcast_in_dim3A_1450, %add3A_1445 : vector<16xi1>, vector<16xi32>
        %mul3A_1452 = arith.constant 7 : i32
        %mul3A_1453 = vector.broadcast %mul3A_1452 : i32 to vector<16xi32>
        %mul3A_1454 = arith.muli %get3A_1377, %mul3A_1453 : vector<16xi32>
        %add3A_1455 = arith.addi %mul3A_1454, %select_n3A_1451 : vector<16xi32>
        %swap3A_1456 = arith.constant 0 : index
        %swap3A_1457 = tpu.vector_load %arg27[%swap3A_1456] {strides = array<i32>} : memref<80xi32, #tpu.memory_space<vmem>>, vector<16xi32>,
        tpu.vector_store %arg27[%swap3A_1456], %add3A_1455 {strides = array<i32>} : memref<80xi32, #tpu.memory_space<vmem>>, vector<16xi32>,
        %mul3A_1458 = arith.constant 7 : i32
        %mul3A_1459 = vector.broadcast %mul3A_1458 : i32 to vector<16xi32>
        %mul3A_1460 = arith.muli %get3A_1373, %mul3A_1459 : vector<16xi32>
        %add3A_1461 = arith.addi %mul3A_1460, %select_n3A_1451 : vector<16xi32>
        %swap3A_1462 = arith.constant 0 : index
        %swap3A_1463 = tpu.vector_load %arg30[%swap3A_1462] {strides = array<i32>} : memref<80xi32, #tpu.memory_space<vmem>>, vector<16xi32>,
        tpu.vector_store %arg30[%swap3A_1462], %add3A_1461 {strides = array<i32>} : memref<80xi32, #tpu.memory_space<vmem>>, vector<16xi32>,
        %get3A_1464 = arith.constant 0 : i32
        %get3A_1465 = arith.index_cast %get3A_1464 : i32 to index
        %get3A_1466 = arith.constant 16 : index
        %get3A_1467 = tpu.vector_load %arg21[%get3A_1465, %get3A_1466] {strides = array<i32>} : memref<3x80xi32, #tpu.memory_space<vmem>>, vector<16xi32>,
        %get3A_1468 = arith.constant 1 : i32
        %get3A_1469 = arith.index_cast %get3A_1468 : i32 to index
        %get3A_1470 = arith.constant 16 : index
        %get3A_1471 = tpu.vector_load %arg21[%get3A_1469, %get3A_1470] {strides = array<i32>} : memref<3x80xi32, #tpu.memory_space<vmem>>, vector<16xi32>,
        %get3A_1472 = arith.constant 16 : index
        %get3A_1473 = tpu.vector_load %arg46[%get3A_1472] {strides = array<i32>} : memref<80xf32, #tpu.memory_space<vmem>>, vector<16xf32>,
        %get3A_1474 = arith.constant 16 : index
        %get3A_1475 = tpu.vector_load %arg43[%get3A_1474] {strides = array<i32>} : memref<80xf32, #tpu.memory_space<vmem>>, vector<16xf32>,
        %sub3A_1476 = arith.subf %get3A_1473, %get3A_1475 : vector<16xf32>
        %get3A_1477 = arith.constant 16 : index
        %get3A_1478 = tpu.vector_load %arg47[%get3A_1477] {strides = array<i32>} : memref<80xf32, #tpu.memory_space<vmem>>, vector<16xf32>,
        %get3A_1479 = arith.constant 16 : index
        %get3A_1480 = tpu.vector_load %arg44[%get3A_1479] {strides = array<i32>} : memref<80xf32, #tpu.memory_space<vmem>>, vector<16xf32>,
        %sub3A_1481 = arith.subf %get3A_1478, %get3A_1480 : vector<16xf32>
        %get3A_1482 = arith.constant 16 : index
        %get3A_1483 = tpu.vector_load %arg48[%get3A_1482] {strides = array<i32>} : memref<80xf32, #tpu.memory_space<vmem>>, vector<16xf32>,
        %get3A_1484 = arith.constant 16 : index
        %get3A_1485 = tpu.vector_load %arg45[%get3A_1484] {strides = array<i32>} : memref<80xf32, #tpu.memory_space<vmem>>, vector<16xf32>,
        %sub3A_1486 = arith.subf %get3A_1483, %get3A_1485 : vector<16xf32>
        %mul3A_1487 = arith.mulf %sub3A_1476, %sub3A_1476 : vector<16xf32>
        %mul3A_1488 = arith.mulf %sub3A_1481, %sub3A_1481 : vector<16xf32>
        %add3A_1489 = arith.addf %mul3A_1487, %mul3A_1488 : vector<16xf32>
        %mul3A_1490 = arith.mulf %sub3A_1486, %sub3A_1486 : vector<16xf32>
        %add3A_1491 = arith.addf %add3A_1489, %mul3A_1490 : vector<16xf32>
        %mul3A_1492 = arith.mulf %sub3A_1476, %sub3A_1476 : vector<16xf32>
        %lt3A_1493 = arith.constant 0.000000e+00 : f32
        %lt3A_1494 = vector.broadcast %lt3A_1493 : f32 to vector<16xf32>
        %lt3A_1495 = arith.cmpf olt, %sub3A_1476, %lt3A_1494 : vector<16xf32>
        %broadcast_in_dim3A_1496 = arith.constant 0 : i32
        %broadcast_in_dim3A_1497 = vector.broadcast %broadcast_in_dim3A_1496 : i32 to vector<16xi32>
        %mul3A_1498 = arith.constant 0.811744928 : f32
        %mul3A_1499 = vector.broadcast %mul3A_1498 : f32 to vector<16xf32>
        %mul3A_1500 = arith.mulf %mul3A_1499, %add3A_1491 : vector<16xf32>
        %lt3A_1501 = arith.cmpf olt, %mul3A_1492, %mul3A_1500 : vector<16xf32>
        %or3A_1502 = arith.ori %lt3A_1495, %lt3A_1501 : vector<16xi1>
        %convert_element_type3A_1503 = arith.extui %or3A_1502 : vector<16xi1> to vector<16xi32>
        %add3A_1504 = arith.addi %broadcast_in_dim3A_1497, %convert_element_type3A_1503 : vector<16xi32>
        %mul3A_1505 = arith.constant 0.388739526 : f32
        %mul3A_1506 = vector.broadcast %mul3A_1505 : f32 to vector<16xf32>
        %mul3A_1507 = arith.mulf %mul3A_1506, %add3A_1491 : vector<16xf32>
        %lt3A_1508 = arith.cmpf olt, %mul3A_1492, %mul3A_1507 : vector<16xf32>
        %or3A_1509 = arith.ori %lt3A_1495, %lt3A_1508 : vector<16xi1>
        %convert_element_type3A_1510 = arith.extui %or3A_1509 : vector<16xi1> to vector<16xi32>
        %add3A_1511 = arith.addi %add3A_1504, %convert_element_type3A_1510 : vector<16xi32>
        %mul3A_1512 = arith.constant 0.0495155677 : f32
        %mul3A_1513 = vector.broadcast %mul3A_1512 : f32 to vector<16xf32>
        %mul3A_1514 = arith.mulf %mul3A_1513, %add3A_1491 : vector<16xf32>
        %lt3A_1515 = arith.cmpf olt, %mul3A_1492, %mul3A_1514 : vector<16xf32>
        %or3A_1516 = arith.ori %lt3A_1495, %lt3A_1515 : vector<16xi1>
        %convert_element_type3A_1517 = arith.extui %or3A_1516 : vector<16xi1> to vector<16xi32>
        %add3A_1518 = arith.addi %add3A_1511, %convert_element_type3A_1517 : vector<16xi32>
        %mul3A_1519 = arith.constant 0.0495155677 : f32
        %mul3A_1520 = vector.broadcast %mul3A_1519 : f32 to vector<16xf32>
        %mul3A_1521 = arith.mulf %mul3A_1520, %add3A_1491 : vector<16xf32>
        %gt3A_1522 = arith.cmpf ogt, %mul3A_1492, %mul3A_1521 : vector<16xf32>
        %and3A_1523 = arith.andi %lt3A_1495, %gt3A_1522 : vector<16xi1>
        %convert_element_type3A_1524 = arith.extui %and3A_1523 : vector<16xi1> to vector<16xi32>
        %add3A_1525 = arith.addi %add3A_1518, %convert_element_type3A_1524 : vector<16xi32>
        %mul3A_1526 = arith.constant 0.388739526 : f32
        %mul3A_1527 = vector.broadcast %mul3A_1526 : f32 to vector<16xf32>
        %mul3A_1528 = arith.mulf %mul3A_1527, %add3A_1491 : vector<16xf32>
        %gt3A_1529 = arith.cmpf ogt, %mul3A_1492, %mul3A_1528 : vector<16xf32>
        %and3A_1530 = arith.andi %lt3A_1495, %gt3A_1529 : vector<16xi1>
        %convert_element_type3A_1531 = arith.extui %and3A_1530 : vector<16xi1> to vector<16xi32>
        %add3A_1532 = arith.addi %add3A_1525, %convert_element_type3A_1531 : vector<16xi32>
        %mul3A_1533 = arith.constant 0.811744928 : f32
        %mul3A_1534 = vector.broadcast %mul3A_1533 : f32 to vector<16xf32>
        %mul3A_1535 = arith.mulf %mul3A_1534, %add3A_1491 : vector<16xf32>
        %gt3A_1536 = arith.cmpf ogt, %mul3A_1492, %mul3A_1535 : vector<16xf32>
        %and3A_1537 = arith.andi %lt3A_1495, %gt3A_1536 : vector<16xi1>
        %convert_element_type3A_1538 = arith.extui %and3A_1537 : vector<16xi1> to vector<16xi32>
        %add3A_1539 = arith.addi %add3A_1532, %convert_element_type3A_1538 : vector<16xi32>
        %eq3A_1540 = arith.constant 0.000000e+00 : f32
        %eq3A_1541 = vector.broadcast %eq3A_1540 : f32 to vector<16xf32>
        %eq3A_1542 = arith.cmpf oeq, %add3A_1491, %eq3A_1541 : vector<16xf32>
        %jit3A_1543 = arith.constant 3 : i32
        %broadcast_in_dim3A_1544 = vector.broadcast %jit3A_1543 : i32 to vector<16xi32>
        %select_n3A_1545 = arith.select %eq3A_1542, %broadcast_in_dim3A_1544, %add3A_1539 : vector<16xi1>, vector<16xi32>
        %mul3A_1546 = arith.constant 7 : i32
        %mul3A_1547 = vector.broadcast %mul3A_1546 : i32 to vector<16xi32>
        %mul3A_1548 = arith.muli %get3A_1471, %mul3A_1547 : vector<16xi32>
        %add3A_1549 = arith.addi %mul3A_1548, %select_n3A_1545 : vector<16xi32>
        %swap3A_1550 = arith.constant 16 : index
        %swap3A_1551 = tpu.vector_load %arg27[%swap3A_1550] {strides = array<i32>} : memref<80xi32, #tpu.memory_space<vmem>>, vector<16xi32>,
        tpu.vector_store %arg27[%swap3A_1550], %add3A_1549 {strides = array<i32>} : memref<80xi32, #tpu.memory_space<vmem>>, vector<16xi32>,
        %mul3A_1552 = arith.constant 7 : i32
        %mul3A_1553 = vector.broadcast %mul3A_1552 : i32 to vector<16xi32>
        %mul3A_1554 = arith.muli %get3A_1467, %mul3A_1553 : vector<16xi32>
        %add3A_1555 = arith.addi %mul3A_1554, %select_n3A_1545 : vector<16xi32>
        %swap3A_1556 = arith.constant 16 : index
        %swap3A_1557 = tpu.vector_load %arg30[%swap3A_1556] {strides = array<i32>} : memref<80xi32, #tpu.memory_space<vmem>>, vector<16xi32>,
        tpu.vector_store %arg30[%swap3A_1556], %add3A_1555 {strides = array<i32>} : memref<80xi32, #tpu.memory_space<vmem>>, vector<16xi32>,
        %get3A_1558 = arith.constant 0 : i32
        %get3A_1559 = arith.index_cast %get3A_1558 : i32 to index
        %get3A_1560 = arith.constant 32 : index
        %get3A_1561 = tpu.vector_load %arg21[%get3A_1559, %get3A_1560] {strides = array<i32>} : memref<3x80xi32, #tpu.memory_space<vmem>>, vector<16xi32>,
        %get3A_1562 = arith.constant 1 : i32
        %get3A_1563 = arith.index_cast %get3A_1562 : i32 to index
        %get3A_1564 = arith.constant 32 : index
        %get3A_1565 = tpu.vector_load %arg21[%get3A_1563, %get3A_1564] {strides = array<i32>} : memref<3x80xi32, #tpu.memory_space<vmem>>, vector<16xi32>,
        %get3A_1566 = arith.constant 32 : index
        %get3A_1567 = tpu.vector_load %arg46[%get3A_1566] {strides = array<i32>} : memref<80xf32, #tpu.memory_space<vmem>>, vector<16xf32>,
        %get3A_1568 = arith.constant 32 : index
        %get3A_1569 = tpu.vector_load %arg43[%get3A_1568] {strides = array<i32>} : memref<80xf32, #tpu.memory_space<vmem>>, vector<16xf32>,
        %sub3A_1570 = arith.subf %get3A_1567, %get3A_1569 : vector<16xf32>
        %get3A_1571 = arith.constant 32 : index
        %get3A_1572 = tpu.vector_load %arg47[%get3A_1571] {strides = array<i32>} : memref<80xf32, #tpu.memory_space<vmem>>, vector<16xf32>,
        %get3A_1573 = arith.constant 32 : index
        %get3A_1574 = tpu.vector_load %arg44[%get3A_1573] {strides = array<i32>} : memref<80xf32, #tpu.memory_space<vmem>>, vector<16xf32>,
        %sub3A_1575 = arith.subf %get3A_1572, %get3A_1574 : vector<16xf32>
        %get3A_1576 = arith.constant 32 : index
        %get3A_1577 = tpu.vector_load %arg48[%get3A_1576] {strides = array<i32>} : memref<80xf32, #tpu.memory_space<vmem>>, vector<16xf32>,
        %get3A_1578 = arith.constant 32 : index
        %get3A_1579 = tpu.vector_load %arg45[%get3A_1578] {strides = array<i32>} : memref<80xf32, #tpu.memory_space<vmem>>, vector<16xf32>,
        %sub3A_1580 = arith.subf %get3A_1577, %get3A_1579 : vector<16xf32>
        %mul3A_1581 = arith.mulf %sub3A_1570, %sub3A_1570 : vector<16xf32>
        %mul3A_1582 = arith.mulf %sub3A_1575, %sub3A_1575 : vector<16xf32>
        %add3A_1583 = arith.addf %mul3A_1581, %mul3A_1582 : vector<16xf32>
        %mul3A_1584 = arith.mulf %sub3A_1580, %sub3A_1580 : vector<16xf32>
        %add3A_1585 = arith.addf %add3A_1583, %mul3A_1584 : vector<16xf32>
        %mul3A_1586 = arith.mulf %sub3A_1570, %sub3A_1570 : vector<16xf32>
        %lt3A_1587 = arith.constant 0.000000e+00 : f32
        %lt3A_1588 = vector.broadcast %lt3A_1587 : f32 to vector<16xf32>
        %lt3A_1589 = arith.cmpf olt, %sub3A_1570, %lt3A_1588 : vector<16xf32>
        %broadcast_in_dim3A_1590 = arith.constant 0 : i32
        %broadcast_in_dim3A_1591 = vector.broadcast %broadcast_in_dim3A_1590 : i32 to vector<16xi32>
        %mul3A_1592 = arith.constant 0.811744928 : f32
        %mul3A_1593 = vector.broadcast %mul3A_1592 : f32 to vector<16xf32>
        %mul3A_1594 = arith.mulf %mul3A_1593, %add3A_1585 : vector<16xf32>
        %lt3A_1595 = arith.cmpf olt, %mul3A_1586, %mul3A_1594 : vector<16xf32>
        %or3A_1596 = arith.ori %lt3A_1589, %lt3A_1595 : vector<16xi1>
        %convert_element_type3A_1597 = arith.extui %or3A_1596 : vector<16xi1> to vector<16xi32>
        %add3A_1598 = arith.addi %broadcast_in_dim3A_1591, %convert_element_type3A_1597 : vector<16xi32>
        %mul3A_1599 = arith.constant 0.388739526 : f32
        %mul3A_1600 = vector.broadcast %mul3A_1599 : f32 to vector<16xf32>
        %mul3A_1601 = arith.mulf %mul3A_1600, %add3A_1585 : vector<16xf32>
        %lt3A_1602 = arith.cmpf olt, %mul3A_1586, %mul3A_1601 : vector<16xf32>
        %or3A_1603 = arith.ori %lt3A_1589, %lt3A_1602 : vector<16xi1>
        %convert_element_type3A_1604 = arith.extui %or3A_1603 : vector<16xi1> to vector<16xi32>
        %add3A_1605 = arith.addi %add3A_1598, %convert_element_type3A_1604 : vector<16xi32>
        %mul3A_1606 = arith.constant 0.0495155677 : f32
        %mul3A_1607 = vector.broadcast %mul3A_1606 : f32 to vector<16xf32>
        %mul3A_1608 = arith.mulf %mul3A_1607, %add3A_1585 : vector<16xf32>
        %lt3A_1609 = arith.cmpf olt, %mul3A_1586, %mul3A_1608 : vector<16xf32>
        %or3A_1610 = arith.ori %lt3A_1589, %lt3A_1609 : vector<16xi1>
        %convert_element_type3A_1611 = arith.extui %or3A_1610 : vector<16xi1> to vector<16xi32>
        %add3A_1612 = arith.addi %add3A_1605, %convert_element_type3A_1611 : vector<16xi32>
        %mul3A_1613 = arith.constant 0.0495155677 : f32
        %mul3A_1614 = vector.broadcast %mul3A_1613 : f32 to vector<16xf32>
        %mul3A_1615 = arith.mulf %mul3A_1614, %add3A_1585 : vector<16xf32>
        %gt3A_1616 = arith.cmpf ogt, %mul3A_1586, %mul3A_1615 : vector<16xf32>
        %and3A_1617 = arith.andi %lt3A_1589, %gt3A_1616 : vector<16xi1>
        %convert_element_type3A_1618 = arith.extui %and3A_1617 : vector<16xi1> to vector<16xi32>
        %add3A_1619 = arith.addi %add3A_1612, %convert_element_type3A_1618 : vector<16xi32>
        %mul3A_1620 = arith.constant 0.388739526 : f32
        %mul3A_1621 = vector.broadcast %mul3A_1620 : f32 to vector<16xf32>
        %mul3A_1622 = arith.mulf %mul3A_1621, %add3A_1585 : vector<16xf32>
        %gt3A_1623 = arith.cmpf ogt, %mul3A_1586, %mul3A_1622 : vector<16xf32>
        %and3A_1624 = arith.andi %lt3A_1589, %gt3A_1623 : vector<16xi1>
        %convert_element_type3A_1625 = arith.extui %and3A_1624 : vector<16xi1> to vector<16xi32>
        %add3A_1626 = arith.addi %add3A_1619, %convert_element_type3A_1625 : vector<16xi32>
        %mul3A_1627 = arith.constant 0.811744928 : f32
        %mul3A_1628 = vector.broadcast %mul3A_1627 : f32 to vector<16xf32>
        %mul3A_1629 = arith.mulf %mul3A_1628, %add3A_1585 : vector<16xf32>
        %gt3A_1630 = arith.cmpf ogt, %mul3A_1586, %mul3A_1629 : vector<16xf32>
        %and3A_1631 = arith.andi %lt3A_1589, %gt3A_1630 : vector<16xi1>
        %convert_element_type3A_1632 = arith.extui %and3A_1631 : vector<16xi1> to vector<16xi32>
        %add3A_1633 = arith.addi %add3A_1626, %convert_element_type3A_1632 : vector<16xi32>
        %eq3A_1634 = arith.constant 0.000000e+00 : f32
        %eq3A_1635 = vector.broadcast %eq3A_1634 : f32 to vector<16xf32>
        %eq3A_1636 = arith.cmpf oeq, %add3A_1585, %eq3A_1635 : vector<16xf32>
        %jit3A_1637 = arith.constant 3 : i32
        %broadcast_in_dim3A_1638 = vector.broadcast %jit3A_1637 : i32 to vector<16xi32>
        %select_n3A_1639 = arith.select %eq3A_1636, %broadcast_in_dim3A_1638, %add3A_1633 : vector<16xi1>, vector<16xi32>
        %mul3A_1640 = arith.constant 7 : i32
        %mul3A_1641 = vector.broadcast %mul3A_1640 : i32 to vector<16xi32>
        %mul3A_1642 = arith.muli %get3A_1565, %mul3A_1641 : vector<16xi32>
        %add3A_1643 = arith.addi %mul3A_1642, %select_n3A_1639 : vector<16xi32>
        %swap3A_1644 = arith.constant 32 : index
        %swap3A_1645 = tpu.vector_load %arg27[%swap3A_1644] {strides = array<i32>} : memref<80xi32, #tpu.memory_space<vmem>>, vector<16xi32>,
        tpu.vector_store %arg27[%swap3A_1644], %add3A_1643 {strides = array<i32>} : memref<80xi32, #tpu.memory_space<vmem>>, vector<16xi32>,
        %mul3A_1646 = arith.constant 7 : i32
        %mul3A_1647 = vector.broadcast %mul3A_1646 : i32 to vector<16xi32>
        %mul3A_1648 = arith.muli %get3A_1561, %mul3A_1647 : vector<16xi32>
        %add3A_1649 = arith.addi %mul3A_1648, %select_n3A_1639 : vector<16xi32>
        %swap3A_1650 = arith.constant 32 : index
        %swap3A_1651 = tpu.vector_load %arg30[%swap3A_1650] {strides = array<i32>} : memref<80xi32, #tpu.memory_space<vmem>>, vector<16xi32>,
        tpu.vector_store %arg30[%swap3A_1650], %add3A_1649 {strides = array<i32>} : memref<80xi32, #tpu.memory_space<vmem>>, vector<16xi32>,
        %get3A_1652 = arith.constant 0 : i32
        %get3A_1653 = arith.index_cast %get3A_1652 : i32 to index
        %get3A_1654 = arith.constant 48 : index
        %get3A_1655 = tpu.vector_load %arg21[%get3A_1653, %get3A_1654] {strides = array<i32>} : memref<3x80xi32, #tpu.memory_space<vmem>>, vector<16xi32>,
        %get3A_1656 = arith.constant 1 : i32
        %get3A_1657 = arith.index_cast %get3A_1656 : i32 to index
        %get3A_1658 = arith.constant 48 : index
        %get3A_1659 = tpu.vector_load %arg21[%get3A_1657, %get3A_1658] {strides = array<i32>} : memref<3x80xi32, #tpu.memory_space<vmem>>, vector<16xi32>,
        %get3A_1660 = arith.constant 48 : index
        %get3A_1661 = tpu.vector_load %arg46[%get3A_1660] {strides = array<i32>} : memref<80xf32, #tpu.memory_space<vmem>>, vector<16xf32>,
        %get3A_1662 = arith.constant 48 : index
        %get3A_1663 = tpu.vector_load %arg43[%get3A_1662] {strides = array<i32>} : memref<80xf32, #tpu.memory_space<vmem>>, vector<16xf32>,
        %sub3A_1664 = arith.subf %get3A_1661, %get3A_1663 : vector<16xf32>
        %get3A_1665 = arith.constant 48 : index
        %get3A_1666 = tpu.vector_load %arg47[%get3A_1665] {strides = array<i32>} : memref<80xf32, #tpu.memory_space<vmem>>, vector<16xf32>,
        %get3A_1667 = arith.constant 48 : index
        %get3A_1668 = tpu.vector_load %arg44[%get3A_1667] {strides = array<i32>} : memref<80xf32, #tpu.memory_space<vmem>>, vector<16xf32>,
        %sub3A_1669 = arith.subf %get3A_1666, %get3A_1668 : vector<16xf32>
        %get3A_1670 = arith.constant 48 : index
        %get3A_1671 = tpu.vector_load %arg48[%get3A_1670] {strides = array<i32>} : memref<80xf32, #tpu.memory_space<vmem>>, vector<16xf32>,
        %get3A_1672 = arith.constant 48 : index
        %get3A_1673 = tpu.vector_load %arg45[%get3A_1672] {strides = array<i32>} : memref<80xf32, #tpu.memory_space<vmem>>, vector<16xf32>,
        %sub3A_1674 = arith.subf %get3A_1671, %get3A_1673 : vector<16xf32>
        %mul3A_1675 = arith.mulf %sub3A_1664, %sub3A_1664 : vector<16xf32>
        %mul3A_1676 = arith.mulf %sub3A_1669, %sub3A_1669 : vector<16xf32>
        %add3A_1677 = arith.addf %mul3A_1675, %mul3A_1676 : vector<16xf32>
        %mul3A_1678 = arith.mulf %sub3A_1674, %sub3A_1674 : vector<16xf32>
        %add3A_1679 = arith.addf %add3A_1677, %mul3A_1678 : vector<16xf32>
        %mul3A_1680 = arith.mulf %sub3A_1664, %sub3A_1664 : vector<16xf32>
        %lt3A_1681 = arith.constant 0.000000e+00 : f32
        %lt3A_1682 = vector.broadcast %lt3A_1681 : f32 to vector<16xf32>
        %lt3A_1683 = arith.cmpf olt, %sub3A_1664, %lt3A_1682 : vector<16xf32>
        %broadcast_in_dim3A_1684 = arith.constant 0 : i32
        %broadcast_in_dim3A_1685 = vector.broadcast %broadcast_in_dim3A_1684 : i32 to vector<16xi32>
        %mul3A_1686 = arith.constant 0.811744928 : f32
        %mul3A_1687 = vector.broadcast %mul3A_1686 : f32 to vector<16xf32>
        %mul3A_1688 = arith.mulf %mul3A_1687, %add3A_1679 : vector<16xf32>
        %lt3A_1689 = arith.cmpf olt, %mul3A_1680, %mul3A_1688 : vector<16xf32>
        %or3A_1690 = arith.ori %lt3A_1683, %lt3A_1689 : vector<16xi1>
        %convert_element_type3A_1691 = arith.extui %or3A_1690 : vector<16xi1> to vector<16xi32>
        %add3A_1692 = arith.addi %broadcast_in_dim3A_1685, %convert_element_type3A_1691 : vector<16xi32>
        %mul3A_1693 = arith.constant 0.388739526 : f32
        %mul3A_1694 = vector.broadcast %mul3A_1693 : f32 to vector<16xf32>
        %mul3A_1695 = arith.mulf %mul3A_1694, %add3A_1679 : vector<16xf32>
        %lt3A_1696 = arith.cmpf olt, %mul3A_1680, %mul3A_1695 : vector<16xf32>
        %or3A_1697 = arith.ori %lt3A_1683, %lt3A_1696 : vector<16xi1>
        %convert_element_type3A_1698 = arith.extui %or3A_1697 : vector<16xi1> to vector<16xi32>
        %add3A_1699 = arith.addi %add3A_1692, %convert_element_type3A_1698 : vector<16xi32>
        %mul3A_1700 = arith.constant 0.0495155677 : f32
        %mul3A_1701 = vector.broadcast %mul3A_1700 : f32 to vector<16xf32>
        %mul3A_1702 = arith.mulf %mul3A_1701, %add3A_1679 : vector<16xf32>
        %lt3A_1703 = arith.cmpf olt, %mul3A_1680, %mul3A_1702 : vector<16xf32>
        %or3A_1704 = arith.ori %lt3A_1683, %lt3A_1703 : vector<16xi1>
        %convert_element_type3A_1705 = arith.extui %or3A_1704 : vector<16xi1> to vector<16xi32>
        %add3A_1706 = arith.addi %add3A_1699, %convert_element_type3A_1705 : vector<16xi32>
        %mul3A_1707 = arith.constant 0.0495155677 : f32
        %mul3A_1708 = vector.broadcast %mul3A_1707 : f32 to vector<16xf32>
        %mul3A_1709 = arith.mulf %mul3A_1708, %add3A_1679 : vector<16xf32>
        %gt3A_1710 = arith.cmpf ogt, %mul3A_1680, %mul3A_1709 : vector<16xf32>
        %and3A_1711 = arith.andi %lt3A_1683, %gt3A_1710 : vector<16xi1>
        %convert_element_type3A_1712 = arith.extui %and3A_1711 : vector<16xi1> to vector<16xi32>
        %add3A_1713 = arith.addi %add3A_1706, %convert_element_type3A_1712 : vector<16xi32>
        %mul3A_1714 = arith.constant 0.388739526 : f32
        %mul3A_1715 = vector.broadcast %mul3A_1714 : f32 to vector<16xf32>
        %mul3A_1716 = arith.mulf %mul3A_1715, %add3A_1679 : vector<16xf32>
        %gt3A_1717 = arith.cmpf ogt, %mul3A_1680, %mul3A_1716 : vector<16xf32>
        %and3A_1718 = arith.andi %lt3A_1683, %gt3A_1717 : vector<16xi1>
        %convert_element_type3A_1719 = arith.extui %and3A_1718 : vector<16xi1> to vector<16xi32>
        %add3A_1720 = arith.addi %add3A_1713, %convert_element_type3A_1719 : vector<16xi32>
        %mul3A_1721 = arith.constant 0.811744928 : f32
        %mul3A_1722 = vector.broadcast %mul3A_1721 : f32 to vector<16xf32>
        %mul3A_1723 = arith.mulf %mul3A_1722, %add3A_1679 : vector<16xf32>
        %gt3A_1724 = arith.cmpf ogt, %mul3A_1680, %mul3A_1723 : vector<16xf32>
        %and3A_1725 = arith.andi %lt3A_1683, %gt3A_1724 : vector<16xi1>
        %convert_element_type3A_1726 = arith.extui %and3A_1725 : vector<16xi1> to vector<16xi32>
        %add3A_1727 = arith.addi %add3A_1720, %convert_element_type3A_1726 : vector<16xi32>
        %eq3A_1728 = arith.constant 0.000000e+00 : f32
        %eq3A_1729 = vector.broadcast %eq3A_1728 : f32 to vector<16xf32>
        %eq3A_1730 = arith.cmpf oeq, %add3A_1679, %eq3A_1729 : vector<16xf32>
        %jit3A_1731 = arith.constant 3 : i32
        %broadcast_in_dim3A_1732 = vector.broadcast %jit3A_1731 : i32 to vector<16xi32>
        %select_n3A_1733 = arith.select %eq3A_1730, %broadcast_in_dim3A_1732, %add3A_1727 : vector<16xi1>, vector<16xi32>
        %mul3A_1734 = arith.constant 7 : i32
        %mul3A_1735 = vector.broadcast %mul3A_1734 : i32 to vector<16xi32>
        %mul3A_1736 = arith.muli %get3A_1659, %mul3A_1735 : vector<16xi32>
        %add3A_1737 = arith.addi %mul3A_1736, %select_n3A_1733 : vector<16xi32>
        %swap3A_1738 = arith.constant 48 : index
        %swap3A_1739 = tpu.vector_load %arg27[%swap3A_1738] {strides = array<i32>} : memref<80xi32, #tpu.memory_space<vmem>>, vector<16xi32>,
        tpu.vector_store %arg27[%swap3A_1738], %add3A_1737 {strides = array<i32>} : memref<80xi32, #tpu.memory_space<vmem>>, vector<16xi32>,
        %mul3A_1740 = arith.constant 7 : i32
        %mul3A_1741 = vector.broadcast %mul3A_1740 : i32 to vector<16xi32>
        %mul3A_1742 = arith.muli %get3A_1655, %mul3A_1741 : vector<16xi32>
        %add3A_1743 = arith.addi %mul3A_1742, %select_n3A_1733 : vector<16xi32>
        %swap3A_1744 = arith.constant 48 : index
        %swap3A_1745 = tpu.vector_load %arg30[%swap3A_1744] {strides = array<i32>} : memref<80xi32, #tpu.memory_space<vmem>>, vector<16xi32>,
        tpu.vector_store %arg30[%swap3A_1744], %add3A_1743 {strides = array<i32>} : memref<80xi32, #tpu.memory_space<vmem>>, vector<16xi32>,
        %get3A_1746 = arith.constant 0 : i32
        %get3A_1747 = arith.index_cast %get3A_1746 : i32 to index
        %get3A_1748 = arith.constant 64 : index
        %get3A_1749 = tpu.vector_load %arg21[%get3A_1747, %get3A_1748] {strides = array<i32>} : memref<3x80xi32, #tpu.memory_space<vmem>>, vector<16xi32>,
        %get3A_1750 = arith.constant 1 : i32
        %get3A_1751 = arith.index_cast %get3A_1750 : i32 to index
        %get3A_1752 = arith.constant 64 : index
        %get3A_1753 = tpu.vector_load %arg21[%get3A_1751, %get3A_1752] {strides = array<i32>} : memref<3x80xi32, #tpu.memory_space<vmem>>, vector<16xi32>,
        %get3A_1754 = arith.constant 64 : index
        %get3A_1755 = tpu.vector_load %arg46[%get3A_1754] {strides = array<i32>} : memref<80xf32, #tpu.memory_space<vmem>>, vector<16xf32>,
        %get3A_1756 = arith.constant 64 : index
        %get3A_1757 = tpu.vector_load %arg43[%get3A_1756] {strides = array<i32>} : memref<80xf32, #tpu.memory_space<vmem>>, vector<16xf32>,
        %sub3A_1758 = arith.subf %get3A_1755, %get3A_1757 : vector<16xf32>
        %get3A_1759 = arith.constant 64 : index
        %get3A_1760 = tpu.vector_load %arg47[%get3A_1759] {strides = array<i32>} : memref<80xf32, #tpu.memory_space<vmem>>, vector<16xf32>,
        %get3A_1761 = arith.constant 64 : index
        %get3A_1762 = tpu.vector_load %arg44[%get3A_1761] {strides = array<i32>} : memref<80xf32, #tpu.memory_space<vmem>>, vector<16xf32>,
        %sub3A_1763 = arith.subf %get3A_1760, %get3A_1762 : vector<16xf32>
        %get3A_1764 = arith.constant 64 : index
        %get3A_1765 = tpu.vector_load %arg48[%get3A_1764] {strides = array<i32>} : memref<80xf32, #tpu.memory_space<vmem>>, vector<16xf32>,
        %get3A_1766 = arith.constant 64 : index
        %get3A_1767 = tpu.vector_load %arg45[%get3A_1766] {strides = array<i32>} : memref<80xf32, #tpu.memory_space<vmem>>, vector<16xf32>,
        %sub3A_1768 = arith.subf %get3A_1765, %get3A_1767 : vector<16xf32>
        %mul3A_1769 = arith.mulf %sub3A_1758, %sub3A_1758 : vector<16xf32>
        %mul3A_1770 = arith.mulf %sub3A_1763, %sub3A_1763 : vector<16xf32>
        %add3A_1771 = arith.addf %mul3A_1769, %mul3A_1770 : vector<16xf32>
        %mul3A_1772 = arith.mulf %sub3A_1768, %sub3A_1768 : vector<16xf32>
        %add3A_1773 = arith.addf %add3A_1771, %mul3A_1772 : vector<16xf32>
        %mul3A_1774 = arith.mulf %sub3A_1758, %sub3A_1758 : vector<16xf32>
        %lt3A_1775 = arith.constant 0.000000e+00 : f32
        %lt3A_1776 = vector.broadcast %lt3A_1775 : f32 to vector<16xf32>
        %lt3A_1777 = arith.cmpf olt, %sub3A_1758, %lt3A_1776 : vector<16xf32>
        %broadcast_in_dim3A_1778 = arith.constant 0 : i32
        %broadcast_in_dim3A_1779 = vector.broadcast %broadcast_in_dim3A_1778 : i32 to vector<16xi32>
        %mul3A_1780 = arith.constant 0.811744928 : f32
        %mul3A_1781 = vector.broadcast %mul3A_1780 : f32 to vector<16xf32>
        %mul3A_1782 = arith.mulf %mul3A_1781, %add3A_1773 : vector<16xf32>
        %lt3A_1783 = arith.cmpf olt, %mul3A_1774, %mul3A_1782 : vector<16xf32>
        %or3A_1784 = arith.ori %lt3A_1777, %lt3A_1783 : vector<16xi1>
        %convert_element_type3A_1785 = arith.extui %or3A_1784 : vector<16xi1> to vector<16xi32>
        %add3A_1786 = arith.addi %broadcast_in_dim3A_1779, %convert_element_type3A_1785 : vector<16xi32>
        %mul3A_1787 = arith.constant 0.388739526 : f32
        %mul3A_1788 = vector.broadcast %mul3A_1787 : f32 to vector<16xf32>
        %mul3A_1789 = arith.mulf %mul3A_1788, %add3A_1773 : vector<16xf32>
        %lt3A_1790 = arith.cmpf olt, %mul3A_1774, %mul3A_1789 : vector<16xf32>
        %or3A_1791 = arith.ori %lt3A_1777, %lt3A_1790 : vector<16xi1>
        %convert_element_type3A_1792 = arith.extui %or3A_1791 : vector<16xi1> to vector<16xi32>
        %add3A_1793 = arith.addi %add3A_1786, %convert_element_type3A_1792 : vector<16xi32>
        %mul3A_1794 = arith.constant 0.0495155677 : f32
        %mul3A_1795 = vector.broadcast %mul3A_1794 : f32 to vector<16xf32>
        %mul3A_1796 = arith.mulf %mul3A_1795, %add3A_1773 : vector<16xf32>
        %lt3A_1797 = arith.cmpf olt, %mul3A_1774, %mul3A_1796 : vector<16xf32>
        %or3A_1798 = arith.ori %lt3A_1777, %lt3A_1797 : vector<16xi1>
        %convert_element_type3A_1799 = arith.extui %or3A_1798 : vector<16xi1> to vector<16xi32>
        %add3A_1800 = arith.addi %add3A_1793, %convert_element_type3A_1799 : vector<16xi32>
        %mul3A_1801 = arith.constant 0.0495155677 : f32
        %mul3A_1802 = vector.broadcast %mul3A_1801 : f32 to vector<16xf32>
        %mul3A_1803 = arith.mulf %mul3A_1802, %add3A_1773 : vector<16xf32>
        %gt3A_1804 = arith.cmpf ogt, %mul3A_1774, %mul3A_1803 : vector<16xf32>
        %and3A_1805 = arith.andi %lt3A_1777, %gt3A_1804 : vector<16xi1>
        %convert_element_type3A_1806 = arith.extui %and3A_1805 : vector<16xi1> to vector<16xi32>
        %add3A_1807 = arith.addi %add3A_1800, %convert_element_type3A_1806 : vector<16xi32>
        %mul3A_1808 = arith.constant 0.388739526 : f32
        %mul3A_1809 = vector.broadcast %mul3A_1808 : f32 to vector<16xf32>
        %mul3A_1810 = arith.mulf %mul3A_1809, %add3A_1773 : vector<16xf32>
        %gt3A_1811 = arith.cmpf ogt, %mul3A_1774, %mul3A_1810 : vector<16xf32>
        %and3A_1812 = arith.andi %lt3A_1777, %gt3A_1811 : vector<16xi1>
        %convert_element_type3A_1813 = arith.extui %and3A_1812 : vector<16xi1> to vector<16xi32>
        %add3A_1814 = arith.addi %add3A_1807, %convert_element_type3A_1813 : vector<16xi32>
        %mul3A_1815 = arith.constant 0.811744928 : f32
        %mul3A_1816 = vector.broadcast %mul3A_1815 : f32 to vector<16xf32>
        %mul3A_1817 = arith.mulf %mul3A_1816, %add3A_1773 : vector<16xf32>
        %gt3A_1818 = arith.cmpf ogt, %mul3A_1774, %mul3A_1817 : vector<16xf32>
        %and3A_1819 = arith.andi %lt3A_1777, %gt3A_1818 : vector<16xi1>
        %convert_element_type3A_1820 = arith.extui %and3A_1819 : vector<16xi1> to vector<16xi32>
        %add3A_1821 = arith.addi %add3A_1814, %convert_element_type3A_1820 : vector<16xi32>
        %eq3A_1822 = arith.constant 0.000000e+00 : f32
        %eq3A_1823 = vector.broadcast %eq3A_1822 : f32 to vector<16xf32>
        %eq3A_1824 = arith.cmpf oeq, %add3A_1773, %eq3A_1823 : vector<16xf32>
        %jit3A_1825 = arith.constant 3 : i32
        %broadcast_in_dim3A_1826 = vector.broadcast %jit3A_1825 : i32 to vector<16xi32>
        %select_n3A_1827 = arith.select %eq3A_1824, %broadcast_in_dim3A_1826, %add3A_1821 : vector<16xi1>, vector<16xi32>
        %mul3A_1828 = arith.constant 7 : i32
        %mul3A_1829 = vector.broadcast %mul3A_1828 : i32 to vector<16xi32>
        %mul3A_1830 = arith.muli %get3A_1753, %mul3A_1829 : vector<16xi32>
        %add3A_1831 = arith.addi %mul3A_1830, %select_n3A_1827 : vector<16xi32>
        %swap3A_1832 = arith.constant 64 : index
        %swap3A_1833 = tpu.vector_load %arg27[%swap3A_1832] {strides = array<i32>} : memref<80xi32, #tpu.memory_space<vmem>>, vector<16xi32>,
        tpu.vector_store %arg27[%swap3A_1832], %add3A_1831 {strides = array<i32>} : memref<80xi32, #tpu.memory_space<vmem>>, vector<16xi32>,
        %mul3A_1834 = arith.constant 7 : i32
        %mul3A_1835 = vector.broadcast %mul3A_1834 : i32 to vector<16xi32>
        %mul3A_1836 = arith.muli %get3A_1749, %mul3A_1835 : vector<16xi32>
        %add3A_1837 = arith.addi %mul3A_1836, %select_n3A_1827 : vector<16xi32>
        %swap3A_1838 = arith.constant 64 : index
        %swap3A_1839 = tpu.vector_load %arg30[%swap3A_1838] {strides = array<i32>} : memref<80xi32, #tpu.memory_space<vmem>>, vector<16xi32>,
        tpu.vector_store %arg30[%swap3A_1838], %add3A_1837 {strides = array<i32>} : memref<80xi32, #tpu.memory_space<vmem>>, vector<16xi32>,
        %dma_start3A_1840 = arith.constant 0 : i32
        %dma_start3A_1841 = arith.constant 0 : i32
        %dma_start3A_1842 = tpu.memref_slice %arg6[%dma_start3A_1840, %dma_start3A_1841] : memref<71680x128xf32, #tpu.memory_space<hbm>> -> memref<71680x128xf32, #tpu.memory_space<hbm>>
        tpu.enqueue_indirect_dma source(%dma_start3A_1842 : memref<71680x128xf32, #tpu.memory_space<hbm>>) target(%arg51 : memref<80x128xf32, #tpu.memory_space<vmem>>) offsets(%arg27 : memref<80xi32, #tpu.memory_space<vmem>>) semaphore(%arg61 : memref<!tpu.dma_semaphore, #tpu.memory_space<semaphore_mem>>)
        %get3A_1843 = arith.constant 2 : i32
        %get3A_1844 = arith.index_cast %get3A_1843 : i32 to index
        %get3A_1845 = arith.constant 0 : index
        %get3A_1846 = tpu.vector_load %arg21[%get3A_1844, %get3A_1845] {strides = array<i32>} : memref<3x80xi32, #tpu.memory_space<vmem>>, vector<16xi32>,
        %bitcast3A_1847 = vector.bitcast %get3A_1846 : vector<16xi32> to vector<16xf32>
        %swap3A_1848 = arith.constant 0 : index
        %swap3A_1849 = tpu.vector_load %arg24[%swap3A_1848] {strides = array<i32>} : memref<80xf32, #tpu.memory_space<vmem>>, vector<16xf32>,
        tpu.vector_store %arg24[%swap3A_1848], %bitcast3A_1847 {strides = array<i32>} : memref<80xf32, #tpu.memory_space<vmem>>, vector<16xf32>,
        %get3A_1850 = arith.constant 2 : i32
        %get3A_1851 = arith.index_cast %get3A_1850 : i32 to index
        %get3A_1852 = arith.constant 16 : index
        %get3A_1853 = tpu.vector_load %arg21[%get3A_1851, %get3A_1852] {strides = array<i32>} : memref<3x80xi32, #tpu.memory_space<vmem>>, vector<16xi32>,
        %bitcast3A_1854 = vector.bitcast %get3A_1853 : vector<16xi32> to vector<16xf32>
        %swap3A_1855 = arith.constant 16 : index
        %swap3A_1856 = tpu.vector_load %arg24[%swap3A_1855] {strides = array<i32>} : memref<80xf32, #tpu.memory_space<vmem>>, vector<16xf32>,
        tpu.vector_store %arg24[%swap3A_1855], %bitcast3A_1854 {strides = array<i32>} : memref<80xf32, #tpu.memory_space<vmem>>, vector<16xf32>,
        %get3A_1857 = arith.constant 2 : i32
        %get3A_1858 = arith.index_cast %get3A_1857 : i32 to index
        %get3A_1859 = arith.constant 32 : index
        %get3A_1860 = tpu.vector_load %arg21[%get3A_1858, %get3A_1859] {strides = array<i32>} : memref<3x80xi32, #tpu.memory_space<vmem>>, vector<16xi32>,
        %bitcast3A_1861 = vector.bitcast %get3A_1860 : vector<16xi32> to vector<16xf32>
        %swap3A_1862 = arith.constant 32 : index
        %swap3A_1863 = tpu.vector_load %arg24[%swap3A_1862] {strides = array<i32>} : memref<80xf32, #tpu.memory_space<vmem>>, vector<16xf32>,
        tpu.vector_store %arg24[%swap3A_1862], %bitcast3A_1861 {strides = array<i32>} : memref<80xf32, #tpu.memory_space<vmem>>, vector<16xf32>,
        %get3A_1864 = arith.constant 2 : i32
        %get3A_1865 = arith.index_cast %get3A_1864 : i32 to index
        %get3A_1866 = arith.constant 48 : index
        %get3A_1867 = tpu.vector_load %arg21[%get3A_1865, %get3A_1866] {strides = array<i32>} : memref<3x80xi32, #tpu.memory_space<vmem>>, vector<16xi32>,
        %bitcast3A_1868 = vector.bitcast %get3A_1867 : vector<16xi32> to vector<16xf32>
        %swap3A_1869 = arith.constant 48 : index
        %swap3A_1870 = tpu.vector_load %arg24[%swap3A_1869] {strides = array<i32>} : memref<80xf32, #tpu.memory_space<vmem>>, vector<16xf32>,
        tpu.vector_store %arg24[%swap3A_1869], %bitcast3A_1868 {strides = array<i32>} : memref<80xf32, #tpu.memory_space<vmem>>, vector<16xf32>,
        %get3A_1871 = arith.constant 2 : i32
        %get3A_1872 = arith.index_cast %get3A_1871 : i32 to index
        %get3A_1873 = arith.constant 64 : index
        %get3A_1874 = tpu.vector_load %arg21[%get3A_1872, %get3A_1873] {strides = array<i32>} : memref<3x80xi32, #tpu.memory_space<vmem>>, vector<16xi32>,
        %bitcast3A_1875 = vector.bitcast %get3A_1874 : vector<16xi32> to vector<16xf32>
        %swap3A_1876 = arith.constant 64 : index
        %swap3A_1877 = tpu.vector_load %arg24[%swap3A_1876] {strides = array<i32>} : memref<80xf32, #tpu.memory_space<vmem>>, vector<16xf32>,
        tpu.vector_store %arg24[%swap3A_1876], %bitcast3A_1875 {strides = array<i32>} : memref<80xf32, #tpu.memory_space<vmem>>, vector<16xf32>,
        %dma_wait3A_1878 = arith.constant 0 : i32
        %dma_wait3A_1879 = arith.constant 0 : i32
        %dma_wait3A_1880 = tpu.memref_slice %arg6[%dma_wait3A_1878, %dma_wait3A_1879] : memref<71680x128xf32, #tpu.memory_space<hbm>> -> memref<71680x128xf32, #tpu.memory_space<hbm>>
        tpu.wait_indirect_dma semaphore(%arg59 : memref<!tpu.dma_semaphore, #tpu.memory_space<semaphore_mem>>) src(%dma_wait3A_1880 : memref<71680x128xf32, #tpu.memory_space<hbm>>) dst(%arg49 : memref<80x128xf32, #tpu.memory_space<vmem>>)
        %dma_start3A_1881 = arith.constant 0 : i32
        %dma_start3A_1882 = arith.constant 0 : i32
        %dma_start3A_1883 = tpu.memref_slice %arg19[%dma_start3A_1881, %dma_start3A_1882] : memref<3x80xi32, #tpu.memory_space<vmem>> -> memref<1x80xi32, #tpu.memory_space<vmem>>
        %dma_start3A_1884 = tpu.memref_squeeze %dma_start3A_1883 : memref<1x80xi32, #tpu.memory_space<vmem>> -> memref<80xi32, #tpu.memory_space<vmem>>
        %dma_start3A_1885 = arith.constant 0 : i32
        %dma_start3A_1886 = arith.constant 0 : i32
        %dma_start3A_1887 = tpu.memref_slice %arg16[%dma_start3A_1885, %dma_start3A_1886] : memref<10240x128xf32, #tpu.memory_space<vmem_shared>> -> memref<10240x128xf32, #tpu.memory_space<vmem_shared>>
        tpu.enqueue_indirect_dma source(%arg49 : memref<80x128xf32, #tpu.memory_space<vmem>>) target(%dma_start3A_1887 : memref<10240x128xf32, #tpu.memory_space<vmem_shared>>) offsets(%dma_start3A_1884 : memref<80xi32, #tpu.memory_space<vmem>>) semaphore(%arg62 : memref<!tpu.dma_semaphore, #tpu.memory_space<semaphore_mem>>) {add = true}
        %dma_start3A_1888 = arith.constant 0 : i32
        %dma_start3A_1889 = tpu.memref_slice %arg17[%dma_start3A_1888] : memref<71680xf32, #tpu.memory_space<vmem_shared>> -> memref<71680xf32, #tpu.memory_space<vmem_shared>>
        tpu.enqueue_indirect_dma source(%arg52 : memref<80xf32, #tpu.memory_space<vmem>>) target(%dma_start3A_1889 : memref<71680xf32, #tpu.memory_space<vmem_shared>>) offsets(%arg28 : memref<80xi32, #tpu.memory_space<vmem>>) semaphore(%arg62 : memref<!tpu.dma_semaphore, #tpu.memory_space<semaphore_mem>>) {add = true}
        %dma_start3A_1890 = arith.constant 0 : i32
        %dma_start3A_1891 = tpu.memref_slice %arg18[%dma_start3A_1890] : memref<71680xf32, #tpu.memory_space<vmem_shared>> -> memref<71680xf32, #tpu.memory_space<vmem_shared>>
        tpu.enqueue_indirect_dma source(%arg22 : memref<80xf32, #tpu.memory_space<vmem>>) target(%dma_start3A_1891 : memref<71680xf32, #tpu.memory_space<vmem_shared>>) offsets(%arg28 : memref<80xi32, #tpu.memory_space<vmem>>) semaphore(%arg62 : memref<!tpu.dma_semaphore, #tpu.memory_space<semaphore_mem>>) {add = true}
        %dma_wait3A_1892 = arith.constant 0 : i32
        %dma_wait3A_1893 = arith.constant 0 : i32
        %dma_wait3A_1894 = tpu.memref_slice %arg6[%dma_wait3A_1892, %dma_wait3A_1893] : memref<71680x128xf32, #tpu.memory_space<hbm>> -> memref<71680x128xf32, #tpu.memory_space<hbm>>
        tpu.wait_indirect_dma semaphore(%arg60 : memref<!tpu.dma_semaphore, #tpu.memory_space<semaphore_mem>>) src(%dma_wait3A_1894 : memref<71680x128xf32, #tpu.memory_space<hbm>>) dst(%arg50 : memref<80x128xf32, #tpu.memory_space<vmem>>)
        %dma_start3A_1895 = arith.constant 0 : i32
        %dma_start3A_1896 = arith.constant 0 : i32
        %dma_start3A_1897 = tpu.memref_slice %arg20[%dma_start3A_1895, %dma_start3A_1896] : memref<3x80xi32, #tpu.memory_space<vmem>> -> memref<1x80xi32, #tpu.memory_space<vmem>>
        %dma_start3A_1898 = tpu.memref_squeeze %dma_start3A_1897 : memref<1x80xi32, #tpu.memory_space<vmem>> -> memref<80xi32, #tpu.memory_space<vmem>>
        %dma_start3A_1899 = arith.constant 0 : i32
        %dma_start3A_1900 = arith.constant 0 : i32
        %dma_start3A_1901 = tpu.memref_slice %arg16[%dma_start3A_1899, %dma_start3A_1900] : memref<10240x128xf32, #tpu.memory_space<vmem_shared>> -> memref<10240x128xf32, #tpu.memory_space<vmem_shared>>
        tpu.enqueue_indirect_dma source(%arg50 : memref<80x128xf32, #tpu.memory_space<vmem>>) target(%dma_start3A_1901 : memref<10240x128xf32, #tpu.memory_space<vmem_shared>>) offsets(%dma_start3A_1898 : memref<80xi32, #tpu.memory_space<vmem>>) semaphore(%arg62 : memref<!tpu.dma_semaphore, #tpu.memory_space<semaphore_mem>>) {add = true}
        %dma_start3A_1902 = arith.constant 0 : i32
        %dma_start3A_1903 = tpu.memref_slice %arg17[%dma_start3A_1902] : memref<71680xf32, #tpu.memory_space<vmem_shared>> -> memref<71680xf32, #tpu.memory_space<vmem_shared>>
        tpu.enqueue_indirect_dma source(%arg52 : memref<80xf32, #tpu.memory_space<vmem>>) target(%dma_start3A_1903 : memref<71680xf32, #tpu.memory_space<vmem_shared>>) offsets(%arg29 : memref<80xi32, #tpu.memory_space<vmem>>) semaphore(%arg62 : memref<!tpu.dma_semaphore, #tpu.memory_space<semaphore_mem>>) {add = true}
        %dma_start3A_1904 = arith.constant 0 : i32
        %dma_start3A_1905 = tpu.memref_slice %arg18[%dma_start3A_1904] : memref<71680xf32, #tpu.memory_space<vmem_shared>> -> memref<71680xf32, #tpu.memory_space<vmem_shared>>
        tpu.enqueue_indirect_dma source(%arg23 : memref<80xf32, #tpu.memory_space<vmem>>) target(%dma_start3A_1905 : memref<71680xf32, #tpu.memory_space<vmem_shared>>) offsets(%arg29 : memref<80xi32, #tpu.memory_space<vmem>>) semaphore(%arg62 : memref<!tpu.dma_semaphore, #tpu.memory_space<semaphore_mem>>) {add = true}
        %dma_wait3A_1906 = arith.constant 0 : i32
        %dma_wait3A_1907 = arith.constant 0 : i32
        %dma_wait3A_1908 = tpu.memref_slice %arg6[%dma_wait3A_1906, %dma_wait3A_1907] : memref<71680x128xf32, #tpu.memory_space<hbm>> -> memref<71680x128xf32, #tpu.memory_space<hbm>>
        tpu.wait_indirect_dma semaphore(%arg61 : memref<!tpu.dma_semaphore, #tpu.memory_space<semaphore_mem>>) src(%dma_wait3A_1908 : memref<71680x128xf32, #tpu.memory_space<hbm>>) dst(%arg51 : memref<80x128xf32, #tpu.memory_space<vmem>>)
        %dma_start3A_1909 = arith.constant 0 : i32
        %dma_start3A_1910 = arith.constant 0 : i32
        %dma_start3A_1911 = tpu.memref_slice %arg21[%dma_start3A_1909, %dma_start3A_1910] : memref<3x80xi32, #tpu.memory_space<vmem>> -> memref<1x80xi32, #tpu.memory_space<vmem>>
        %dma_start3A_1912 = tpu.memref_squeeze %dma_start3A_1911 : memref<1x80xi32, #tpu.memory_space<vmem>> -> memref<80xi32, #tpu.memory_space<vmem>>
        %dma_start3A_1913 = arith.constant 0 : i32
        %dma_start3A_1914 = arith.constant 0 : i32
        %dma_start3A_1915 = tpu.memref_slice %arg16[%dma_start3A_1913, %dma_start3A_1914] : memref<10240x128xf32, #tpu.memory_space<vmem_shared>> -> memref<10240x128xf32, #tpu.memory_space<vmem_shared>>
        tpu.enqueue_indirect_dma source(%arg51 : memref<80x128xf32, #tpu.memory_space<vmem>>) target(%dma_start3A_1915 : memref<10240x128xf32, #tpu.memory_space<vmem_shared>>) offsets(%dma_start3A_1912 : memref<80xi32, #tpu.memory_space<vmem>>) semaphore(%arg62 : memref<!tpu.dma_semaphore, #tpu.memory_space<semaphore_mem>>) {add = true}
        %dma_start3A_1916 = arith.constant 0 : i32
        %dma_start3A_1917 = tpu.memref_slice %arg17[%dma_start3A_1916] : memref<71680xf32, #tpu.memory_space<vmem_shared>> -> memref<71680xf32, #tpu.memory_space<vmem_shared>>
        tpu.enqueue_indirect_dma source(%arg52 : memref<80xf32, #tpu.memory_space<vmem>>) target(%dma_start3A_1917 : memref<71680xf32, #tpu.memory_space<vmem_shared>>) offsets(%arg30 : memref<80xi32, #tpu.memory_space<vmem>>) semaphore(%arg62 : memref<!tpu.dma_semaphore, #tpu.memory_space<semaphore_mem>>) {add = true}
        %dma_start3A_1918 = arith.constant 0 : i32
        %dma_start3A_1919 = tpu.memref_slice %arg18[%dma_start3A_1918] : memref<71680xf32, #tpu.memory_space<vmem_shared>> -> memref<71680xf32, #tpu.memory_space<vmem_shared>>
        tpu.enqueue_indirect_dma source(%arg24 : memref<80xf32, #tpu.memory_space<vmem>>) target(%dma_start3A_1919 : memref<71680xf32, #tpu.memory_space<vmem_shared>>) offsets(%arg30 : memref<80xi32, #tpu.memory_space<vmem>>) semaphore(%arg62 : memref<!tpu.dma_semaphore, #tpu.memory_space<semaphore_mem>>) {add = true}
        %dma_wait3A_1920 = arith.constant 0 : i32
        %dma_wait3A_1921 = arith.constant 0 : i32
        %dma_wait3A_1922 = tpu.memref_slice %arg19[%dma_wait3A_1920, %dma_wait3A_1921] : memref<3x80xi32, #tpu.memory_space<vmem>> -> memref<1x80xi32, #tpu.memory_space<vmem>>
        %dma_wait3A_1923 = tpu.memref_squeeze %dma_wait3A_1922 : memref<1x80xi32, #tpu.memory_space<vmem>> -> memref<80xi32, #tpu.memory_space<vmem>>
        %dma_wait3A_1924 = arith.constant 0 : i32
        %dma_wait3A_1925 = arith.constant 0 : i32
        %dma_wait3A_1926 = tpu.memref_slice %arg16[%dma_wait3A_1924, %dma_wait3A_1925] : memref<10240x128xf32, #tpu.memory_space<vmem_shared>> -> memref<10240x128xf32, #tpu.memory_space<vmem_shared>>
        tpu.wait_indirect_dma semaphore(%arg62 : memref<!tpu.dma_semaphore, #tpu.memory_space<semaphore_mem>>) src(%arg49 : memref<80x128xf32, #tpu.memory_space<vmem>>) dst(%dma_wait3A_1926 : memref<10240x128xf32, #tpu.memory_space<vmem_shared>>)
        %dma_wait3A_1927 = arith.constant 0 : i32
        %dma_wait3A_1928 = tpu.memref_slice %arg17[%dma_wait3A_1927] : memref<71680xf32, #tpu.memory_space<vmem_shared>> -> memref<71680xf32, #tpu.memory_space<vmem_shared>>
        tpu.wait_indirect_dma semaphore(%arg62 : memref<!tpu.dma_semaphore, #tpu.memory_space<semaphore_mem>>) src(%arg52 : memref<80xf32, #tpu.memory_space<vmem>>) dst(%dma_wait3A_1928 : memref<71680xf32, #tpu.memory_space<vmem_shared>>)
        %dma_wait3A_1929 = arith.constant 0 : i32
        %dma_wait3A_1930 = tpu.memref_slice %arg18[%dma_wait3A_1929] : memref<71680xf32, #tpu.memory_space<vmem_shared>> -> memref<71680xf32, #tpu.memory_space<vmem_shared>>
        tpu.wait_indirect_dma semaphore(%arg62 : memref<!tpu.dma_semaphore, #tpu.memory_space<semaphore_mem>>) src(%arg22 : memref<80xf32, #tpu.memory_space<vmem>>) dst(%dma_wait3A_1930 : memref<71680xf32, #tpu.memory_space<vmem_shared>>)
        %dma_wait3A_1931 = arith.constant 0 : i32
        %dma_wait3A_1932 = arith.constant 0 : i32
        %dma_wait3A_1933 = tpu.memref_slice %arg20[%dma_wait3A_1931, %dma_wait3A_1932] : memref<3x80xi32, #tpu.memory_space<vmem>> -> memref<1x80xi32, #tpu.memory_space<vmem>>
        %dma_wait3A_1934 = tpu.memref_squeeze %dma_wait3A_1933 : memref<1x80xi32, #tpu.memory_space<vmem>> -> memref<80xi32, #tpu.memory_space<vmem>>
        %dma_wait3A_1935 = arith.constant 0 : i32
        %dma_wait3A_1936 = arith.constant 0 : i32
        %dma_wait3A_1937 = tpu.memref_slice %arg16[%dma_wait3A_1935, %dma_wait3A_1936] : memref<10240x128xf32, #tpu.memory_space<vmem_shared>> -> memref<10240x128xf32, #tpu.memory_space<vmem_shared>>
        tpu.wait_indirect_dma semaphore(%arg62 : memref<!tpu.dma_semaphore, #tpu.memory_space<semaphore_mem>>) src(%arg50 : memref<80x128xf32, #tpu.memory_space<vmem>>) dst(%dma_wait3A_1937 : memref<10240x128xf32, #tpu.memory_space<vmem_shared>>)
        %dma_wait3A_1938 = arith.constant 0 : i32
        %dma_wait3A_1939 = tpu.memref_slice %arg17[%dma_wait3A_1938] : memref<71680xf32, #tpu.memory_space<vmem_shared>> -> memref<71680xf32, #tpu.memory_space<vmem_shared>>
        tpu.wait_indirect_dma semaphore(%arg62 : memref<!tpu.dma_semaphore, #tpu.memory_space<semaphore_mem>>) src(%arg52 : memref<80xf32, #tpu.memory_space<vmem>>) dst(%dma_wait3A_1939 : memref<71680xf32, #tpu.memory_space<vmem_shared>>)
        %dma_wait3A_1940 = arith.constant 0 : i32
        %dma_wait3A_1941 = tpu.memref_slice %arg18[%dma_wait3A_1940] : memref<71680xf32, #tpu.memory_space<vmem_shared>> -> memref<71680xf32, #tpu.memory_space<vmem_shared>>
        tpu.wait_indirect_dma semaphore(%arg62 : memref<!tpu.dma_semaphore, #tpu.memory_space<semaphore_mem>>) src(%arg23 : memref<80xf32, #tpu.memory_space<vmem>>) dst(%dma_wait3A_1941 : memref<71680xf32, #tpu.memory_space<vmem_shared>>)
        %dma_wait3A_1942 = arith.constant 0 : i32
        %dma_wait3A_1943 = arith.constant 0 : i32
        %dma_wait3A_1944 = tpu.memref_slice %arg21[%dma_wait3A_1942, %dma_wait3A_1943] : memref<3x80xi32, #tpu.memory_space<vmem>> -> memref<1x80xi32, #tpu.memory_space<vmem>>
        %dma_wait3A_1945 = tpu.memref_squeeze %dma_wait3A_1944 : memref<1x80xi32, #tpu.memory_space<vmem>> -> memref<80xi32, #tpu.memory_space<vmem>>
        %dma_wait3A_1946 = arith.constant 0 : i32
        %dma_wait3A_1947 = arith.constant 0 : i32
        %dma_wait3A_1948 = tpu.memref_slice %arg16[%dma_wait3A_1946, %dma_wait3A_1947] : memref<10240x128xf32, #tpu.memory_space<vmem_shared>> -> memref<10240x128xf32, #tpu.memory_space<vmem_shared>>
        tpu.wait_indirect_dma semaphore(%arg62 : memref<!tpu.dma_semaphore, #tpu.memory_space<semaphore_mem>>) src(%arg51 : memref<80x128xf32, #tpu.memory_space<vmem>>) dst(%dma_wait3A_1948 : memref<10240x128xf32, #tpu.memory_space<vmem_shared>>)
        %dma_wait3A_1949 = arith.constant 0 : i32
        %dma_wait3A_1950 = tpu.memref_slice %arg17[%dma_wait3A_1949] : memref<71680xf32, #tpu.memory_space<vmem_shared>> -> memref<71680xf32, #tpu.memory_space<vmem_shared>>
        tpu.wait_indirect_dma semaphore(%arg62 : memref<!tpu.dma_semaphore, #tpu.memory_space<semaphore_mem>>) src(%arg52 : memref<80xf32, #tpu.memory_space<vmem>>) dst(%dma_wait3A_1950 : memref<71680xf32, #tpu.memory_space<vmem_shared>>)
        %dma_wait3A_1951 = arith.constant 0 : i32
        %dma_wait3A_1952 = tpu.memref_slice %arg18[%dma_wait3A_1951] : memref<71680xf32, #tpu.memory_space<vmem_shared>> -> memref<71680xf32, #tpu.memory_space<vmem_shared>>
        tpu.wait_indirect_dma semaphore(%arg62 : memref<!tpu.dma_semaphore, #tpu.memory_space<semaphore_mem>>) src(%arg24 : memref<80xf32, #tpu.memory_space<vmem>>) dst(%dma_wait3A_1952 : memref<71680xf32, #tpu.memory_space<vmem_shared>>)
      } else {
      }
      %eq3A_118 = arith.constant 1 : i32
      %eq3A_119 = arith.cmpi eq, %arg0, %eq3A_118 : i32
      %convert_element_type3A_120 = arith.extui %eq3A_119 : i1 to i32
      %cond3A_121 = arith.constant 0 : i32
      %cond3A_122 = arith.cmpi ne, %convert_element_type3A_120, %cond3A_121 : i32
      scf.if %cond3A_122 {
        %dma_wait3A = arith.constant 0 : i32
        %dma_wait3A_123 = arith.constant 0 : i32
        %dma_wait3A_124 = tpu.memref_slice %arg2[%add3A_78, %dma_wait3A, %dma_wait3A_123] : memref<2000x3x80xi32, #tpu.memory_space<hbm>> -> memref<1x3x80xi32, #tpu.memory_space<hbm>>
        %dma_wait3A_125 = tpu.memref_squeeze %dma_wait3A_124 : memref<1x3x80xi32, #tpu.memory_space<hbm>> -> memref<3x80xi32, #tpu.memory_space<hbm>>
        %dma_wait3A_126 = arith.constant 0 : i32
        %dma_wait3A_127 = arith.constant 0 : i32
        %dma_wait3A_128 = tpu.memref_slice %arg2[%add3A_78, %dma_wait3A_126, %dma_wait3A_127] : memref<2000x3x80xi32, #tpu.memory_space<hbm>> -> memref<1x3x80xi32, #tpu.memory_space<hbm>>
        %dma_wait3A_129 = tpu.memref_squeeze %dma_wait3A_128 : memref<1x3x80xi32, #tpu.memory_space<hbm>> -> memref<3x80xi32, #tpu.memory_space<hbm>>
        tpu.wait_dma2 semaphore(%arg53 : memref<!tpu.dma_semaphore, #tpu.memory_space<semaphore_mem>>) src(%dma_wait3A_129 : memref<3x80xi32, #tpu.memory_space<hbm>>) dst(%arg19 : memref<3x80xi32, #tpu.memory_space<vmem>>)
        %dma_start3A_130 = arith.constant 0 : i32
        %dma_start3A_131 = arith.constant 0 : i32
        %dma_start3A_132 = tpu.memref_slice %arg19[%dma_start3A_130, %dma_start3A_131] : memref<3x80xi32, #tpu.memory_space<vmem>> -> memref<1x80xi32, #tpu.memory_space<vmem>>
        %dma_start3A_133 = tpu.memref_squeeze %dma_start3A_132 : memref<1x80xi32, #tpu.memory_space<vmem>> -> memref<80xi32, #tpu.memory_space<vmem>>
        %dma_start3A_134 = arith.constant 0 : i32
        %dma_start3A_135 = arith.constant 0 : i32
        %dma_start3A_136 = tpu.memref_slice %arg7[%dma_start3A_134, %dma_start3A_135] : memref<10240x128xf32, #tpu.memory_space<hbm>> -> memref<10240x128xf32, #tpu.memory_space<hbm>>
        tpu.enqueue_indirect_dma source(%dma_start3A_136 : memref<10240x128xf32, #tpu.memory_space<hbm>>) target(%arg49 : memref<80x128xf32, #tpu.memory_space<vmem>>) offsets(%dma_start3A_133 : memref<80xi32, #tpu.memory_space<vmem>>) semaphore(%arg59 : memref<!tpu.dma_semaphore, #tpu.memory_space<semaphore_mem>>)
        %dma_wait3A_137 = arith.constant 0 : i32
        %dma_wait3A_138 = arith.constant 0 : i32
        %dma_wait3A_139 = tpu.memref_slice %arg2[%add3A_91, %dma_wait3A_137, %dma_wait3A_138] : memref<2000x3x80xi32, #tpu.memory_space<hbm>> -> memref<1x3x80xi32, #tpu.memory_space<hbm>>
        %dma_wait3A_140 = tpu.memref_squeeze %dma_wait3A_139 : memref<1x3x80xi32, #tpu.memory_space<hbm>> -> memref<3x80xi32, #tpu.memory_space<hbm>>
        %dma_wait3A_141 = arith.constant 0 : i32
        %dma_wait3A_142 = arith.constant 0 : i32
        %dma_wait3A_143 = tpu.memref_slice %arg2[%add3A_91, %dma_wait3A_141, %dma_wait3A_142] : memref<2000x3x80xi32, #tpu.memory_space<hbm>> -> memref<1x3x80xi32, #tpu.memory_space<hbm>>
        %dma_wait3A_144 = tpu.memref_squeeze %dma_wait3A_143 : memref<1x3x80xi32, #tpu.memory_space<hbm>> -> memref<3x80xi32, #tpu.memory_space<hbm>>
        tpu.wait_dma2 semaphore(%arg54 : memref<!tpu.dma_semaphore, #tpu.memory_space<semaphore_mem>>) src(%dma_wait3A_144 : memref<3x80xi32, #tpu.memory_space<hbm>>) dst(%arg20 : memref<3x80xi32, #tpu.memory_space<vmem>>)
        %dma_start3A_145 = arith.constant 0 : i32
        %dma_start3A_146 = arith.constant 0 : i32
        %dma_start3A_147 = tpu.memref_slice %arg20[%dma_start3A_145, %dma_start3A_146] : memref<3x80xi32, #tpu.memory_space<vmem>> -> memref<1x80xi32, #tpu.memory_space<vmem>>
        %dma_start3A_148 = tpu.memref_squeeze %dma_start3A_147 : memref<1x80xi32, #tpu.memory_space<vmem>> -> memref<80xi32, #tpu.memory_space<vmem>>
        %dma_start3A_149 = arith.constant 0 : i32
        %dma_start3A_150 = arith.constant 0 : i32
        %dma_start3A_151 = tpu.memref_slice %arg7[%dma_start3A_149, %dma_start3A_150] : memref<10240x128xf32, #tpu.memory_space<hbm>> -> memref<10240x128xf32, #tpu.memory_space<hbm>>
        tpu.enqueue_indirect_dma source(%dma_start3A_151 : memref<10240x128xf32, #tpu.memory_space<hbm>>) target(%arg50 : memref<80x128xf32, #tpu.memory_space<vmem>>) offsets(%dma_start3A_148 : memref<80xi32, #tpu.memory_space<vmem>>) semaphore(%arg60 : memref<!tpu.dma_semaphore, #tpu.memory_space<semaphore_mem>>)
        %dma_wait3A_152 = arith.constant 0 : i32
        %dma_wait3A_153 = arith.constant 0 : i32
        %dma_wait3A_154 = tpu.memref_slice %arg2[%add3A_104, %dma_wait3A_152, %dma_wait3A_153] : memref<2000x3x80xi32, #tpu.memory_space<hbm>> -> memref<1x3x80xi32, #tpu.memory_space<hbm>>
        %dma_wait3A_155 = tpu.memref_squeeze %dma_wait3A_154 : memref<1x3x80xi32, #tpu.memory_space<hbm>> -> memref<3x80xi32, #tpu.memory_space<hbm>>
        %dma_wait3A_156 = arith.constant 0 : i32
        %dma_wait3A_157 = arith.constant 0 : i32
        %dma_wait3A_158 = tpu.memref_slice %arg2[%add3A_104, %dma_wait3A_156, %dma_wait3A_157] : memref<2000x3x80xi32, #tpu.memory_space<hbm>> -> memref<1x3x80xi32, #tpu.memory_space<hbm>>
        %dma_wait3A_159 = tpu.memref_squeeze %dma_wait3A_158 : memref<1x3x80xi32, #tpu.memory_space<hbm>> -> memref<3x80xi32, #tpu.memory_space<hbm>>
        tpu.wait_dma2 semaphore(%arg55 : memref<!tpu.dma_semaphore, #tpu.memory_space<semaphore_mem>>) src(%dma_wait3A_159 : memref<3x80xi32, #tpu.memory_space<hbm>>) dst(%arg21 : memref<3x80xi32, #tpu.memory_space<vmem>>)
        %dma_start3A_160 = arith.constant 0 : i32
        %dma_start3A_161 = arith.constant 0 : i32
        %dma_start3A_162 = tpu.memref_slice %arg21[%dma_start3A_160, %dma_start3A_161] : memref<3x80xi32, #tpu.memory_space<vmem>> -> memref<1x80xi32, #tpu.memory_space<vmem>>
        %dma_start3A_163 = tpu.memref_squeeze %dma_start3A_162 : memref<1x80xi32, #tpu.memory_space<vmem>> -> memref<80xi32, #tpu.memory_space<vmem>>
        %dma_start3A_164 = arith.constant 0 : i32
        %dma_start3A_165 = arith.constant 0 : i32
        %dma_start3A_166 = tpu.memref_slice %arg7[%dma_start3A_164, %dma_start3A_165] : memref<10240x128xf32, #tpu.memory_space<hbm>> -> memref<10240x128xf32, #tpu.memory_space<hbm>>
        tpu.enqueue_indirect_dma source(%dma_start3A_166 : memref<10240x128xf32, #tpu.memory_space<hbm>>) target(%arg51 : memref<80x128xf32, #tpu.memory_space<vmem>>) offsets(%dma_start3A_163 : memref<80xi32, #tpu.memory_space<vmem>>) semaphore(%arg61 : memref<!tpu.dma_semaphore, #tpu.memory_space<semaphore_mem>>)
        %dma_wait3A_167 = arith.constant 0 : i32
        %dma_wait3A_168 = arith.constant 0 : i32
        %dma_wait3A_169 = tpu.memref_slice %arg19[%dma_wait3A_167, %dma_wait3A_168] : memref<3x80xi32, #tpu.memory_space<vmem>> -> memref<1x80xi32, #tpu.memory_space<vmem>>
        %dma_wait3A_170 = tpu.memref_squeeze %dma_wait3A_169 : memref<1x80xi32, #tpu.memory_space<vmem>> -> memref<80xi32, #tpu.memory_space<vmem>>
        %dma_wait3A_171 = arith.constant 0 : i32
        %dma_wait3A_172 = arith.constant 0 : i32
        %dma_wait3A_173 = tpu.memref_slice %arg7[%dma_wait3A_171, %dma_wait3A_172] : memref<10240x128xf32, #tpu.memory_space<hbm>> -> memref<10240x128xf32, #tpu.memory_space<hbm>>
        tpu.wait_indirect_dma semaphore(%arg59 : memref<!tpu.dma_semaphore, #tpu.memory_space<semaphore_mem>>) src(%dma_wait3A_173 : memref<10240x128xf32, #tpu.memory_space<hbm>>) dst(%arg49 : memref<80x128xf32, #tpu.memory_space<vmem>>)
        %get3A = arith.constant 2 : i32
        %get3A_174 = arith.index_cast %get3A : i32 to index
        %get3A_175 = arith.constant 0 : index
        %get3A_176 = tpu.vector_load %arg19[%get3A_174, %get3A_175] {strides = array<i32>} : memref<3x80xi32, #tpu.memory_space<vmem>>, vector<16xi32>,
        %bitcast3A = vector.bitcast %get3A_176 : vector<16xi32> to vector<16xf32>
        %swap3A_177 = arith.constant 0 : index
        %swap3A_178 = tpu.vector_load %arg22[%swap3A_177] {strides = array<i32>} : memref<80xf32, #tpu.memory_space<vmem>>, vector<16xf32>,
        tpu.vector_store %arg22[%swap3A_177], %bitcast3A {strides = array<i32>} : memref<80xf32, #tpu.memory_space<vmem>>, vector<16xf32>,
        %get3A_179 = arith.constant 2 : i32
        %get3A_180 = arith.index_cast %get3A_179 : i32 to index
        %get3A_181 = arith.constant 16 : index
        %get3A_182 = tpu.vector_load %arg19[%get3A_180, %get3A_181] {strides = array<i32>} : memref<3x80xi32, #tpu.memory_space<vmem>>, vector<16xi32>,
        %bitcast3A_183 = vector.bitcast %get3A_182 : vector<16xi32> to vector<16xf32>
        %swap3A_184 = arith.constant 16 : index
        %swap3A_185 = tpu.vector_load %arg22[%swap3A_184] {strides = array<i32>} : memref<80xf32, #tpu.memory_space<vmem>>, vector<16xf32>,
        tpu.vector_store %arg22[%swap3A_184], %bitcast3A_183 {strides = array<i32>} : memref<80xf32, #tpu.memory_space<vmem>>, vector<16xf32>,
        %get3A_186 = arith.constant 2 : i32
        %get3A_187 = arith.index_cast %get3A_186 : i32 to index
        %get3A_188 = arith.constant 32 : index
        %get3A_189 = tpu.vector_load %arg19[%get3A_187, %get3A_188] {strides = array<i32>} : memref<3x80xi32, #tpu.memory_space<vmem>>, vector<16xi32>,
        %bitcast3A_190 = vector.bitcast %get3A_189 : vector<16xi32> to vector<16xf32>
        %swap3A_191 = arith.constant 32 : index
        %swap3A_192 = tpu.vector_load %arg22[%swap3A_191] {strides = array<i32>} : memref<80xf32, #tpu.memory_space<vmem>>, vector<16xf32>,
        tpu.vector_store %arg22[%swap3A_191], %bitcast3A_190 {strides = array<i32>} : memref<80xf32, #tpu.memory_space<vmem>>, vector<16xf32>,
        %get3A_193 = arith.constant 2 : i32
        %get3A_194 = arith.index_cast %get3A_193 : i32 to index
        %get3A_195 = arith.constant 48 : index
        %get3A_196 = tpu.vector_load %arg19[%get3A_194, %get3A_195] {strides = array<i32>} : memref<3x80xi32, #tpu.memory_space<vmem>>, vector<16xi32>,
        %bitcast3A_197 = vector.bitcast %get3A_196 : vector<16xi32> to vector<16xf32>
        %swap3A_198 = arith.constant 48 : index
        %swap3A_199 = tpu.vector_load %arg22[%swap3A_198] {strides = array<i32>} : memref<80xf32, #tpu.memory_space<vmem>>, vector<16xf32>,
        tpu.vector_store %arg22[%swap3A_198], %bitcast3A_197 {strides = array<i32>} : memref<80xf32, #tpu.memory_space<vmem>>, vector<16xf32>,
        %get3A_200 = arith.constant 2 : i32
        %get3A_201 = arith.index_cast %get3A_200 : i32 to index
        %get3A_202 = arith.constant 64 : index
        %get3A_203 = tpu.vector_load %arg19[%get3A_201, %get3A_202] {strides = array<i32>} : memref<3x80xi32, #tpu.memory_space<vmem>>, vector<16xi32>,
        %bitcast3A_204 = vector.bitcast %get3A_203 : vector<16xi32> to vector<16xf32>
        %swap3A_205 = arith.constant 64 : index
        %swap3A_206 = tpu.vector_load %arg22[%swap3A_205] {strides = array<i32>} : memref<80xf32, #tpu.memory_space<vmem>>, vector<16xf32>,
        tpu.vector_store %arg22[%swap3A_205], %bitcast3A_204 {strides = array<i32>} : memref<80xf32, #tpu.memory_space<vmem>>, vector<16xf32>,
        %dma_start3A_207 = arith.constant 1 : i32
        %dma_start3A_208 = arith.constant 0 : i32
        %dma_start3A_209 = tpu.memref_slice %arg19[%dma_start3A_207, %dma_start3A_208] : memref<3x80xi32, #tpu.memory_space<vmem>> -> memref<1x80xi32, #tpu.memory_space<vmem>>
        %dma_start3A_210 = tpu.memref_squeeze %dma_start3A_209 : memref<1x80xi32, #tpu.memory_space<vmem>> -> memref<80xi32, #tpu.memory_space<vmem>>
        %dma_start3A_211 = arith.constant 0 : i32
        %dma_start3A_212 = arith.constant 0 : i32
        %dma_start3A_213 = tpu.memref_slice %arg16[%dma_start3A_211, %dma_start3A_212] : memref<10240x128xf32, #tpu.memory_space<vmem_shared>> -> memref<10240x128xf32, #tpu.memory_space<vmem_shared>>
        tpu.enqueue_indirect_dma source(%arg49 : memref<80x128xf32, #tpu.memory_space<vmem>>) target(%dma_start3A_213 : memref<10240x128xf32, #tpu.memory_space<vmem_shared>>) offsets(%dma_start3A_210 : memref<80xi32, #tpu.memory_space<vmem>>) semaphore(%arg62 : memref<!tpu.dma_semaphore, #tpu.memory_space<semaphore_mem>>) {add = true}
        %dma_start3A_214 = arith.constant 1 : i32
        %dma_start3A_215 = arith.constant 0 : i32
        %dma_start3A_216 = tpu.memref_slice %arg19[%dma_start3A_214, %dma_start3A_215] : memref<3x80xi32, #tpu.memory_space<vmem>> -> memref<1x80xi32, #tpu.memory_space<vmem>>
        %dma_start3A_217 = tpu.memref_squeeze %dma_start3A_216 : memref<1x80xi32, #tpu.memory_space<vmem>> -> memref<80xi32, #tpu.memory_space<vmem>>
        %dma_start3A_218 = arith.constant 0 : i32
        %dma_start3A_219 = tpu.memref_slice %arg17[%dma_start3A_218] : memref<71680xf32, #tpu.memory_space<vmem_shared>> -> memref<71680xf32, #tpu.memory_space<vmem_shared>>
        tpu.enqueue_indirect_dma source(%arg52 : memref<80xf32, #tpu.memory_space<vmem>>) target(%dma_start3A_219 : memref<71680xf32, #tpu.memory_space<vmem_shared>>) offsets(%dma_start3A_217 : memref<80xi32, #tpu.memory_space<vmem>>) semaphore(%arg62 : memref<!tpu.dma_semaphore, #tpu.memory_space<semaphore_mem>>) {add = true}
        %dma_start3A_220 = arith.constant 1 : i32
        %dma_start3A_221 = arith.constant 0 : i32
        %dma_start3A_222 = tpu.memref_slice %arg19[%dma_start3A_220, %dma_start3A_221] : memref<3x80xi32, #tpu.memory_space<vmem>> -> memref<1x80xi32, #tpu.memory_space<vmem>>
        %dma_start3A_223 = tpu.memref_squeeze %dma_start3A_222 : memref<1x80xi32, #tpu.memory_space<vmem>> -> memref<80xi32, #tpu.memory_space<vmem>>
        %dma_start3A_224 = arith.constant 0 : i32
        %dma_start3A_225 = tpu.memref_slice %arg18[%dma_start3A_224] : memref<71680xf32, #tpu.memory_space<vmem_shared>> -> memref<71680xf32, #tpu.memory_space<vmem_shared>>
        tpu.enqueue_indirect_dma source(%arg22 : memref<80xf32, #tpu.memory_space<vmem>>) target(%dma_start3A_225 : memref<71680xf32, #tpu.memory_space<vmem_shared>>) offsets(%dma_start3A_223 : memref<80xi32, #tpu.memory_space<vmem>>) semaphore(%arg62 : memref<!tpu.dma_semaphore, #tpu.memory_space<semaphore_mem>>) {add = true}
        %dma_wait3A_226 = arith.constant 0 : i32
        %dma_wait3A_227 = arith.constant 0 : i32
        %dma_wait3A_228 = tpu.memref_slice %arg20[%dma_wait3A_226, %dma_wait3A_227] : memref<3x80xi32, #tpu.memory_space<vmem>> -> memref<1x80xi32, #tpu.memory_space<vmem>>
        %dma_wait3A_229 = tpu.memref_squeeze %dma_wait3A_228 : memref<1x80xi32, #tpu.memory_space<vmem>> -> memref<80xi32, #tpu.memory_space<vmem>>
        %dma_wait3A_230 = arith.constant 0 : i32
        %dma_wait3A_231 = arith.constant 0 : i32
        %dma_wait3A_232 = tpu.memref_slice %arg7[%dma_wait3A_230, %dma_wait3A_231] : memref<10240x128xf32, #tpu.memory_space<hbm>> -> memref<10240x128xf32, #tpu.memory_space<hbm>>
        tpu.wait_indirect_dma semaphore(%arg60 : memref<!tpu.dma_semaphore, #tpu.memory_space<semaphore_mem>>) src(%dma_wait3A_232 : memref<10240x128xf32, #tpu.memory_space<hbm>>) dst(%arg50 : memref<80x128xf32, #tpu.memory_space<vmem>>)
        %get3A_233 = arith.constant 2 : i32
        %get3A_234 = arith.index_cast %get3A_233 : i32 to index
        %get3A_235 = arith.constant 0 : index
        %get3A_236 = tpu.vector_load %arg20[%get3A_234, %get3A_235] {strides = array<i32>} : memref<3x80xi32, #tpu.memory_space<vmem>>, vector<16xi32>,
        %bitcast3A_237 = vector.bitcast %get3A_236 : vector<16xi32> to vector<16xf32>
        %swap3A_238 = arith.constant 0 : index
        %swap3A_239 = tpu.vector_load %arg23[%swap3A_238] {strides = array<i32>} : memref<80xf32, #tpu.memory_space<vmem>>, vector<16xf32>,
        tpu.vector_store %arg23[%swap3A_238], %bitcast3A_237 {strides = array<i32>} : memref<80xf32, #tpu.memory_space<vmem>>, vector<16xf32>,
        %get3A_240 = arith.constant 2 : i32
        %get3A_241 = arith.index_cast %get3A_240 : i32 to index
        %get3A_242 = arith.constant 16 : index
        %get3A_243 = tpu.vector_load %arg20[%get3A_241, %get3A_242] {strides = array<i32>} : memref<3x80xi32, #tpu.memory_space<vmem>>, vector<16xi32>,
        %bitcast3A_244 = vector.bitcast %get3A_243 : vector<16xi32> to vector<16xf32>
        %swap3A_245 = arith.constant 16 : index
        %swap3A_246 = tpu.vector_load %arg23[%swap3A_245] {strides = array<i32>} : memref<80xf32, #tpu.memory_space<vmem>>, vector<16xf32>,
        tpu.vector_store %arg23[%swap3A_245], %bitcast3A_244 {strides = array<i32>} : memref<80xf32, #tpu.memory_space<vmem>>, vector<16xf32>,
        %get3A_247 = arith.constant 2 : i32
        %get3A_248 = arith.index_cast %get3A_247 : i32 to index
        %get3A_249 = arith.constant 32 : index
        %get3A_250 = tpu.vector_load %arg20[%get3A_248, %get3A_249] {strides = array<i32>} : memref<3x80xi32, #tpu.memory_space<vmem>>, vector<16xi32>,
        %bitcast3A_251 = vector.bitcast %get3A_250 : vector<16xi32> to vector<16xf32>
        %swap3A_252 = arith.constant 32 : index
        %swap3A_253 = tpu.vector_load %arg23[%swap3A_252] {strides = array<i32>} : memref<80xf32, #tpu.memory_space<vmem>>, vector<16xf32>,
        tpu.vector_store %arg23[%swap3A_252], %bitcast3A_251 {strides = array<i32>} : memref<80xf32, #tpu.memory_space<vmem>>, vector<16xf32>,
        %get3A_254 = arith.constant 2 : i32
        %get3A_255 = arith.index_cast %get3A_254 : i32 to index
        %get3A_256 = arith.constant 48 : index
        %get3A_257 = tpu.vector_load %arg20[%get3A_255, %get3A_256] {strides = array<i32>} : memref<3x80xi32, #tpu.memory_space<vmem>>, vector<16xi32>,
        %bitcast3A_258 = vector.bitcast %get3A_257 : vector<16xi32> to vector<16xf32>
        %swap3A_259 = arith.constant 48 : index
        %swap3A_260 = tpu.vector_load %arg23[%swap3A_259] {strides = array<i32>} : memref<80xf32, #tpu.memory_space<vmem>>, vector<16xf32>,
        tpu.vector_store %arg23[%swap3A_259], %bitcast3A_258 {strides = array<i32>} : memref<80xf32, #tpu.memory_space<vmem>>, vector<16xf32>,
        %get3A_261 = arith.constant 2 : i32
        %get3A_262 = arith.index_cast %get3A_261 : i32 to index
        %get3A_263 = arith.constant 64 : index
        %get3A_264 = tpu.vector_load %arg20[%get3A_262, %get3A_263] {strides = array<i32>} : memref<3x80xi32, #tpu.memory_space<vmem>>, vector<16xi32>,
        %bitcast3A_265 = vector.bitcast %get3A_264 : vector<16xi32> to vector<16xf32>
        %swap3A_266 = arith.constant 64 : index
        %swap3A_267 = tpu.vector_load %arg23[%swap3A_266] {strides = array<i32>} : memref<80xf32, #tpu.memory_space<vmem>>, vector<16xf32>,
        tpu.vector_store %arg23[%swap3A_266], %bitcast3A_265 {strides = array<i32>} : memref<80xf32, #tpu.memory_space<vmem>>, vector<16xf32>,
        %dma_start3A_268 = arith.constant 1 : i32
        %dma_start3A_269 = arith.constant 0 : i32
        %dma_start3A_270 = tpu.memref_slice %arg20[%dma_start3A_268, %dma_start3A_269] : memref<3x80xi32, #tpu.memory_space<vmem>> -> memref<1x80xi32, #tpu.memory_space<vmem>>
        %dma_start3A_271 = tpu.memref_squeeze %dma_start3A_270 : memref<1x80xi32, #tpu.memory_space<vmem>> -> memref<80xi32, #tpu.memory_space<vmem>>
        %dma_start3A_272 = arith.constant 0 : i32
        %dma_start3A_273 = arith.constant 0 : i32
        %dma_start3A_274 = tpu.memref_slice %arg16[%dma_start3A_272, %dma_start3A_273] : memref<10240x128xf32, #tpu.memory_space<vmem_shared>> -> memref<10240x128xf32, #tpu.memory_space<vmem_shared>>
        tpu.enqueue_indirect_dma source(%arg50 : memref<80x128xf32, #tpu.memory_space<vmem>>) target(%dma_start3A_274 : memref<10240x128xf32, #tpu.memory_space<vmem_shared>>) offsets(%dma_start3A_271 : memref<80xi32, #tpu.memory_space<vmem>>) semaphore(%arg62 : memref<!tpu.dma_semaphore, #tpu.memory_space<semaphore_mem>>) {add = true}
        %dma_start3A_275 = arith.constant 1 : i32
        %dma_start3A_276 = arith.constant 0 : i32
        %dma_start3A_277 = tpu.memref_slice %arg20[%dma_start3A_275, %dma_start3A_276] : memref<3x80xi32, #tpu.memory_space<vmem>> -> memref<1x80xi32, #tpu.memory_space<vmem>>
        %dma_start3A_278 = tpu.memref_squeeze %dma_start3A_277 : memref<1x80xi32, #tpu.memory_space<vmem>> -> memref<80xi32, #tpu.memory_space<vmem>>
        %dma_start3A_279 = arith.constant 0 : i32
        %dma_start3A_280 = tpu.memref_slice %arg17[%dma_start3A_279] : memref<71680xf32, #tpu.memory_space<vmem_shared>> -> memref<71680xf32, #tpu.memory_space<vmem_shared>>
        tpu.enqueue_indirect_dma source(%arg52 : memref<80xf32, #tpu.memory_space<vmem>>) target(%dma_start3A_280 : memref<71680xf32, #tpu.memory_space<vmem_shared>>) offsets(%dma_start3A_278 : memref<80xi32, #tpu.memory_space<vmem>>) semaphore(%arg62 : memref<!tpu.dma_semaphore, #tpu.memory_space<semaphore_mem>>) {add = true}
        %dma_start3A_281 = arith.constant 1 : i32
        %dma_start3A_282 = arith.constant 0 : i32
        %dma_start3A_283 = tpu.memref_slice %arg20[%dma_start3A_281, %dma_start3A_282] : memref<3x80xi32, #tpu.memory_space<vmem>> -> memref<1x80xi32, #tpu.memory_space<vmem>>
        %dma_start3A_284 = tpu.memref_squeeze %dma_start3A_283 : memref<1x80xi32, #tpu.memory_space<vmem>> -> memref<80xi32, #tpu.memory_space<vmem>>
        %dma_start3A_285 = arith.constant 0 : i32
        %dma_start3A_286 = tpu.memref_slice %arg18[%dma_start3A_285] : memref<71680xf32, #tpu.memory_space<vmem_shared>> -> memref<71680xf32, #tpu.memory_space<vmem_shared>>
        tpu.enqueue_indirect_dma source(%arg23 : memref<80xf32, #tpu.memory_space<vmem>>) target(%dma_start3A_286 : memref<71680xf32, #tpu.memory_space<vmem_shared>>) offsets(%dma_start3A_284 : memref<80xi32, #tpu.memory_space<vmem>>) semaphore(%arg62 : memref<!tpu.dma_semaphore, #tpu.memory_space<semaphore_mem>>) {add = true}
        %dma_wait3A_287 = arith.constant 0 : i32
        %dma_wait3A_288 = arith.constant 0 : i32
        %dma_wait3A_289 = tpu.memref_slice %arg21[%dma_wait3A_287, %dma_wait3A_288] : memref<3x80xi32, #tpu.memory_space<vmem>> -> memref<1x80xi32, #tpu.memory_space<vmem>>
        %dma_wait3A_290 = tpu.memref_squeeze %dma_wait3A_289 : memref<1x80xi32, #tpu.memory_space<vmem>> -> memref<80xi32, #tpu.memory_space<vmem>>
        %dma_wait3A_291 = arith.constant 0 : i32
        %dma_wait3A_292 = arith.constant 0 : i32
        %dma_wait3A_293 = tpu.memref_slice %arg7[%dma_wait3A_291, %dma_wait3A_292] : memref<10240x128xf32, #tpu.memory_space<hbm>> -> memref<10240x128xf32, #tpu.memory_space<hbm>>
        tpu.wait_indirect_dma semaphore(%arg61 : memref<!tpu.dma_semaphore, #tpu.memory_space<semaphore_mem>>) src(%dma_wait3A_293 : memref<10240x128xf32, #tpu.memory_space<hbm>>) dst(%arg51 : memref<80x128xf32, #tpu.memory_space<vmem>>)
        %get3A_294 = arith.constant 2 : i32
        %get3A_295 = arith.index_cast %get3A_294 : i32 to index
        %get3A_296 = arith.constant 0 : index
        %get3A_297 = tpu.vector_load %arg21[%get3A_295, %get3A_296] {strides = array<i32>} : memref<3x80xi32, #tpu.memory_space<vmem>>, vector<16xi32>,
        %bitcast3A_298 = vector.bitcast %get3A_297 : vector<16xi32> to vector<16xf32>
        %swap3A_299 = arith.constant 0 : index
        %swap3A_300 = tpu.vector_load %arg24[%swap3A_299] {strides = array<i32>} : memref<80xf32, #tpu.memory_space<vmem>>, vector<16xf32>,
        tpu.vector_store %arg24[%swap3A_299], %bitcast3A_298 {strides = array<i32>} : memref<80xf32, #tpu.memory_space<vmem>>, vector<16xf32>,
        %get3A_301 = arith.constant 2 : i32
        %get3A_302 = arith.index_cast %get3A_301 : i32 to index
        %get3A_303 = arith.constant 16 : index
        %get3A_304 = tpu.vector_load %arg21[%get3A_302, %get3A_303] {strides = array<i32>} : memref<3x80xi32, #tpu.memory_space<vmem>>, vector<16xi32>,
        %bitcast3A_305 = vector.bitcast %get3A_304 : vector<16xi32> to vector<16xf32>
        %swap3A_306 = arith.constant 16 : index
        %swap3A_307 = tpu.vector_load %arg24[%swap3A_306] {strides = array<i32>} : memref<80xf32, #tpu.memory_space<vmem>>, vector<16xf32>,
        tpu.vector_store %arg24[%swap3A_306], %bitcast3A_305 {strides = array<i32>} : memref<80xf32, #tpu.memory_space<vmem>>, vector<16xf32>,
        %get3A_308 = arith.constant 2 : i32
        %get3A_309 = arith.index_cast %get3A_308 : i32 to index
        %get3A_310 = arith.constant 32 : index
        %get3A_311 = tpu.vector_load %arg21[%get3A_309, %get3A_310] {strides = array<i32>} : memref<3x80xi32, #tpu.memory_space<vmem>>, vector<16xi32>,
        %bitcast3A_312 = vector.bitcast %get3A_311 : vector<16xi32> to vector<16xf32>
        %swap3A_313 = arith.constant 32 : index
        %swap3A_314 = tpu.vector_load %arg24[%swap3A_313] {strides = array<i32>} : memref<80xf32, #tpu.memory_space<vmem>>, vector<16xf32>,
        tpu.vector_store %arg24[%swap3A_313], %bitcast3A_312 {strides = array<i32>} : memref<80xf32, #tpu.memory_space<vmem>>, vector<16xf32>,
        %get3A_315 = arith.constant 2 : i32
        %get3A_316 = arith.index_cast %get3A_315 : i32 to index
        %get3A_317 = arith.constant 48 : index
        %get3A_318 = tpu.vector_load %arg21[%get3A_316, %get3A_317] {strides = array<i32>} : memref<3x80xi32, #tpu.memory_space<vmem>>, vector<16xi32>,
        %bitcast3A_319 = vector.bitcast %get3A_318 : vector<16xi32> to vector<16xf32>
        %swap3A_320 = arith.constant 48 : index
        %swap3A_321 = tpu.vector_load %arg24[%swap3A_320] {strides = array<i32>} : memref<80xf32, #tpu.memory_space<vmem>>, vector<16xf32>,
        tpu.vector_store %arg24[%swap3A_320], %bitcast3A_319 {strides = array<i32>} : memref<80xf32, #tpu.memory_space<vmem>>, vector<16xf32>,
        %get3A_322 = arith.constant 2 : i32
        %get3A_323 = arith.index_cast %get3A_322 : i32 to index
        %get3A_324 = arith.constant 64 : index
        %get3A_325 = tpu.vector_load %arg21[%get3A_323, %get3A_324] {strides = array<i32>} : memref<3x80xi32, #tpu.memory_space<vmem>>, vector<16xi32>,
        %bitcast3A_326 = vector.bitcast %get3A_325 : vector<16xi32> to vector<16xf32>
        %swap3A_327 = arith.constant 64 : index
        %swap3A_328 = tpu.vector_load %arg24[%swap3A_327] {strides = array<i32>} : memref<80xf32, #tpu.memory_space<vmem>>, vector<16xf32>,
        tpu.vector_store %arg24[%swap3A_327], %bitcast3A_326 {strides = array<i32>} : memref<80xf32, #tpu.memory_space<vmem>>, vector<16xf32>,
        %dma_start3A_329 = arith.constant 1 : i32
        %dma_start3A_330 = arith.constant 0 : i32
        %dma_start3A_331 = tpu.memref_slice %arg21[%dma_start3A_329, %dma_start3A_330] : memref<3x80xi32, #tpu.memory_space<vmem>> -> memref<1x80xi32, #tpu.memory_space<vmem>>
        %dma_start3A_332 = tpu.memref_squeeze %dma_start3A_331 : memref<1x80xi32, #tpu.memory_space<vmem>> -> memref<80xi32, #tpu.memory_space<vmem>>
        %dma_start3A_333 = arith.constant 0 : i32
        %dma_start3A_334 = arith.constant 0 : i32
        %dma_start3A_335 = tpu.memref_slice %arg16[%dma_start3A_333, %dma_start3A_334] : memref<10240x128xf32, #tpu.memory_space<vmem_shared>> -> memref<10240x128xf32, #tpu.memory_space<vmem_shared>>
        tpu.enqueue_indirect_dma source(%arg51 : memref<80x128xf32, #tpu.memory_space<vmem>>) target(%dma_start3A_335 : memref<10240x128xf32, #tpu.memory_space<vmem_shared>>) offsets(%dma_start3A_332 : memref<80xi32, #tpu.memory_space<vmem>>) semaphore(%arg62 : memref<!tpu.dma_semaphore, #tpu.memory_space<semaphore_mem>>) {add = true}
        %dma_start3A_336 = arith.constant 1 : i32
        %dma_start3A_337 = arith.constant 0 : i32
        %dma_start3A_338 = tpu.memref_slice %arg21[%dma_start3A_336, %dma_start3A_337] : memref<3x80xi32, #tpu.memory_space<vmem>> -> memref<1x80xi32, #tpu.memory_space<vmem>>
        %dma_start3A_339 = tpu.memref_squeeze %dma_start3A_338 : memref<1x80xi32, #tpu.memory_space<vmem>> -> memref<80xi32, #tpu.memory_space<vmem>>
        %dma_start3A_340 = arith.constant 0 : i32
        %dma_start3A_341 = tpu.memref_slice %arg17[%dma_start3A_340] : memref<71680xf32, #tpu.memory_space<vmem_shared>> -> memref<71680xf32, #tpu.memory_space<vmem_shared>>
        tpu.enqueue_indirect_dma source(%arg52 : memref<80xf32, #tpu.memory_space<vmem>>) target(%dma_start3A_341 : memref<71680xf32, #tpu.memory_space<vmem_shared>>) offsets(%dma_start3A_339 : memref<80xi32, #tpu.memory_space<vmem>>) semaphore(%arg62 : memref<!tpu.dma_semaphore, #tpu.memory_space<semaphore_mem>>) {add = true}
        %dma_start3A_342 = arith.constant 1 : i32
        %dma_start3A_343 = arith.constant 0 : i32
        %dma_start3A_344 = tpu.memref_slice %arg21[%dma_start3A_342, %dma_start3A_343] : memref<3x80xi32, #tpu.memory_space<vmem>> -> memref<1x80xi32, #tpu.memory_space<vmem>>
        %dma_start3A_345 = tpu.memref_squeeze %dma_start3A_344 : memref<1x80xi32, #tpu.memory_space<vmem>> -> memref<80xi32, #tpu.memory_space<vmem>>
        %dma_start3A_346 = arith.constant 0 : i32
        %dma_start3A_347 = tpu.memref_slice %arg18[%dma_start3A_346] : memref<71680xf32, #tpu.memory_space<vmem_shared>> -> memref<71680xf32, #tpu.memory_space<vmem_shared>>
        tpu.enqueue_indirect_dma source(%arg24 : memref<80xf32, #tpu.memory_space<vmem>>) target(%dma_start3A_347 : memref<71680xf32, #tpu.memory_space<vmem_shared>>) offsets(%dma_start3A_345 : memref<80xi32, #tpu.memory_space<vmem>>) semaphore(%arg62 : memref<!tpu.dma_semaphore, #tpu.memory_space<semaphore_mem>>) {add = true}
        %dma_wait3A_348 = arith.constant 1 : i32
        %dma_wait3A_349 = arith.constant 0 : i32
        %dma_wait3A_350 = tpu.memref_slice %arg19[%dma_wait3A_348, %dma_wait3A_349] : memref<3x80xi32, #tpu.memory_space<vmem>> -> memref<1x80xi32, #tpu.memory_space<vmem>>
        %dma_wait3A_351 = tpu.memref_squeeze %dma_wait3A_350 : memref<1x80xi32, #tpu.memory_space<vmem>> -> memref<80xi32, #tpu.memory_space<vmem>>
        %dma_wait3A_352 = arith.constant 0 : i32
        %dma_wait3A_353 = arith.constant 0 : i32
        %dma_wait3A_354 = tpu.memref_slice %arg16[%dma_wait3A_352, %dma_wait3A_353] : memref<10240x128xf32, #tpu.memory_space<vmem_shared>> -> memref<10240x128xf32, #tpu.memory_space<vmem_shared>>
        tpu.wait_indirect_dma semaphore(%arg62 : memref<!tpu.dma_semaphore, #tpu.memory_space<semaphore_mem>>) src(%arg49 : memref<80x128xf32, #tpu.memory_space<vmem>>) dst(%dma_wait3A_354 : memref<10240x128xf32, #tpu.memory_space<vmem_shared>>)
        %dma_wait3A_355 = arith.constant 1 : i32
        %dma_wait3A_356 = arith.constant 0 : i32
        %dma_wait3A_357 = tpu.memref_slice %arg19[%dma_wait3A_355, %dma_wait3A_356] : memref<3x80xi32, #tpu.memory_space<vmem>> -> memref<1x80xi32, #tpu.memory_space<vmem>>
        %dma_wait3A_358 = tpu.memref_squeeze %dma_wait3A_357 : memref<1x80xi32, #tpu.memory_space<vmem>> -> memref<80xi32, #tpu.memory_space<vmem>>
        %dma_wait3A_359 = arith.constant 0 : i32
        %dma_wait3A_360 = tpu.memref_slice %arg17[%dma_wait3A_359] : memref<71680xf32, #tpu.memory_space<vmem_shared>> -> memref<71680xf32, #tpu.memory_space<vmem_shared>>
        tpu.wait_indirect_dma semaphore(%arg62 : memref<!tpu.dma_semaphore, #tpu.memory_space<semaphore_mem>>) src(%arg52 : memref<80xf32, #tpu.memory_space<vmem>>) dst(%dma_wait3A_360 : memref<71680xf32, #tpu.memory_space<vmem_shared>>)
        %dma_wait3A_361 = arith.constant 1 : i32
        %dma_wait3A_362 = arith.constant 0 : i32
        %dma_wait3A_363 = tpu.memref_slice %arg19[%dma_wait3A_361, %dma_wait3A_362] : memref<3x80xi32, #tpu.memory_space<vmem>> -> memref<1x80xi32, #tpu.memory_space<vmem>>
        %dma_wait3A_364 = tpu.memref_squeeze %dma_wait3A_363 : memref<1x80xi32, #tpu.memory_space<vmem>> -> memref<80xi32, #tpu.memory_space<vmem>>
        %dma_wait3A_365 = arith.constant 0 : i32
        %dma_wait3A_366 = tpu.memref_slice %arg18[%dma_wait3A_365] : memref<71680xf32, #tpu.memory_space<vmem_shared>> -> memref<71680xf32, #tpu.memory_space<vmem_shared>>
        tpu.wait_indirect_dma semaphore(%arg62 : memref<!tpu.dma_semaphore, #tpu.memory_space<semaphore_mem>>) src(%arg22 : memref<80xf32, #tpu.memory_space<vmem>>) dst(%dma_wait3A_366 : memref<71680xf32, #tpu.memory_space<vmem_shared>>)
        %dma_wait3A_367 = arith.constant 1 : i32
        %dma_wait3A_368 = arith.constant 0 : i32
        %dma_wait3A_369 = tpu.memref_slice %arg20[%dma_wait3A_367, %dma_wait3A_368] : memref<3x80xi32, #tpu.memory_space<vmem>> -> memref<1x80xi32, #tpu.memory_space<vmem>>
        %dma_wait3A_370 = tpu.memref_squeeze %dma_wait3A_369 : memref<1x80xi32, #tpu.memory_space<vmem>> -> memref<80xi32, #tpu.memory_space<vmem>>
        %dma_wait3A_371 = arith.constant 0 : i32
        %dma_wait3A_372 = arith.constant 0 : i32
        %dma_wait3A_373 = tpu.memref_slice %arg16[%dma_wait3A_371, %dma_wait3A_372] : memref<10240x128xf32, #tpu.memory_space<vmem_shared>> -> memref<10240x128xf32, #tpu.memory_space<vmem_shared>>
        tpu.wait_indirect_dma semaphore(%arg62 : memref<!tpu.dma_semaphore, #tpu.memory_space<semaphore_mem>>) src(%arg50 : memref<80x128xf32, #tpu.memory_space<vmem>>) dst(%dma_wait3A_373 : memref<10240x128xf32, #tpu.memory_space<vmem_shared>>)
        %dma_wait3A_374 = arith.constant 1 : i32
        %dma_wait3A_375 = arith.constant 0 : i32
        %dma_wait3A_376 = tpu.memref_slice %arg20[%dma_wait3A_374, %dma_wait3A_375] : memref<3x80xi32, #tpu.memory_space<vmem>> -> memref<1x80xi32, #tpu.memory_space<vmem>>
        %dma_wait3A_377 = tpu.memref_squeeze %dma_wait3A_376 : memref<1x80xi32, #tpu.memory_space<vmem>> -> memref<80xi32, #tpu.memory_space<vmem>>
        %dma_wait3A_378 = arith.constant 0 : i32
        %dma_wait3A_379 = tpu.memref_slice %arg17[%dma_wait3A_378] : memref<71680xf32, #tpu.memory_space<vmem_shared>> -> memref<71680xf32, #tpu.memory_space<vmem_shared>>
        tpu.wait_indirect_dma semaphore(%arg62 : memref<!tpu.dma_semaphore, #tpu.memory_space<semaphore_mem>>) src(%arg52 : memref<80xf32, #tpu.memory_space<vmem>>) dst(%dma_wait3A_379 : memref<71680xf32, #tpu.memory_space<vmem_shared>>)
        %dma_wait3A_380 = arith.constant 1 : i32
        %dma_wait3A_381 = arith.constant 0 : i32
        %dma_wait3A_382 = tpu.memref_slice %arg20[%dma_wait3A_380, %dma_wait3A_381] : memref<3x80xi32, #tpu.memory_space<vmem>> -> memref<1x80xi32, #tpu.memory_space<vmem>>
        %dma_wait3A_383 = tpu.memref_squeeze %dma_wait3A_382 : memref<1x80xi32, #tpu.memory_space<vmem>> -> memref<80xi32, #tpu.memory_space<vmem>>
        %dma_wait3A_384 = arith.constant 0 : i32
        %dma_wait3A_385 = tpu.memref_slice %arg18[%dma_wait3A_384] : memref<71680xf32, #tpu.memory_space<vmem_shared>> -> memref<71680xf32, #tpu.memory_space<vmem_shared>>
        tpu.wait_indirect_dma semaphore(%arg62 : memref<!tpu.dma_semaphore, #tpu.memory_space<semaphore_mem>>) src(%arg23 : memref<80xf32, #tpu.memory_space<vmem>>) dst(%dma_wait3A_385 : memref<71680xf32, #tpu.memory_space<vmem_shared>>)
        %dma_wait3A_386 = arith.constant 1 : i32
        %dma_wait3A_387 = arith.constant 0 : i32
        %dma_wait3A_388 = tpu.memref_slice %arg21[%dma_wait3A_386, %dma_wait3A_387] : memref<3x80xi32, #tpu.memory_space<vmem>> -> memref<1x80xi32, #tpu.memory_space<vmem>>
        %dma_wait3A_389 = tpu.memref_squeeze %dma_wait3A_388 : memref<1x80xi32, #tpu.memory_space<vmem>> -> memref<80xi32, #tpu.memory_space<vmem>>
        %dma_wait3A_390 = arith.constant 0 : i32
        %dma_wait3A_391 = arith.constant 0 : i32
        %dma_wait3A_392 = tpu.memref_slice %arg16[%dma_wait3A_390, %dma_wait3A_391] : memref<10240x128xf32, #tpu.memory_space<vmem_shared>> -> memref<10240x128xf32, #tpu.memory_space<vmem_shared>>
        tpu.wait_indirect_dma semaphore(%arg62 : memref<!tpu.dma_semaphore, #tpu.memory_space<semaphore_mem>>) src(%arg51 : memref<80x128xf32, #tpu.memory_space<vmem>>) dst(%dma_wait3A_392 : memref<10240x128xf32, #tpu.memory_space<vmem_shared>>)
        %dma_wait3A_393 = arith.constant 1 : i32
        %dma_wait3A_394 = arith.constant 0 : i32
        %dma_wait3A_395 = tpu.memref_slice %arg21[%dma_wait3A_393, %dma_wait3A_394] : memref<3x80xi32, #tpu.memory_space<vmem>> -> memref<1x80xi32, #tpu.memory_space<vmem>>
        %dma_wait3A_396 = tpu.memref_squeeze %dma_wait3A_395 : memref<1x80xi32, #tpu.memory_space<vmem>> -> memref<80xi32, #tpu.memory_space<vmem>>
        %dma_wait3A_397 = arith.constant 0 : i32
        %dma_wait3A_398 = tpu.memref_slice %arg17[%dma_wait3A_397] : memref<71680xf32, #tpu.memory_space<vmem_shared>> -> memref<71680xf32, #tpu.memory_space<vmem_shared>>
        tpu.wait_indirect_dma semaphore(%arg62 : memref<!tpu.dma_semaphore, #tpu.memory_space<semaphore_mem>>) src(%arg52 : memref<80xf32, #tpu.memory_space<vmem>>) dst(%dma_wait3A_398 : memref<71680xf32, #tpu.memory_space<vmem_shared>>)
        %dma_wait3A_399 = arith.constant 1 : i32
        %dma_wait3A_400 = arith.constant 0 : i32
        %dma_wait3A_401 = tpu.memref_slice %arg21[%dma_wait3A_399, %dma_wait3A_400] : memref<3x80xi32, #tpu.memory_space<vmem>> -> memref<1x80xi32, #tpu.memory_space<vmem>>
        %dma_wait3A_402 = tpu.memref_squeeze %dma_wait3A_401 : memref<1x80xi32, #tpu.memory_space<vmem>> -> memref<80xi32, #tpu.memory_space<vmem>>
        %dma_wait3A_403 = arith.constant 0 : i32
        %dma_wait3A_404 = tpu.memref_slice %arg18[%dma_wait3A_403] : memref<71680xf32, #tpu.memory_space<vmem_shared>> -> memref<71680xf32, #tpu.memory_space<vmem_shared>>
        tpu.wait_indirect_dma semaphore(%arg62 : memref<!tpu.dma_semaphore, #tpu.memory_space<semaphore_mem>>) src(%arg24 : memref<80xf32, #tpu.memory_space<vmem>>) dst(%dma_wait3A_404 : memref<71680xf32, #tpu.memory_space<vmem_shared>>)
      } else {
      }
    }
    %scan3A_29 = arith.constant 41 : i32
    %add3A = arith.constant 125 : i32
    %add3A_30 = arith.addi %mul3A_24, %add3A : i32
    %sub3A = arith.constant 2 : i32
    %sub3A_31 = arith.subi %add3A_30, %sub3A : i32
    %add3A_32 = arith.constant 0 : i32
    %add3A_33 = arith.addi %sub3A_31, %add3A_32 : i32
    %dma_start3A = arith.constant 0 : i32
    %dma_start3A_34 = arith.constant 0 : i32
    %dma_start3A_35 = tpu.memref_slice %arg2[%add3A_33, %dma_start3A, %dma_start3A_34] : memref<2000x3x80xi32, #tpu.memory_space<hbm>> -> memref<1x3x80xi32, #tpu.memory_space<hbm>>
    %dma_start3A_36 = tpu.memref_squeeze %dma_start3A_35 : memref<1x3x80xi32, #tpu.memory_space<hbm>> -> memref<3x80xi32, #tpu.memory_space<hbm>>
    %dma_start3A_37 = arith.constant 0 : i32
    %dma_start3A_38 = arith.constant 0 : i32
    %dma_start3A_39 = tpu.memref_slice %arg2[%add3A_33, %dma_start3A_37, %dma_start3A_38] : memref<2000x3x80xi32, #tpu.memory_space<hbm>> -> memref<1x3x80xi32, #tpu.memory_space<hbm>>
    %dma_start3A_40 = tpu.memref_squeeze %dma_start3A_39 : memref<1x3x80xi32, #tpu.memory_space<hbm>> -> memref<3x80xi32, #tpu.memory_space<hbm>>
    tpu.enqueue_dma source(%dma_start3A_40 : memref<3x80xi32, #tpu.memory_space<hbm>>) target(%arg19 : memref<3x80xi32, #tpu.memory_space<vmem>>) target_semaphore(%arg53 : memref<!tpu.dma_semaphore, #tpu.memory_space<semaphore_mem>>)
    %add3A_41 = arith.constant 125 : i32
    %add3A_42 = arith.addi %mul3A_24, %add3A_41 : i32
    %sub3A_43 = arith.constant 2 : i32
    %sub3A_44 = arith.subi %add3A_42, %sub3A_43 : i32
    %add3A_45 = arith.constant 1 : i32
    %add3A_46 = arith.addi %sub3A_44, %add3A_45 : i32
    %dma_start3A_47 = arith.constant 0 : i32
    %dma_start3A_48 = arith.constant 0 : i32
    %dma_start3A_49 = tpu.memref_slice %arg2[%add3A_46, %dma_start3A_47, %dma_start3A_48] : memref<2000x3x80xi32, #tpu.memory_space<hbm>> -> memref<1x3x80xi32, #tpu.memory_space<hbm>>
    %dma_start3A_50 = tpu.memref_squeeze %dma_start3A_49 : memref<1x3x80xi32, #tpu.memory_space<hbm>> -> memref<3x80xi32, #tpu.memory_space<hbm>>
    %dma_start3A_51 = arith.constant 0 : i32
    %dma_start3A_52 = arith.constant 0 : i32
    %dma_start3A_53 = tpu.memref_slice %arg2[%add3A_46, %dma_start3A_51, %dma_start3A_52] : memref<2000x3x80xi32, #tpu.memory_space<hbm>> -> memref<1x3x80xi32, #tpu.memory_space<hbm>>
    %dma_start3A_54 = tpu.memref_squeeze %dma_start3A_53 : memref<1x3x80xi32, #tpu.memory_space<hbm>> -> memref<3x80xi32, #tpu.memory_space<hbm>>
    tpu.enqueue_dma source(%dma_start3A_54 : memref<3x80xi32, #tpu.memory_space<hbm>>) target(%arg20 : memref<3x80xi32, #tpu.memory_space<vmem>>) target_semaphore(%arg54 : memref<!tpu.dma_semaphore, #tpu.memory_space<semaphore_mem>>)
    %eq3A = arith.constant 0 : i32
    %eq3A_55 = arith.cmpi eq, %arg0, %eq3A : i32
    %convert_element_type3A = arith.extui %eq3A_55 : i1 to i32
    %cond3A = arith.constant 0 : i32
    %cond3A_56 = arith.cmpi ne, %convert_element_type3A, %cond3A : i32
    scf.if %cond3A_56 {
      %dma_wait3A = arith.constant 0 : i32
      %dma_wait3A_73 = arith.constant 0 : i32
      %dma_wait3A_74 = tpu.memref_slice %arg2[%add3A_33, %dma_wait3A, %dma_wait3A_73] : memref<2000x3x80xi32, #tpu.memory_space<hbm>> -> memref<1x3x80xi32, #tpu.memory_space<hbm>>
      %dma_wait3A_75 = tpu.memref_squeeze %dma_wait3A_74 : memref<1x3x80xi32, #tpu.memory_space<hbm>> -> memref<3x80xi32, #tpu.memory_space<hbm>>
      %dma_wait3A_76 = arith.constant 0 : i32
      %dma_wait3A_77 = arith.constant 0 : i32
      %dma_wait3A_78 = tpu.memref_slice %arg2[%add3A_33, %dma_wait3A_76, %dma_wait3A_77] : memref<2000x3x80xi32, #tpu.memory_space<hbm>> -> memref<1x3x80xi32, #tpu.memory_space<hbm>>
      %dma_wait3A_79 = tpu.memref_squeeze %dma_wait3A_78 : memref<1x3x80xi32, #tpu.memory_space<hbm>> -> memref<3x80xi32, #tpu.memory_space<hbm>>
      tpu.wait_dma2 semaphore(%arg53 : memref<!tpu.dma_semaphore, #tpu.memory_space<semaphore_mem>>) src(%dma_wait3A_79 : memref<3x80xi32, #tpu.memory_space<hbm>>) dst(%arg19 : memref<3x80xi32, #tpu.memory_space<vmem>>)
      %dma_start3A_80 = arith.constant 0 : i32
      %dma_start3A_81 = arith.constant 0 : i32
      %dma_start3A_82 = tpu.memref_slice %arg19[%dma_start3A_80, %dma_start3A_81] : memref<3x80xi32, #tpu.memory_space<vmem>> -> memref<1x80xi32, #tpu.memory_space<vmem>>
      %dma_start3A_83 = tpu.memref_squeeze %dma_start3A_82 : memref<1x80xi32, #tpu.memory_space<vmem>> -> memref<80xi32, #tpu.memory_space<vmem>>
      %dma_start3A_84 = arith.constant 0 : i32
      %dma_start3A_85 = tpu.memref_slice %arg3[%dma_start3A_84] : memref<10240xf32, #tpu.memory_space<hbm>> -> memref<10240xf32, #tpu.memory_space<hbm>>
      tpu.enqueue_indirect_dma source(%dma_start3A_85 : memref<10240xf32, #tpu.memory_space<hbm>>) target(%arg31 : memref<80xf32, #tpu.memory_space<vmem>>) offsets(%dma_start3A_83 : memref<80xi32, #tpu.memory_space<vmem>>) semaphore(%arg56 : memref<!tpu.dma_semaphore, #tpu.memory_space<semaphore_mem>>)
      %dma_start3A_86 = arith.constant 0 : i32
      %dma_start3A_87 = arith.constant 0 : i32
      %dma_start3A_88 = tpu.memref_slice %arg19[%dma_start3A_86, %dma_start3A_87] : memref<3x80xi32, #tpu.memory_space<vmem>> -> memref<1x80xi32, #tpu.memory_space<vmem>>
      %dma_start3A_89 = tpu.memref_squeeze %dma_start3A_88 : memref<1x80xi32, #tpu.memory_space<vmem>> -> memref<80xi32, #tpu.memory_space<vmem>>
      %dma_start3A_90 = arith.constant 0 : i32
      %dma_start3A_91 = tpu.memref_slice %arg4[%dma_start3A_90] : memref<10240xf32, #tpu.memory_space<hbm>> -> memref<10240xf32, #tpu.memory_space<hbm>>
      tpu.enqueue_indirect_dma source(%dma_start3A_91 : memref<10240xf32, #tpu.memory_space<hbm>>) target(%arg32 : memref<80xf32, #tpu.memory_space<vmem>>) offsets(%dma_start3A_89 : memref<80xi32, #tpu.memory_space<vmem>>) semaphore(%arg56 : memref<!tpu.dma_semaphore, #tpu.memory_space<semaphore_mem>>)
      %dma_start3A_92 = arith.constant 0 : i32
      %dma_start3A_93 = arith.constant 0 : i32
      %dma_start3A_94 = tpu.memref_slice %arg19[%dma_start3A_92, %dma_start3A_93] : memref<3x80xi32, #tpu.memory_space<vmem>> -> memref<1x80xi32, #tpu.memory_space<vmem>>
      %dma_start3A_95 = tpu.memref_squeeze %dma_start3A_94 : memref<1x80xi32, #tpu.memory_space<vmem>> -> memref<80xi32, #tpu.memory_space<vmem>>
      %dma_start3A_96 = arith.constant 0 : i32
      %dma_start3A_97 = tpu.memref_slice %arg5[%dma_start3A_96] : memref<10240xf32, #tpu.memory_space<hbm>> -> memref<10240xf32, #tpu.memory_space<hbm>>
      tpu.enqueue_indirect_dma source(%dma_start3A_97 : memref<10240xf32, #tpu.memory_space<hbm>>) target(%arg33 : memref<80xf32, #tpu.memory_space<vmem>>) offsets(%dma_start3A_95 : memref<80xi32, #tpu.memory_space<vmem>>) semaphore(%arg56 : memref<!tpu.dma_semaphore, #tpu.memory_space<semaphore_mem>>)
      %dma_start3A_98 = arith.constant 1 : i32
      %dma_start3A_99 = arith.constant 0 : i32
      %dma_start3A_100 = tpu.memref_slice %arg19[%dma_start3A_98, %dma_start3A_99] : memref<3x80xi32, #tpu.memory_space<vmem>> -> memref<1x80xi32, #tpu.memory_space<vmem>>
      %dma_start3A_101 = tpu.memref_squeeze %dma_start3A_100 : memref<1x80xi32, #tpu.memory_space<vmem>> -> memref<80xi32, #tpu.memory_space<vmem>>
      %dma_start3A_102 = arith.constant 0 : i32
      %dma_start3A_103 = tpu.memref_slice %arg3[%dma_start3A_102] : memref<10240xf32, #tpu.memory_space<hbm>> -> memref<10240xf32, #tpu.memory_space<hbm>>
      tpu.enqueue_indirect_dma source(%dma_start3A_103 : memref<10240xf32, #tpu.memory_space<hbm>>) target(%arg34 : memref<80xf32, #tpu.memory_space<vmem>>) offsets(%dma_start3A_101 : memref<80xi32, #tpu.memory_space<vmem>>) semaphore(%arg56 : memref<!tpu.dma_semaphore, #tpu.memory_space<semaphore_mem>>)
      %dma_start3A_104 = arith.constant 1 : i32
      %dma_start3A_105 = arith.constant 0 : i32
      %dma_start3A_106 = tpu.memref_slice %arg19[%dma_start3A_104, %dma_start3A_105] : memref<3x80xi32, #tpu.memory_space<vmem>> -> memref<1x80xi32, #tpu.memory_space<vmem>>
      %dma_start3A_107 = tpu.memref_squeeze %dma_start3A_106 : memref<1x80xi32, #tpu.memory_space<vmem>> -> memref<80xi32, #tpu.memory_space<vmem>>
      %dma_start3A_108 = arith.constant 0 : i32
      %dma_start3A_109 = tpu.memref_slice %arg4[%dma_start3A_108] : memref<10240xf32, #tpu.memory_space<hbm>> -> memref<10240xf32, #tpu.memory_space<hbm>>
      tpu.enqueue_indirect_dma source(%dma_start3A_109 : memref<10240xf32, #tpu.memory_space<hbm>>) target(%arg35 : memref<80xf32, #tpu.memory_space<vmem>>) offsets(%dma_start3A_107 : memref<80xi32, #tpu.memory_space<vmem>>) semaphore(%arg56 : memref<!tpu.dma_semaphore, #tpu.memory_space<semaphore_mem>>)
      %dma_start3A_110 = arith.constant 1 : i32
      %dma_start3A_111 = arith.constant 0 : i32
      %dma_start3A_112 = tpu.memref_slice %arg19[%dma_start3A_110, %dma_start3A_111] : memref<3x80xi32, #tpu.memory_space<vmem>> -> memref<1x80xi32, #tpu.memory_space<vmem>>
      %dma_start3A_113 = tpu.memref_squeeze %dma_start3A_112 : memref<1x80xi32, #tpu.memory_space<vmem>> -> memref<80xi32, #tpu.memory_space<vmem>>
      %dma_start3A_114 = arith.constant 0 : i32
      %dma_start3A_115 = tpu.memref_slice %arg5[%dma_start3A_114] : memref<10240xf32, #tpu.memory_space<hbm>> -> memref<10240xf32, #tpu.memory_space<hbm>>
      tpu.enqueue_indirect_dma source(%dma_start3A_115 : memref<10240xf32, #tpu.memory_space<hbm>>) target(%arg36 : memref<80xf32, #tpu.memory_space<vmem>>) offsets(%dma_start3A_113 : memref<80xi32, #tpu.memory_space<vmem>>) semaphore(%arg56 : memref<!tpu.dma_semaphore, #tpu.memory_space<semaphore_mem>>)
      %dma_wait3A_116 = arith.constant 0 : i32
      %dma_wait3A_117 = arith.constant 0 : i32
      %dma_wait3A_118 = tpu.memref_slice %arg2[%add3A_46, %dma_wait3A_116, %dma_wait3A_117] : memref<2000x3x80xi32, #tpu.memory_space<hbm>> -> memref<1x3x80xi32, #tpu.memory_space<hbm>>
      %dma_wait3A_119 = tpu.memref_squeeze %dma_wait3A_118 : memref<1x3x80xi32, #tpu.memory_space<hbm>> -> memref<3x80xi32, #tpu.memory_space<hbm>>
      %dma_wait3A_120 = arith.constant 0 : i32
      %dma_wait3A_121 = arith.constant 0 : i32
      %dma_wait3A_122 = tpu.memref_slice %arg2[%add3A_46, %dma_wait3A_120, %dma_wait3A_121] : memref<2000x3x80xi32, #tpu.memory_space<hbm>> -> memref<1x3x80xi32, #tpu.memory_space<hbm>>
      %dma_wait3A_123 = tpu.memref_squeeze %dma_wait3A_122 : memref<1x3x80xi32, #tpu.memory_space<hbm>> -> memref<3x80xi32, #tpu.memory_space<hbm>>
      tpu.wait_dma2 semaphore(%arg54 : memref<!tpu.dma_semaphore, #tpu.memory_space<semaphore_mem>>) src(%dma_wait3A_123 : memref<3x80xi32, #tpu.memory_space<hbm>>) dst(%arg20 : memref<3x80xi32, #tpu.memory_space<vmem>>)
      %dma_start3A_124 = arith.constant 0 : i32
      %dma_start3A_125 = arith.constant 0 : i32
      %dma_start3A_126 = tpu.memref_slice %arg20[%dma_start3A_124, %dma_start3A_125] : memref<3x80xi32, #tpu.memory_space<vmem>> -> memref<1x80xi32, #tpu.memory_space<vmem>>
      %dma_start3A_127 = tpu.memref_squeeze %dma_start3A_126 : memref<1x80xi32, #tpu.memory_space<vmem>> -> memref<80xi32, #tpu.memory_space<vmem>>
      %dma_start3A_128 = arith.constant 0 : i32
      %dma_start3A_129 = tpu.memref_slice %arg3[%dma_start3A_128] : memref<10240xf32, #tpu.memory_space<hbm>> -> memref<10240xf32, #tpu.memory_space<hbm>>
      tpu.enqueue_indirect_dma source(%dma_start3A_129 : memref<10240xf32, #tpu.memory_space<hbm>>) target(%arg37 : memref<80xf32, #tpu.memory_space<vmem>>) offsets(%dma_start3A_127 : memref<80xi32, #tpu.memory_space<vmem>>) semaphore(%arg57 : memref<!tpu.dma_semaphore, #tpu.memory_space<semaphore_mem>>)
      %dma_start3A_130 = arith.constant 0 : i32
      %dma_start3A_131 = arith.constant 0 : i32
      %dma_start3A_132 = tpu.memref_slice %arg20[%dma_start3A_130, %dma_start3A_131] : memref<3x80xi32, #tpu.memory_space<vmem>> -> memref<1x80xi32, #tpu.memory_space<vmem>>
      %dma_start3A_133 = tpu.memref_squeeze %dma_start3A_132 : memref<1x80xi32, #tpu.memory_space<vmem>> -> memref<80xi32, #tpu.memory_space<vmem>>
      %dma_start3A_134 = arith.constant 0 : i32
      %dma_start3A_135 = tpu.memref_slice %arg4[%dma_start3A_134] : memref<10240xf32, #tpu.memory_space<hbm>> -> memref<10240xf32, #tpu.memory_space<hbm>>
      tpu.enqueue_indirect_dma source(%dma_start3A_135 : memref<10240xf32, #tpu.memory_space<hbm>>) target(%arg38 : memref<80xf32, #tpu.memory_space<vmem>>) offsets(%dma_start3A_133 : memref<80xi32, #tpu.memory_space<vmem>>) semaphore(%arg57 : memref<!tpu.dma_semaphore, #tpu.memory_space<semaphore_mem>>)
      %dma_start3A_136 = arith.constant 0 : i32
      %dma_start3A_137 = arith.constant 0 : i32
      %dma_start3A_138 = tpu.memref_slice %arg20[%dma_start3A_136, %dma_start3A_137] : memref<3x80xi32, #tpu.memory_space<vmem>> -> memref<1x80xi32, #tpu.memory_space<vmem>>
      %dma_start3A_139 = tpu.memref_squeeze %dma_start3A_138 : memref<1x80xi32, #tpu.memory_space<vmem>> -> memref<80xi32, #tpu.memory_space<vmem>>
      %dma_start3A_140 = arith.constant 0 : i32
      %dma_start3A_141 = tpu.memref_slice %arg5[%dma_start3A_140] : memref<10240xf32, #tpu.memory_space<hbm>> -> memref<10240xf32, #tpu.memory_space<hbm>>
      tpu.enqueue_indirect_dma source(%dma_start3A_141 : memref<10240xf32, #tpu.memory_space<hbm>>) target(%arg39 : memref<80xf32, #tpu.memory_space<vmem>>) offsets(%dma_start3A_139 : memref<80xi32, #tpu.memory_space<vmem>>) semaphore(%arg57 : memref<!tpu.dma_semaphore, #tpu.memory_space<semaphore_mem>>)
      %dma_start3A_142 = arith.constant 1 : i32
      %dma_start3A_143 = arith.constant 0 : i32
      %dma_start3A_144 = tpu.memref_slice %arg20[%dma_start3A_142, %dma_start3A_143] : memref<3x80xi32, #tpu.memory_space<vmem>> -> memref<1x80xi32, #tpu.memory_space<vmem>>
      %dma_start3A_145 = tpu.memref_squeeze %dma_start3A_144 : memref<1x80xi32, #tpu.memory_space<vmem>> -> memref<80xi32, #tpu.memory_space<vmem>>
      %dma_start3A_146 = arith.constant 0 : i32
      %dma_start3A_147 = tpu.memref_slice %arg3[%dma_start3A_146] : memref<10240xf32, #tpu.memory_space<hbm>> -> memref<10240xf32, #tpu.memory_space<hbm>>
      tpu.enqueue_indirect_dma source(%dma_start3A_147 : memref<10240xf32, #tpu.memory_space<hbm>>) target(%arg40 : memref<80xf32, #tpu.memory_space<vmem>>) offsets(%dma_start3A_145 : memref<80xi32, #tpu.memory_space<vmem>>) semaphore(%arg57 : memref<!tpu.dma_semaphore, #tpu.memory_space<semaphore_mem>>)
      %dma_start3A_148 = arith.constant 1 : i32
      %dma_start3A_149 = arith.constant 0 : i32
      %dma_start3A_150 = tpu.memref_slice %arg20[%dma_start3A_148, %dma_start3A_149] : memref<3x80xi32, #tpu.memory_space<vmem>> -> memref<1x80xi32, #tpu.memory_space<vmem>>
      %dma_start3A_151 = tpu.memref_squeeze %dma_start3A_150 : memref<1x80xi32, #tpu.memory_space<vmem>> -> memref<80xi32, #tpu.memory_space<vmem>>
      %dma_start3A_152 = arith.constant 0 : i32
      %dma_start3A_153 = tpu.memref_slice %arg4[%dma_start3A_152] : memref<10240xf32, #tpu.memory_space<hbm>> -> memref<10240xf32, #tpu.memory_space<hbm>>
      tpu.enqueue_indirect_dma source(%dma_start3A_153 : memref<10240xf32, #tpu.memory_space<hbm>>) target(%arg41 : memref<80xf32, #tpu.memory_space<vmem>>) offsets(%dma_start3A_151 : memref<80xi32, #tpu.memory_space<vmem>>) semaphore(%arg57 : memref<!tpu.dma_semaphore, #tpu.memory_space<semaphore_mem>>)
      %dma_start3A_154 = arith.constant 1 : i32
      %dma_start3A_155 = arith.constant 0 : i32
      %dma_start3A_156 = tpu.memref_slice %arg20[%dma_start3A_154, %dma_start3A_155] : memref<3x80xi32, #tpu.memory_space<vmem>> -> memref<1x80xi32, #tpu.memory_space<vmem>>
      %dma_start3A_157 = tpu.memref_squeeze %dma_start3A_156 : memref<1x80xi32, #tpu.memory_space<vmem>> -> memref<80xi32, #tpu.memory_space<vmem>>
      %dma_start3A_158 = arith.constant 0 : i32
      %dma_start3A_159 = tpu.memref_slice %arg5[%dma_start3A_158] : memref<10240xf32, #tpu.memory_space<hbm>> -> memref<10240xf32, #tpu.memory_space<hbm>>
      tpu.enqueue_indirect_dma source(%dma_start3A_159 : memref<10240xf32, #tpu.memory_space<hbm>>) target(%arg42 : memref<80xf32, #tpu.memory_space<vmem>>) offsets(%dma_start3A_157 : memref<80xi32, #tpu.memory_space<vmem>>) semaphore(%arg57 : memref<!tpu.dma_semaphore, #tpu.memory_space<semaphore_mem>>)
      %dma_wait3A_160 = arith.constant 0 : i32
      %dma_wait3A_161 = arith.constant 0 : i32
      %dma_wait3A_162 = tpu.memref_slice %arg19[%dma_wait3A_160, %dma_wait3A_161] : memref<3x80xi32, #tpu.memory_space<vmem>> -> memref<1x80xi32, #tpu.memory_space<vmem>>
      %dma_wait3A_163 = tpu.memref_squeeze %dma_wait3A_162 : memref<1x80xi32, #tpu.memory_space<vmem>> -> memref<80xi32, #tpu.memory_space<vmem>>
      %dma_wait3A_164 = arith.constant 0 : i32
      %dma_wait3A_165 = tpu.memref_slice %arg3[%dma_wait3A_164] : memref<10240xf32, #tpu.memory_space<hbm>> -> memref<10240xf32, #tpu.memory_space<hbm>>
      tpu.wait_indirect_dma semaphore(%arg56 : memref<!tpu.dma_semaphore, #tpu.memory_space<semaphore_mem>>) src(%dma_wait3A_165 : memref<10240xf32, #tpu.memory_space<hbm>>) dst(%arg31 : memref<80xf32, #tpu.memory_space<vmem>>)
      %dma_wait3A_166 = arith.constant 0 : i32
      %dma_wait3A_167 = arith.constant 0 : i32
      %dma_wait3A_168 = tpu.memref_slice %arg19[%dma_wait3A_166, %dma_wait3A_167] : memref<3x80xi32, #tpu.memory_space<vmem>> -> memref<1x80xi32, #tpu.memory_space<vmem>>
      %dma_wait3A_169 = tpu.memref_squeeze %dma_wait3A_168 : memref<1x80xi32, #tpu.memory_space<vmem>> -> memref<80xi32, #tpu.memory_space<vmem>>
      %dma_wait3A_170 = arith.constant 0 : i32
      %dma_wait3A_171 = tpu.memref_slice %arg4[%dma_wait3A_170] : memref<10240xf32, #tpu.memory_space<hbm>> -> memref<10240xf32, #tpu.memory_space<hbm>>
      tpu.wait_indirect_dma semaphore(%arg56 : memref<!tpu.dma_semaphore, #tpu.memory_space<semaphore_mem>>) src(%dma_wait3A_171 : memref<10240xf32, #tpu.memory_space<hbm>>) dst(%arg32 : memref<80xf32, #tpu.memory_space<vmem>>)
      %dma_wait3A_172 = arith.constant 0 : i32
      %dma_wait3A_173 = arith.constant 0 : i32
      %dma_wait3A_174 = tpu.memref_slice %arg19[%dma_wait3A_172, %dma_wait3A_173] : memref<3x80xi32, #tpu.memory_space<vmem>> -> memref<1x80xi32, #tpu.memory_space<vmem>>
      %dma_wait3A_175 = tpu.memref_squeeze %dma_wait3A_174 : memref<1x80xi32, #tpu.memory_space<vmem>> -> memref<80xi32, #tpu.memory_space<vmem>>
      %dma_wait3A_176 = arith.constant 0 : i32
      %dma_wait3A_177 = tpu.memref_slice %arg5[%dma_wait3A_176] : memref<10240xf32, #tpu.memory_space<hbm>> -> memref<10240xf32, #tpu.memory_space<hbm>>
      tpu.wait_indirect_dma semaphore(%arg56 : memref<!tpu.dma_semaphore, #tpu.memory_space<semaphore_mem>>) src(%dma_wait3A_177 : memref<10240xf32, #tpu.memory_space<hbm>>) dst(%arg33 : memref<80xf32, #tpu.memory_space<vmem>>)
      %dma_wait3A_178 = arith.constant 1 : i32
      %dma_wait3A_179 = arith.constant 0 : i32
      %dma_wait3A_180 = tpu.memref_slice %arg19[%dma_wait3A_178, %dma_wait3A_179] : memref<3x80xi32, #tpu.memory_space<vmem>> -> memref<1x80xi32, #tpu.memory_space<vmem>>
      %dma_wait3A_181 = tpu.memref_squeeze %dma_wait3A_180 : memref<1x80xi32, #tpu.memory_space<vmem>> -> memref<80xi32, #tpu.memory_space<vmem>>
      %dma_wait3A_182 = arith.constant 0 : i32
      %dma_wait3A_183 = tpu.memref_slice %arg3[%dma_wait3A_182] : memref<10240xf32, #tpu.memory_space<hbm>> -> memref<10240xf32, #tpu.memory_space<hbm>>
      tpu.wait_indirect_dma semaphore(%arg56 : memref<!tpu.dma_semaphore, #tpu.memory_space<semaphore_mem>>) src(%dma_wait3A_183 : memref<10240xf32, #tpu.memory_space<hbm>>) dst(%arg34 : memref<80xf32, #tpu.memory_space<vmem>>)
      %dma_wait3A_184 = arith.constant 1 : i32
      %dma_wait3A_185 = arith.constant 0 : i32
      %dma_wait3A_186 = tpu.memref_slice %arg19[%dma_wait3A_184, %dma_wait3A_185] : memref<3x80xi32, #tpu.memory_space<vmem>> -> memref<1x80xi32, #tpu.memory_space<vmem>>
      %dma_wait3A_187 = tpu.memref_squeeze %dma_wait3A_186 : memref<1x80xi32, #tpu.memory_space<vmem>> -> memref<80xi32, #tpu.memory_space<vmem>>
      %dma_wait3A_188 = arith.constant 0 : i32
      %dma_wait3A_189 = tpu.memref_slice %arg4[%dma_wait3A_188] : memref<10240xf32, #tpu.memory_space<hbm>> -> memref<10240xf32, #tpu.memory_space<hbm>>
      tpu.wait_indirect_dma semaphore(%arg56 : memref<!tpu.dma_semaphore, #tpu.memory_space<semaphore_mem>>) src(%dma_wait3A_189 : memref<10240xf32, #tpu.memory_space<hbm>>) dst(%arg35 : memref<80xf32, #tpu.memory_space<vmem>>)
      %dma_wait3A_190 = arith.constant 1 : i32
      %dma_wait3A_191 = arith.constant 0 : i32
      %dma_wait3A_192 = tpu.memref_slice %arg19[%dma_wait3A_190, %dma_wait3A_191] : memref<3x80xi32, #tpu.memory_space<vmem>> -> memref<1x80xi32, #tpu.memory_space<vmem>>
      %dma_wait3A_193 = tpu.memref_squeeze %dma_wait3A_192 : memref<1x80xi32, #tpu.memory_space<vmem>> -> memref<80xi32, #tpu.memory_space<vmem>>
      %dma_wait3A_194 = arith.constant 0 : i32
      %dma_wait3A_195 = tpu.memref_slice %arg5[%dma_wait3A_194] : memref<10240xf32, #tpu.memory_space<hbm>> -> memref<10240xf32, #tpu.memory_space<hbm>>
      tpu.wait_indirect_dma semaphore(%arg56 : memref<!tpu.dma_semaphore, #tpu.memory_space<semaphore_mem>>) src(%dma_wait3A_195 : memref<10240xf32, #tpu.memory_space<hbm>>) dst(%arg36 : memref<80xf32, #tpu.memory_space<vmem>>)
      %get3A = arith.constant 0 : i32
      %get3A_196 = arith.index_cast %get3A : i32 to index
      %get3A_197 = arith.constant 0 : index
      %get3A_198 = tpu.vector_load %arg19[%get3A_196, %get3A_197] {strides = array<i32>} : memref<3x80xi32, #tpu.memory_space<vmem>>, vector<16xi32>,
      %get3A_199 = arith.constant 1 : i32
      %get3A_200 = arith.index_cast %get3A_199 : i32 to index
      %get3A_201 = arith.constant 0 : index
      %get3A_202 = tpu.vector_load %arg19[%get3A_200, %get3A_201] {strides = array<i32>} : memref<3x80xi32, #tpu.memory_space<vmem>>, vector<16xi32>,
      %get3A_203 = arith.constant 0 : index
      %get3A_204 = tpu.vector_load %arg34[%get3A_203] {strides = array<i32>} : memref<80xf32, #tpu.memory_space<vmem>>, vector<16xf32>,
      %get3A_205 = arith.constant 0 : index
      %get3A_206 = tpu.vector_load %arg31[%get3A_205] {strides = array<i32>} : memref<80xf32, #tpu.memory_space<vmem>>, vector<16xf32>,
      %sub3A_207 = arith.subf %get3A_204, %get3A_206 : vector<16xf32>
      %get3A_208 = arith.constant 0 : index
      %get3A_209 = tpu.vector_load %arg35[%get3A_208] {strides = array<i32>} : memref<80xf32, #tpu.memory_space<vmem>>, vector<16xf32>,
      %get3A_210 = arith.constant 0 : index
      %get3A_211 = tpu.vector_load %arg32[%get3A_210] {strides = array<i32>} : memref<80xf32, #tpu.memory_space<vmem>>, vector<16xf32>,
      %sub3A_212 = arith.subf %get3A_209, %get3A_211 : vector<16xf32>
      %get3A_213 = arith.constant 0 : index
      %get3A_214 = tpu.vector_load %arg36[%get3A_213] {strides = array<i32>} : memref<80xf32, #tpu.memory_space<vmem>>, vector<16xf32>,
      %get3A_215 = arith.constant 0 : index
      %get3A_216 = tpu.vector_load %arg33[%get3A_215] {strides = array<i32>} : memref<80xf32, #tpu.memory_space<vmem>>, vector<16xf32>,
      %sub3A_217 = arith.subf %get3A_214, %get3A_216 : vector<16xf32>
      %mul3A_218 = arith.mulf %sub3A_207, %sub3A_207 : vector<16xf32>
      %mul3A_219 = arith.mulf %sub3A_212, %sub3A_212 : vector<16xf32>
      %add3A_220 = arith.addf %mul3A_218, %mul3A_219 : vector<16xf32>
      %mul3A_221 = arith.mulf %sub3A_217, %sub3A_217 : vector<16xf32>
      %add3A_222 = arith.addf %add3A_220, %mul3A_221 : vector<16xf32>
      %mul3A_223 = arith.mulf %sub3A_207, %sub3A_207 : vector<16xf32>
      %lt3A = arith.constant 0.000000e+00 : f32
      %lt3A_224 = vector.broadcast %lt3A : f32 to vector<16xf32>
      %lt3A_225 = arith.cmpf olt, %sub3A_207, %lt3A_224 : vector<16xf32>
      %broadcast_in_dim3A_226 = arith.constant 0 : i32
      %broadcast_in_dim3A_227 = vector.broadcast %broadcast_in_dim3A_226 : i32 to vector<16xi32>
      %mul3A_228 = arith.constant 0.811744928 : f32
      %mul3A_229 = vector.broadcast %mul3A_228 : f32 to vector<16xf32>
      %mul3A_230 = arith.mulf %mul3A_229, %add3A_222 : vector<16xf32>
      %lt3A_231 = arith.cmpf olt, %mul3A_223, %mul3A_230 : vector<16xf32>
      %or3A = arith.ori %lt3A_225, %lt3A_231 : vector<16xi1>
      %convert_element_type3A_232 = arith.extui %or3A : vector<16xi1> to vector<16xi32>
      %add3A_233 = arith.addi %broadcast_in_dim3A_227, %convert_element_type3A_232 : vector<16xi32>
      %mul3A_234 = arith.constant 0.388739526 : f32
      %mul3A_235 = vector.broadcast %mul3A_234 : f32 to vector<16xf32>
      %mul3A_236 = arith.mulf %mul3A_235, %add3A_222 : vector<16xf32>
      %lt3A_237 = arith.cmpf olt, %mul3A_223, %mul3A_236 : vector<16xf32>
      %or3A_238 = arith.ori %lt3A_225, %lt3A_237 : vector<16xi1>
      %convert_element_type3A_239 = arith.extui %or3A_238 : vector<16xi1> to vector<16xi32>
      %add3A_240 = arith.addi %add3A_233, %convert_element_type3A_239 : vector<16xi32>
      %mul3A_241 = arith.constant 0.0495155677 : f32
      %mul3A_242 = vector.broadcast %mul3A_241 : f32 to vector<16xf32>
      %mul3A_243 = arith.mulf %mul3A_242, %add3A_222 : vector<16xf32>
      %lt3A_244 = arith.cmpf olt, %mul3A_223, %mul3A_243 : vector<16xf32>
      %or3A_245 = arith.ori %lt3A_225, %lt3A_244 : vector<16xi1>
      %convert_element_type3A_246 = arith.extui %or3A_245 : vector<16xi1> to vector<16xi32>
      %add3A_247 = arith.addi %add3A_240, %convert_element_type3A_246 : vector<16xi32>
      %mul3A_248 = arith.constant 0.0495155677 : f32
      %mul3A_249 = vector.broadcast %mul3A_248 : f32 to vector<16xf32>
      %mul3A_250 = arith.mulf %mul3A_249, %add3A_222 : vector<16xf32>
      %gt3A = arith.cmpf ogt, %mul3A_223, %mul3A_250 : vector<16xf32>
      %and3A = arith.andi %lt3A_225, %gt3A : vector<16xi1>
      %convert_element_type3A_251 = arith.extui %and3A : vector<16xi1> to vector<16xi32>
      %add3A_252 = arith.addi %add3A_247, %convert_element_type3A_251 : vector<16xi32>
      %mul3A_253 = arith.constant 0.388739526 : f32
      %mul3A_254 = vector.broadcast %mul3A_253 : f32 to vector<16xf32>
      %mul3A_255 = arith.mulf %mul3A_254, %add3A_222 : vector<16xf32>
      %gt3A_256 = arith.cmpf ogt, %mul3A_223, %mul3A_255 : vector<16xf32>
      %and3A_257 = arith.andi %lt3A_225, %gt3A_256 : vector<16xi1>
      %convert_element_type3A_258 = arith.extui %and3A_257 : vector<16xi1> to vector<16xi32>
      %add3A_259 = arith.addi %add3A_252, %convert_element_type3A_258 : vector<16xi32>
      %mul3A_260 = arith.constant 0.811744928 : f32
      %mul3A_261 = vector.broadcast %mul3A_260 : f32 to vector<16xf32>
      %mul3A_262 = arith.mulf %mul3A_261, %add3A_222 : vector<16xf32>
      %gt3A_263 = arith.cmpf ogt, %mul3A_223, %mul3A_262 : vector<16xf32>
      %and3A_264 = arith.andi %lt3A_225, %gt3A_263 : vector<16xi1>
      %convert_element_type3A_265 = arith.extui %and3A_264 : vector<16xi1> to vector<16xi32>
      %add3A_266 = arith.addi %add3A_259, %convert_element_type3A_265 : vector<16xi32>
      %eq3A_267 = arith.constant 0.000000e+00 : f32
      %eq3A_268 = vector.broadcast %eq3A_267 : f32 to vector<16xf32>
      %eq3A_269 = arith.cmpf oeq, %add3A_222, %eq3A_268 : vector<16xf32>
      %jit3A = arith.constant 3 : i32
      %broadcast_in_dim3A_270 = vector.broadcast %jit3A : i32 to vector<16xi32>
      %select_n3A = arith.select %eq3A_269, %broadcast_in_dim3A_270, %add3A_266 : vector<16xi1>, vector<16xi32>
      %mul3A_271 = arith.constant 7 : i32
      %mul3A_272 = vector.broadcast %mul3A_271 : i32 to vector<16xi32>
      %mul3A_273 = arith.muli %get3A_202, %mul3A_272 : vector<16xi32>
      %add3A_274 = arith.addi %mul3A_273, %select_n3A : vector<16xi32>
      %swap3A_275 = arith.constant 0 : index
      %swap3A_276 = tpu.vector_load %arg25[%swap3A_275] {strides = array<i32>} : memref<80xi32, #tpu.memory_space<vmem>>, vector<16xi32>,
      tpu.vector_store %arg25[%swap3A_275], %add3A_274 {strides = array<i32>} : memref<80xi32, #tpu.memory_space<vmem>>, vector<16xi32>,
      %mul3A_277 = arith.constant 7 : i32
      %mul3A_278 = vector.broadcast %mul3A_277 : i32 to vector<16xi32>
      %mul3A_279 = arith.muli %get3A_198, %mul3A_278 : vector<16xi32>
      %add3A_280 = arith.addi %mul3A_279, %select_n3A : vector<16xi32>
      %swap3A_281 = arith.constant 0 : index
      %swap3A_282 = tpu.vector_load %arg28[%swap3A_281] {strides = array<i32>} : memref<80xi32, #tpu.memory_space<vmem>>, vector<16xi32>,
      tpu.vector_store %arg28[%swap3A_281], %add3A_280 {strides = array<i32>} : memref<80xi32, #tpu.memory_space<vmem>>, vector<16xi32>,
      %get3A_283 = arith.constant 0 : i32
      %get3A_284 = arith.index_cast %get3A_283 : i32 to index
      %get3A_285 = arith.constant 16 : index
      %get3A_286 = tpu.vector_load %arg19[%get3A_284, %get3A_285] {strides = array<i32>} : memref<3x80xi32, #tpu.memory_space<vmem>>, vector<16xi32>,
      %get3A_287 = arith.constant 1 : i32
      %get3A_288 = arith.index_cast %get3A_287 : i32 to index
      %get3A_289 = arith.constant 16 : index
      %get3A_290 = tpu.vector_load %arg19[%get3A_288, %get3A_289] {strides = array<i32>} : memref<3x80xi32, #tpu.memory_space<vmem>>, vector<16xi32>,
      %get3A_291 = arith.constant 16 : index
      %get3A_292 = tpu.vector_load %arg34[%get3A_291] {strides = array<i32>} : memref<80xf32, #tpu.memory_space<vmem>>, vector<16xf32>,
      %get3A_293 = arith.constant 16 : index
      %get3A_294 = tpu.vector_load %arg31[%get3A_293] {strides = array<i32>} : memref<80xf32, #tpu.memory_space<vmem>>, vector<16xf32>,
      %sub3A_295 = arith.subf %get3A_292, %get3A_294 : vector<16xf32>
      %get3A_296 = arith.constant 16 : index
      %get3A_297 = tpu.vector_load %arg35[%get3A_296] {strides = array<i32>} : memref<80xf32, #tpu.memory_space<vmem>>, vector<16xf32>,
      %get3A_298 = arith.constant 16 : index
      %get3A_299 = tpu.vector_load %arg32[%get3A_298] {strides = array<i32>} : memref<80xf32, #tpu.memory_space<vmem>>, vector<16xf32>,
      %sub3A_300 = arith.subf %get3A_297, %get3A_299 : vector<16xf32>
      %get3A_301 = arith.constant 16 : index
      %get3A_302 = tpu.vector_load %arg36[%get3A_301] {strides = array<i32>} : memref<80xf32, #tpu.memory_space<vmem>>, vector<16xf32>,
      %get3A_303 = arith.constant 16 : index
      %get3A_304 = tpu.vector_load %arg33[%get3A_303] {strides = array<i32>} : memref<80xf32, #tpu.memory_space<vmem>>, vector<16xf32>,
      %sub3A_305 = arith.subf %get3A_302, %get3A_304 : vector<16xf32>
      %mul3A_306 = arith.mulf %sub3A_295, %sub3A_295 : vector<16xf32>
      %mul3A_307 = arith.mulf %sub3A_300, %sub3A_300 : vector<16xf32>
      %add3A_308 = arith.addf %mul3A_306, %mul3A_307 : vector<16xf32>
      %mul3A_309 = arith.mulf %sub3A_305, %sub3A_305 : vector<16xf32>
      %add3A_310 = arith.addf %add3A_308, %mul3A_309 : vector<16xf32>
      %mul3A_311 = arith.mulf %sub3A_295, %sub3A_295 : vector<16xf32>
      %lt3A_312 = arith.constant 0.000000e+00 : f32
      %lt3A_313 = vector.broadcast %lt3A_312 : f32 to vector<16xf32>
      %lt3A_314 = arith.cmpf olt, %sub3A_295, %lt3A_313 : vector<16xf32>
      %broadcast_in_dim3A_315 = arith.constant 0 : i32
      %broadcast_in_dim3A_316 = vector.broadcast %broadcast_in_dim3A_315 : i32 to vector<16xi32>
      %mul3A_317 = arith.constant 0.811744928 : f32
      %mul3A_318 = vector.broadcast %mul3A_317 : f32 to vector<16xf32>
      %mul3A_319 = arith.mulf %mul3A_318, %add3A_310 : vector<16xf32>
      %lt3A_320 = arith.cmpf olt, %mul3A_311, %mul3A_319 : vector<16xf32>
      %or3A_321 = arith.ori %lt3A_314, %lt3A_320 : vector<16xi1>
      %convert_element_type3A_322 = arith.extui %or3A_321 : vector<16xi1> to vector<16xi32>
      %add3A_323 = arith.addi %broadcast_in_dim3A_316, %convert_element_type3A_322 : vector<16xi32>
      %mul3A_324 = arith.constant 0.388739526 : f32
      %mul3A_325 = vector.broadcast %mul3A_324 : f32 to vector<16xf32>
      %mul3A_326 = arith.mulf %mul3A_325, %add3A_310 : vector<16xf32>
      %lt3A_327 = arith.cmpf olt, %mul3A_311, %mul3A_326 : vector<16xf32>
      %or3A_328 = arith.ori %lt3A_314, %lt3A_327 : vector<16xi1>
      %convert_element_type3A_329 = arith.extui %or3A_328 : vector<16xi1> to vector<16xi32>
      %add3A_330 = arith.addi %add3A_323, %convert_element_type3A_329 : vector<16xi32>
      %mul3A_331 = arith.constant 0.0495155677 : f32
      %mul3A_332 = vector.broadcast %mul3A_331 : f32 to vector<16xf32>
      %mul3A_333 = arith.mulf %mul3A_332, %add3A_310 : vector<16xf32>
      %lt3A_334 = arith.cmpf olt, %mul3A_311, %mul3A_333 : vector<16xf32>
      %or3A_335 = arith.ori %lt3A_314, %lt3A_334 : vector<16xi1>
      %convert_element_type3A_336 = arith.extui %or3A_335 : vector<16xi1> to vector<16xi32>
      %add3A_337 = arith.addi %add3A_330, %convert_element_type3A_336 : vector<16xi32>
      %mul3A_338 = arith.constant 0.0495155677 : f32
      %mul3A_339 = vector.broadcast %mul3A_338 : f32 to vector<16xf32>
      %mul3A_340 = arith.mulf %mul3A_339, %add3A_310 : vector<16xf32>
      %gt3A_341 = arith.cmpf ogt, %mul3A_311, %mul3A_340 : vector<16xf32>
      %and3A_342 = arith.andi %lt3A_314, %gt3A_341 : vector<16xi1>
      %convert_element_type3A_343 = arith.extui %and3A_342 : vector<16xi1> to vector<16xi32>
      %add3A_344 = arith.addi %add3A_337, %convert_element_type3A_343 : vector<16xi32>
      %mul3A_345 = arith.constant 0.388739526 : f32
      %mul3A_346 = vector.broadcast %mul3A_345 : f32 to vector<16xf32>
      %mul3A_347 = arith.mulf %mul3A_346, %add3A_310 : vector<16xf32>
      %gt3A_348 = arith.cmpf ogt, %mul3A_311, %mul3A_347 : vector<16xf32>
      %and3A_349 = arith.andi %lt3A_314, %gt3A_348 : vector<16xi1>
      %convert_element_type3A_350 = arith.extui %and3A_349 : vector<16xi1> to vector<16xi32>
      %add3A_351 = arith.addi %add3A_344, %convert_element_type3A_350 : vector<16xi32>
      %mul3A_352 = arith.constant 0.811744928 : f32
      %mul3A_353 = vector.broadcast %mul3A_352 : f32 to vector<16xf32>
      %mul3A_354 = arith.mulf %mul3A_353, %add3A_310 : vector<16xf32>
      %gt3A_355 = arith.cmpf ogt, %mul3A_311, %mul3A_354 : vector<16xf32>
      %and3A_356 = arith.andi %lt3A_314, %gt3A_355 : vector<16xi1>
      %convert_element_type3A_357 = arith.extui %and3A_356 : vector<16xi1> to vector<16xi32>
      %add3A_358 = arith.addi %add3A_351, %convert_element_type3A_357 : vector<16xi32>
      %eq3A_359 = arith.constant 0.000000e+00 : f32
      %eq3A_360 = vector.broadcast %eq3A_359 : f32 to vector<16xf32>
      %eq3A_361 = arith.cmpf oeq, %add3A_310, %eq3A_360 : vector<16xf32>
      %jit3A_362 = arith.constant 3 : i32
      %broadcast_in_dim3A_363 = vector.broadcast %jit3A_362 : i32 to vector<16xi32>
      %select_n3A_364 = arith.select %eq3A_361, %broadcast_in_dim3A_363, %add3A_358 : vector<16xi1>, vector<16xi32>
      %mul3A_365 = arith.constant 7 : i32
      %mul3A_366 = vector.broadcast %mul3A_365 : i32 to vector<16xi32>
      %mul3A_367 = arith.muli %get3A_290, %mul3A_366 : vector<16xi32>
      %add3A_368 = arith.addi %mul3A_367, %select_n3A_364 : vector<16xi32>
      %swap3A_369 = arith.constant 16 : index
      %swap3A_370 = tpu.vector_load %arg25[%swap3A_369] {strides = array<i32>} : memref<80xi32, #tpu.memory_space<vmem>>, vector<16xi32>,
      tpu.vector_store %arg25[%swap3A_369], %add3A_368 {strides = array<i32>} : memref<80xi32, #tpu.memory_space<vmem>>, vector<16xi32>,
      %mul3A_371 = arith.constant 7 : i32
      %mul3A_372 = vector.broadcast %mul3A_371 : i32 to vector<16xi32>
      %mul3A_373 = arith.muli %get3A_286, %mul3A_372 : vector<16xi32>
      %add3A_374 = arith.addi %mul3A_373, %select_n3A_364 : vector<16xi32>
      %swap3A_375 = arith.constant 16 : index
      %swap3A_376 = tpu.vector_load %arg28[%swap3A_375] {strides = array<i32>} : memref<80xi32, #tpu.memory_space<vmem>>, vector<16xi32>,
      tpu.vector_store %arg28[%swap3A_375], %add3A_374 {strides = array<i32>} : memref<80xi32, #tpu.memory_space<vmem>>, vector<16xi32>,
      %get3A_377 = arith.constant 0 : i32
      %get3A_378 = arith.index_cast %get3A_377 : i32 to index
      %get3A_379 = arith.constant 32 : index
      %get3A_380 = tpu.vector_load %arg19[%get3A_378, %get3A_379] {strides = array<i32>} : memref<3x80xi32, #tpu.memory_space<vmem>>, vector<16xi32>,
      %get3A_381 = arith.constant 1 : i32
      %get3A_382 = arith.index_cast %get3A_381 : i32 to index
      %get3A_383 = arith.constant 32 : index
      %get3A_384 = tpu.vector_load %arg19[%get3A_382, %get3A_383] {strides = array<i32>} : memref<3x80xi32, #tpu.memory_space<vmem>>, vector<16xi32>,
      %get3A_385 = arith.constant 32 : index
      %get3A_386 = tpu.vector_load %arg34[%get3A_385] {strides = array<i32>} : memref<80xf32, #tpu.memory_space<vmem>>, vector<16xf32>,
      %get3A_387 = arith.constant 32 : index
      %get3A_388 = tpu.vector_load %arg31[%get3A_387] {strides = array<i32>} : memref<80xf32, #tpu.memory_space<vmem>>, vector<16xf32>,
      %sub3A_389 = arith.subf %get3A_386, %get3A_388 : vector<16xf32>
      %get3A_390 = arith.constant 32 : index
      %get3A_391 = tpu.vector_load %arg35[%get3A_390] {strides = array<i32>} : memref<80xf32, #tpu.memory_space<vmem>>, vector<16xf32>,
      %get3A_392 = arith.constant 32 : index
      %get3A_393 = tpu.vector_load %arg32[%get3A_392] {strides = array<i32>} : memref<80xf32, #tpu.memory_space<vmem>>, vector<16xf32>,
      %sub3A_394 = arith.subf %get3A_391, %get3A_393 : vector<16xf32>
      %get3A_395 = arith.constant 32 : index
      %get3A_396 = tpu.vector_load %arg36[%get3A_395] {strides = array<i32>} : memref<80xf32, #tpu.memory_space<vmem>>, vector<16xf32>,
      %get3A_397 = arith.constant 32 : index
      %get3A_398 = tpu.vector_load %arg33[%get3A_397] {strides = array<i32>} : memref<80xf32, #tpu.memory_space<vmem>>, vector<16xf32>,
      %sub3A_399 = arith.subf %get3A_396, %get3A_398 : vector<16xf32>
      %mul3A_400 = arith.mulf %sub3A_389, %sub3A_389 : vector<16xf32>
      %mul3A_401 = arith.mulf %sub3A_394, %sub3A_394 : vector<16xf32>
      %add3A_402 = arith.addf %mul3A_400, %mul3A_401 : vector<16xf32>
      %mul3A_403 = arith.mulf %sub3A_399, %sub3A_399 : vector<16xf32>
      %add3A_404 = arith.addf %add3A_402, %mul3A_403 : vector<16xf32>
      %mul3A_405 = arith.mulf %sub3A_389, %sub3A_389 : vector<16xf32>
      %lt3A_406 = arith.constant 0.000000e+00 : f32
      %lt3A_407 = vector.broadcast %lt3A_406 : f32 to vector<16xf32>
      %lt3A_408 = arith.cmpf olt, %sub3A_389, %lt3A_407 : vector<16xf32>
      %broadcast_in_dim3A_409 = arith.constant 0 : i32
      %broadcast_in_dim3A_410 = vector.broadcast %broadcast_in_dim3A_409 : i32 to vector<16xi32>
      %mul3A_411 = arith.constant 0.811744928 : f32
      %mul3A_412 = vector.broadcast %mul3A_411 : f32 to vector<16xf32>
      %mul3A_413 = arith.mulf %mul3A_412, %add3A_404 : vector<16xf32>
      %lt3A_414 = arith.cmpf olt, %mul3A_405, %mul3A_413 : vector<16xf32>
      %or3A_415 = arith.ori %lt3A_408, %lt3A_414 : vector<16xi1>
      %convert_element_type3A_416 = arith.extui %or3A_415 : vector<16xi1> to vector<16xi32>
      %add3A_417 = arith.addi %broadcast_in_dim3A_410, %convert_element_type3A_416 : vector<16xi32>
      %mul3A_418 = arith.constant 0.388739526 : f32
      %mul3A_419 = vector.broadcast %mul3A_418 : f32 to vector<16xf32>
      %mul3A_420 = arith.mulf %mul3A_419, %add3A_404 : vector<16xf32>
      %lt3A_421 = arith.cmpf olt, %mul3A_405, %mul3A_420 : vector<16xf32>
      %or3A_422 = arith.ori %lt3A_408, %lt3A_421 : vector<16xi1>
      %convert_element_type3A_423 = arith.extui %or3A_422 : vector<16xi1> to vector<16xi32>
      %add3A_424 = arith.addi %add3A_417, %convert_element_type3A_423 : vector<16xi32>
      %mul3A_425 = arith.constant 0.0495155677 : f32
      %mul3A_426 = vector.broadcast %mul3A_425 : f32 to vector<16xf32>
      %mul3A_427 = arith.mulf %mul3A_426, %add3A_404 : vector<16xf32>
      %lt3A_428 = arith.cmpf olt, %mul3A_405, %mul3A_427 : vector<16xf32>
      %or3A_429 = arith.ori %lt3A_408, %lt3A_428 : vector<16xi1>
      %convert_element_type3A_430 = arith.extui %or3A_429 : vector<16xi1> to vector<16xi32>
      %add3A_431 = arith.addi %add3A_424, %convert_element_type3A_430 : vector<16xi32>
      %mul3A_432 = arith.constant 0.0495155677 : f32
      %mul3A_433 = vector.broadcast %mul3A_432 : f32 to vector<16xf32>
      %mul3A_434 = arith.mulf %mul3A_433, %add3A_404 : vector<16xf32>
      %gt3A_435 = arith.cmpf ogt, %mul3A_405, %mul3A_434 : vector<16xf32>
      %and3A_436 = arith.andi %lt3A_408, %gt3A_435 : vector<16xi1>
      %convert_element_type3A_437 = arith.extui %and3A_436 : vector<16xi1> to vector<16xi32>
      %add3A_438 = arith.addi %add3A_431, %convert_element_type3A_437 : vector<16xi32>
      %mul3A_439 = arith.constant 0.388739526 : f32
      %mul3A_440 = vector.broadcast %mul3A_439 : f32 to vector<16xf32>
      %mul3A_441 = arith.mulf %mul3A_440, %add3A_404 : vector<16xf32>
      %gt3A_442 = arith.cmpf ogt, %mul3A_405, %mul3A_441 : vector<16xf32>
      %and3A_443 = arith.andi %lt3A_408, %gt3A_442 : vector<16xi1>
      %convert_element_type3A_444 = arith.extui %and3A_443 : vector<16xi1> to vector<16xi32>
      %add3A_445 = arith.addi %add3A_438, %convert_element_type3A_444 : vector<16xi32>
      %mul3A_446 = arith.constant 0.811744928 : f32
      %mul3A_447 = vector.broadcast %mul3A_446 : f32 to vector<16xf32>
      %mul3A_448 = arith.mulf %mul3A_447, %add3A_404 : vector<16xf32>
      %gt3A_449 = arith.cmpf ogt, %mul3A_405, %mul3A_448 : vector<16xf32>
      %and3A_450 = arith.andi %lt3A_408, %gt3A_449 : vector<16xi1>
      %convert_element_type3A_451 = arith.extui %and3A_450 : vector<16xi1> to vector<16xi32>
      %add3A_452 = arith.addi %add3A_445, %convert_element_type3A_451 : vector<16xi32>
      %eq3A_453 = arith.constant 0.000000e+00 : f32
      %eq3A_454 = vector.broadcast %eq3A_453 : f32 to vector<16xf32>
      %eq3A_455 = arith.cmpf oeq, %add3A_404, %eq3A_454 : vector<16xf32>
      %jit3A_456 = arith.constant 3 : i32
      %broadcast_in_dim3A_457 = vector.broadcast %jit3A_456 : i32 to vector<16xi32>
      %select_n3A_458 = arith.select %eq3A_455, %broadcast_in_dim3A_457, %add3A_452 : vector<16xi1>, vector<16xi32>
      %mul3A_459 = arith.constant 7 : i32
      %mul3A_460 = vector.broadcast %mul3A_459 : i32 to vector<16xi32>
      %mul3A_461 = arith.muli %get3A_384, %mul3A_460 : vector<16xi32>
      %add3A_462 = arith.addi %mul3A_461, %select_n3A_458 : vector<16xi32>
      %swap3A_463 = arith.constant 32 : index
      %swap3A_464 = tpu.vector_load %arg25[%swap3A_463] {strides = array<i32>} : memref<80xi32, #tpu.memory_space<vmem>>, vector<16xi32>,
      tpu.vector_store %arg25[%swap3A_463], %add3A_462 {strides = array<i32>} : memref<80xi32, #tpu.memory_space<vmem>>, vector<16xi32>,
      %mul3A_465 = arith.constant 7 : i32
      %mul3A_466 = vector.broadcast %mul3A_465 : i32 to vector<16xi32>
      %mul3A_467 = arith.muli %get3A_380, %mul3A_466 : vector<16xi32>
      %add3A_468 = arith.addi %mul3A_467, %select_n3A_458 : vector<16xi32>
      %swap3A_469 = arith.constant 32 : index
      %swap3A_470 = tpu.vector_load %arg28[%swap3A_469] {strides = array<i32>} : memref<80xi32, #tpu.memory_space<vmem>>, vector<16xi32>,
      tpu.vector_store %arg28[%swap3A_469], %add3A_468 {strides = array<i32>} : memref<80xi32, #tpu.memory_space<vmem>>, vector<16xi32>,
      %get3A_471 = arith.constant 0 : i32
      %get3A_472 = arith.index_cast %get3A_471 : i32 to index
      %get3A_473 = arith.constant 48 : index
      %get3A_474 = tpu.vector_load %arg19[%get3A_472, %get3A_473] {strides = array<i32>} : memref<3x80xi32, #tpu.memory_space<vmem>>, vector<16xi32>,
      %get3A_475 = arith.constant 1 : i32
      %get3A_476 = arith.index_cast %get3A_475 : i32 to index
      %get3A_477 = arith.constant 48 : index
      %get3A_478 = tpu.vector_load %arg19[%get3A_476, %get3A_477] {strides = array<i32>} : memref<3x80xi32, #tpu.memory_space<vmem>>, vector<16xi32>,
      %get3A_479 = arith.constant 48 : index
      %get3A_480 = tpu.vector_load %arg34[%get3A_479] {strides = array<i32>} : memref<80xf32, #tpu.memory_space<vmem>>, vector<16xf32>,
      %get3A_481 = arith.constant 48 : index
      %get3A_482 = tpu.vector_load %arg31[%get3A_481] {strides = array<i32>} : memref<80xf32, #tpu.memory_space<vmem>>, vector<16xf32>,
      %sub3A_483 = arith.subf %get3A_480, %get3A_482 : vector<16xf32>
      %get3A_484 = arith.constant 48 : index
      %get3A_485 = tpu.vector_load %arg35[%get3A_484] {strides = array<i32>} : memref<80xf32, #tpu.memory_space<vmem>>, vector<16xf32>,
      %get3A_486 = arith.constant 48 : index
      %get3A_487 = tpu.vector_load %arg32[%get3A_486] {strides = array<i32>} : memref<80xf32, #tpu.memory_space<vmem>>, vector<16xf32>,
      %sub3A_488 = arith.subf %get3A_485, %get3A_487 : vector<16xf32>
      %get3A_489 = arith.constant 48 : index
      %get3A_490 = tpu.vector_load %arg36[%get3A_489] {strides = array<i32>} : memref<80xf32, #tpu.memory_space<vmem>>, vector<16xf32>,
      %get3A_491 = arith.constant 48 : index
      %get3A_492 = tpu.vector_load %arg33[%get3A_491] {strides = array<i32>} : memref<80xf32, #tpu.memory_space<vmem>>, vector<16xf32>,
      %sub3A_493 = arith.subf %get3A_490, %get3A_492 : vector<16xf32>
      %mul3A_494 = arith.mulf %sub3A_483, %sub3A_483 : vector<16xf32>
      %mul3A_495 = arith.mulf %sub3A_488, %sub3A_488 : vector<16xf32>
      %add3A_496 = arith.addf %mul3A_494, %mul3A_495 : vector<16xf32>
      %mul3A_497 = arith.mulf %sub3A_493, %sub3A_493 : vector<16xf32>
      %add3A_498 = arith.addf %add3A_496, %mul3A_497 : vector<16xf32>
      %mul3A_499 = arith.mulf %sub3A_483, %sub3A_483 : vector<16xf32>
      %lt3A_500 = arith.constant 0.000000e+00 : f32
      %lt3A_501 = vector.broadcast %lt3A_500 : f32 to vector<16xf32>
      %lt3A_502 = arith.cmpf olt, %sub3A_483, %lt3A_501 : vector<16xf32>
      %broadcast_in_dim3A_503 = arith.constant 0 : i32
      %broadcast_in_dim3A_504 = vector.broadcast %broadcast_in_dim3A_503 : i32 to vector<16xi32>
      %mul3A_505 = arith.constant 0.811744928 : f32
      %mul3A_506 = vector.broadcast %mul3A_505 : f32 to vector<16xf32>
      %mul3A_507 = arith.mulf %mul3A_506, %add3A_498 : vector<16xf32>
      %lt3A_508 = arith.cmpf olt, %mul3A_499, %mul3A_507 : vector<16xf32>
      %or3A_509 = arith.ori %lt3A_502, %lt3A_508 : vector<16xi1>
      %convert_element_type3A_510 = arith.extui %or3A_509 : vector<16xi1> to vector<16xi32>
      %add3A_511 = arith.addi %broadcast_in_dim3A_504, %convert_element_type3A_510 : vector<16xi32>
      %mul3A_512 = arith.constant 0.388739526 : f32
      %mul3A_513 = vector.broadcast %mul3A_512 : f32 to vector<16xf32>
      %mul3A_514 = arith.mulf %mul3A_513, %add3A_498 : vector<16xf32>
      %lt3A_515 = arith.cmpf olt, %mul3A_499, %mul3A_514 : vector<16xf32>
      %or3A_516 = arith.ori %lt3A_502, %lt3A_515 : vector<16xi1>
      %convert_element_type3A_517 = arith.extui %or3A_516 : vector<16xi1> to vector<16xi32>
      %add3A_518 = arith.addi %add3A_511, %convert_element_type3A_517 : vector<16xi32>
      %mul3A_519 = arith.constant 0.0495155677 : f32
      %mul3A_520 = vector.broadcast %mul3A_519 : f32 to vector<16xf32>
      %mul3A_521 = arith.mulf %mul3A_520, %add3A_498 : vector<16xf32>
      %lt3A_522 = arith.cmpf olt, %mul3A_499, %mul3A_521 : vector<16xf32>
      %or3A_523 = arith.ori %lt3A_502, %lt3A_522 : vector<16xi1>
      %convert_element_type3A_524 = arith.extui %or3A_523 : vector<16xi1> to vector<16xi32>
      %add3A_525 = arith.addi %add3A_518, %convert_element_type3A_524 : vector<16xi32>
      %mul3A_526 = arith.constant 0.0495155677 : f32
      %mul3A_527 = vector.broadcast %mul3A_526 : f32 to vector<16xf32>
      %mul3A_528 = arith.mulf %mul3A_527, %add3A_498 : vector<16xf32>
      %gt3A_529 = arith.cmpf ogt, %mul3A_499, %mul3A_528 : vector<16xf32>
      %and3A_530 = arith.andi %lt3A_502, %gt3A_529 : vector<16xi1>
      %convert_element_type3A_531 = arith.extui %and3A_530 : vector<16xi1> to vector<16xi32>
      %add3A_532 = arith.addi %add3A_525, %convert_element_type3A_531 : vector<16xi32>
      %mul3A_533 = arith.constant 0.388739526 : f32
      %mul3A_534 = vector.broadcast %mul3A_533 : f32 to vector<16xf32>
      %mul3A_535 = arith.mulf %mul3A_534, %add3A_498 : vector<16xf32>
      %gt3A_536 = arith.cmpf ogt, %mul3A_499, %mul3A_535 : vector<16xf32>
      %and3A_537 = arith.andi %lt3A_502, %gt3A_536 : vector<16xi1>
      %convert_element_type3A_538 = arith.extui %and3A_537 : vector<16xi1> to vector<16xi32>
      %add3A_539 = arith.addi %add3A_532, %convert_element_type3A_538 : vector<16xi32>
      %mul3A_540 = arith.constant 0.811744928 : f32
      %mul3A_541 = vector.broadcast %mul3A_540 : f32 to vector<16xf32>
      %mul3A_542 = arith.mulf %mul3A_541, %add3A_498 : vector<16xf32>
      %gt3A_543 = arith.cmpf ogt, %mul3A_499, %mul3A_542 : vector<16xf32>
      %and3A_544 = arith.andi %lt3A_502, %gt3A_543 : vector<16xi1>
      %convert_element_type3A_545 = arith.extui %and3A_544 : vector<16xi1> to vector<16xi32>
      %add3A_546 = arith.addi %add3A_539, %convert_element_type3A_545 : vector<16xi32>
      %eq3A_547 = arith.constant 0.000000e+00 : f32
      %eq3A_548 = vector.broadcast %eq3A_547 : f32 to vector<16xf32>
      %eq3A_549 = arith.cmpf oeq, %add3A_498, %eq3A_548 : vector<16xf32>
      %jit3A_550 = arith.constant 3 : i32
      %broadcast_in_dim3A_551 = vector.broadcast %jit3A_550 : i32 to vector<16xi32>
      %select_n3A_552 = arith.select %eq3A_549, %broadcast_in_dim3A_551, %add3A_546 : vector<16xi1>, vector<16xi32>
      %mul3A_553 = arith.constant 7 : i32
      %mul3A_554 = vector.broadcast %mul3A_553 : i32 to vector<16xi32>
      %mul3A_555 = arith.muli %get3A_478, %mul3A_554 : vector<16xi32>
      %add3A_556 = arith.addi %mul3A_555, %select_n3A_552 : vector<16xi32>
      %swap3A_557 = arith.constant 48 : index
      %swap3A_558 = tpu.vector_load %arg25[%swap3A_557] {strides = array<i32>} : memref<80xi32, #tpu.memory_space<vmem>>, vector<16xi32>,
      tpu.vector_store %arg25[%swap3A_557], %add3A_556 {strides = array<i32>} : memref<80xi32, #tpu.memory_space<vmem>>, vector<16xi32>,
      %mul3A_559 = arith.constant 7 : i32
      %mul3A_560 = vector.broadcast %mul3A_559 : i32 to vector<16xi32>
      %mul3A_561 = arith.muli %get3A_474, %mul3A_560 : vector<16xi32>
      %add3A_562 = arith.addi %mul3A_561, %select_n3A_552 : vector<16xi32>
      %swap3A_563 = arith.constant 48 : index
      %swap3A_564 = tpu.vector_load %arg28[%swap3A_563] {strides = array<i32>} : memref<80xi32, #tpu.memory_space<vmem>>, vector<16xi32>,
      tpu.vector_store %arg28[%swap3A_563], %add3A_562 {strides = array<i32>} : memref<80xi32, #tpu.memory_space<vmem>>, vector<16xi32>,
      %get3A_565 = arith.constant 0 : i32
      %get3A_566 = arith.index_cast %get3A_565 : i32 to index
      %get3A_567 = arith.constant 64 : index
      %get3A_568 = tpu.vector_load %arg19[%get3A_566, %get3A_567] {strides = array<i32>} : memref<3x80xi32, #tpu.memory_space<vmem>>, vector<16xi32>,
      %get3A_569 = arith.constant 1 : i32
      %get3A_570 = arith.index_cast %get3A_569 : i32 to index
      %get3A_571 = arith.constant 64 : index
      %get3A_572 = tpu.vector_load %arg19[%get3A_570, %get3A_571] {strides = array<i32>} : memref<3x80xi32, #tpu.memory_space<vmem>>, vector<16xi32>,
      %get3A_573 = arith.constant 64 : index
      %get3A_574 = tpu.vector_load %arg34[%get3A_573] {strides = array<i32>} : memref<80xf32, #tpu.memory_space<vmem>>, vector<16xf32>,
      %get3A_575 = arith.constant 64 : index
      %get3A_576 = tpu.vector_load %arg31[%get3A_575] {strides = array<i32>} : memref<80xf32, #tpu.memory_space<vmem>>, vector<16xf32>,
      %sub3A_577 = arith.subf %get3A_574, %get3A_576 : vector<16xf32>
      %get3A_578 = arith.constant 64 : index
      %get3A_579 = tpu.vector_load %arg35[%get3A_578] {strides = array<i32>} : memref<80xf32, #tpu.memory_space<vmem>>, vector<16xf32>,
      %get3A_580 = arith.constant 64 : index
      %get3A_581 = tpu.vector_load %arg32[%get3A_580] {strides = array<i32>} : memref<80xf32, #tpu.memory_space<vmem>>, vector<16xf32>,
      %sub3A_582 = arith.subf %get3A_579, %get3A_581 : vector<16xf32>
      %get3A_583 = arith.constant 64 : index
      %get3A_584 = tpu.vector_load %arg36[%get3A_583] {strides = array<i32>} : memref<80xf32, #tpu.memory_space<vmem>>, vector<16xf32>,
      %get3A_585 = arith.constant 64 : index
      %get3A_586 = tpu.vector_load %arg33[%get3A_585] {strides = array<i32>} : memref<80xf32, #tpu.memory_space<vmem>>, vector<16xf32>,
      %sub3A_587 = arith.subf %get3A_584, %get3A_586 : vector<16xf32>
      %mul3A_588 = arith.mulf %sub3A_577, %sub3A_577 : vector<16xf32>
      %mul3A_589 = arith.mulf %sub3A_582, %sub3A_582 : vector<16xf32>
      %add3A_590 = arith.addf %mul3A_588, %mul3A_589 : vector<16xf32>
      %mul3A_591 = arith.mulf %sub3A_587, %sub3A_587 : vector<16xf32>
      %add3A_592 = arith.addf %add3A_590, %mul3A_591 : vector<16xf32>
      %mul3A_593 = arith.mulf %sub3A_577, %sub3A_577 : vector<16xf32>
      %lt3A_594 = arith.constant 0.000000e+00 : f32
      %lt3A_595 = vector.broadcast %lt3A_594 : f32 to vector<16xf32>
      %lt3A_596 = arith.cmpf olt, %sub3A_577, %lt3A_595 : vector<16xf32>
      %broadcast_in_dim3A_597 = arith.constant 0 : i32
      %broadcast_in_dim3A_598 = vector.broadcast %broadcast_in_dim3A_597 : i32 to vector<16xi32>
      %mul3A_599 = arith.constant 0.811744928 : f32
      %mul3A_600 = vector.broadcast %mul3A_599 : f32 to vector<16xf32>
      %mul3A_601 = arith.mulf %mul3A_600, %add3A_592 : vector<16xf32>
      %lt3A_602 = arith.cmpf olt, %mul3A_593, %mul3A_601 : vector<16xf32>
      %or3A_603 = arith.ori %lt3A_596, %lt3A_602 : vector<16xi1>
      %convert_element_type3A_604 = arith.extui %or3A_603 : vector<16xi1> to vector<16xi32>
      %add3A_605 = arith.addi %broadcast_in_dim3A_598, %convert_element_type3A_604 : vector<16xi32>
      %mul3A_606 = arith.constant 0.388739526 : f32
      %mul3A_607 = vector.broadcast %mul3A_606 : f32 to vector<16xf32>
      %mul3A_608 = arith.mulf %mul3A_607, %add3A_592 : vector<16xf32>
      %lt3A_609 = arith.cmpf olt, %mul3A_593, %mul3A_608 : vector<16xf32>
      %or3A_610 = arith.ori %lt3A_596, %lt3A_609 : vector<16xi1>
      %convert_element_type3A_611 = arith.extui %or3A_610 : vector<16xi1> to vector<16xi32>
      %add3A_612 = arith.addi %add3A_605, %convert_element_type3A_611 : vector<16xi32>
      %mul3A_613 = arith.constant 0.0495155677 : f32
      %mul3A_614 = vector.broadcast %mul3A_613 : f32 to vector<16xf32>
      %mul3A_615 = arith.mulf %mul3A_614, %add3A_592 : vector<16xf32>
      %lt3A_616 = arith.cmpf olt, %mul3A_593, %mul3A_615 : vector<16xf32>
      %or3A_617 = arith.ori %lt3A_596, %lt3A_616 : vector<16xi1>
      %convert_element_type3A_618 = arith.extui %or3A_617 : vector<16xi1> to vector<16xi32>
      %add3A_619 = arith.addi %add3A_612, %convert_element_type3A_618 : vector<16xi32>
      %mul3A_620 = arith.constant 0.0495155677 : f32
      %mul3A_621 = vector.broadcast %mul3A_620 : f32 to vector<16xf32>
      %mul3A_622 = arith.mulf %mul3A_621, %add3A_592 : vector<16xf32>
      %gt3A_623 = arith.cmpf ogt, %mul3A_593, %mul3A_622 : vector<16xf32>
      %and3A_624 = arith.andi %lt3A_596, %gt3A_623 : vector<16xi1>
      %convert_element_type3A_625 = arith.extui %and3A_624 : vector<16xi1> to vector<16xi32>
      %add3A_626 = arith.addi %add3A_619, %convert_element_type3A_625 : vector<16xi32>
      %mul3A_627 = arith.constant 0.388739526 : f32
      %mul3A_628 = vector.broadcast %mul3A_627 : f32 to vector<16xf32>
      %mul3A_629 = arith.mulf %mul3A_628, %add3A_592 : vector<16xf32>
      %gt3A_630 = arith.cmpf ogt, %mul3A_593, %mul3A_629 : vector<16xf32>
      %and3A_631 = arith.andi %lt3A_596, %gt3A_630 : vector<16xi1>
      %convert_element_type3A_632 = arith.extui %and3A_631 : vector<16xi1> to vector<16xi32>
      %add3A_633 = arith.addi %add3A_626, %convert_element_type3A_632 : vector<16xi32>
      %mul3A_634 = arith.constant 0.811744928 : f32
      %mul3A_635 = vector.broadcast %mul3A_634 : f32 to vector<16xf32>
      %mul3A_636 = arith.mulf %mul3A_635, %add3A_592 : vector<16xf32>
      %gt3A_637 = arith.cmpf ogt, %mul3A_593, %mul3A_636 : vector<16xf32>
      %and3A_638 = arith.andi %lt3A_596, %gt3A_637 : vector<16xi1>
      %convert_element_type3A_639 = arith.extui %and3A_638 : vector<16xi1> to vector<16xi32>
      %add3A_640 = arith.addi %add3A_633, %convert_element_type3A_639 : vector<16xi32>
      %eq3A_641 = arith.constant 0.000000e+00 : f32
      %eq3A_642 = vector.broadcast %eq3A_641 : f32 to vector<16xf32>
      %eq3A_643 = arith.cmpf oeq, %add3A_592, %eq3A_642 : vector<16xf32>
      %jit3A_644 = arith.constant 3 : i32
      %broadcast_in_dim3A_645 = vector.broadcast %jit3A_644 : i32 to vector<16xi32>
      %select_n3A_646 = arith.select %eq3A_643, %broadcast_in_dim3A_645, %add3A_640 : vector<16xi1>, vector<16xi32>
      %mul3A_647 = arith.constant 7 : i32
      %mul3A_648 = vector.broadcast %mul3A_647 : i32 to vector<16xi32>
      %mul3A_649 = arith.muli %get3A_572, %mul3A_648 : vector<16xi32>
      %add3A_650 = arith.addi %mul3A_649, %select_n3A_646 : vector<16xi32>
      %swap3A_651 = arith.constant 64 : index
      %swap3A_652 = tpu.vector_load %arg25[%swap3A_651] {strides = array<i32>} : memref<80xi32, #tpu.memory_space<vmem>>, vector<16xi32>,
      tpu.vector_store %arg25[%swap3A_651], %add3A_650 {strides = array<i32>} : memref<80xi32, #tpu.memory_space<vmem>>, vector<16xi32>,
      %mul3A_653 = arith.constant 7 : i32
      %mul3A_654 = vector.broadcast %mul3A_653 : i32 to vector<16xi32>
      %mul3A_655 = arith.muli %get3A_568, %mul3A_654 : vector<16xi32>
      %add3A_656 = arith.addi %mul3A_655, %select_n3A_646 : vector<16xi32>
      %swap3A_657 = arith.constant 64 : index
      %swap3A_658 = tpu.vector_load %arg28[%swap3A_657] {strides = array<i32>} : memref<80xi32, #tpu.memory_space<vmem>>, vector<16xi32>,
      tpu.vector_store %arg28[%swap3A_657], %add3A_656 {strides = array<i32>} : memref<80xi32, #tpu.memory_space<vmem>>, vector<16xi32>,
      %dma_start3A_659 = arith.constant 0 : i32
      %dma_start3A_660 = arith.constant 0 : i32
      %dma_start3A_661 = tpu.memref_slice %arg6[%dma_start3A_659, %dma_start3A_660] : memref<71680x128xf32, #tpu.memory_space<hbm>> -> memref<71680x128xf32, #tpu.memory_space<hbm>>
      tpu.enqueue_indirect_dma source(%dma_start3A_661 : memref<71680x128xf32, #tpu.memory_space<hbm>>) target(%arg49 : memref<80x128xf32, #tpu.memory_space<vmem>>) offsets(%arg25 : memref<80xi32, #tpu.memory_space<vmem>>) semaphore(%arg59 : memref<!tpu.dma_semaphore, #tpu.memory_space<semaphore_mem>>)
      %get3A_662 = arith.constant 2 : i32
      %get3A_663 = arith.index_cast %get3A_662 : i32 to index
      %get3A_664 = arith.constant 0 : index
      %get3A_665 = tpu.vector_load %arg19[%get3A_663, %get3A_664] {strides = array<i32>} : memref<3x80xi32, #tpu.memory_space<vmem>>, vector<16xi32>,
      %bitcast3A = vector.bitcast %get3A_665 : vector<16xi32> to vector<16xf32>
      %swap3A_666 = arith.constant 0 : index
      %swap3A_667 = tpu.vector_load %arg22[%swap3A_666] {strides = array<i32>} : memref<80xf32, #tpu.memory_space<vmem>>, vector<16xf32>,
      tpu.vector_store %arg22[%swap3A_666], %bitcast3A {strides = array<i32>} : memref<80xf32, #tpu.memory_space<vmem>>, vector<16xf32>,
      %get3A_668 = arith.constant 2 : i32
      %get3A_669 = arith.index_cast %get3A_668 : i32 to index
      %get3A_670 = arith.constant 16 : index
      %get3A_671 = tpu.vector_load %arg19[%get3A_669, %get3A_670] {strides = array<i32>} : memref<3x80xi32, #tpu.memory_space<vmem>>, vector<16xi32>,
      %bitcast3A_672 = vector.bitcast %get3A_671 : vector<16xi32> to vector<16xf32>
      %swap3A_673 = arith.constant 16 : index
      %swap3A_674 = tpu.vector_load %arg22[%swap3A_673] {strides = array<i32>} : memref<80xf32, #tpu.memory_space<vmem>>, vector<16xf32>,
      tpu.vector_store %arg22[%swap3A_673], %bitcast3A_672 {strides = array<i32>} : memref<80xf32, #tpu.memory_space<vmem>>, vector<16xf32>,
      %get3A_675 = arith.constant 2 : i32
      %get3A_676 = arith.index_cast %get3A_675 : i32 to index
      %get3A_677 = arith.constant 32 : index
      %get3A_678 = tpu.vector_load %arg19[%get3A_676, %get3A_677] {strides = array<i32>} : memref<3x80xi32, #tpu.memory_space<vmem>>, vector<16xi32>,
      %bitcast3A_679 = vector.bitcast %get3A_678 : vector<16xi32> to vector<16xf32>
      %swap3A_680 = arith.constant 32 : index
      %swap3A_681 = tpu.vector_load %arg22[%swap3A_680] {strides = array<i32>} : memref<80xf32, #tpu.memory_space<vmem>>, vector<16xf32>,
      tpu.vector_store %arg22[%swap3A_680], %bitcast3A_679 {strides = array<i32>} : memref<80xf32, #tpu.memory_space<vmem>>, vector<16xf32>,
      %get3A_682 = arith.constant 2 : i32
      %get3A_683 = arith.index_cast %get3A_682 : i32 to index
      %get3A_684 = arith.constant 48 : index
      %get3A_685 = tpu.vector_load %arg19[%get3A_683, %get3A_684] {strides = array<i32>} : memref<3x80xi32, #tpu.memory_space<vmem>>, vector<16xi32>,
      %bitcast3A_686 = vector.bitcast %get3A_685 : vector<16xi32> to vector<16xf32>
      %swap3A_687 = arith.constant 48 : index
      %swap3A_688 = tpu.vector_load %arg22[%swap3A_687] {strides = array<i32>} : memref<80xf32, #tpu.memory_space<vmem>>, vector<16xf32>,
      tpu.vector_store %arg22[%swap3A_687], %bitcast3A_686 {strides = array<i32>} : memref<80xf32, #tpu.memory_space<vmem>>, vector<16xf32>,
      %get3A_689 = arith.constant 2 : i32
      %get3A_690 = arith.index_cast %get3A_689 : i32 to index
      %get3A_691 = arith.constant 64 : index
      %get3A_692 = tpu.vector_load %arg19[%get3A_690, %get3A_691] {strides = array<i32>} : memref<3x80xi32, #tpu.memory_space<vmem>>, vector<16xi32>,
      %bitcast3A_693 = vector.bitcast %get3A_692 : vector<16xi32> to vector<16xf32>
      %swap3A_694 = arith.constant 64 : index
      %swap3A_695 = tpu.vector_load %arg22[%swap3A_694] {strides = array<i32>} : memref<80xf32, #tpu.memory_space<vmem>>, vector<16xf32>,
      tpu.vector_store %arg22[%swap3A_694], %bitcast3A_693 {strides = array<i32>} : memref<80xf32, #tpu.memory_space<vmem>>, vector<16xf32>,
      %dma_wait3A_696 = arith.constant 0 : i32
      %dma_wait3A_697 = arith.constant 0 : i32
      %dma_wait3A_698 = tpu.memref_slice %arg20[%dma_wait3A_696, %dma_wait3A_697] : memref<3x80xi32, #tpu.memory_space<vmem>> -> memref<1x80xi32, #tpu.memory_space<vmem>>
      %dma_wait3A_699 = tpu.memref_squeeze %dma_wait3A_698 : memref<1x80xi32, #tpu.memory_space<vmem>> -> memref<80xi32, #tpu.memory_space<vmem>>
      %dma_wait3A_700 = arith.constant 0 : i32
      %dma_wait3A_701 = tpu.memref_slice %arg3[%dma_wait3A_700] : memref<10240xf32, #tpu.memory_space<hbm>> -> memref<10240xf32, #tpu.memory_space<hbm>>
      tpu.wait_indirect_dma semaphore(%arg57 : memref<!tpu.dma_semaphore, #tpu.memory_space<semaphore_mem>>) src(%dma_wait3A_701 : memref<10240xf32, #tpu.memory_space<hbm>>) dst(%arg37 : memref<80xf32, #tpu.memory_space<vmem>>)
      %dma_wait3A_702 = arith.constant 0 : i32
      %dma_wait3A_703 = arith.constant 0 : i32
      %dma_wait3A_704 = tpu.memref_slice %arg20[%dma_wait3A_702, %dma_wait3A_703] : memref<3x80xi32, #tpu.memory_space<vmem>> -> memref<1x80xi32, #tpu.memory_space<vmem>>
      %dma_wait3A_705 = tpu.memref_squeeze %dma_wait3A_704 : memref<1x80xi32, #tpu.memory_space<vmem>> -> memref<80xi32, #tpu.memory_space<vmem>>
      %dma_wait3A_706 = arith.constant 0 : i32
      %dma_wait3A_707 = tpu.memref_slice %arg4[%dma_wait3A_706] : memref<10240xf32, #tpu.memory_space<hbm>> -> memref<10240xf32, #tpu.memory_space<hbm>>
      tpu.wait_indirect_dma semaphore(%arg57 : memref<!tpu.dma_semaphore, #tpu.memory_space<semaphore_mem>>) src(%dma_wait3A_707 : memref<10240xf32, #tpu.memory_space<hbm>>) dst(%arg38 : memref<80xf32, #tpu.memory_space<vmem>>)
      %dma_wait3A_708 = arith.constant 0 : i32
      %dma_wait3A_709 = arith.constant 0 : i32
      %dma_wait3A_710 = tpu.memref_slice %arg20[%dma_wait3A_708, %dma_wait3A_709] : memref<3x80xi32, #tpu.memory_space<vmem>> -> memref<1x80xi32, #tpu.memory_space<vmem>>
      %dma_wait3A_711 = tpu.memref_squeeze %dma_wait3A_710 : memref<1x80xi32, #tpu.memory_space<vmem>> -> memref<80xi32, #tpu.memory_space<vmem>>
      %dma_wait3A_712 = arith.constant 0 : i32
      %dma_wait3A_713 = tpu.memref_slice %arg5[%dma_wait3A_712] : memref<10240xf32, #tpu.memory_space<hbm>> -> memref<10240xf32, #tpu.memory_space<hbm>>
      tpu.wait_indirect_dma semaphore(%arg57 : memref<!tpu.dma_semaphore, #tpu.memory_space<semaphore_mem>>) src(%dma_wait3A_713 : memref<10240xf32, #tpu.memory_space<hbm>>) dst(%arg39 : memref<80xf32, #tpu.memory_space<vmem>>)
      %dma_wait3A_714 = arith.constant 1 : i32
      %dma_wait3A_715 = arith.constant 0 : i32
      %dma_wait3A_716 = tpu.memref_slice %arg20[%dma_wait3A_714, %dma_wait3A_715] : memref<3x80xi32, #tpu.memory_space<vmem>> -> memref<1x80xi32, #tpu.memory_space<vmem>>
      %dma_wait3A_717 = tpu.memref_squeeze %dma_wait3A_716 : memref<1x80xi32, #tpu.memory_space<vmem>> -> memref<80xi32, #tpu.memory_space<vmem>>
      %dma_wait3A_718 = arith.constant 0 : i32
      %dma_wait3A_719 = tpu.memref_slice %arg3[%dma_wait3A_718] : memref<10240xf32, #tpu.memory_space<hbm>> -> memref<10240xf32, #tpu.memory_space<hbm>>
      tpu.wait_indirect_dma semaphore(%arg57 : memref<!tpu.dma_semaphore, #tpu.memory_space<semaphore_mem>>) src(%dma_wait3A_719 : memref<10240xf32, #tpu.memory_space<hbm>>) dst(%arg40 : memref<80xf32, #tpu.memory_space<vmem>>)
      %dma_wait3A_720 = arith.constant 1 : i32
      %dma_wait3A_721 = arith.constant 0 : i32
      %dma_wait3A_722 = tpu.memref_slice %arg20[%dma_wait3A_720, %dma_wait3A_721] : memref<3x80xi32, #tpu.memory_space<vmem>> -> memref<1x80xi32, #tpu.memory_space<vmem>>
      %dma_wait3A_723 = tpu.memref_squeeze %dma_wait3A_722 : memref<1x80xi32, #tpu.memory_space<vmem>> -> memref<80xi32, #tpu.memory_space<vmem>>
      %dma_wait3A_724 = arith.constant 0 : i32
      %dma_wait3A_725 = tpu.memref_slice %arg4[%dma_wait3A_724] : memref<10240xf32, #tpu.memory_space<hbm>> -> memref<10240xf32, #tpu.memory_space<hbm>>
      tpu.wait_indirect_dma semaphore(%arg57 : memref<!tpu.dma_semaphore, #tpu.memory_space<semaphore_mem>>) src(%dma_wait3A_725 : memref<10240xf32, #tpu.memory_space<hbm>>) dst(%arg41 : memref<80xf32, #tpu.memory_space<vmem>>)
      %dma_wait3A_726 = arith.constant 1 : i32
      %dma_wait3A_727 = arith.constant 0 : i32
      %dma_wait3A_728 = tpu.memref_slice %arg20[%dma_wait3A_726, %dma_wait3A_727] : memref<3x80xi32, #tpu.memory_space<vmem>> -> memref<1x80xi32, #tpu.memory_space<vmem>>
      %dma_wait3A_729 = tpu.memref_squeeze %dma_wait3A_728 : memref<1x80xi32, #tpu.memory_space<vmem>> -> memref<80xi32, #tpu.memory_space<vmem>>
      %dma_wait3A_730 = arith.constant 0 : i32
      %dma_wait3A_731 = tpu.memref_slice %arg5[%dma_wait3A_730] : memref<10240xf32, #tpu.memory_space<hbm>> -> memref<10240xf32, #tpu.memory_space<hbm>>
      tpu.wait_indirect_dma semaphore(%arg57 : memref<!tpu.dma_semaphore, #tpu.memory_space<semaphore_mem>>) src(%dma_wait3A_731 : memref<10240xf32, #tpu.memory_space<hbm>>) dst(%arg42 : memref<80xf32, #tpu.memory_space<vmem>>)
      %get3A_732 = arith.constant 0 : i32
      %get3A_733 = arith.index_cast %get3A_732 : i32 to index
      %get3A_734 = arith.constant 0 : index
      %get3A_735 = tpu.vector_load %arg20[%get3A_733, %get3A_734] {strides = array<i32>} : memref<3x80xi32, #tpu.memory_space<vmem>>, vector<16xi32>,
      %get3A_736 = arith.constant 1 : i32
      %get3A_737 = arith.index_cast %get3A_736 : i32 to index
      %get3A_738 = arith.constant 0 : index
      %get3A_739 = tpu.vector_load %arg20[%get3A_737, %get3A_738] {strides = array<i32>} : memref<3x80xi32, #tpu.memory_space<vmem>>, vector<16xi32>,
      %get3A_740 = arith.constant 0 : index
      %get3A_741 = tpu.vector_load %arg40[%get3A_740] {strides = array<i32>} : memref<80xf32, #tpu.memory_space<vmem>>, vector<16xf32>,
      %get3A_742 = arith.constant 0 : index
      %get3A_743 = tpu.vector_load %arg37[%get3A_742] {strides = array<i32>} : memref<80xf32, #tpu.memory_space<vmem>>, vector<16xf32>,
      %sub3A_744 = arith.subf %get3A_741, %get3A_743 : vector<16xf32>
      %get3A_745 = arith.constant 0 : index
      %get3A_746 = tpu.vector_load %arg41[%get3A_745] {strides = array<i32>} : memref<80xf32, #tpu.memory_space<vmem>>, vector<16xf32>,
      %get3A_747 = arith.constant 0 : index
      %get3A_748 = tpu.vector_load %arg38[%get3A_747] {strides = array<i32>} : memref<80xf32, #tpu.memory_space<vmem>>, vector<16xf32>,
      %sub3A_749 = arith.subf %get3A_746, %get3A_748 : vector<16xf32>
      %get3A_750 = arith.constant 0 : index
      %get3A_751 = tpu.vector_load %arg42[%get3A_750] {strides = array<i32>} : memref<80xf32, #tpu.memory_space<vmem>>, vector<16xf32>,
      %get3A_752 = arith.constant 0 : index
      %get3A_753 = tpu.vector_load %arg39[%get3A_752] {strides = array<i32>} : memref<80xf32, #tpu.memory_space<vmem>>, vector<16xf32>,
      %sub3A_754 = arith.subf %get3A_751, %get3A_753 : vector<16xf32>
      %mul3A_755 = arith.mulf %sub3A_744, %sub3A_744 : vector<16xf32>
      %mul3A_756 = arith.mulf %sub3A_749, %sub3A_749 : vector<16xf32>
      %add3A_757 = arith.addf %mul3A_755, %mul3A_756 : vector<16xf32>
      %mul3A_758 = arith.mulf %sub3A_754, %sub3A_754 : vector<16xf32>
      %add3A_759 = arith.addf %add3A_757, %mul3A_758 : vector<16xf32>
      %mul3A_760 = arith.mulf %sub3A_744, %sub3A_744 : vector<16xf32>
      %lt3A_761 = arith.constant 0.000000e+00 : f32
      %lt3A_762 = vector.broadcast %lt3A_761 : f32 to vector<16xf32>
      %lt3A_763 = arith.cmpf olt, %sub3A_744, %lt3A_762 : vector<16xf32>
      %broadcast_in_dim3A_764 = arith.constant 0 : i32
      %broadcast_in_dim3A_765 = vector.broadcast %broadcast_in_dim3A_764 : i32 to vector<16xi32>
      %mul3A_766 = arith.constant 0.811744928 : f32
      %mul3A_767 = vector.broadcast %mul3A_766 : f32 to vector<16xf32>
      %mul3A_768 = arith.mulf %mul3A_767, %add3A_759 : vector<16xf32>
      %lt3A_769 = arith.cmpf olt, %mul3A_760, %mul3A_768 : vector<16xf32>
      %or3A_770 = arith.ori %lt3A_763, %lt3A_769 : vector<16xi1>
      %convert_element_type3A_771 = arith.extui %or3A_770 : vector<16xi1> to vector<16xi32>
      %add3A_772 = arith.addi %broadcast_in_dim3A_765, %convert_element_type3A_771 : vector<16xi32>
      %mul3A_773 = arith.constant 0.388739526 : f32
      %mul3A_774 = vector.broadcast %mul3A_773 : f32 to vector<16xf32>
      %mul3A_775 = arith.mulf %mul3A_774, %add3A_759 : vector<16xf32>
      %lt3A_776 = arith.cmpf olt, %mul3A_760, %mul3A_775 : vector<16xf32>
      %or3A_777 = arith.ori %lt3A_763, %lt3A_776 : vector<16xi1>
      %convert_element_type3A_778 = arith.extui %or3A_777 : vector<16xi1> to vector<16xi32>
      %add3A_779 = arith.addi %add3A_772, %convert_element_type3A_778 : vector<16xi32>
      %mul3A_780 = arith.constant 0.0495155677 : f32
      %mul3A_781 = vector.broadcast %mul3A_780 : f32 to vector<16xf32>
      %mul3A_782 = arith.mulf %mul3A_781, %add3A_759 : vector<16xf32>
      %lt3A_783 = arith.cmpf olt, %mul3A_760, %mul3A_782 : vector<16xf32>
      %or3A_784 = arith.ori %lt3A_763, %lt3A_783 : vector<16xi1>
      %convert_element_type3A_785 = arith.extui %or3A_784 : vector<16xi1> to vector<16xi32>
      %add3A_786 = arith.addi %add3A_779, %convert_element_type3A_785 : vector<16xi32>
      %mul3A_787 = arith.constant 0.0495155677 : f32
      %mul3A_788 = vector.broadcast %mul3A_787 : f32 to vector<16xf32>
      %mul3A_789 = arith.mulf %mul3A_788, %add3A_759 : vector<16xf32>
      %gt3A_790 = arith.cmpf ogt, %mul3A_760, %mul3A_789 : vector<16xf32>
      %and3A_791 = arith.andi %lt3A_763, %gt3A_790 : vector<16xi1>
      %convert_element_type3A_792 = arith.extui %and3A_791 : vector<16xi1> to vector<16xi32>
      %add3A_793 = arith.addi %add3A_786, %convert_element_type3A_792 : vector<16xi32>
      %mul3A_794 = arith.constant 0.388739526 : f32
      %mul3A_795 = vector.broadcast %mul3A_794 : f32 to vector<16xf32>
      %mul3A_796 = arith.mulf %mul3A_795, %add3A_759 : vector<16xf32>
      %gt3A_797 = arith.cmpf ogt, %mul3A_760, %mul3A_796 : vector<16xf32>
      %and3A_798 = arith.andi %lt3A_763, %gt3A_797 : vector<16xi1>
      %convert_element_type3A_799 = arith.extui %and3A_798 : vector<16xi1> to vector<16xi32>
      %add3A_800 = arith.addi %add3A_793, %convert_element_type3A_799 : vector<16xi32>
      %mul3A_801 = arith.constant 0.811744928 : f32
      %mul3A_802 = vector.broadcast %mul3A_801 : f32 to vector<16xf32>
      %mul3A_803 = arith.mulf %mul3A_802, %add3A_759 : vector<16xf32>
      %gt3A_804 = arith.cmpf ogt, %mul3A_760, %mul3A_803 : vector<16xf32>
      %and3A_805 = arith.andi %lt3A_763, %gt3A_804 : vector<16xi1>
      %convert_element_type3A_806 = arith.extui %and3A_805 : vector<16xi1> to vector<16xi32>
      %add3A_807 = arith.addi %add3A_800, %convert_element_type3A_806 : vector<16xi32>
      %eq3A_808 = arith.constant 0.000000e+00 : f32
      %eq3A_809 = vector.broadcast %eq3A_808 : f32 to vector<16xf32>
      %eq3A_810 = arith.cmpf oeq, %add3A_759, %eq3A_809 : vector<16xf32>
      %jit3A_811 = arith.constant 3 : i32
      %broadcast_in_dim3A_812 = vector.broadcast %jit3A_811 : i32 to vector<16xi32>
      %select_n3A_813 = arith.select %eq3A_810, %broadcast_in_dim3A_812, %add3A_807 : vector<16xi1>, vector<16xi32>
      %mul3A_814 = arith.constant 7 : i32
      %mul3A_815 = vector.broadcast %mul3A_814 : i32 to vector<16xi32>
      %mul3A_816 = arith.muli %get3A_739, %mul3A_815 : vector<16xi32>
      %add3A_817 = arith.addi %mul3A_816, %select_n3A_813 : vector<16xi32>
      %swap3A_818 = arith.constant 0 : index
      %swap3A_819 = tpu.vector_load %arg26[%swap3A_818] {strides = array<i32>} : memref<80xi32, #tpu.memory_space<vmem>>, vector<16xi32>,
      tpu.vector_store %arg26[%swap3A_818], %add3A_817 {strides = array<i32>} : memref<80xi32, #tpu.memory_space<vmem>>, vector<16xi32>,
      %mul3A_820 = arith.constant 7 : i32
      %mul3A_821 = vector.broadcast %mul3A_820 : i32 to vector<16xi32>
      %mul3A_822 = arith.muli %get3A_735, %mul3A_821 : vector<16xi32>
      %add3A_823 = arith.addi %mul3A_822, %select_n3A_813 : vector<16xi32>
      %swap3A_824 = arith.constant 0 : index
      %swap3A_825 = tpu.vector_load %arg29[%swap3A_824] {strides = array<i32>} : memref<80xi32, #tpu.memory_space<vmem>>, vector<16xi32>,
      tpu.vector_store %arg29[%swap3A_824], %add3A_823 {strides = array<i32>} : memref<80xi32, #tpu.memory_space<vmem>>, vector<16xi32>,
      %get3A_826 = arith.constant 0 : i32
      %get3A_827 = arith.index_cast %get3A_826 : i32 to index
      %get3A_828 = arith.constant 16 : index
      %get3A_829 = tpu.vector_load %arg20[%get3A_827, %get3A_828] {strides = array<i32>} : memref<3x80xi32, #tpu.memory_space<vmem>>, vector<16xi32>,
      %get3A_830 = arith.constant 1 : i32
      %get3A_831 = arith.index_cast %get3A_830 : i32 to index
      %get3A_832 = arith.constant 16 : index
      %get3A_833 = tpu.vector_load %arg20[%get3A_831, %get3A_832] {strides = array<i32>} : memref<3x80xi32, #tpu.memory_space<vmem>>, vector<16xi32>,
      %get3A_834 = arith.constant 16 : index
      %get3A_835 = tpu.vector_load %arg40[%get3A_834] {strides = array<i32>} : memref<80xf32, #tpu.memory_space<vmem>>, vector<16xf32>,
      %get3A_836 = arith.constant 16 : index
      %get3A_837 = tpu.vector_load %arg37[%get3A_836] {strides = array<i32>} : memref<80xf32, #tpu.memory_space<vmem>>, vector<16xf32>,
      %sub3A_838 = arith.subf %get3A_835, %get3A_837 : vector<16xf32>
      %get3A_839 = arith.constant 16 : index
      %get3A_840 = tpu.vector_load %arg41[%get3A_839] {strides = array<i32>} : memref<80xf32, #tpu.memory_space<vmem>>, vector<16xf32>,
      %get3A_841 = arith.constant 16 : index
      %get3A_842 = tpu.vector_load %arg38[%get3A_841] {strides = array<i32>} : memref<80xf32, #tpu.memory_space<vmem>>, vector<16xf32>,
      %sub3A_843 = arith.subf %get3A_840, %get3A_842 : vector<16xf32>
      %get3A_844 = arith.constant 16 : index
      %get3A_845 = tpu.vector_load %arg42[%get3A_844] {strides = array<i32>} : memref<80xf32, #tpu.memory_space<vmem>>, vector<16xf32>,
      %get3A_846 = arith.constant 16 : index
      %get3A_847 = tpu.vector_load %arg39[%get3A_846] {strides = array<i32>} : memref<80xf32, #tpu.memory_space<vmem>>, vector<16xf32>,
      %sub3A_848 = arith.subf %get3A_845, %get3A_847 : vector<16xf32>
      %mul3A_849 = arith.mulf %sub3A_838, %sub3A_838 : vector<16xf32>
      %mul3A_850 = arith.mulf %sub3A_843, %sub3A_843 : vector<16xf32>
      %add3A_851 = arith.addf %mul3A_849, %mul3A_850 : vector<16xf32>
      %mul3A_852 = arith.mulf %sub3A_848, %sub3A_848 : vector<16xf32>
      %add3A_853 = arith.addf %add3A_851, %mul3A_852 : vector<16xf32>
      %mul3A_854 = arith.mulf %sub3A_838, %sub3A_838 : vector<16xf32>
      %lt3A_855 = arith.constant 0.000000e+00 : f32
      %lt3A_856 = vector.broadcast %lt3A_855 : f32 to vector<16xf32>
      %lt3A_857 = arith.cmpf olt, %sub3A_838, %lt3A_856 : vector<16xf32>
      %broadcast_in_dim3A_858 = arith.constant 0 : i32
      %broadcast_in_dim3A_859 = vector.broadcast %broadcast_in_dim3A_858 : i32 to vector<16xi32>
      %mul3A_860 = arith.constant 0.811744928 : f32
      %mul3A_861 = vector.broadcast %mul3A_860 : f32 to vector<16xf32>
      %mul3A_862 = arith.mulf %mul3A_861, %add3A_853 : vector<16xf32>
      %lt3A_863 = arith.cmpf olt, %mul3A_854, %mul3A_862 : vector<16xf32>
      %or3A_864 = arith.ori %lt3A_857, %lt3A_863 : vector<16xi1>
      %convert_element_type3A_865 = arith.extui %or3A_864 : vector<16xi1> to vector<16xi32>
      %add3A_866 = arith.addi %broadcast_in_dim3A_859, %convert_element_type3A_865 : vector<16xi32>
      %mul3A_867 = arith.constant 0.388739526 : f32
      %mul3A_868 = vector.broadcast %mul3A_867 : f32 to vector<16xf32>
      %mul3A_869 = arith.mulf %mul3A_868, %add3A_853 : vector<16xf32>
      %lt3A_870 = arith.cmpf olt, %mul3A_854, %mul3A_869 : vector<16xf32>
      %or3A_871 = arith.ori %lt3A_857, %lt3A_870 : vector<16xi1>
      %convert_element_type3A_872 = arith.extui %or3A_871 : vector<16xi1> to vector<16xi32>
      %add3A_873 = arith.addi %add3A_866, %convert_element_type3A_872 : vector<16xi32>
      %mul3A_874 = arith.constant 0.0495155677 : f32
      %mul3A_875 = vector.broadcast %mul3A_874 : f32 to vector<16xf32>
      %mul3A_876 = arith.mulf %mul3A_875, %add3A_853 : vector<16xf32>
      %lt3A_877 = arith.cmpf olt, %mul3A_854, %mul3A_876 : vector<16xf32>
      %or3A_878 = arith.ori %lt3A_857, %lt3A_877 : vector<16xi1>
      %convert_element_type3A_879 = arith.extui %or3A_878 : vector<16xi1> to vector<16xi32>
      %add3A_880 = arith.addi %add3A_873, %convert_element_type3A_879 : vector<16xi32>
      %mul3A_881 = arith.constant 0.0495155677 : f32
      %mul3A_882 = vector.broadcast %mul3A_881 : f32 to vector<16xf32>
      %mul3A_883 = arith.mulf %mul3A_882, %add3A_853 : vector<16xf32>
      %gt3A_884 = arith.cmpf ogt, %mul3A_854, %mul3A_883 : vector<16xf32>
      %and3A_885 = arith.andi %lt3A_857, %gt3A_884 : vector<16xi1>
      %convert_element_type3A_886 = arith.extui %and3A_885 : vector<16xi1> to vector<16xi32>
      %add3A_887 = arith.addi %add3A_880, %convert_element_type3A_886 : vector<16xi32>
      %mul3A_888 = arith.constant 0.388739526 : f32
      %mul3A_889 = vector.broadcast %mul3A_888 : f32 to vector<16xf32>
      %mul3A_890 = arith.mulf %mul3A_889, %add3A_853 : vector<16xf32>
      %gt3A_891 = arith.cmpf ogt, %mul3A_854, %mul3A_890 : vector<16xf32>
      %and3A_892 = arith.andi %lt3A_857, %gt3A_891 : vector<16xi1>
      %convert_element_type3A_893 = arith.extui %and3A_892 : vector<16xi1> to vector<16xi32>
      %add3A_894 = arith.addi %add3A_887, %convert_element_type3A_893 : vector<16xi32>
      %mul3A_895 = arith.constant 0.811744928 : f32
      %mul3A_896 = vector.broadcast %mul3A_895 : f32 to vector<16xf32>
      %mul3A_897 = arith.mulf %mul3A_896, %add3A_853 : vector<16xf32>
      %gt3A_898 = arith.cmpf ogt, %mul3A_854, %mul3A_897 : vector<16xf32>
      %and3A_899 = arith.andi %lt3A_857, %gt3A_898 : vector<16xi1>
      %convert_element_type3A_900 = arith.extui %and3A_899 : vector<16xi1> to vector<16xi32>
      %add3A_901 = arith.addi %add3A_894, %convert_element_type3A_900 : vector<16xi32>
      %eq3A_902 = arith.constant 0.000000e+00 : f32
      %eq3A_903 = vector.broadcast %eq3A_902 : f32 to vector<16xf32>
      %eq3A_904 = arith.cmpf oeq, %add3A_853, %eq3A_903 : vector<16xf32>
      %jit3A_905 = arith.constant 3 : i32
      %broadcast_in_dim3A_906 = vector.broadcast %jit3A_905 : i32 to vector<16xi32>
      %select_n3A_907 = arith.select %eq3A_904, %broadcast_in_dim3A_906, %add3A_901 : vector<16xi1>, vector<16xi32>
      %mul3A_908 = arith.constant 7 : i32
      %mul3A_909 = vector.broadcast %mul3A_908 : i32 to vector<16xi32>
      %mul3A_910 = arith.muli %get3A_833, %mul3A_909 : vector<16xi32>
      %add3A_911 = arith.addi %mul3A_910, %select_n3A_907 : vector<16xi32>
      %swap3A_912 = arith.constant 16 : index
      %swap3A_913 = tpu.vector_load %arg26[%swap3A_912] {strides = array<i32>} : memref<80xi32, #tpu.memory_space<vmem>>, vector<16xi32>,
      tpu.vector_store %arg26[%swap3A_912], %add3A_911 {strides = array<i32>} : memref<80xi32, #tpu.memory_space<vmem>>, vector<16xi32>,
      %mul3A_914 = arith.constant 7 : i32
      %mul3A_915 = vector.broadcast %mul3A_914 : i32 to vector<16xi32>
      %mul3A_916 = arith.muli %get3A_829, %mul3A_915 : vector<16xi32>
      %add3A_917 = arith.addi %mul3A_916, %select_n3A_907 : vector<16xi32>
      %swap3A_918 = arith.constant 16 : index
      %swap3A_919 = tpu.vector_load %arg29[%swap3A_918] {strides = array<i32>} : memref<80xi32, #tpu.memory_space<vmem>>, vector<16xi32>,
      tpu.vector_store %arg29[%swap3A_918], %add3A_917 {strides = array<i32>} : memref<80xi32, #tpu.memory_space<vmem>>, vector<16xi32>,
      %get3A_920 = arith.constant 0 : i32
      %get3A_921 = arith.index_cast %get3A_920 : i32 to index
      %get3A_922 = arith.constant 32 : index
      %get3A_923 = tpu.vector_load %arg20[%get3A_921, %get3A_922] {strides = array<i32>} : memref<3x80xi32, #tpu.memory_space<vmem>>, vector<16xi32>,
      %get3A_924 = arith.constant 1 : i32
      %get3A_925 = arith.index_cast %get3A_924 : i32 to index
      %get3A_926 = arith.constant 32 : index
      %get3A_927 = tpu.vector_load %arg20[%get3A_925, %get3A_926] {strides = array<i32>} : memref<3x80xi32, #tpu.memory_space<vmem>>, vector<16xi32>,
      %get3A_928 = arith.constant 32 : index
      %get3A_929 = tpu.vector_load %arg40[%get3A_928] {strides = array<i32>} : memref<80xf32, #tpu.memory_space<vmem>>, vector<16xf32>,
      %get3A_930 = arith.constant 32 : index
      %get3A_931 = tpu.vector_load %arg37[%get3A_930] {strides = array<i32>} : memref<80xf32, #tpu.memory_space<vmem>>, vector<16xf32>,
      %sub3A_932 = arith.subf %get3A_929, %get3A_931 : vector<16xf32>
      %get3A_933 = arith.constant 32 : index
      %get3A_934 = tpu.vector_load %arg41[%get3A_933] {strides = array<i32>} : memref<80xf32, #tpu.memory_space<vmem>>, vector<16xf32>,
      %get3A_935 = arith.constant 32 : index
      %get3A_936 = tpu.vector_load %arg38[%get3A_935] {strides = array<i32>} : memref<80xf32, #tpu.memory_space<vmem>>, vector<16xf32>,
      %sub3A_937 = arith.subf %get3A_934, %get3A_936 : vector<16xf32>
      %get3A_938 = arith.constant 32 : index
      %get3A_939 = tpu.vector_load %arg42[%get3A_938] {strides = array<i32>} : memref<80xf32, #tpu.memory_space<vmem>>, vector<16xf32>,
      %get3A_940 = arith.constant 32 : index
      %get3A_941 = tpu.vector_load %arg39[%get3A_940] {strides = array<i32>} : memref<80xf32, #tpu.memory_space<vmem>>, vector<16xf32>,
      %sub3A_942 = arith.subf %get3A_939, %get3A_941 : vector<16xf32>
      %mul3A_943 = arith.mulf %sub3A_932, %sub3A_932 : vector<16xf32>
      %mul3A_944 = arith.mulf %sub3A_937, %sub3A_937 : vector<16xf32>
      %add3A_945 = arith.addf %mul3A_943, %mul3A_944 : vector<16xf32>
      %mul3A_946 = arith.mulf %sub3A_942, %sub3A_942 : vector<16xf32>
      %add3A_947 = arith.addf %add3A_945, %mul3A_946 : vector<16xf32>
      %mul3A_948 = arith.mulf %sub3A_932, %sub3A_932 : vector<16xf32>
      %lt3A_949 = arith.constant 0.000000e+00 : f32
      %lt3A_950 = vector.broadcast %lt3A_949 : f32 to vector<16xf32>
      %lt3A_951 = arith.cmpf olt, %sub3A_932, %lt3A_950 : vector<16xf32>
      %broadcast_in_dim3A_952 = arith.constant 0 : i32
      %broadcast_in_dim3A_953 = vector.broadcast %broadcast_in_dim3A_952 : i32 to vector<16xi32>
      %mul3A_954 = arith.constant 0.811744928 : f32
      %mul3A_955 = vector.broadcast %mul3A_954 : f32 to vector<16xf32>
      %mul3A_956 = arith.mulf %mul3A_955, %add3A_947 : vector<16xf32>
      %lt3A_957 = arith.cmpf olt, %mul3A_948, %mul3A_956 : vector<16xf32>
      %or3A_958 = arith.ori %lt3A_951, %lt3A_957 : vector<16xi1>
      %convert_element_type3A_959 = arith.extui %or3A_958 : vector<16xi1> to vector<16xi32>
      %add3A_960 = arith.addi %broadcast_in_dim3A_953, %convert_element_type3A_959 : vector<16xi32>
      %mul3A_961 = arith.constant 0.388739526 : f32
      %mul3A_962 = vector.broadcast %mul3A_961 : f32 to vector<16xf32>
      %mul3A_963 = arith.mulf %mul3A_962, %add3A_947 : vector<16xf32>
      %lt3A_964 = arith.cmpf olt, %mul3A_948, %mul3A_963 : vector<16xf32>
      %or3A_965 = arith.ori %lt3A_951, %lt3A_964 : vector<16xi1>
      %convert_element_type3A_966 = arith.extui %or3A_965 : vector<16xi1> to vector<16xi32>
      %add3A_967 = arith.addi %add3A_960, %convert_element_type3A_966 : vector<16xi32>
      %mul3A_968 = arith.constant 0.0495155677 : f32
      %mul3A_969 = vector.broadcast %mul3A_968 : f32 to vector<16xf32>
      %mul3A_970 = arith.mulf %mul3A_969, %add3A_947 : vector<16xf32>
      %lt3A_971 = arith.cmpf olt, %mul3A_948, %mul3A_970 : vector<16xf32>
      %or3A_972 = arith.ori %lt3A_951, %lt3A_971 : vector<16xi1>
      %convert_element_type3A_973 = arith.extui %or3A_972 : vector<16xi1> to vector<16xi32>
      %add3A_974 = arith.addi %add3A_967, %convert_element_type3A_973 : vector<16xi32>
      %mul3A_975 = arith.constant 0.0495155677 : f32
      %mul3A_976 = vector.broadcast %mul3A_975 : f32 to vector<16xf32>
      %mul3A_977 = arith.mulf %mul3A_976, %add3A_947 : vector<16xf32>
      %gt3A_978 = arith.cmpf ogt, %mul3A_948, %mul3A_977 : vector<16xf32>
      %and3A_979 = arith.andi %lt3A_951, %gt3A_978 : vector<16xi1>
      %convert_element_type3A_980 = arith.extui %and3A_979 : vector<16xi1> to vector<16xi32>
      %add3A_981 = arith.addi %add3A_974, %convert_element_type3A_980 : vector<16xi32>
      %mul3A_982 = arith.constant 0.388739526 : f32
      %mul3A_983 = vector.broadcast %mul3A_982 : f32 to vector<16xf32>
      %mul3A_984 = arith.mulf %mul3A_983, %add3A_947 : vector<16xf32>
      %gt3A_985 = arith.cmpf ogt, %mul3A_948, %mul3A_984 : vector<16xf32>
      %and3A_986 = arith.andi %lt3A_951, %gt3A_985 : vector<16xi1>
      %convert_element_type3A_987 = arith.extui %and3A_986 : vector<16xi1> to vector<16xi32>
      %add3A_988 = arith.addi %add3A_981, %convert_element_type3A_987 : vector<16xi32>
      %mul3A_989 = arith.constant 0.811744928 : f32
      %mul3A_990 = vector.broadcast %mul3A_989 : f32 to vector<16xf32>
      %mul3A_991 = arith.mulf %mul3A_990, %add3A_947 : vector<16xf32>
      %gt3A_992 = arith.cmpf ogt, %mul3A_948, %mul3A_991 : vector<16xf32>
      %and3A_993 = arith.andi %lt3A_951, %gt3A_992 : vector<16xi1>
      %convert_element_type3A_994 = arith.extui %and3A_993 : vector<16xi1> to vector<16xi32>
      %add3A_995 = arith.addi %add3A_988, %convert_element_type3A_994 : vector<16xi32>
      %eq3A_996 = arith.constant 0.000000e+00 : f32
      %eq3A_997 = vector.broadcast %eq3A_996 : f32 to vector<16xf32>
      %eq3A_998 = arith.cmpf oeq, %add3A_947, %eq3A_997 : vector<16xf32>
      %jit3A_999 = arith.constant 3 : i32
      %broadcast_in_dim3A_1000 = vector.broadcast %jit3A_999 : i32 to vector<16xi32>
      %select_n3A_1001 = arith.select %eq3A_998, %broadcast_in_dim3A_1000, %add3A_995 : vector<16xi1>, vector<16xi32>
      %mul3A_1002 = arith.constant 7 : i32
      %mul3A_1003 = vector.broadcast %mul3A_1002 : i32 to vector<16xi32>
      %mul3A_1004 = arith.muli %get3A_927, %mul3A_1003 : vector<16xi32>
      %add3A_1005 = arith.addi %mul3A_1004, %select_n3A_1001 : vector<16xi32>
      %swap3A_1006 = arith.constant 32 : index
      %swap3A_1007 = tpu.vector_load %arg26[%swap3A_1006] {strides = array<i32>} : memref<80xi32, #tpu.memory_space<vmem>>, vector<16xi32>,
      tpu.vector_store %arg26[%swap3A_1006], %add3A_1005 {strides = array<i32>} : memref<80xi32, #tpu.memory_space<vmem>>, vector<16xi32>,
      %mul3A_1008 = arith.constant 7 : i32
      %mul3A_1009 = vector.broadcast %mul3A_1008 : i32 to vector<16xi32>
      %mul3A_1010 = arith.muli %get3A_923, %mul3A_1009 : vector<16xi32>
      %add3A_1011 = arith.addi %mul3A_1010, %select_n3A_1001 : vector<16xi32>
      %swap3A_1012 = arith.constant 32 : index
      %swap3A_1013 = tpu.vector_load %arg29[%swap3A_1012] {strides = array<i32>} : memref<80xi32, #tpu.memory_space<vmem>>, vector<16xi32>,
      tpu.vector_store %arg29[%swap3A_1012], %add3A_1011 {strides = array<i32>} : memref<80xi32, #tpu.memory_space<vmem>>, vector<16xi32>,
      %get3A_1014 = arith.constant 0 : i32
      %get3A_1015 = arith.index_cast %get3A_1014 : i32 to index
      %get3A_1016 = arith.constant 48 : index
      %get3A_1017 = tpu.vector_load %arg20[%get3A_1015, %get3A_1016] {strides = array<i32>} : memref<3x80xi32, #tpu.memory_space<vmem>>, vector<16xi32>,
      %get3A_1018 = arith.constant 1 : i32
      %get3A_1019 = arith.index_cast %get3A_1018 : i32 to index
      %get3A_1020 = arith.constant 48 : index
      %get3A_1021 = tpu.vector_load %arg20[%get3A_1019, %get3A_1020] {strides = array<i32>} : memref<3x80xi32, #tpu.memory_space<vmem>>, vector<16xi32>,
      %get3A_1022 = arith.constant 48 : index
      %get3A_1023 = tpu.vector_load %arg40[%get3A_1022] {strides = array<i32>} : memref<80xf32, #tpu.memory_space<vmem>>, vector<16xf32>,
      %get3A_1024 = arith.constant 48 : index
      %get3A_1025 = tpu.vector_load %arg37[%get3A_1024] {strides = array<i32>} : memref<80xf32, #tpu.memory_space<vmem>>, vector<16xf32>,
      %sub3A_1026 = arith.subf %get3A_1023, %get3A_1025 : vector<16xf32>
      %get3A_1027 = arith.constant 48 : index
      %get3A_1028 = tpu.vector_load %arg41[%get3A_1027] {strides = array<i32>} : memref<80xf32, #tpu.memory_space<vmem>>, vector<16xf32>,
      %get3A_1029 = arith.constant 48 : index
      %get3A_1030 = tpu.vector_load %arg38[%get3A_1029] {strides = array<i32>} : memref<80xf32, #tpu.memory_space<vmem>>, vector<16xf32>,
      %sub3A_1031 = arith.subf %get3A_1028, %get3A_1030 : vector<16xf32>
      %get3A_1032 = arith.constant 48 : index
      %get3A_1033 = tpu.vector_load %arg42[%get3A_1032] {strides = array<i32>} : memref<80xf32, #tpu.memory_space<vmem>>, vector<16xf32>,
      %get3A_1034 = arith.constant 48 : index
      %get3A_1035 = tpu.vector_load %arg39[%get3A_1034] {strides = array<i32>} : memref<80xf32, #tpu.memory_space<vmem>>, vector<16xf32>,
      %sub3A_1036 = arith.subf %get3A_1033, %get3A_1035 : vector<16xf32>
      %mul3A_1037 = arith.mulf %sub3A_1026, %sub3A_1026 : vector<16xf32>
      %mul3A_1038 = arith.mulf %sub3A_1031, %sub3A_1031 : vector<16xf32>
      %add3A_1039 = arith.addf %mul3A_1037, %mul3A_1038 : vector<16xf32>
      %mul3A_1040 = arith.mulf %sub3A_1036, %sub3A_1036 : vector<16xf32>
      %add3A_1041 = arith.addf %add3A_1039, %mul3A_1040 : vector<16xf32>
      %mul3A_1042 = arith.mulf %sub3A_1026, %sub3A_1026 : vector<16xf32>
      %lt3A_1043 = arith.constant 0.000000e+00 : f32
      %lt3A_1044 = vector.broadcast %lt3A_1043 : f32 to vector<16xf32>
      %lt3A_1045 = arith.cmpf olt, %sub3A_1026, %lt3A_1044 : vector<16xf32>
      %broadcast_in_dim3A_1046 = arith.constant 0 : i32
      %broadcast_in_dim3A_1047 = vector.broadcast %broadcast_in_dim3A_1046 : i32 to vector<16xi32>
      %mul3A_1048 = arith.constant 0.811744928 : f32
      %mul3A_1049 = vector.broadcast %mul3A_1048 : f32 to vector<16xf32>
      %mul3A_1050 = arith.mulf %mul3A_1049, %add3A_1041 : vector<16xf32>
      %lt3A_1051 = arith.cmpf olt, %mul3A_1042, %mul3A_1050 : vector<16xf32>
      %or3A_1052 = arith.ori %lt3A_1045, %lt3A_1051 : vector<16xi1>
      %convert_element_type3A_1053 = arith.extui %or3A_1052 : vector<16xi1> to vector<16xi32>
      %add3A_1054 = arith.addi %broadcast_in_dim3A_1047, %convert_element_type3A_1053 : vector<16xi32>
      %mul3A_1055 = arith.constant 0.388739526 : f32
      %mul3A_1056 = vector.broadcast %mul3A_1055 : f32 to vector<16xf32>
      %mul3A_1057 = arith.mulf %mul3A_1056, %add3A_1041 : vector<16xf32>
      %lt3A_1058 = arith.cmpf olt, %mul3A_1042, %mul3A_1057 : vector<16xf32>
      %or3A_1059 = arith.ori %lt3A_1045, %lt3A_1058 : vector<16xi1>
      %convert_element_type3A_1060 = arith.extui %or3A_1059 : vector<16xi1> to vector<16xi32>
      %add3A_1061 = arith.addi %add3A_1054, %convert_element_type3A_1060 : vector<16xi32>
      %mul3A_1062 = arith.constant 0.0495155677 : f32
      %mul3A_1063 = vector.broadcast %mul3A_1062 : f32 to vector<16xf32>
      %mul3A_1064 = arith.mulf %mul3A_1063, %add3A_1041 : vector<16xf32>
      %lt3A_1065 = arith.cmpf olt, %mul3A_1042, %mul3A_1064 : vector<16xf32>
      %or3A_1066 = arith.ori %lt3A_1045, %lt3A_1065 : vector<16xi1>
      %convert_element_type3A_1067 = arith.extui %or3A_1066 : vector<16xi1> to vector<16xi32>
      %add3A_1068 = arith.addi %add3A_1061, %convert_element_type3A_1067 : vector<16xi32>
      %mul3A_1069 = arith.constant 0.0495155677 : f32
      %mul3A_1070 = vector.broadcast %mul3A_1069 : f32 to vector<16xf32>
      %mul3A_1071 = arith.mulf %mul3A_1070, %add3A_1041 : vector<16xf32>
      %gt3A_1072 = arith.cmpf ogt, %mul3A_1042, %mul3A_1071 : vector<16xf32>
      %and3A_1073 = arith.andi %lt3A_1045, %gt3A_1072 : vector<16xi1>
      %convert_element_type3A_1074 = arith.extui %and3A_1073 : vector<16xi1> to vector<16xi32>
      %add3A_1075 = arith.addi %add3A_1068, %convert_element_type3A_1074 : vector<16xi32>
      %mul3A_1076 = arith.constant 0.388739526 : f32
      %mul3A_1077 = vector.broadcast %mul3A_1076 : f32 to vector<16xf32>
      %mul3A_1078 = arith.mulf %mul3A_1077, %add3A_1041 : vector<16xf32>
      %gt3A_1079 = arith.cmpf ogt, %mul3A_1042, %mul3A_1078 : vector<16xf32>
      %and3A_1080 = arith.andi %lt3A_1045, %gt3A_1079 : vector<16xi1>
      %convert_element_type3A_1081 = arith.extui %and3A_1080 : vector<16xi1> to vector<16xi32>
      %add3A_1082 = arith.addi %add3A_1075, %convert_element_type3A_1081 : vector<16xi32>
      %mul3A_1083 = arith.constant 0.811744928 : f32
      %mul3A_1084 = vector.broadcast %mul3A_1083 : f32 to vector<16xf32>
      %mul3A_1085 = arith.mulf %mul3A_1084, %add3A_1041 : vector<16xf32>
      %gt3A_1086 = arith.cmpf ogt, %mul3A_1042, %mul3A_1085 : vector<16xf32>
      %and3A_1087 = arith.andi %lt3A_1045, %gt3A_1086 : vector<16xi1>
      %convert_element_type3A_1088 = arith.extui %and3A_1087 : vector<16xi1> to vector<16xi32>
      %add3A_1089 = arith.addi %add3A_1082, %convert_element_type3A_1088 : vector<16xi32>
      %eq3A_1090 = arith.constant 0.000000e+00 : f32
      %eq3A_1091 = vector.broadcast %eq3A_1090 : f32 to vector<16xf32>
      %eq3A_1092 = arith.cmpf oeq, %add3A_1041, %eq3A_1091 : vector<16xf32>
      %jit3A_1093 = arith.constant 3 : i32
      %broadcast_in_dim3A_1094 = vector.broadcast %jit3A_1093 : i32 to vector<16xi32>
      %select_n3A_1095 = arith.select %eq3A_1092, %broadcast_in_dim3A_1094, %add3A_1089 : vector<16xi1>, vector<16xi32>
      %mul3A_1096 = arith.constant 7 : i32
      %mul3A_1097 = vector.broadcast %mul3A_1096 : i32 to vector<16xi32>
      %mul3A_1098 = arith.muli %get3A_1021, %mul3A_1097 : vector<16xi32>
      %add3A_1099 = arith.addi %mul3A_1098, %select_n3A_1095 : vector<16xi32>
      %swap3A_1100 = arith.constant 48 : index
      %swap3A_1101 = tpu.vector_load %arg26[%swap3A_1100] {strides = array<i32>} : memref<80xi32, #tpu.memory_space<vmem>>, vector<16xi32>,
      tpu.vector_store %arg26[%swap3A_1100], %add3A_1099 {strides = array<i32>} : memref<80xi32, #tpu.memory_space<vmem>>, vector<16xi32>,
      %mul3A_1102 = arith.constant 7 : i32
      %mul3A_1103 = vector.broadcast %mul3A_1102 : i32 to vector<16xi32>
      %mul3A_1104 = arith.muli %get3A_1017, %mul3A_1103 : vector<16xi32>
      %add3A_1105 = arith.addi %mul3A_1104, %select_n3A_1095 : vector<16xi32>
      %swap3A_1106 = arith.constant 48 : index
      %swap3A_1107 = tpu.vector_load %arg29[%swap3A_1106] {strides = array<i32>} : memref<80xi32, #tpu.memory_space<vmem>>, vector<16xi32>,
      tpu.vector_store %arg29[%swap3A_1106], %add3A_1105 {strides = array<i32>} : memref<80xi32, #tpu.memory_space<vmem>>, vector<16xi32>,
      %get3A_1108 = arith.constant 0 : i32
      %get3A_1109 = arith.index_cast %get3A_1108 : i32 to index
      %get3A_1110 = arith.constant 64 : index
      %get3A_1111 = tpu.vector_load %arg20[%get3A_1109, %get3A_1110] {strides = array<i32>} : memref<3x80xi32, #tpu.memory_space<vmem>>, vector<16xi32>,
      %get3A_1112 = arith.constant 1 : i32
      %get3A_1113 = arith.index_cast %get3A_1112 : i32 to index
      %get3A_1114 = arith.constant 64 : index
      %get3A_1115 = tpu.vector_load %arg20[%get3A_1113, %get3A_1114] {strides = array<i32>} : memref<3x80xi32, #tpu.memory_space<vmem>>, vector<16xi32>,
      %get3A_1116 = arith.constant 64 : index
      %get3A_1117 = tpu.vector_load %arg40[%get3A_1116] {strides = array<i32>} : memref<80xf32, #tpu.memory_space<vmem>>, vector<16xf32>,
      %get3A_1118 = arith.constant 64 : index
      %get3A_1119 = tpu.vector_load %arg37[%get3A_1118] {strides = array<i32>} : memref<80xf32, #tpu.memory_space<vmem>>, vector<16xf32>,
      %sub3A_1120 = arith.subf %get3A_1117, %get3A_1119 : vector<16xf32>
      %get3A_1121 = arith.constant 64 : index
      %get3A_1122 = tpu.vector_load %arg41[%get3A_1121] {strides = array<i32>} : memref<80xf32, #tpu.memory_space<vmem>>, vector<16xf32>,
      %get3A_1123 = arith.constant 64 : index
      %get3A_1124 = tpu.vector_load %arg38[%get3A_1123] {strides = array<i32>} : memref<80xf32, #tpu.memory_space<vmem>>, vector<16xf32>,
      %sub3A_1125 = arith.subf %get3A_1122, %get3A_1124 : vector<16xf32>
      %get3A_1126 = arith.constant 64 : index
      %get3A_1127 = tpu.vector_load %arg42[%get3A_1126] {strides = array<i32>} : memref<80xf32, #tpu.memory_space<vmem>>, vector<16xf32>,
      %get3A_1128 = arith.constant 64 : index
      %get3A_1129 = tpu.vector_load %arg39[%get3A_1128] {strides = array<i32>} : memref<80xf32, #tpu.memory_space<vmem>>, vector<16xf32>,
      %sub3A_1130 = arith.subf %get3A_1127, %get3A_1129 : vector<16xf32>
      %mul3A_1131 = arith.mulf %sub3A_1120, %sub3A_1120 : vector<16xf32>
      %mul3A_1132 = arith.mulf %sub3A_1125, %sub3A_1125 : vector<16xf32>
      %add3A_1133 = arith.addf %mul3A_1131, %mul3A_1132 : vector<16xf32>
      %mul3A_1134 = arith.mulf %sub3A_1130, %sub3A_1130 : vector<16xf32>
      %add3A_1135 = arith.addf %add3A_1133, %mul3A_1134 : vector<16xf32>
      %mul3A_1136 = arith.mulf %sub3A_1120, %sub3A_1120 : vector<16xf32>
      %lt3A_1137 = arith.constant 0.000000e+00 : f32
      %lt3A_1138 = vector.broadcast %lt3A_1137 : f32 to vector<16xf32>
      %lt3A_1139 = arith.cmpf olt, %sub3A_1120, %lt3A_1138 : vector<16xf32>
      %broadcast_in_dim3A_1140 = arith.constant 0 : i32
      %broadcast_in_dim3A_1141 = vector.broadcast %broadcast_in_dim3A_1140 : i32 to vector<16xi32>
      %mul3A_1142 = arith.constant 0.811744928 : f32
      %mul3A_1143 = vector.broadcast %mul3A_1142 : f32 to vector<16xf32>
      %mul3A_1144 = arith.mulf %mul3A_1143, %add3A_1135 : vector<16xf32>
      %lt3A_1145 = arith.cmpf olt, %mul3A_1136, %mul3A_1144 : vector<16xf32>
      %or3A_1146 = arith.ori %lt3A_1139, %lt3A_1145 : vector<16xi1>
      %convert_element_type3A_1147 = arith.extui %or3A_1146 : vector<16xi1> to vector<16xi32>
      %add3A_1148 = arith.addi %broadcast_in_dim3A_1141, %convert_element_type3A_1147 : vector<16xi32>
      %mul3A_1149 = arith.constant 0.388739526 : f32
      %mul3A_1150 = vector.broadcast %mul3A_1149 : f32 to vector<16xf32>
      %mul3A_1151 = arith.mulf %mul3A_1150, %add3A_1135 : vector<16xf32>
      %lt3A_1152 = arith.cmpf olt, %mul3A_1136, %mul3A_1151 : vector<16xf32>
      %or3A_1153 = arith.ori %lt3A_1139, %lt3A_1152 : vector<16xi1>
      %convert_element_type3A_1154 = arith.extui %or3A_1153 : vector<16xi1> to vector<16xi32>
      %add3A_1155 = arith.addi %add3A_1148, %convert_element_type3A_1154 : vector<16xi32>
      %mul3A_1156 = arith.constant 0.0495155677 : f32
      %mul3A_1157 = vector.broadcast %mul3A_1156 : f32 to vector<16xf32>
      %mul3A_1158 = arith.mulf %mul3A_1157, %add3A_1135 : vector<16xf32>
      %lt3A_1159 = arith.cmpf olt, %mul3A_1136, %mul3A_1158 : vector<16xf32>
      %or3A_1160 = arith.ori %lt3A_1139, %lt3A_1159 : vector<16xi1>
      %convert_element_type3A_1161 = arith.extui %or3A_1160 : vector<16xi1> to vector<16xi32>
      %add3A_1162 = arith.addi %add3A_1155, %convert_element_type3A_1161 : vector<16xi32>
      %mul3A_1163 = arith.constant 0.0495155677 : f32
      %mul3A_1164 = vector.broadcast %mul3A_1163 : f32 to vector<16xf32>
      %mul3A_1165 = arith.mulf %mul3A_1164, %add3A_1135 : vector<16xf32>
      %gt3A_1166 = arith.cmpf ogt, %mul3A_1136, %mul3A_1165 : vector<16xf32>
      %and3A_1167 = arith.andi %lt3A_1139, %gt3A_1166 : vector<16xi1>
      %convert_element_type3A_1168 = arith.extui %and3A_1167 : vector<16xi1> to vector<16xi32>
      %add3A_1169 = arith.addi %add3A_1162, %convert_element_type3A_1168 : vector<16xi32>
      %mul3A_1170 = arith.constant 0.388739526 : f32
      %mul3A_1171 = vector.broadcast %mul3A_1170 : f32 to vector<16xf32>
      %mul3A_1172 = arith.mulf %mul3A_1171, %add3A_1135 : vector<16xf32>
      %gt3A_1173 = arith.cmpf ogt, %mul3A_1136, %mul3A_1172 : vector<16xf32>
      %and3A_1174 = arith.andi %lt3A_1139, %gt3A_1173 : vector<16xi1>
      %convert_element_type3A_1175 = arith.extui %and3A_1174 : vector<16xi1> to vector<16xi32>
      %add3A_1176 = arith.addi %add3A_1169, %convert_element_type3A_1175 : vector<16xi32>
      %mul3A_1177 = arith.constant 0.811744928 : f32
      %mul3A_1178 = vector.broadcast %mul3A_1177 : f32 to vector<16xf32>
      %mul3A_1179 = arith.mulf %mul3A_1178, %add3A_1135 : vector<16xf32>
      %gt3A_1180 = arith.cmpf ogt, %mul3A_1136, %mul3A_1179 : vector<16xf32>
      %and3A_1181 = arith.andi %lt3A_1139, %gt3A_1180 : vector<16xi1>
      %convert_element_type3A_1182 = arith.extui %and3A_1181 : vector<16xi1> to vector<16xi32>
      %add3A_1183 = arith.addi %add3A_1176, %convert_element_type3A_1182 : vector<16xi32>
      %eq3A_1184 = arith.constant 0.000000e+00 : f32
      %eq3A_1185 = vector.broadcast %eq3A_1184 : f32 to vector<16xf32>
      %eq3A_1186 = arith.cmpf oeq, %add3A_1135, %eq3A_1185 : vector<16xf32>
      %jit3A_1187 = arith.constant 3 : i32
      %broadcast_in_dim3A_1188 = vector.broadcast %jit3A_1187 : i32 to vector<16xi32>
      %select_n3A_1189 = arith.select %eq3A_1186, %broadcast_in_dim3A_1188, %add3A_1183 : vector<16xi1>, vector<16xi32>
      %mul3A_1190 = arith.constant 7 : i32
      %mul3A_1191 = vector.broadcast %mul3A_1190 : i32 to vector<16xi32>
      %mul3A_1192 = arith.muli %get3A_1115, %mul3A_1191 : vector<16xi32>
      %add3A_1193 = arith.addi %mul3A_1192, %select_n3A_1189 : vector<16xi32>
      %swap3A_1194 = arith.constant 64 : index
      %swap3A_1195 = tpu.vector_load %arg26[%swap3A_1194] {strides = array<i32>} : memref<80xi32, #tpu.memory_space<vmem>>, vector<16xi32>,
      tpu.vector_store %arg26[%swap3A_1194], %add3A_1193 {strides = array<i32>} : memref<80xi32, #tpu.memory_space<vmem>>, vector<16xi32>,
      %mul3A_1196 = arith.constant 7 : i32
      %mul3A_1197 = vector.broadcast %mul3A_1196 : i32 to vector<16xi32>
      %mul3A_1198 = arith.muli %get3A_1111, %mul3A_1197 : vector<16xi32>
      %add3A_1199 = arith.addi %mul3A_1198, %select_n3A_1189 : vector<16xi32>
      %swap3A_1200 = arith.constant 64 : index
      %swap3A_1201 = tpu.vector_load %arg29[%swap3A_1200] {strides = array<i32>} : memref<80xi32, #tpu.memory_space<vmem>>, vector<16xi32>,
      tpu.vector_store %arg29[%swap3A_1200], %add3A_1199 {strides = array<i32>} : memref<80xi32, #tpu.memory_space<vmem>>, vector<16xi32>,
      %dma_start3A_1202 = arith.constant 0 : i32
      %dma_start3A_1203 = arith.constant 0 : i32
      %dma_start3A_1204 = tpu.memref_slice %arg6[%dma_start3A_1202, %dma_start3A_1203] : memref<71680x128xf32, #tpu.memory_space<hbm>> -> memref<71680x128xf32, #tpu.memory_space<hbm>>
      tpu.enqueue_indirect_dma source(%dma_start3A_1204 : memref<71680x128xf32, #tpu.memory_space<hbm>>) target(%arg50 : memref<80x128xf32, #tpu.memory_space<vmem>>) offsets(%arg26 : memref<80xi32, #tpu.memory_space<vmem>>) semaphore(%arg60 : memref<!tpu.dma_semaphore, #tpu.memory_space<semaphore_mem>>)
      %get3A_1205 = arith.constant 2 : i32
      %get3A_1206 = arith.index_cast %get3A_1205 : i32 to index
      %get3A_1207 = arith.constant 0 : index
      %get3A_1208 = tpu.vector_load %arg20[%get3A_1206, %get3A_1207] {strides = array<i32>} : memref<3x80xi32, #tpu.memory_space<vmem>>, vector<16xi32>,
      %bitcast3A_1209 = vector.bitcast %get3A_1208 : vector<16xi32> to vector<16xf32>
      %swap3A_1210 = arith.constant 0 : index
      %swap3A_1211 = tpu.vector_load %arg23[%swap3A_1210] {strides = array<i32>} : memref<80xf32, #tpu.memory_space<vmem>>, vector<16xf32>,
      tpu.vector_store %arg23[%swap3A_1210], %bitcast3A_1209 {strides = array<i32>} : memref<80xf32, #tpu.memory_space<vmem>>, vector<16xf32>,
      %get3A_1212 = arith.constant 2 : i32
      %get3A_1213 = arith.index_cast %get3A_1212 : i32 to index
      %get3A_1214 = arith.constant 16 : index
      %get3A_1215 = tpu.vector_load %arg20[%get3A_1213, %get3A_1214] {strides = array<i32>} : memref<3x80xi32, #tpu.memory_space<vmem>>, vector<16xi32>,
      %bitcast3A_1216 = vector.bitcast %get3A_1215 : vector<16xi32> to vector<16xf32>
      %swap3A_1217 = arith.constant 16 : index
      %swap3A_1218 = tpu.vector_load %arg23[%swap3A_1217] {strides = array<i32>} : memref<80xf32, #tpu.memory_space<vmem>>, vector<16xf32>,
      tpu.vector_store %arg23[%swap3A_1217], %bitcast3A_1216 {strides = array<i32>} : memref<80xf32, #tpu.memory_space<vmem>>, vector<16xf32>,
      %get3A_1219 = arith.constant 2 : i32
      %get3A_1220 = arith.index_cast %get3A_1219 : i32 to index
      %get3A_1221 = arith.constant 32 : index
      %get3A_1222 = tpu.vector_load %arg20[%get3A_1220, %get3A_1221] {strides = array<i32>} : memref<3x80xi32, #tpu.memory_space<vmem>>, vector<16xi32>,
      %bitcast3A_1223 = vector.bitcast %get3A_1222 : vector<16xi32> to vector<16xf32>
      %swap3A_1224 = arith.constant 32 : index
      %swap3A_1225 = tpu.vector_load %arg23[%swap3A_1224] {strides = array<i32>} : memref<80xf32, #tpu.memory_space<vmem>>, vector<16xf32>,
      tpu.vector_store %arg23[%swap3A_1224], %bitcast3A_1223 {strides = array<i32>} : memref<80xf32, #tpu.memory_space<vmem>>, vector<16xf32>,
      %get3A_1226 = arith.constant 2 : i32
      %get3A_1227 = arith.index_cast %get3A_1226 : i32 to index
      %get3A_1228 = arith.constant 48 : index
      %get3A_1229 = tpu.vector_load %arg20[%get3A_1227, %get3A_1228] {strides = array<i32>} : memref<3x80xi32, #tpu.memory_space<vmem>>, vector<16xi32>,
      %bitcast3A_1230 = vector.bitcast %get3A_1229 : vector<16xi32> to vector<16xf32>
      %swap3A_1231 = arith.constant 48 : index
      %swap3A_1232 = tpu.vector_load %arg23[%swap3A_1231] {strides = array<i32>} : memref<80xf32, #tpu.memory_space<vmem>>, vector<16xf32>,
      tpu.vector_store %arg23[%swap3A_1231], %bitcast3A_1230 {strides = array<i32>} : memref<80xf32, #tpu.memory_space<vmem>>, vector<16xf32>,
      %get3A_1233 = arith.constant 2 : i32
      %get3A_1234 = arith.index_cast %get3A_1233 : i32 to index
      %get3A_1235 = arith.constant 64 : index
      %get3A_1236 = tpu.vector_load %arg20[%get3A_1234, %get3A_1235] {strides = array<i32>} : memref<3x80xi32, #tpu.memory_space<vmem>>, vector<16xi32>,
      %bitcast3A_1237 = vector.bitcast %get3A_1236 : vector<16xi32> to vector<16xf32>
      %swap3A_1238 = arith.constant 64 : index
      %swap3A_1239 = tpu.vector_load %arg23[%swap3A_1238] {strides = array<i32>} : memref<80xf32, #tpu.memory_space<vmem>>, vector<16xf32>,
      tpu.vector_store %arg23[%swap3A_1238], %bitcast3A_1237 {strides = array<i32>} : memref<80xf32, #tpu.memory_space<vmem>>, vector<16xf32>,
      %dma_wait3A_1240 = arith.constant 0 : i32
      %dma_wait3A_1241 = arith.constant 0 : i32
      %dma_wait3A_1242 = tpu.memref_slice %arg6[%dma_wait3A_1240, %dma_wait3A_1241] : memref<71680x128xf32, #tpu.memory_space<hbm>> -> memref<71680x128xf32, #tpu.memory_space<hbm>>
      tpu.wait_indirect_dma semaphore(%arg59 : memref<!tpu.dma_semaphore, #tpu.memory_space<semaphore_mem>>) src(%dma_wait3A_1242 : memref<71680x128xf32, #tpu.memory_space<hbm>>) dst(%arg49 : memref<80x128xf32, #tpu.memory_space<vmem>>)
      %dma_start3A_1243 = arith.constant 0 : i32
      %dma_start3A_1244 = arith.constant 0 : i32
      %dma_start3A_1245 = tpu.memref_slice %arg19[%dma_start3A_1243, %dma_start3A_1244] : memref<3x80xi32, #tpu.memory_space<vmem>> -> memref<1x80xi32, #tpu.memory_space<vmem>>
      %dma_start3A_1246 = tpu.memref_squeeze %dma_start3A_1245 : memref<1x80xi32, #tpu.memory_space<vmem>> -> memref<80xi32, #tpu.memory_space<vmem>>
      %dma_start3A_1247 = arith.constant 0 : i32
      %dma_start3A_1248 = arith.constant 0 : i32
      %dma_start3A_1249 = tpu.memref_slice %arg16[%dma_start3A_1247, %dma_start3A_1248] : memref<10240x128xf32, #tpu.memory_space<vmem_shared>> -> memref<10240x128xf32, #tpu.memory_space<vmem_shared>>
      tpu.enqueue_indirect_dma source(%arg49 : memref<80x128xf32, #tpu.memory_space<vmem>>) target(%dma_start3A_1249 : memref<10240x128xf32, #tpu.memory_space<vmem_shared>>) offsets(%dma_start3A_1246 : memref<80xi32, #tpu.memory_space<vmem>>) semaphore(%arg62 : memref<!tpu.dma_semaphore, #tpu.memory_space<semaphore_mem>>) {add = true}
      %dma_start3A_1250 = arith.constant 0 : i32
      %dma_start3A_1251 = tpu.memref_slice %arg17[%dma_start3A_1250] : memref<71680xf32, #tpu.memory_space<vmem_shared>> -> memref<71680xf32, #tpu.memory_space<vmem_shared>>
      tpu.enqueue_indirect_dma source(%arg52 : memref<80xf32, #tpu.memory_space<vmem>>) target(%dma_start3A_1251 : memref<71680xf32, #tpu.memory_space<vmem_shared>>) offsets(%arg28 : memref<80xi32, #tpu.memory_space<vmem>>) semaphore(%arg62 : memref<!tpu.dma_semaphore, #tpu.memory_space<semaphore_mem>>) {add = true}
      %dma_start3A_1252 = arith.constant 0 : i32
      %dma_start3A_1253 = tpu.memref_slice %arg18[%dma_start3A_1252] : memref<71680xf32, #tpu.memory_space<vmem_shared>> -> memref<71680xf32, #tpu.memory_space<vmem_shared>>
      tpu.enqueue_indirect_dma source(%arg22 : memref<80xf32, #tpu.memory_space<vmem>>) target(%dma_start3A_1253 : memref<71680xf32, #tpu.memory_space<vmem_shared>>) offsets(%arg28 : memref<80xi32, #tpu.memory_space<vmem>>) semaphore(%arg62 : memref<!tpu.dma_semaphore, #tpu.memory_space<semaphore_mem>>) {add = true}
      %dma_wait3A_1254 = arith.constant 0 : i32
      %dma_wait3A_1255 = arith.constant 0 : i32
      %dma_wait3A_1256 = tpu.memref_slice %arg6[%dma_wait3A_1254, %dma_wait3A_1255] : memref<71680x128xf32, #tpu.memory_space<hbm>> -> memref<71680x128xf32, #tpu.memory_space<hbm>>
      tpu.wait_indirect_dma semaphore(%arg60 : memref<!tpu.dma_semaphore, #tpu.memory_space<semaphore_mem>>) src(%dma_wait3A_1256 : memref<71680x128xf32, #tpu.memory_space<hbm>>) dst(%arg50 : memref<80x128xf32, #tpu.memory_space<vmem>>)
      %dma_start3A_1257 = arith.constant 0 : i32
      %dma_start3A_1258 = arith.constant 0 : i32
      %dma_start3A_1259 = tpu.memref_slice %arg20[%dma_start3A_1257, %dma_start3A_1258] : memref<3x80xi32, #tpu.memory_space<vmem>> -> memref<1x80xi32, #tpu.memory_space<vmem>>
      %dma_start3A_1260 = tpu.memref_squeeze %dma_start3A_1259 : memref<1x80xi32, #tpu.memory_space<vmem>> -> memref<80xi32, #tpu.memory_space<vmem>>
      %dma_start3A_1261 = arith.constant 0 : i32
      %dma_start3A_1262 = arith.constant 0 : i32
      %dma_start3A_1263 = tpu.memref_slice %arg16[%dma_start3A_1261, %dma_start3A_1262] : memref<10240x128xf32, #tpu.memory_space<vmem_shared>> -> memref<10240x128xf32, #tpu.memory_space<vmem_shared>>
      tpu.enqueue_indirect_dma source(%arg50 : memref<80x128xf32, #tpu.memory_space<vmem>>) target(%dma_start3A_1263 : memref<10240x128xf32, #tpu.memory_space<vmem_shared>>) offsets(%dma_start3A_1260 : memref<80xi32, #tpu.memory_space<vmem>>) semaphore(%arg62 : memref<!tpu.dma_semaphore, #tpu.memory_space<semaphore_mem>>) {add = true}
      %dma_start3A_1264 = arith.constant 0 : i32
      %dma_start3A_1265 = tpu.memref_slice %arg17[%dma_start3A_1264] : memref<71680xf32, #tpu.memory_space<vmem_shared>> -> memref<71680xf32, #tpu.memory_space<vmem_shared>>
      tpu.enqueue_indirect_dma source(%arg52 : memref<80xf32, #tpu.memory_space<vmem>>) target(%dma_start3A_1265 : memref<71680xf32, #tpu.memory_space<vmem_shared>>) offsets(%arg29 : memref<80xi32, #tpu.memory_space<vmem>>) semaphore(%arg62 : memref<!tpu.dma_semaphore, #tpu.memory_space<semaphore_mem>>) {add = true}
      %dma_start3A_1266 = arith.constant 0 : i32
      %dma_start3A_1267 = tpu.memref_slice %arg18[%dma_start3A_1266] : memref<71680xf32, #tpu.memory_space<vmem_shared>> -> memref<71680xf32, #tpu.memory_space<vmem_shared>>
      tpu.enqueue_indirect_dma source(%arg23 : memref<80xf32, #tpu.memory_space<vmem>>) target(%dma_start3A_1267 : memref<71680xf32, #tpu.memory_space<vmem_shared>>) offsets(%arg29 : memref<80xi32, #tpu.memory_space<vmem>>) semaphore(%arg62 : memref<!tpu.dma_semaphore, #tpu.memory_space<semaphore_mem>>) {add = true}
      %dma_wait3A_1268 = arith.constant 0 : i32
      %dma_wait3A_1269 = arith.constant 0 : i32
      %dma_wait3A_1270 = tpu.memref_slice %arg19[%dma_wait3A_1268, %dma_wait3A_1269] : memref<3x80xi32, #tpu.memory_space<vmem>> -> memref<1x80xi32, #tpu.memory_space<vmem>>
      %dma_wait3A_1271 = tpu.memref_squeeze %dma_wait3A_1270 : memref<1x80xi32, #tpu.memory_space<vmem>> -> memref<80xi32, #tpu.memory_space<vmem>>
      %dma_wait3A_1272 = arith.constant 0 : i32
      %dma_wait3A_1273 = arith.constant 0 : i32
      %dma_wait3A_1274 = tpu.memref_slice %arg16[%dma_wait3A_1272, %dma_wait3A_1273] : memref<10240x128xf32, #tpu.memory_space<vmem_shared>> -> memref<10240x128xf32, #tpu.memory_space<vmem_shared>>
      tpu.wait_indirect_dma semaphore(%arg62 : memref<!tpu.dma_semaphore, #tpu.memory_space<semaphore_mem>>) src(%arg49 : memref<80x128xf32, #tpu.memory_space<vmem>>) dst(%dma_wait3A_1274 : memref<10240x128xf32, #tpu.memory_space<vmem_shared>>)
      %dma_wait3A_1275 = arith.constant 0 : i32
      %dma_wait3A_1276 = tpu.memref_slice %arg17[%dma_wait3A_1275] : memref<71680xf32, #tpu.memory_space<vmem_shared>> -> memref<71680xf32, #tpu.memory_space<vmem_shared>>
      tpu.wait_indirect_dma semaphore(%arg62 : memref<!tpu.dma_semaphore, #tpu.memory_space<semaphore_mem>>) src(%arg52 : memref<80xf32, #tpu.memory_space<vmem>>) dst(%dma_wait3A_1276 : memref<71680xf32, #tpu.memory_space<vmem_shared>>)
      %dma_wait3A_1277 = arith.constant 0 : i32
      %dma_wait3A_1278 = tpu.memref_slice %arg18[%dma_wait3A_1277] : memref<71680xf32, #tpu.memory_space<vmem_shared>> -> memref<71680xf32, #tpu.memory_space<vmem_shared>>
      tpu.wait_indirect_dma semaphore(%arg62 : memref<!tpu.dma_semaphore, #tpu.memory_space<semaphore_mem>>) src(%arg22 : memref<80xf32, #tpu.memory_space<vmem>>) dst(%dma_wait3A_1278 : memref<71680xf32, #tpu.memory_space<vmem_shared>>)
      %dma_wait3A_1279 = arith.constant 0 : i32
      %dma_wait3A_1280 = arith.constant 0 : i32
      %dma_wait3A_1281 = tpu.memref_slice %arg20[%dma_wait3A_1279, %dma_wait3A_1280] : memref<3x80xi32, #tpu.memory_space<vmem>> -> memref<1x80xi32, #tpu.memory_space<vmem>>
      %dma_wait3A_1282 = tpu.memref_squeeze %dma_wait3A_1281 : memref<1x80xi32, #tpu.memory_space<vmem>> -> memref<80xi32, #tpu.memory_space<vmem>>
      %dma_wait3A_1283 = arith.constant 0 : i32
      %dma_wait3A_1284 = arith.constant 0 : i32
      %dma_wait3A_1285 = tpu.memref_slice %arg16[%dma_wait3A_1283, %dma_wait3A_1284] : memref<10240x128xf32, #tpu.memory_space<vmem_shared>> -> memref<10240x128xf32, #tpu.memory_space<vmem_shared>>
      tpu.wait_indirect_dma semaphore(%arg62 : memref<!tpu.dma_semaphore, #tpu.memory_space<semaphore_mem>>) src(%arg50 : memref<80x128xf32, #tpu.memory_space<vmem>>) dst(%dma_wait3A_1285 : memref<10240x128xf32, #tpu.memory_space<vmem_shared>>)
      %dma_wait3A_1286 = arith.constant 0 : i32
      %dma_wait3A_1287 = tpu.memref_slice %arg17[%dma_wait3A_1286] : memref<71680xf32, #tpu.memory_space<vmem_shared>> -> memref<71680xf32, #tpu.memory_space<vmem_shared>>
      tpu.wait_indirect_dma semaphore(%arg62 : memref<!tpu.dma_semaphore, #tpu.memory_space<semaphore_mem>>) src(%arg52 : memref<80xf32, #tpu.memory_space<vmem>>) dst(%dma_wait3A_1287 : memref<71680xf32, #tpu.memory_space<vmem_shared>>)
      %dma_wait3A_1288 = arith.constant 0 : i32
      %dma_wait3A_1289 = tpu.memref_slice %arg18[%dma_wait3A_1288] : memref<71680xf32, #tpu.memory_space<vmem_shared>> -> memref<71680xf32, #tpu.memory_space<vmem_shared>>
      tpu.wait_indirect_dma semaphore(%arg62 : memref<!tpu.dma_semaphore, #tpu.memory_space<semaphore_mem>>) src(%arg23 : memref<80xf32, #tpu.memory_space<vmem>>) dst(%dma_wait3A_1289 : memref<71680xf32, #tpu.memory_space<vmem_shared>>)
    } else {
    }
    %eq3A_57 = arith.constant 1 : i32
    %eq3A_58 = arith.cmpi eq, %arg0, %eq3A_57 : i32
    %convert_element_type3A_59 = arith.extui %eq3A_58 : i1 to i32
    %cond3A_60 = arith.constant 0 : i32
    %cond3A_61 = arith.cmpi ne, %convert_element_type3A_59, %cond3A_60 : i32
    scf.if %cond3A_61 {
      %dma_wait3A = arith.constant 0 : i32
      %dma_wait3A_73 = arith.constant 0 : i32
      %dma_wait3A_74 = tpu.memref_slice %arg2[%add3A_33, %dma_wait3A, %dma_wait3A_73] : memref<2000x3x80xi32, #tpu.memory_space<hbm>> -> memref<1x3x80xi32, #tpu.memory_space<hbm>>
      %dma_wait3A_75 = tpu.memref_squeeze %dma_wait3A_74 : memref<1x3x80xi32, #tpu.memory_space<hbm>> -> memref<3x80xi32, #tpu.memory_space<hbm>>
      %dma_wait3A_76 = arith.constant 0 : i32
      %dma_wait3A_77 = arith.constant 0 : i32
      %dma_wait3A_78 = tpu.memref_slice %arg2[%add3A_33, %dma_wait3A_76, %dma_wait3A_77] : memref<2000x3x80xi32, #tpu.memory_space<hbm>> -> memref<1x3x80xi32, #tpu.memory_space<hbm>>
      %dma_wait3A_79 = tpu.memref_squeeze %dma_wait3A_78 : memref<1x3x80xi32, #tpu.memory_space<hbm>> -> memref<3x80xi32, #tpu.memory_space<hbm>>
      tpu.wait_dma2 semaphore(%arg53 : memref<!tpu.dma_semaphore, #tpu.memory_space<semaphore_mem>>) src(%dma_wait3A_79 : memref<3x80xi32, #tpu.memory_space<hbm>>) dst(%arg19 : memref<3x80xi32, #tpu.memory_space<vmem>>)
      %dma_start3A_80 = arith.constant 0 : i32
      %dma_start3A_81 = arith.constant 0 : i32
      %dma_start3A_82 = tpu.memref_slice %arg19[%dma_start3A_80, %dma_start3A_81] : memref<3x80xi32, #tpu.memory_space<vmem>> -> memref<1x80xi32, #tpu.memory_space<vmem>>
      %dma_start3A_83 = tpu.memref_squeeze %dma_start3A_82 : memref<1x80xi32, #tpu.memory_space<vmem>> -> memref<80xi32, #tpu.memory_space<vmem>>
      %dma_start3A_84 = arith.constant 0 : i32
      %dma_start3A_85 = arith.constant 0 : i32
      %dma_start3A_86 = tpu.memref_slice %arg7[%dma_start3A_84, %dma_start3A_85] : memref<10240x128xf32, #tpu.memory_space<hbm>> -> memref<10240x128xf32, #tpu.memory_space<hbm>>
      tpu.enqueue_indirect_dma source(%dma_start3A_86 : memref<10240x128xf32, #tpu.memory_space<hbm>>) target(%arg49 : memref<80x128xf32, #tpu.memory_space<vmem>>) offsets(%dma_start3A_83 : memref<80xi32, #tpu.memory_space<vmem>>) semaphore(%arg59 : memref<!tpu.dma_semaphore, #tpu.memory_space<semaphore_mem>>)
      %dma_wait3A_87 = arith.constant 0 : i32
      %dma_wait3A_88 = arith.constant 0 : i32
      %dma_wait3A_89 = tpu.memref_slice %arg2[%add3A_46, %dma_wait3A_87, %dma_wait3A_88] : memref<2000x3x80xi32, #tpu.memory_space<hbm>> -> memref<1x3x80xi32, #tpu.memory_space<hbm>>
      %dma_wait3A_90 = tpu.memref_squeeze %dma_wait3A_89 : memref<1x3x80xi32, #tpu.memory_space<hbm>> -> memref<3x80xi32, #tpu.memory_space<hbm>>
      %dma_wait3A_91 = arith.constant 0 : i32
      %dma_wait3A_92 = arith.constant 0 : i32
      %dma_wait3A_93 = tpu.memref_slice %arg2[%add3A_46, %dma_wait3A_91, %dma_wait3A_92] : memref<2000x3x80xi32, #tpu.memory_space<hbm>> -> memref<1x3x80xi32, #tpu.memory_space<hbm>>
      %dma_wait3A_94 = tpu.memref_squeeze %dma_wait3A_93 : memref<1x3x80xi32, #tpu.memory_space<hbm>> -> memref<3x80xi32, #tpu.memory_space<hbm>>
      tpu.wait_dma2 semaphore(%arg54 : memref<!tpu.dma_semaphore, #tpu.memory_space<semaphore_mem>>) src(%dma_wait3A_94 : memref<3x80xi32, #tpu.memory_space<hbm>>) dst(%arg20 : memref<3x80xi32, #tpu.memory_space<vmem>>)
      %dma_start3A_95 = arith.constant 0 : i32
      %dma_start3A_96 = arith.constant 0 : i32
      %dma_start3A_97 = tpu.memref_slice %arg20[%dma_start3A_95, %dma_start3A_96] : memref<3x80xi32, #tpu.memory_space<vmem>> -> memref<1x80xi32, #tpu.memory_space<vmem>>
      %dma_start3A_98 = tpu.memref_squeeze %dma_start3A_97 : memref<1x80xi32, #tpu.memory_space<vmem>> -> memref<80xi32, #tpu.memory_space<vmem>>
      %dma_start3A_99 = arith.constant 0 : i32
      %dma_start3A_100 = arith.constant 0 : i32
      %dma_start3A_101 = tpu.memref_slice %arg7[%dma_start3A_99, %dma_start3A_100] : memref<10240x128xf32, #tpu.memory_space<hbm>> -> memref<10240x128xf32, #tpu.memory_space<hbm>>
      tpu.enqueue_indirect_dma source(%dma_start3A_101 : memref<10240x128xf32, #tpu.memory_space<hbm>>) target(%arg50 : memref<80x128xf32, #tpu.memory_space<vmem>>) offsets(%dma_start3A_98 : memref<80xi32, #tpu.memory_space<vmem>>) semaphore(%arg60 : memref<!tpu.dma_semaphore, #tpu.memory_space<semaphore_mem>>)
      %dma_wait3A_102 = arith.constant 0 : i32
      %dma_wait3A_103 = arith.constant 0 : i32
      %dma_wait3A_104 = tpu.memref_slice %arg19[%dma_wait3A_102, %dma_wait3A_103] : memref<3x80xi32, #tpu.memory_space<vmem>> -> memref<1x80xi32, #tpu.memory_space<vmem>>
      %dma_wait3A_105 = tpu.memref_squeeze %dma_wait3A_104 : memref<1x80xi32, #tpu.memory_space<vmem>> -> memref<80xi32, #tpu.memory_space<vmem>>
      %dma_wait3A_106 = arith.constant 0 : i32
      %dma_wait3A_107 = arith.constant 0 : i32
      %dma_wait3A_108 = tpu.memref_slice %arg7[%dma_wait3A_106, %dma_wait3A_107] : memref<10240x128xf32, #tpu.memory_space<hbm>> -> memref<10240x128xf32, #tpu.memory_space<hbm>>
      tpu.wait_indirect_dma semaphore(%arg59 : memref<!tpu.dma_semaphore, #tpu.memory_space<semaphore_mem>>) src(%dma_wait3A_108 : memref<10240x128xf32, #tpu.memory_space<hbm>>) dst(%arg49 : memref<80x128xf32, #tpu.memory_space<vmem>>)
      %get3A = arith.constant 2 : i32
      %get3A_109 = arith.index_cast %get3A : i32 to index
      %get3A_110 = arith.constant 0 : index
      %get3A_111 = tpu.vector_load %arg19[%get3A_109, %get3A_110] {strides = array<i32>} : memref<3x80xi32, #tpu.memory_space<vmem>>, vector<16xi32>,
      %bitcast3A = vector.bitcast %get3A_111 : vector<16xi32> to vector<16xf32>
      %swap3A_112 = arith.constant 0 : index
      %swap3A_113 = tpu.vector_load %arg22[%swap3A_112] {strides = array<i32>} : memref<80xf32, #tpu.memory_space<vmem>>, vector<16xf32>,
      tpu.vector_store %arg22[%swap3A_112], %bitcast3A {strides = array<i32>} : memref<80xf32, #tpu.memory_space<vmem>>, vector<16xf32>,
      %get3A_114 = arith.constant 2 : i32
      %get3A_115 = arith.index_cast %get3A_114 : i32 to index
      %get3A_116 = arith.constant 16 : index
      %get3A_117 = tpu.vector_load %arg19[%get3A_115, %get3A_116] {strides = array<i32>} : memref<3x80xi32, #tpu.memory_space<vmem>>, vector<16xi32>,
      %bitcast3A_118 = vector.bitcast %get3A_117 : vector<16xi32> to vector<16xf32>
      %swap3A_119 = arith.constant 16 : index
      %swap3A_120 = tpu.vector_load %arg22[%swap3A_119] {strides = array<i32>} : memref<80xf32, #tpu.memory_space<vmem>>, vector<16xf32>,
      tpu.vector_store %arg22[%swap3A_119], %bitcast3A_118 {strides = array<i32>} : memref<80xf32, #tpu.memory_space<vmem>>, vector<16xf32>,
      %get3A_121 = arith.constant 2 : i32
      %get3A_122 = arith.index_cast %get3A_121 : i32 to index
      %get3A_123 = arith.constant 32 : index
      %get3A_124 = tpu.vector_load %arg19[%get3A_122, %get3A_123] {strides = array<i32>} : memref<3x80xi32, #tpu.memory_space<vmem>>, vector<16xi32>,
      %bitcast3A_125 = vector.bitcast %get3A_124 : vector<16xi32> to vector<16xf32>
      %swap3A_126 = arith.constant 32 : index
      %swap3A_127 = tpu.vector_load %arg22[%swap3A_126] {strides = array<i32>} : memref<80xf32, #tpu.memory_space<vmem>>, vector<16xf32>,
      tpu.vector_store %arg22[%swap3A_126], %bitcast3A_125 {strides = array<i32>} : memref<80xf32, #tpu.memory_space<vmem>>, vector<16xf32>,
      %get3A_128 = arith.constant 2 : i32
      %get3A_129 = arith.index_cast %get3A_128 : i32 to index
      %get3A_130 = arith.constant 48 : index
      %get3A_131 = tpu.vector_load %arg19[%get3A_129, %get3A_130] {strides = array<i32>} : memref<3x80xi32, #tpu.memory_space<vmem>>, vector<16xi32>,
      %bitcast3A_132 = vector.bitcast %get3A_131 : vector<16xi32> to vector<16xf32>
      %swap3A_133 = arith.constant 48 : index
      %swap3A_134 = tpu.vector_load %arg22[%swap3A_133] {strides = array<i32>} : memref<80xf32, #tpu.memory_space<vmem>>, vector<16xf32>,
      tpu.vector_store %arg22[%swap3A_133], %bitcast3A_132 {strides = array<i32>} : memref<80xf32, #tpu.memory_space<vmem>>, vector<16xf32>,
      %get3A_135 = arith.constant 2 : i32
      %get3A_136 = arith.index_cast %get3A_135 : i32 to index
      %get3A_137 = arith.constant 64 : index
      %get3A_138 = tpu.vector_load %arg19[%get3A_136, %get3A_137] {strides = array<i32>} : memref<3x80xi32, #tpu.memory_space<vmem>>, vector<16xi32>,
      %bitcast3A_139 = vector.bitcast %get3A_138 : vector<16xi32> to vector<16xf32>
      %swap3A_140 = arith.constant 64 : index
      %swap3A_141 = tpu.vector_load %arg22[%swap3A_140] {strides = array<i32>} : memref<80xf32, #tpu.memory_space<vmem>>, vector<16xf32>,
      tpu.vector_store %arg22[%swap3A_140], %bitcast3A_139 {strides = array<i32>} : memref<80xf32, #tpu.memory_space<vmem>>, vector<16xf32>,
      %dma_start3A_142 = arith.constant 1 : i32
      %dma_start3A_143 = arith.constant 0 : i32
      %dma_start3A_144 = tpu.memref_slice %arg19[%dma_start3A_142, %dma_start3A_143] : memref<3x80xi32, #tpu.memory_space<vmem>> -> memref<1x80xi32, #tpu.memory_space<vmem>>
      %dma_start3A_145 = tpu.memref_squeeze %dma_start3A_144 : memref<1x80xi32, #tpu.memory_space<vmem>> -> memref<80xi32, #tpu.memory_space<vmem>>
      %dma_start3A_146 = arith.constant 0 : i32
      %dma_start3A_147 = arith.constant 0 : i32
      %dma_start3A_148 = tpu.memref_slice %arg16[%dma_start3A_146, %dma_start3A_147] : memref<10240x128xf32, #tpu.memory_space<vmem_shared>> -> memref<10240x128xf32, #tpu.memory_space<vmem_shared>>
      tpu.enqueue_indirect_dma source(%arg49 : memref<80x128xf32, #tpu.memory_space<vmem>>) target(%dma_start3A_148 : memref<10240x128xf32, #tpu.memory_space<vmem_shared>>) offsets(%dma_start3A_145 : memref<80xi32, #tpu.memory_space<vmem>>) semaphore(%arg62 : memref<!tpu.dma_semaphore, #tpu.memory_space<semaphore_mem>>) {add = true}
      %dma_start3A_149 = arith.constant 1 : i32
      %dma_start3A_150 = arith.constant 0 : i32
      %dma_start3A_151 = tpu.memref_slice %arg19[%dma_start3A_149, %dma_start3A_150] : memref<3x80xi32, #tpu.memory_space<vmem>> -> memref<1x80xi32, #tpu.memory_space<vmem>>
      %dma_start3A_152 = tpu.memref_squeeze %dma_start3A_151 : memref<1x80xi32, #tpu.memory_space<vmem>> -> memref<80xi32, #tpu.memory_space<vmem>>
      %dma_start3A_153 = arith.constant 0 : i32
      %dma_start3A_154 = tpu.memref_slice %arg17[%dma_start3A_153] : memref<71680xf32, #tpu.memory_space<vmem_shared>> -> memref<71680xf32, #tpu.memory_space<vmem_shared>>
      tpu.enqueue_indirect_dma source(%arg52 : memref<80xf32, #tpu.memory_space<vmem>>) target(%dma_start3A_154 : memref<71680xf32, #tpu.memory_space<vmem_shared>>) offsets(%dma_start3A_152 : memref<80xi32, #tpu.memory_space<vmem>>) semaphore(%arg62 : memref<!tpu.dma_semaphore, #tpu.memory_space<semaphore_mem>>) {add = true}
      %dma_start3A_155 = arith.constant 1 : i32
      %dma_start3A_156 = arith.constant 0 : i32
      %dma_start3A_157 = tpu.memref_slice %arg19[%dma_start3A_155, %dma_start3A_156] : memref<3x80xi32, #tpu.memory_space<vmem>> -> memref<1x80xi32, #tpu.memory_space<vmem>>
      %dma_start3A_158 = tpu.memref_squeeze %dma_start3A_157 : memref<1x80xi32, #tpu.memory_space<vmem>> -> memref<80xi32, #tpu.memory_space<vmem>>
      %dma_start3A_159 = arith.constant 0 : i32
      %dma_start3A_160 = tpu.memref_slice %arg18[%dma_start3A_159] : memref<71680xf32, #tpu.memory_space<vmem_shared>> -> memref<71680xf32, #tpu.memory_space<vmem_shared>>
      tpu.enqueue_indirect_dma source(%arg22 : memref<80xf32, #tpu.memory_space<vmem>>) target(%dma_start3A_160 : memref<71680xf32, #tpu.memory_space<vmem_shared>>) offsets(%dma_start3A_158 : memref<80xi32, #tpu.memory_space<vmem>>) semaphore(%arg62 : memref<!tpu.dma_semaphore, #tpu.memory_space<semaphore_mem>>) {add = true}
      %dma_wait3A_161 = arith.constant 0 : i32
      %dma_wait3A_162 = arith.constant 0 : i32
      %dma_wait3A_163 = tpu.memref_slice %arg20[%dma_wait3A_161, %dma_wait3A_162] : memref<3x80xi32, #tpu.memory_space<vmem>> -> memref<1x80xi32, #tpu.memory_space<vmem>>
      %dma_wait3A_164 = tpu.memref_squeeze %dma_wait3A_163 : memref<1x80xi32, #tpu.memory_space<vmem>> -> memref<80xi32, #tpu.memory_space<vmem>>
      %dma_wait3A_165 = arith.constant 0 : i32
      %dma_wait3A_166 = arith.constant 0 : i32
      %dma_wait3A_167 = tpu.memref_slice %arg7[%dma_wait3A_165, %dma_wait3A_166] : memref<10240x128xf32, #tpu.memory_space<hbm>> -> memref<10240x128xf32, #tpu.memory_space<hbm>>
      tpu.wait_indirect_dma semaphore(%arg60 : memref<!tpu.dma_semaphore, #tpu.memory_space<semaphore_mem>>) src(%dma_wait3A_167 : memref<10240x128xf32, #tpu.memory_space<hbm>>) dst(%arg50 : memref<80x128xf32, #tpu.memory_space<vmem>>)
      %get3A_168 = arith.constant 2 : i32
      %get3A_169 = arith.index_cast %get3A_168 : i32 to index
      %get3A_170 = arith.constant 0 : index
      %get3A_171 = tpu.vector_load %arg20[%get3A_169, %get3A_170] {strides = array<i32>} : memref<3x80xi32, #tpu.memory_space<vmem>>, vector<16xi32>,
      %bitcast3A_172 = vector.bitcast %get3A_171 : vector<16xi32> to vector<16xf32>
      %swap3A_173 = arith.constant 0 : index
      %swap3A_174 = tpu.vector_load %arg23[%swap3A_173] {strides = array<i32>} : memref<80xf32, #tpu.memory_space<vmem>>, vector<16xf32>,
      tpu.vector_store %arg23[%swap3A_173], %bitcast3A_172 {strides = array<i32>} : memref<80xf32, #tpu.memory_space<vmem>>, vector<16xf32>,
      %get3A_175 = arith.constant 2 : i32
      %get3A_176 = arith.index_cast %get3A_175 : i32 to index
      %get3A_177 = arith.constant 16 : index
      %get3A_178 = tpu.vector_load %arg20[%get3A_176, %get3A_177] {strides = array<i32>} : memref<3x80xi32, #tpu.memory_space<vmem>>, vector<16xi32>,
      %bitcast3A_179 = vector.bitcast %get3A_178 : vector<16xi32> to vector<16xf32>
      %swap3A_180 = arith.constant 16 : index
      %swap3A_181 = tpu.vector_load %arg23[%swap3A_180] {strides = array<i32>} : memref<80xf32, #tpu.memory_space<vmem>>, vector<16xf32>,
      tpu.vector_store %arg23[%swap3A_180], %bitcast3A_179 {strides = array<i32>} : memref<80xf32, #tpu.memory_space<vmem>>, vector<16xf32>,
      %get3A_182 = arith.constant 2 : i32
      %get3A_183 = arith.index_cast %get3A_182 : i32 to index
      %get3A_184 = arith.constant 32 : index
      %get3A_185 = tpu.vector_load %arg20[%get3A_183, %get3A_184] {strides = array<i32>} : memref<3x80xi32, #tpu.memory_space<vmem>>, vector<16xi32>,
      %bitcast3A_186 = vector.bitcast %get3A_185 : vector<16xi32> to vector<16xf32>
      %swap3A_187 = arith.constant 32 : index
      %swap3A_188 = tpu.vector_load %arg23[%swap3A_187] {strides = array<i32>} : memref<80xf32, #tpu.memory_space<vmem>>, vector<16xf32>,
      tpu.vector_store %arg23[%swap3A_187], %bitcast3A_186 {strides = array<i32>} : memref<80xf32, #tpu.memory_space<vmem>>, vector<16xf32>,
      %get3A_189 = arith.constant 2 : i32
      %get3A_190 = arith.index_cast %get3A_189 : i32 to index
      %get3A_191 = arith.constant 48 : index
      %get3A_192 = tpu.vector_load %arg20[%get3A_190, %get3A_191] {strides = array<i32>} : memref<3x80xi32, #tpu.memory_space<vmem>>, vector<16xi32>,
      %bitcast3A_193 = vector.bitcast %get3A_192 : vector<16xi32> to vector<16xf32>
      %swap3A_194 = arith.constant 48 : index
      %swap3A_195 = tpu.vector_load %arg23[%swap3A_194] {strides = array<i32>} : memref<80xf32, #tpu.memory_space<vmem>>, vector<16xf32>,
      tpu.vector_store %arg23[%swap3A_194], %bitcast3A_193 {strides = array<i32>} : memref<80xf32, #tpu.memory_space<vmem>>, vector<16xf32>,
      %get3A_196 = arith.constant 2 : i32
      %get3A_197 = arith.index_cast %get3A_196 : i32 to index
      %get3A_198 = arith.constant 64 : index
      %get3A_199 = tpu.vector_load %arg20[%get3A_197, %get3A_198] {strides = array<i32>} : memref<3x80xi32, #tpu.memory_space<vmem>>, vector<16xi32>,
      %bitcast3A_200 = vector.bitcast %get3A_199 : vector<16xi32> to vector<16xf32>
      %swap3A_201 = arith.constant 64 : index
      %swap3A_202 = tpu.vector_load %arg23[%swap3A_201] {strides = array<i32>} : memref<80xf32, #tpu.memory_space<vmem>>, vector<16xf32>,
      tpu.vector_store %arg23[%swap3A_201], %bitcast3A_200 {strides = array<i32>} : memref<80xf32, #tpu.memory_space<vmem>>, vector<16xf32>,
      %dma_start3A_203 = arith.constant 1 : i32
      %dma_start3A_204 = arith.constant 0 : i32
      %dma_start3A_205 = tpu.memref_slice %arg20[%dma_start3A_203, %dma_start3A_204] : memref<3x80xi32, #tpu.memory_space<vmem>> -> memref<1x80xi32, #tpu.memory_space<vmem>>
      %dma_start3A_206 = tpu.memref_squeeze %dma_start3A_205 : memref<1x80xi32, #tpu.memory_space<vmem>> -> memref<80xi32, #tpu.memory_space<vmem>>
      %dma_start3A_207 = arith.constant 0 : i32
      %dma_start3A_208 = arith.constant 0 : i32
      %dma_start3A_209 = tpu.memref_slice %arg16[%dma_start3A_207, %dma_start3A_208] : memref<10240x128xf32, #tpu.memory_space<vmem_shared>> -> memref<10240x128xf32, #tpu.memory_space<vmem_shared>>
      tpu.enqueue_indirect_dma source(%arg50 : memref<80x128xf32, #tpu.memory_space<vmem>>) target(%dma_start3A_209 : memref<10240x128xf32, #tpu.memory_space<vmem_shared>>) offsets(%dma_start3A_206 : memref<80xi32, #tpu.memory_space<vmem>>) semaphore(%arg62 : memref<!tpu.dma_semaphore, #tpu.memory_space<semaphore_mem>>) {add = true}
      %dma_start3A_210 = arith.constant 1 : i32
      %dma_start3A_211 = arith.constant 0 : i32
      %dma_start3A_212 = tpu.memref_slice %arg20[%dma_start3A_210, %dma_start3A_211] : memref<3x80xi32, #tpu.memory_space<vmem>> -> memref<1x80xi32, #tpu.memory_space<vmem>>
      %dma_start3A_213 = tpu.memref_squeeze %dma_start3A_212 : memref<1x80xi32, #tpu.memory_space<vmem>> -> memref<80xi32, #tpu.memory_space<vmem>>
      %dma_start3A_214 = arith.constant 0 : i32
      %dma_start3A_215 = tpu.memref_slice %arg17[%dma_start3A_214] : memref<71680xf32, #tpu.memory_space<vmem_shared>> -> memref<71680xf32, #tpu.memory_space<vmem_shared>>
      tpu.enqueue_indirect_dma source(%arg52 : memref<80xf32, #tpu.memory_space<vmem>>) target(%dma_start3A_215 : memref<71680xf32, #tpu.memory_space<vmem_shared>>) offsets(%dma_start3A_213 : memref<80xi32, #tpu.memory_space<vmem>>) semaphore(%arg62 : memref<!tpu.dma_semaphore, #tpu.memory_space<semaphore_mem>>) {add = true}
      %dma_start3A_216 = arith.constant 1 : i32
      %dma_start3A_217 = arith.constant 0 : i32
      %dma_start3A_218 = tpu.memref_slice %arg20[%dma_start3A_216, %dma_start3A_217] : memref<3x80xi32, #tpu.memory_space<vmem>> -> memref<1x80xi32, #tpu.memory_space<vmem>>
      %dma_start3A_219 = tpu.memref_squeeze %dma_start3A_218 : memref<1x80xi32, #tpu.memory_space<vmem>> -> memref<80xi32, #tpu.memory_space<vmem>>
      %dma_start3A_220 = arith.constant 0 : i32
      %dma_start3A_221 = tpu.memref_slice %arg18[%dma_start3A_220] : memref<71680xf32, #tpu.memory_space<vmem_shared>> -> memref<71680xf32, #tpu.memory_space<vmem_shared>>
      tpu.enqueue_indirect_dma source(%arg23 : memref<80xf32, #tpu.memory_space<vmem>>) target(%dma_start3A_221 : memref<71680xf32, #tpu.memory_space<vmem_shared>>) offsets(%dma_start3A_219 : memref<80xi32, #tpu.memory_space<vmem>>) semaphore(%arg62 : memref<!tpu.dma_semaphore, #tpu.memory_space<semaphore_mem>>) {add = true}
      %dma_wait3A_222 = arith.constant 1 : i32
      %dma_wait3A_223 = arith.constant 0 : i32
      %dma_wait3A_224 = tpu.memref_slice %arg19[%dma_wait3A_222, %dma_wait3A_223] : memref<3x80xi32, #tpu.memory_space<vmem>> -> memref<1x80xi32, #tpu.memory_space<vmem>>
      %dma_wait3A_225 = tpu.memref_squeeze %dma_wait3A_224 : memref<1x80xi32, #tpu.memory_space<vmem>> -> memref<80xi32, #tpu.memory_space<vmem>>
      %dma_wait3A_226 = arith.constant 0 : i32
      %dma_wait3A_227 = arith.constant 0 : i32
      %dma_wait3A_228 = tpu.memref_slice %arg16[%dma_wait3A_226, %dma_wait3A_227] : memref<10240x128xf32, #tpu.memory_space<vmem_shared>> -> memref<10240x128xf32, #tpu.memory_space<vmem_shared>>
      tpu.wait_indirect_dma semaphore(%arg62 : memref<!tpu.dma_semaphore, #tpu.memory_space<semaphore_mem>>) src(%arg49 : memref<80x128xf32, #tpu.memory_space<vmem>>) dst(%dma_wait3A_228 : memref<10240x128xf32, #tpu.memory_space<vmem_shared>>)
      %dma_wait3A_229 = arith.constant 1 : i32
      %dma_wait3A_230 = arith.constant 0 : i32
      %dma_wait3A_231 = tpu.memref_slice %arg19[%dma_wait3A_229, %dma_wait3A_230] : memref<3x80xi32, #tpu.memory_space<vmem>> -> memref<1x80xi32, #tpu.memory_space<vmem>>
      %dma_wait3A_232 = tpu.memref_squeeze %dma_wait3A_231 : memref<1x80xi32, #tpu.memory_space<vmem>> -> memref<80xi32, #tpu.memory_space<vmem>>
      %dma_wait3A_233 = arith.constant 0 : i32
      %dma_wait3A_234 = tpu.memref_slice %arg17[%dma_wait3A_233] : memref<71680xf32, #tpu.memory_space<vmem_shared>> -> memref<71680xf32, #tpu.memory_space<vmem_shared>>
      tpu.wait_indirect_dma semaphore(%arg62 : memref<!tpu.dma_semaphore, #tpu.memory_space<semaphore_mem>>) src(%arg52 : memref<80xf32, #tpu.memory_space<vmem>>) dst(%dma_wait3A_234 : memref<71680xf32, #tpu.memory_space<vmem_shared>>)
      %dma_wait3A_235 = arith.constant 1 : i32
      %dma_wait3A_236 = arith.constant 0 : i32
      %dma_wait3A_237 = tpu.memref_slice %arg19[%dma_wait3A_235, %dma_wait3A_236] : memref<3x80xi32, #tpu.memory_space<vmem>> -> memref<1x80xi32, #tpu.memory_space<vmem>>
      %dma_wait3A_238 = tpu.memref_squeeze %dma_wait3A_237 : memref<1x80xi32, #tpu.memory_space<vmem>> -> memref<80xi32, #tpu.memory_space<vmem>>
      %dma_wait3A_239 = arith.constant 0 : i32
      %dma_wait3A_240 = tpu.memref_slice %arg18[%dma_wait3A_239] : memref<71680xf32, #tpu.memory_space<vmem_shared>> -> memref<71680xf32, #tpu.memory_space<vmem_shared>>
      tpu.wait_indirect_dma semaphore(%arg62 : memref<!tpu.dma_semaphore, #tpu.memory_space<semaphore_mem>>) src(%arg22 : memref<80xf32, #tpu.memory_space<vmem>>) dst(%dma_wait3A_240 : memref<71680xf32, #tpu.memory_space<vmem_shared>>)
      %dma_wait3A_241 = arith.constant 1 : i32
      %dma_wait3A_242 = arith.constant 0 : i32
      %dma_wait3A_243 = tpu.memref_slice %arg20[%dma_wait3A_241, %dma_wait3A_242] : memref<3x80xi32, #tpu.memory_space<vmem>> -> memref<1x80xi32, #tpu.memory_space<vmem>>
      %dma_wait3A_244 = tpu.memref_squeeze %dma_wait3A_243 : memref<1x80xi32, #tpu.memory_space<vmem>> -> memref<80xi32, #tpu.memory_space<vmem>>
      %dma_wait3A_245 = arith.constant 0 : i32
      %dma_wait3A_246 = arith.constant 0 : i32
      %dma_wait3A_247 = tpu.memref_slice %arg16[%dma_wait3A_245, %dma_wait3A_246] : memref<10240x128xf32, #tpu.memory_space<vmem_shared>> -> memref<10240x128xf32, #tpu.memory_space<vmem_shared>>
      tpu.wait_indirect_dma semaphore(%arg62 : memref<!tpu.dma_semaphore, #tpu.memory_space<semaphore_mem>>) src(%arg50 : memref<80x128xf32, #tpu.memory_space<vmem>>) dst(%dma_wait3A_247 : memref<10240x128xf32, #tpu.memory_space<vmem_shared>>)
      %dma_wait3A_248 = arith.constant 1 : i32
      %dma_wait3A_249 = arith.constant 0 : i32
      %dma_wait3A_250 = tpu.memref_slice %arg20[%dma_wait3A_248, %dma_wait3A_249] : memref<3x80xi32, #tpu.memory_space<vmem>> -> memref<1x80xi32, #tpu.memory_space<vmem>>
      %dma_wait3A_251 = tpu.memref_squeeze %dma_wait3A_250 : memref<1x80xi32, #tpu.memory_space<vmem>> -> memref<80xi32, #tpu.memory_space<vmem>>
      %dma_wait3A_252 = arith.constant 0 : i32
      %dma_wait3A_253 = tpu.memref_slice %arg17[%dma_wait3A_252] : memref<71680xf32, #tpu.memory_space<vmem_shared>> -> memref<71680xf32, #tpu.memory_space<vmem_shared>>
      tpu.wait_indirect_dma semaphore(%arg62 : memref<!tpu.dma_semaphore, #tpu.memory_space<semaphore_mem>>) src(%arg52 : memref<80xf32, #tpu.memory_space<vmem>>) dst(%dma_wait3A_253 : memref<71680xf32, #tpu.memory_space<vmem_shared>>)
      %dma_wait3A_254 = arith.constant 1 : i32
      %dma_wait3A_255 = arith.constant 0 : i32
      %dma_wait3A_256 = tpu.memref_slice %arg20[%dma_wait3A_254, %dma_wait3A_255] : memref<3x80xi32, #tpu.memory_space<vmem>> -> memref<1x80xi32, #tpu.memory_space<vmem>>
      %dma_wait3A_257 = tpu.memref_squeeze %dma_wait3A_256 : memref<1x80xi32, #tpu.memory_space<vmem>> -> memref<80xi32, #tpu.memory_space<vmem>>
      %dma_wait3A_258 = arith.constant 0 : i32
      %dma_wait3A_259 = tpu.memref_slice %arg18[%dma_wait3A_258] : memref<71680xf32, #tpu.memory_space<vmem_shared>> -> memref<71680xf32, #tpu.memory_space<vmem_shared>>
      tpu.wait_indirect_dma semaphore(%arg62 : memref<!tpu.dma_semaphore, #tpu.memory_space<semaphore_mem>>) src(%arg23 : memref<80xf32, #tpu.memory_space<vmem>>) dst(%dma_wait3A_259 : memref<71680xf32, #tpu.memory_space<vmem_shared>>)
    } else {
    }
    %barrier3A_62 = arith.constant 0 : index
    tpu.barrier barrier_id(%barrier3A_62)
    %eq3A_63 = arith.constant 0 : i32
    %eq3A_64 = arith.cmpi eq, %arg0, %eq3A_63 : i32
    %convert_element_type3A_65 = arith.extui %eq3A_64 : i1 to i32
    %cond3A_66 = arith.constant 0 : i32
    %cond3A_67 = arith.cmpi ne, %convert_element_type3A_65, %cond3A_66 : i32
    scf.if %cond3A_67 {
      %mul3A_73 = arith.constant 640 : i32
      %mul3A_74 = arith.muli %arg1, %mul3A_73 : i32
      %mul3A_75 = arith.constant 640 : i32
      %mul3A_76 = arith.muli %arg1, %mul3A_75 : i32
      "tpu.region"() ({
        %run_scoped3A = tpu.sem_alloc : memref<!tpu.dma_semaphore, #tpu.memory_space<semaphore_mem>>
        %dma_start3A_85 = arith.constant 0 : i32
        %dma_start3A_86 = tpu.memref_slice %arg10[%mul3A_76, %dma_start3A_85] : memref<10240x128xf32, #tpu.memory_space<hbm>> -> memref<640x128xf32, #tpu.memory_space<hbm>>
        %dma_start3A_87 = arith.constant 0 : i32
        %dma_start3A_88 = tpu.memref_slice %arg16[%mul3A_74, %dma_start3A_87] : memref<10240x128xf32, #tpu.memory_space<vmem_shared>> -> memref<640x128xf32, #tpu.memory_space<vmem_shared>>
        tpu.enqueue_dma source(%dma_start3A_88 : memref<640x128xf32, #tpu.memory_space<vmem_shared>>) target(%dma_start3A_86 : memref<640x128xf32, #tpu.memory_space<hbm>>) target_semaphore(%run_scoped3A : memref<!tpu.dma_semaphore, #tpu.memory_space<semaphore_mem>>)
        %dma_wait3A = arith.constant 0 : i32
        %dma_wait3A_89 = tpu.memref_slice %arg10[%mul3A_76, %dma_wait3A] : memref<10240x128xf32, #tpu.memory_space<hbm>> -> memref<640x128xf32, #tpu.memory_space<hbm>>
        %dma_wait3A_90 = arith.constant 0 : i32
        %dma_wait3A_91 = tpu.memref_slice %arg16[%mul3A_74, %dma_wait3A_90] : memref<10240x128xf32, #tpu.memory_space<vmem_shared>> -> memref<640x128xf32, #tpu.memory_space<vmem_shared>>
        tpu.wait_dma2 semaphore(%run_scoped3A : memref<!tpu.dma_semaphore, #tpu.memory_space<semaphore_mem>>) src(%dma_wait3A_91 : memref<640x128xf32, #tpu.memory_space<vmem_shared>>) dst(%dma_wait3A_89 : memref<640x128xf32, #tpu.memory_space<hbm>>)
        tpu.yield
      }) : () -> ()
      %mul3A_77 = arith.constant 4480 : i32
      %mul3A_78 = arith.muli %arg1, %mul3A_77 : i32
      %mul3A_79 = arith.constant 4480 : i32
      %mul3A_80 = arith.muli %arg1, %mul3A_79 : i32
      "tpu.region"() ({
        %run_scoped3A = tpu.sem_alloc : memref<!tpu.dma_semaphore, #tpu.memory_space<semaphore_mem>>
        %dma_start3A_85 = tpu.memref_slice %arg12[%mul3A_80] : memref<71680xf32, #tpu.memory_space<hbm>> -> memref<4480xf32, #tpu.memory_space<hbm>>
        %dma_start3A_86 = tpu.memref_slice %arg17[%mul3A_78] : memref<71680xf32, #tpu.memory_space<vmem_shared>> -> memref<4480xf32, #tpu.memory_space<vmem_shared>>
        tpu.enqueue_dma source(%dma_start3A_86 : memref<4480xf32, #tpu.memory_space<vmem_shared>>) target(%dma_start3A_85 : memref<4480xf32, #tpu.memory_space<hbm>>) target_semaphore(%run_scoped3A : memref<!tpu.dma_semaphore, #tpu.memory_space<semaphore_mem>>)
        %dma_wait3A = tpu.memref_slice %arg12[%mul3A_80] : memref<71680xf32, #tpu.memory_space<hbm>> -> memref<4480xf32, #tpu.memory_space<hbm>>
        %dma_wait3A_87 = tpu.memref_slice %arg17[%mul3A_78] : memref<71680xf32, #tpu.memory_space<vmem_shared>> -> memref<4480xf32, #tpu.memory_space<vmem_shared>>
        tpu.wait_dma2 semaphore(%run_scoped3A : memref<!tpu.dma_semaphore, #tpu.memory_space<semaphore_mem>>) src(%dma_wait3A_87 : memref<4480xf32, #tpu.memory_space<vmem_shared>>) dst(%dma_wait3A : memref<4480xf32, #tpu.memory_space<hbm>>)
        tpu.yield
      }) : () -> ()
      %mul3A_81 = arith.constant 4480 : i32
      %mul3A_82 = arith.muli %arg1, %mul3A_81 : i32
      %mul3A_83 = arith.constant 4480 : i32
      %mul3A_84 = arith.muli %arg1, %mul3A_83 : i32
      "tpu.region"() ({
        %run_scoped3A = tpu.sem_alloc : memref<!tpu.dma_semaphore, #tpu.memory_space<semaphore_mem>>
        %dma_start3A_85 = tpu.memref_slice %arg13[%mul3A_84] : memref<71680xf32, #tpu.memory_space<hbm>> -> memref<4480xf32, #tpu.memory_space<hbm>>
        %dma_start3A_86 = tpu.memref_slice %arg18[%mul3A_82] : memref<71680xf32, #tpu.memory_space<vmem_shared>> -> memref<4480xf32, #tpu.memory_space<vmem_shared>>
        tpu.enqueue_dma source(%dma_start3A_86 : memref<4480xf32, #tpu.memory_space<vmem_shared>>) target(%dma_start3A_85 : memref<4480xf32, #tpu.memory_space<hbm>>) target_semaphore(%run_scoped3A : memref<!tpu.dma_semaphore, #tpu.memory_space<semaphore_mem>>)
        %dma_wait3A = tpu.memref_slice %arg13[%mul3A_84] : memref<71680xf32, #tpu.memory_space<hbm>> -> memref<4480xf32, #tpu.memory_space<hbm>>
        %dma_wait3A_87 = tpu.memref_slice %arg18[%mul3A_82] : memref<71680xf32, #tpu.memory_space<vmem_shared>> -> memref<4480xf32, #tpu.memory_space<vmem_shared>>
        tpu.wait_dma2 semaphore(%run_scoped3A : memref<!tpu.dma_semaphore, #tpu.memory_space<semaphore_mem>>) src(%dma_wait3A_87 : memref<4480xf32, #tpu.memory_space<vmem_shared>>) dst(%dma_wait3A : memref<4480xf32, #tpu.memory_space<hbm>>)
        tpu.yield
      }) : () -> ()
    } else {
    }
    %eq3A_68 = arith.constant 1 : i32
    %eq3A_69 = arith.cmpi eq, %arg0, %eq3A_68 : i32
    %convert_element_type3A_70 = arith.extui %eq3A_69 : i1 to i32
    %cond3A_71 = arith.constant 0 : i32
    %cond3A_72 = arith.cmpi ne, %convert_element_type3A_70, %cond3A_71 : i32
    scf.if %cond3A_72 {
      %mul3A_73 = arith.constant 640 : i32
      %mul3A_74 = arith.muli %arg1, %mul3A_73 : i32
      %mul3A_75 = arith.constant 640 : i32
      %mul3A_76 = arith.muli %arg1, %mul3A_75 : i32
      "tpu.region"() ({
        %run_scoped3A = tpu.sem_alloc : memref<!tpu.dma_semaphore, #tpu.memory_space<semaphore_mem>>
        %dma_start3A_85 = arith.constant 0 : i32
        %dma_start3A_86 = tpu.memref_slice %arg11[%mul3A_76, %dma_start3A_85] : memref<10240x128xf32, #tpu.memory_space<hbm>> -> memref<640x128xf32, #tpu.memory_space<hbm>>
        %dma_start3A_87 = arith.constant 0 : i32
        %dma_start3A_88 = tpu.memref_slice %arg16[%mul3A_74, %dma_start3A_87] : memref<10240x128xf32, #tpu.memory_space<vmem_shared>> -> memref<640x128xf32, #tpu.memory_space<vmem_shared>>
        tpu.enqueue_dma source(%dma_start3A_88 : memref<640x128xf32, #tpu.memory_space<vmem_shared>>) target(%dma_start3A_86 : memref<640x128xf32, #tpu.memory_space<hbm>>) target_semaphore(%run_scoped3A : memref<!tpu.dma_semaphore, #tpu.memory_space<semaphore_mem>>)
        %dma_wait3A = arith.constant 0 : i32
        %dma_wait3A_89 = tpu.memref_slice %arg11[%mul3A_76, %dma_wait3A] : memref<10240x128xf32, #tpu.memory_space<hbm>> -> memref<640x128xf32, #tpu.memory_space<hbm>>
        %dma_wait3A_90 = arith.constant 0 : i32
        %dma_wait3A_91 = tpu.memref_slice %arg16[%mul3A_74, %dma_wait3A_90] : memref<10240x128xf32, #tpu.memory_space<vmem_shared>> -> memref<640x128xf32, #tpu.memory_space<vmem_shared>>
        tpu.wait_dma2 semaphore(%run_scoped3A : memref<!tpu.dma_semaphore, #tpu.memory_space<semaphore_mem>>) src(%dma_wait3A_91 : memref<640x128xf32, #tpu.memory_space<vmem_shared>>) dst(%dma_wait3A_89 : memref<640x128xf32, #tpu.memory_space<hbm>>)
        tpu.yield
      }) : () -> ()
      %mul3A_77 = arith.constant 640 : i32
      %mul3A_78 = arith.muli %arg1, %mul3A_77 : i32
      %mul3A_79 = arith.constant 640 : i32
      %mul3A_80 = arith.muli %arg1, %mul3A_79 : i32
      "tpu.region"() ({
        %run_scoped3A = tpu.sem_alloc : memref<!tpu.dma_semaphore, #tpu.memory_space<semaphore_mem>>
        %dma_start3A_85 = tpu.memref_slice %arg14[%mul3A_80] : memref<10240xf32, #tpu.memory_space<hbm>> -> memref<640xf32, #tpu.memory_space<hbm>>
        %dma_start3A_86 = tpu.memref_slice %arg17[%mul3A_78] : memref<71680xf32, #tpu.memory_space<vmem_shared>> -> memref<640xf32, #tpu.memory_space<vmem_shared>>
        tpu.enqueue_dma source(%dma_start3A_86 : memref<640xf32, #tpu.memory_space<vmem_shared>>) target(%dma_start3A_85 : memref<640xf32, #tpu.memory_space<hbm>>) target_semaphore(%run_scoped3A : memref<!tpu.dma_semaphore, #tpu.memory_space<semaphore_mem>>)
        %dma_wait3A = tpu.memref_slice %arg14[%mul3A_80] : memref<10240xf32, #tpu.memory_space<hbm>> -> memref<640xf32, #tpu.memory_space<hbm>>
        %dma_wait3A_87 = tpu.memref_slice %arg17[%mul3A_78] : memref<71680xf32, #tpu.memory_space<vmem_shared>> -> memref<640xf32, #tpu.memory_space<vmem_shared>>
        tpu.wait_dma2 semaphore(%run_scoped3A : memref<!tpu.dma_semaphore, #tpu.memory_space<semaphore_mem>>) src(%dma_wait3A_87 : memref<640xf32, #tpu.memory_space<vmem_shared>>) dst(%dma_wait3A : memref<640xf32, #tpu.memory_space<hbm>>)
        tpu.yield
      }) : () -> ()
      %mul3A_81 = arith.constant 640 : i32
      %mul3A_82 = arith.muli %arg1, %mul3A_81 : i32
      %mul3A_83 = arith.constant 640 : i32
      %mul3A_84 = arith.muli %arg1, %mul3A_83 : i32
      "tpu.region"() ({
        %run_scoped3A = tpu.sem_alloc : memref<!tpu.dma_semaphore, #tpu.memory_space<semaphore_mem>>
        %dma_start3A_85 = tpu.memref_slice %arg15[%mul3A_84] : memref<10240xf32, #tpu.memory_space<hbm>> -> memref<640xf32, #tpu.memory_space<hbm>>
        %dma_start3A_86 = tpu.memref_slice %arg18[%mul3A_82] : memref<71680xf32, #tpu.memory_space<vmem_shared>> -> memref<640xf32, #tpu.memory_space<vmem_shared>>
        tpu.enqueue_dma source(%dma_start3A_86 : memref<640xf32, #tpu.memory_space<vmem_shared>>) target(%dma_start3A_85 : memref<640xf32, #tpu.memory_space<hbm>>) target_semaphore(%run_scoped3A : memref<!tpu.dma_semaphore, #tpu.memory_space<semaphore_mem>>)
        %dma_wait3A = tpu.memref_slice %arg15[%mul3A_84] : memref<10240xf32, #tpu.memory_space<hbm>> -> memref<640xf32, #tpu.memory_space<hbm>>
        %dma_wait3A_87 = tpu.memref_slice %arg18[%mul3A_82] : memref<71680xf32, #tpu.memory_space<vmem_shared>> -> memref<640xf32, #tpu.memory_space<vmem_shared>>
        tpu.wait_dma2 semaphore(%run_scoped3A : memref<!tpu.dma_semaphore, #tpu.memory_space<semaphore_mem>>) src(%dma_wait3A_87 : memref<640xf32, #tpu.memory_space<vmem_shared>>) dst(%dma_wait3A : memref<640xf32, #tpu.memory_space<hbm>>)
        tpu.yield
      }) : () -> ()
    } else {
    }
    return
  }
}

module attributes {stable_mosaic.version = 14 : i64} {
  func.func @_tc_pre_kernel(%arg0: i32, %arg1: memref<1024x128xf32, #tpu.memory_space<vmem>>, %arg2: memref<128x1024xf32, #tpu.memory_space<vmem>>, %arg3: memref<1024x896xf32, #tpu.memory_space<vmem>>, %arg4: memref<1024x128xf32, #tpu.memory_space<vmem>>) attributes {dimension_semantics = [#tpu.dimension_semantics<arbitrary>], iteration_bounds = array<i64: 10>, scalar_prefetch = 0 : i64, scratch_operands = 0 : i64, tpu.core_type = #tpu.core_type<tc>, window_params = [{transform_indices = @transform_0, window_bounds = array<i64: 1024, 128>}, {pipeline_mode = #tpu.pipeline_mode<synchronous>, transform_indices = @transform_1, window_bounds = array<i64: 128, 1024>}, {transform_indices = @transform_2, window_bounds = array<i64: 1024, 896>}, {transform_indices = @transform_3, window_bounds = array<i64: 1024, 128>}]} {
    %get3A = arith.constant 0 : index
    %get3A_0 = arith.constant 0 : index
    %get3A_1 = vector.load %arg1[%get3A, %get3A_0] : memref<1024x128xf32, #tpu.memory_space<vmem>>, vector<1024x128xf32>
    %get3A_2 = arith.constant 0 : index
    %get3A_3 = arith.constant 0 : index
    %get3A_4 = vector.load %arg2[%get3A_2, %get3A_3] : memref<128x1024xf32, #tpu.memory_space<vmem>>, vector<128x1024xf32>
    %dot_general3A = arith.constant dense<0.000000e+00> : vector<1024x1024xf32>
    %dot_general3A_5 = tpu.matmul %get3A_1, %get3A_4, %dot_general3A {dimension_numbers = #tpu.dot_dimension_numbers<[1], [0], [0], [1], [0, 0, 1, 1], [], []>, transpose_lhs_hint = false} : vector<1024x128xf32>, vector<128x1024xf32>, vector<1024x1024xf32> -> vector<1024x1024xf32>
    %slice3A = vector.extract_strided_slice %dot_general3A_5 {offsets = [0, 0], sizes = [1024, 896], strides = [1, 1]} : vector<1024x1024xf32> to vector<1024x896xf32>
    %swap3A = arith.constant 0 : index
    %swap3A_6 = arith.constant 0 : index
    %swap3A_7 = vector.load %arg3[%swap3A, %swap3A_6] : memref<1024x896xf32, #tpu.memory_space<vmem>>, vector<1024x896xf32>
    tpu.vector_store %arg3[%swap3A, %swap3A_6], %slice3A {strides = array<i32>} : memref<1024x896xf32, #tpu.memory_space<vmem>>, vector<1024x896xf32>,
    %slice3A_8 = vector.extract_strided_slice %dot_general3A_5 {offsets = [0, 896], sizes = [1024, 128], strides = [1, 1]} : vector<1024x1024xf32> to vector<1024x128xf32>
    %swap3A_9 = arith.constant 0 : index
    %swap3A_10 = arith.constant 0 : index
    %swap3A_11 = vector.load %arg4[%swap3A_9, %swap3A_10] : memref<1024x128xf32, #tpu.memory_space<vmem>>, vector<1024x128xf32>
    tpu.vector_store %arg4[%swap3A_9, %swap3A_10], %slice3A_8 {strides = array<i32>} : memref<1024x128xf32, #tpu.memory_space<vmem>>, vector<1024x128xf32>,
    return
  }
  func.func @transform_0(%arg0: i32) -> (i32, i32) {
    %c0_i32 = arith.constant 0 : i32
    %c0_i32_0 = arith.constant 0 : i32
    return %arg0, %c0_i32 : i32, i32
  }
  func.func @transform_1(%arg0: i32) -> (i32, i32) {
    %c0_i32 = arith.constant 0 : i32
    %c0_i32_0 = arith.constant 0 : i32
    %c0_i32_1 = arith.constant 0 : i32
    return %c0_i32, %c0_i32_0 : i32, i32
  }
  func.func @transform_2(%arg0: i32) -> (i32, i32) {
    %c0_i32 = arith.constant 0 : i32
    %c0_i32_0 = arith.constant 0 : i32
    return %arg0, %c0_i32 : i32, i32
  }
  func.func @transform_3(%arg0: i32) -> (i32, i32) {
    %c0_i32 = arith.constant 0 : i32
    %c0_i32_0 = arith.constant 0 : i32
    return %arg0, %c0_i32 : i32, i32
  }
}

module attributes {stable_mosaic.version = 14 : i64} {
  func.func @_tc_combine_kernel(%arg0: i32, %arg1: memref<1000x128xf32, #tpu.memory_space<vmem>>, %arg2: memref<1000x128xf32, #tpu.memory_space<vmem>>, %arg3: memref<1000x128xf32, #tpu.memory_space<vmem>>, %arg4: memref<1000x7xf32, #tpu.memory_space<vmem>>, %arg5: memref<1000x7xf32, #tpu.memory_space<vmem>>, %arg6: memref<1000x1xf32, #tpu.memory_space<vmem>>, %arg7: memref<1000x1xf32, #tpu.memory_space<vmem>>, %arg8: memref<128x1024xf32, #tpu.memory_space<vmem>>, %arg9: memref<7x128xf32, #tpu.memory_space<vmem>>, %arg10: memref<1x128xf32, #tpu.memory_space<vmem>>, %arg11: memref<1x128xf32, #tpu.memory_space<vmem>>, %arg12: memref<1000x128xf32, #tpu.memory_space<vmem>>) attributes {dimension_semantics = [#tpu.dimension_semantics<arbitrary>], iteration_bounds = array<i64: 10>, scalar_prefetch = 0 : i64, scratch_operands = 0 : i64, tpu.core_type = #tpu.core_type<tc>, window_params = [{transform_indices = @transform_0, window_bounds = array<i64: 1000, 128>}, {transform_indices = @transform_1, window_bounds = array<i64: 1000, 128>}, {transform_indices = @transform_2, window_bounds = array<i64: 1000, 128>}, {transform_indices = @transform_3, window_bounds = array<i64: 1000, 7>}, {transform_indices = @transform_4, window_bounds = array<i64: 1000, 7>}, {transform_indices = @transform_5, window_bounds = array<i64: 1000, 1>}, {transform_indices = @transform_6, window_bounds = array<i64: 1000, 1>}, {pipeline_mode = #tpu.pipeline_mode<synchronous>, transform_indices = @transform_7, window_bounds = array<i64: 128, 1024>}, {pipeline_mode = #tpu.pipeline_mode<synchronous>, transform_indices = @transform_8, window_bounds = array<i64: 7, 128>}, {pipeline_mode = #tpu.pipeline_mode<synchronous>, transform_indices = @transform_9, window_bounds = array<i64: 1, 128>}, {pipeline_mode = #tpu.pipeline_mode<synchronous>, transform_indices = @transform_10, window_bounds = array<i64: 1, 128>}, {transform_indices = @transform_11, window_bounds = array<i64: 1000, 128>}]} {
    %get3A = arith.constant 0 : index
    %get3A_0 = arith.constant 0 : index
    %get3A_1 = vector.load %arg4[%get3A, %get3A_0] : memref<1000x7xf32, #tpu.memory_space<vmem>>, vector<1000x7xf32>
    %get3A_2 = arith.constant 0 : index
    %get3A_3 = arith.constant 0 : index
    %get3A_4 = vector.load %arg6[%get3A_2, %get3A_3] : memref<1000x1xf32, #tpu.memory_space<vmem>>, vector<1000x1xf32>
    %get3A_5 = arith.constant 0 : index
    %get3A_6 = arith.constant 0 : index
    %get3A_7 = vector.load %arg7[%get3A_5, %get3A_6] : memref<1000x1xf32, #tpu.memory_space<vmem>>, vector<1000x1xf32>
    %get3A_8 = arith.constant 0 : index
    %get3A_9 = arith.constant 0 : index
    %get3A_10 = vector.load %arg1[%get3A_8, %get3A_9] : memref<1000x128xf32, #tpu.memory_space<vmem>>, vector<1000x128xf32>
    %get3A_11 = arith.constant 0 : index
    %get3A_12 = arith.constant 0 : index
    %get3A_13 = vector.load %arg8[%get3A_11, %get3A_12] : memref<128x1024xf32, #tpu.memory_space<vmem>>, vector<128x1024xf32>
    %dot_general3A = arith.constant dense<0.000000e+00> : vector<1000x1024xf32>
    %dot_general3A_14 = tpu.matmul %get3A_10, %get3A_13, %dot_general3A {dimension_numbers = #tpu.dot_dimension_numbers<[1], [0], [0], [1], [0, 0, 1, 1], [], []>, transpose_lhs_hint = false} : vector<1000x128xf32>, vector<128x1024xf32>, vector<1000x1024xf32> -> vector<1000x1024xf32>
    %slice3A = vector.extract_strided_slice %dot_general3A_14 {offsets = [0, 896], sizes = [1000, 128], strides = [1, 1]} : vector<1000x1024xf32> to vector<1000x128xf32>
    %get3A_15 = arith.constant 0 : index
    %get3A_16 = arith.constant 0 : index
    %get3A_17 = vector.load %arg2[%get3A_15, %get3A_16] : memref<1000x128xf32, #tpu.memory_space<vmem>>, vector<1000x128xf32>
    %add3A = arith.addf %slice3A, %get3A_17 : vector<1000x128xf32>
    %get3A_18 = arith.constant 0 : index
    %get3A_19 = arith.constant 0 : index
    %get3A_20 = vector.load %arg11[%get3A_18, %get3A_19] : memref<1x128xf32, #tpu.memory_space<vmem>>, vector<1x128xf32>
    %add3A_21 = vector.broadcast %get3A_20 : vector<1x128xf32> to vector<1000x128xf32>
    %add3A_22 = arith.addf %add3A, %add3A_21 : vector<1000x128xf32>
    %get3A_23 = arith.constant 0 : index
    %get3A_24 = arith.constant 0 : index
    %get3A_25 = vector.load %arg5[%get3A_23, %get3A_24] : memref<1000x7xf32, #tpu.memory_space<vmem>>, vector<1000x7xf32>
    %get3A_26 = arith.constant 0 : index
    %get3A_27 = arith.constant 0 : index
    %get3A_28 = vector.load %arg9[%get3A_26, %get3A_27] : memref<7x128xf32, #tpu.memory_space<vmem>>, vector<7x128xf32>
    %dot_general3A_29 = arith.constant dense<0.000000e+00> : vector<1000x128xf32>
    %dot_general3A_30 = tpu.matmul %get3A_25, %get3A_28, %dot_general3A_29 {dimension_numbers = #tpu.dot_dimension_numbers<[1], [0], [0], [1], [0, 0, 1, 1], [], []>, transpose_lhs_hint = false} : vector<1000x7xf32>, vector<7x128xf32>, vector<1000x128xf32> -> vector<1000x128xf32>
    %add3A_31 = arith.addf %add3A_22, %dot_general3A_30 : vector<1000x128xf32>
    %slice3A_32 = vector.extract_strided_slice %get3A_1 {offsets = [0, 0], sizes = [1000, 1], strides = [1, 1]} : vector<1000x7xf32> to vector<1000x1xf32>
    %slice3A_33 = vector.extract_strided_slice %dot_general3A_14 {offsets = [0, 0], sizes = [1000, 128], strides = [1, 1]} : vector<1000x1024xf32> to vector<1000x128xf32>
    %mul3A = vector.broadcast %slice3A_32 : vector<1000x1xf32> to vector<1000x128xf32>
    %mul3A_34 = arith.mulf %mul3A, %slice3A_33 : vector<1000x128xf32>
    %add3A_35 = arith.addf %add3A_31, %mul3A_34 : vector<1000x128xf32>
    %slice3A_36 = vector.extract_strided_slice %get3A_1 {offsets = [0, 1], sizes = [1000, 1], strides = [1, 1]} : vector<1000x7xf32> to vector<1000x1xf32>
    %slice3A_37 = vector.extract_strided_slice %dot_general3A_14 {offsets = [0, 128], sizes = [1000, 128], strides = [1, 1]} : vector<1000x1024xf32> to vector<1000x128xf32>
    %mul3A_38 = vector.broadcast %slice3A_36 : vector<1000x1xf32> to vector<1000x128xf32>
    %mul3A_39 = arith.mulf %mul3A_38, %slice3A_37 : vector<1000x128xf32>
    %add3A_40 = arith.addf %add3A_35, %mul3A_39 : vector<1000x128xf32>
    %slice3A_41 = vector.extract_strided_slice %get3A_1 {offsets = [0, 2], sizes = [1000, 1], strides = [1, 1]} : vector<1000x7xf32> to vector<1000x1xf32>
    %slice3A_42 = vector.extract_strided_slice %dot_general3A_14 {offsets = [0, 256], sizes = [1000, 128], strides = [1, 1]} : vector<1000x1024xf32> to vector<1000x128xf32>
    %mul3A_43 = vector.broadcast %slice3A_41 : vector<1000x1xf32> to vector<1000x128xf32>
    %mul3A_44 = arith.mulf %mul3A_43, %slice3A_42 : vector<1000x128xf32>
    %add3A_45 = arith.addf %add3A_40, %mul3A_44 : vector<1000x128xf32>
    %slice3A_46 = vector.extract_strided_slice %get3A_1 {offsets = [0, 3], sizes = [1000, 1], strides = [1, 1]} : vector<1000x7xf32> to vector<1000x1xf32>
    %slice3A_47 = vector.extract_strided_slice %dot_general3A_14 {offsets = [0, 384], sizes = [1000, 128], strides = [1, 1]} : vector<1000x1024xf32> to vector<1000x128xf32>
    %mul3A_48 = vector.broadcast %slice3A_46 : vector<1000x1xf32> to vector<1000x128xf32>
    %mul3A_49 = arith.mulf %mul3A_48, %slice3A_47 : vector<1000x128xf32>
    %add3A_50 = arith.addf %add3A_45, %mul3A_49 : vector<1000x128xf32>
    %slice3A_51 = vector.extract_strided_slice %get3A_1 {offsets = [0, 4], sizes = [1000, 1], strides = [1, 1]} : vector<1000x7xf32> to vector<1000x1xf32>
    %slice3A_52 = vector.extract_strided_slice %dot_general3A_14 {offsets = [0, 512], sizes = [1000, 128], strides = [1, 1]} : vector<1000x1024xf32> to vector<1000x128xf32>
    %mul3A_53 = vector.broadcast %slice3A_51 : vector<1000x1xf32> to vector<1000x128xf32>
    %mul3A_54 = arith.mulf %mul3A_53, %slice3A_52 : vector<1000x128xf32>
    %add3A_55 = arith.addf %add3A_50, %mul3A_54 : vector<1000x128xf32>
    %slice3A_56 = vector.extract_strided_slice %get3A_1 {offsets = [0, 5], sizes = [1000, 1], strides = [1, 1]} : vector<1000x7xf32> to vector<1000x1xf32>
    %slice3A_57 = vector.extract_strided_slice %dot_general3A_14 {offsets = [0, 640], sizes = [1000, 128], strides = [1, 1]} : vector<1000x1024xf32> to vector<1000x128xf32>
    %mul3A_58 = vector.broadcast %slice3A_56 : vector<1000x1xf32> to vector<1000x128xf32>
    %mul3A_59 = arith.mulf %mul3A_58, %slice3A_57 : vector<1000x128xf32>
    %add3A_60 = arith.addf %add3A_55, %mul3A_59 : vector<1000x128xf32>
    %slice3A_61 = vector.extract_strided_slice %get3A_1 {offsets = [0, 6], sizes = [1000, 1], strides = [1, 1]} : vector<1000x7xf32> to vector<1000x1xf32>
    %slice3A_62 = vector.extract_strided_slice %dot_general3A_14 {offsets = [0, 768], sizes = [1000, 128], strides = [1, 1]} : vector<1000x1024xf32> to vector<1000x128xf32>
    %mul3A_63 = vector.broadcast %slice3A_61 : vector<1000x1xf32> to vector<1000x128xf32>
    %mul3A_64 = arith.mulf %mul3A_63, %slice3A_62 : vector<1000x128xf32>
    %add3A_65 = arith.addf %add3A_60, %mul3A_64 : vector<1000x128xf32>
    %get3A_66 = arith.constant 0 : index
    %get3A_67 = arith.constant 0 : index
    %get3A_68 = vector.load %arg3[%get3A_66, %get3A_67] : memref<1000x128xf32, #tpu.memory_space<vmem>>, vector<1000x128xf32>
    %get3A_69 = arith.constant 0 : index
    %get3A_70 = arith.constant 0 : index
    %get3A_71 = vector.load %arg10[%get3A_69, %get3A_70] : memref<1x128xf32, #tpu.memory_space<vmem>>, vector<1x128xf32>
    %mul3A_72 = vector.broadcast %get3A_7 : vector<1000x1xf32> to vector<1000x128xf32>
    %mul3A_73 = vector.broadcast %get3A_71 : vector<1x128xf32> to vector<1000x128xf32>
    %mul3A_74 = arith.mulf %mul3A_72, %mul3A_73 : vector<1000x128xf32>
    %add3A_75 = arith.addf %get3A_68, %mul3A_74 : vector<1000x128xf32>
    %mul3A_76 = vector.broadcast %get3A_4 : vector<1000x1xf32> to vector<1000x128xf32>
    %mul3A_77 = arith.mulf %mul3A_76, %add3A_65 : vector<1000x128xf32>
    %add3A_78 = arith.addf %add3A_75, %mul3A_77 : vector<1000x128xf32>
    %swap3A = arith.constant 0 : index
    %swap3A_79 = arith.constant 0 : index
    %swap3A_80 = vector.load %arg12[%swap3A, %swap3A_79] : memref<1000x128xf32, #tpu.memory_space<vmem>>, vector<1000x128xf32>
    tpu.vector_store %arg12[%swap3A, %swap3A_79], %add3A_78 {strides = array<i32>} : memref<1000x128xf32, #tpu.memory_space<vmem>>, vector<1000x128xf32>,
    return
  }
  func.func @transform_0(%arg0: i32) -> (i32, i32) {
    %c0_i32 = arith.constant 0 : i32
    %c0_i32_0 = arith.constant 0 : i32
    return %arg0, %c0_i32 : i32, i32
  }
  func.func @transform_1(%arg0: i32) -> (i32, i32) {
    %c0_i32 = arith.constant 0 : i32
    %c0_i32_0 = arith.constant 0 : i32
    return %arg0, %c0_i32 : i32, i32
  }
  func.func @transform_2(%arg0: i32) -> (i32, i32) {
    %c0_i32 = arith.constant 0 : i32
    %c0_i32_0 = arith.constant 0 : i32
    return %arg0, %c0_i32 : i32, i32
  }
  func.func @transform_3(%arg0: i32) -> (i32, i32) {
    %c0_i32 = arith.constant 0 : i32
    %c0_i32_0 = arith.constant 0 : i32
    return %arg0, %c0_i32 : i32, i32
  }
  func.func @transform_4(%arg0: i32) -> (i32, i32) {
    %c0_i32 = arith.constant 0 : i32
    %c0_i32_0 = arith.constant 0 : i32
    return %arg0, %c0_i32 : i32, i32
  }
  func.func @transform_5(%arg0: i32) -> (i32, i32) {
    %c0_i32 = arith.constant 0 : i32
    %c0_i32_0 = arith.constant 0 : i32
    return %arg0, %c0_i32 : i32, i32
  }
  func.func @transform_6(%arg0: i32) -> (i32, i32) {
    %c0_i32 = arith.constant 0 : i32
    %c0_i32_0 = arith.constant 0 : i32
    return %arg0, %c0_i32 : i32, i32
  }
  func.func @transform_7(%arg0: i32) -> (i32, i32) {
    %c0_i32 = arith.constant 0 : i32
    %c0_i32_0 = arith.constant 0 : i32
    %c0_i32_1 = arith.constant 0 : i32
    return %c0_i32, %c0_i32_0 : i32, i32
  }
  func.func @transform_8(%arg0: i32) -> (i32, i32) {
    %c0_i32 = arith.constant 0 : i32
    %c0_i32_0 = arith.constant 0 : i32
    %c0_i32_1 = arith.constant 0 : i32
    return %c0_i32, %c0_i32_0 : i32, i32
  }
  func.func @transform_9(%arg0: i32) -> (i32, i32) {
    %c0_i32 = arith.constant 0 : i32
    %c0_i32_0 = arith.constant 0 : i32
    %c0_i32_1 = arith.constant 0 : i32
    return %c0_i32, %c0_i32_0 : i32, i32
  }
  func.func @transform_10(%arg0: i32) -> (i32, i32) {
    %c0_i32 = arith.constant 0 : i32
    %c0_i32_0 = arith.constant 0 : i32
    %c0_i32_1 = arith.constant 0 : i32
    return %c0_i32, %c0_i32_0 : i32, i32
  }
  func.func @transform_11(%arg0: i32) -> (i32, i32) {
    %c0_i32 = arith.constant 0 : i32
    %c0_i32_0 = arith.constant 0 : i32
    return %arg0, %c0_i32 : i32, i32
  }
}

</mosaic_0001>

<sc_bundles>
// kernel: kernel.5.cloned.1.call-start
scs
__scs_entry_jumppad:
0x0: {  	(pc) =	sbr.rel $0x88, $3  }
0x1: {  	(tag) =	ssettag $0x0;
	lr =	simm.s32 $0x1  }
0x2: {  	[smem:$0x3F9B] =	sst lr;
	_ =	strace $0xD0000000  }
0x3: {  	_ = 	snop  }
0x4: {  	_ = 	snop  }
0x5: {  	_ = 	snop  }
0x6: {  	_ = 	snop  }
0x7: {  	_ = 	snop  }
__scs_overlays_trampoline_lowered:
0x8: {  	[smem:$0x3FAA] =	sst s0  }
0x9: {  	[smem:$0x3FAB] =	sst s1  }
0xa: {  	[smem:$0x3FAC] =	sst s2  }
0xb: {  	[smem:$0x3FAD] =	sst s3  }
0xc: {  	[smem:$0x3FAE] =	sst s4  }
0xd: {  	[smem:$0x3FAF] =	sst s5  }
0xe: {  	[smem:$0x3FB0] =	sst s6  }
0xf: {  	[smem:$0x3FB1] =	sst s7  }
0x10: {  	[smem:$0x3FB2] =	sst s8  }
0x11: {  	[smem:$0x3FB3] =	sst s9;
	s0 =	simm.s32 @!p0 $0x0  }
0x12: {  	s1 =	sld [smem:$0x3F99];
	s0 =	simm.s32 @p0 $0x1  }
0x13: {  	[smem:$0x3FB4] =	sst s0;
	s0 =	simm.s32 @!p1 $0x0  }
0x14: {  	s2 =	sld [smem:$0x3F98];
	s0 =	simm.s32 @p1 $0x1  }
0x15: {  	[smem:$0x3FB5] =	sst s0;
	s0 =	simm.s32 @!p2 $0x0  }
0x16: {  	s3 =	sld [smem:$0x3FDB];
	s0 =	simm.s32 @p2 $0x1  }
0x17: {  	s4 =	simm.s32 $0x1BF5;
	[smem:$0x3FB7] =	sst s0  }
0x18: {  	s0 =	sld [smem:$0x3F9A];
	_ =	swait.ge [sflag:s4], $0x0  }
0x19: {  	s7 =	sld [smem:$0x3F9B]  }
0x1a: {  	s8 =	sadd.s32 $0xFFFFE003, lr  }
0x1b: {  	s9 =	sadd.s32 $0xFFFFFEF7, lr;
	s5 =	simm.s32 $0xFFFFFFFF;
	p2 =	slt.u32 s8, $0xFFFFF086  }
0x1c: {  	p1 =	slt.u32 s9, $0xF7A;
	s5 =	simm.s32 @!p2 $0x0  }
0x1d: {  	s5 =	simm.s32 @p1 $0x1;
	p0 =	seq.s32 s7, s2  }
0x1e: {  	s7 =	smul.u32 @!p0 $0xF7A, s2;
	p2 =	seq.s32 @!p0 s5, $0x0  }
0x1f: {  	s9 =	smul.u32 $0xF7A, s1;
	s8 =	simm.s32 @!p0 $0x1BF5;
	p2 =	por !p2, p0  }
0x20: {  	[sflag:s8] =	ssyncset.s32 @!p0 $0xFFFFF086;
	s6 =	sadd.s32 @!p0 s3, s7;
	s7 =	simm.s32 @!p0 $0x108  }
0x21: {  	s3 =	sadd.s32 s3, s9;
	s6 =	sadd.s32 @!p0 $0x88, s6;
	s7 =	simm.s32 @p2 $0x1082  }
0x22: {  	[simem:s7], [sflag:s8] =	dma.local @!p0 [hbm:s6], $0xF7A  }
0x23: {  	s9 =	sor.u32 $0xD0000000, s2;
	s6 =	simm.s32 $0x108;
	_ =	swait.ge @!p0 [sflag:s8], $0x0  }
0x24: {  	s3 =	sadd.s32 $0x88, s3;
	s6 =	simm.s32 @!p1 $0x1082;
	[sflag:s4] =	ssyncset.s32 $0xFFFFF086  }
0x25: {  	[simem:s6], [sflag:s4] =	dma.local [hbm:s3], $0xF7A  }
0x26: {  	[smem:$0x3F9B] =	sst s1;
	(tag) =	ssettag s2;
	_ =	strace s9  }
0x27: {  	s1 =	sld [smem:$0x3FAB]  }
0x28: {  	s2 =	sld [smem:$0x3FAC]  }
0x29: {  	s4 =	sld [smem:$0x3FAE]  }
0x2a: {  	p0 =	seq.s32 s5, $0x0;
	s5 =	sld [smem:$0x3FAF]  }
0x2b: {  	s6 =	sld [smem:$0x3FB0]  }
0x2c: {  	s7 =	sld [smem:$0x3FB1]  }
0x2d: {  	s3 =	simm.s32 $0x108;
	s8 =	sld [smem:$0x3FB2]  }
0x2e: {  	s3 =	simm.s32 @!p0 $0x1082;
	s9 =	sld [smem:$0x3FB3]  }
0x2f: {  	lr =	sadd.s32 s0, s3;
	s0 =	sld [smem:$0x3FAA]  }
0x30: {  	s3 =	sld [smem:$0x3FAD]  }
0x31: {  	[smem:$0x3FB6] =	sst s10  }
0x32: {  	s10 =	sld [smem:$0x3FB4];
	_ =	sdelay $0x3  }
0x33: {  	p0 =	seq.s32 s10, $0x1;
	s10 =	sld [smem:$0x3FB6];
	_ =	sdelay $0x3  }
0x34: {  	[smem:$0x3FB6] =	sst s10  }
0x35: {  	s10 =	sld [smem:$0x3FB5];
	_ =	sdelay $0x3  }
0x36: {  	p1 =	seq.s32 s10, $0x1;
	s10 =	sld [smem:$0x3FB6];
	_ =	sdelay $0x3  }
0x37: {  	[smem:$0x3FB6] =	sst s10  }
0x38: {  	s10 =	sld [smem:$0x3FB7]  }
0x39: {  	_ = 	snop;
	(pc) =	sbr.ind lr, $3  }
0x3a: {  	_ = 	snop  }
0x3b: {  	_ = 	snop  }
0x3c: {  	p2 =	seq.s32 s10, $0x1;
	s10 =	sld [smem:$0x3FB6]  }
0x3d: {  	_ =	shalt  }
0x3e: {  	_ =	shalt  }
0x3f: {  	_ =	shalt  }
0x40: {  	_ =	shalt  }
0x41: {  	_ =	shalt  }
0x42: {  	_ =	shalt  }
0x43: {  	_ =	shalt  }
0x44: {  	_ =	shalt  }
0x45: {  	_ =	shalt  }
0x46: {  	_ =	shalt  }
0x47: {  	_ =	shalt  }
0x48: {  	_ =	shalt  }
0x49: {  	_ =	shalt  }
0x4a: {  	_ =	shalt  }
0x4b: {  	_ =	shalt  }
0x4c: {  	_ =	shalt  }
0x4d: {  	_ =	shalt  }
0x4e: {  	_ =	shalt  }
0x4f: {  	_ =	shalt  }
0x50: {  	_ =	shalt  }
0x51: {  	_ =	shalt  }
0x52: {  	_ =	shalt  }
0x53: {  	_ =	shalt  }
0x54: {  	_ =	shalt  }
0x55: {  	_ =	shalt  }
0x56: {  	_ =	shalt  }
0x57: {  	_ =	shalt  }
0x58: {  	_ =	shalt  }
0x59: {  	_ =	shalt  }
0x5a: {  	_ =	shalt  }
0x5b: {  	_ =	shalt  }
0x5c: {  	_ =	shalt  }
0x5d: {  	_ =	shalt  }
0x5e: {  	_ =	shalt  }
0x5f: {  	_ =	shalt  }
0x60: {  	_ =	shalt  }
0x61: {  	_ =	shalt  }
0x62: {  	_ =	shalt  }
0x63: {  	_ =	shalt  }
0x64: {  	_ =	shalt  }
0x65: {  	_ =	shalt  }
0x66: {  	_ =	shalt  }
0x67: {  	_ =	shalt  }
0x68: {  	_ =	shalt  }
0x69: {  	_ =	shalt  }
0x6a: {  	_ =	shalt  }
0x6b: {  	_ =	shalt  }
0x6c: {  	_ =	shalt  }
0x6d: {  	_ =	shalt  }
0x6e: {  	_ =	shalt  }
0x6f: {  	_ =	shalt  }
0x70: {  	_ =	shalt  }
0x71: {  	_ =	shalt  }
0x72: {  	_ =	shalt  }
0x73: {  	_ =	shalt  }
0x74: {  	_ =	shalt  }
0x75: {  	_ =	shalt  }
0x76: {  	_ =	shalt  }
0x77: {  	_ =	shalt  }
0x78: {  	_ =	shalt  }
0x79: {  	_ =	shalt  }
0x7a: {  	_ =	shalt  }
0x7b: {  	_ =	shalt  }
0x7c: {  	_ =	shalt  }
0x7d: {  	_ =	shalt  }
0x7e: {  	_ =	shalt  }
0x7f: {  	_ =	shalt  }
0x80: {  	_ =	shalt  }
0x81: {  	_ =	shalt  }
0x82: {  	_ =	shalt  }
0x83: {  	_ =	shalt  }
0x84: {  	_ =	shalt  }
0x85: {  	_ =	shalt  }
0x86: {  	_ =	shalt  }
0x87: {  	_ =	shalt  }
.Lfunc_end0:
.L_simem_size_0:
called_computation_lowered:
.L_overlay_start_0:
0x88: {  	s2 =	sld [smem:$0x3FD9]  }
0x89: {  	s3 =	sld [smem:$0x3FFE];
	_ =	sdelay $0x1  }
0x8a: {  	s1 =	srdreg.scid  }
0x8b: {  	s0 =	sand.u32 $0x1, s1  }
0x8c: {  	s17 =	sshll.u32 s0, $0xA;
	s2 =	sadd.s32 s3, s2  }
0x8d: {  	s2 =	sadd.s32 s2, s17  }
0x8e: {  	[smem:$0x3FC2] =	sst s2  }
0x8f: {  	_ = 	snop  }
0x90: {  	s2 =	sld [smem:$0x3FD0];
	(tm) =	ssettm $0x1  }
0x91: {  	s18 =	sld [smem:$0x3FFB];
	_ =	sdelay $0x3  }
0x92: {  	_ =	strace s18  }
0x93: {  	s3 =	sld [smem:$0x3FFC];
	_ =	sdelay $0x3  }
0x94: {  	_ =	strace s3  }
0x95: {  	s3 =	sld [smem:$0x3FFD];
	_ =	sdelay $0x3  }
0x96: {  	_ =	strace s3  }
0x97: {  	_ =	strace $0x8FFFFFFF  }
0x98: {  	s19 =	sld [smem:$0x3FDB];
	_ =	sdelay $0x1  }
0x99: {  	s4 =	simm.s32 $_scs_section_size  }
0x9a: {  	s5 =	simm.s32 $_size__tile_overlayer_lowered;
	s6 =	simm.s32 $_tile_overlayer_lowered  }
0x9b: {  	s22 =	simm.s32 $0x1BFF;
	s21 =	sshll.u32 s6, $0x1;
	s3 =	sadd.s32 s4, s19  }
0x9c: {  	s7 =	simm.s32 $0x0;
	s20 =	sshll.u32 s5, $0x1;
	s5 =	sadd.s32 s21, s3  }
0x9d: {  	[timem:s7], [sflag:s22] =	dma.local [hbm:s5], s20  }
0x9e: {  	_ =	swait.ge [sflag:s22], s20  }
0x9f: {  	s4 =	ssub.s32 $0x0, s20;
	[sflag:s22] =	ssyncset.done $0x0  }
0xa0: {  	[sflag:s22] =	ssyncadd.s32 s4;
	_ =	sdelay $0x1  }
0xa1: {  	s23 =	simm.s32 $0x1B8B  }
0xa2: {  	_ =	swait.ge [sflag:s23], $0x1  }
0xa3: {  	[sflag:s23] =	ssyncset.done $0x0  }
0xa4: {  	s25 =	simm.s32 $0x1B8E;
	s24 =	sld [smem:$0x3FFE];
	[sflag:s23] =	ssyncadd.s32 $0xFFFFFFFF  }
0xa5: {  	s26 =	simm.s32 $execute0_lowered;
	[smem:$0x3FD2] =	sst s25  }
0xa6: {  	s5 =	sshll.u32 s26, $0x1;
	_ =	strace $0x80000046;
	[dreg:$0x1] =	wrdreg $0xFFFFFFFF  }
0xa7: {  	s28 =	simm.s32 $_size_execute0_lowered;
	s3 =	sadd.s32 s3, s5;
	[dreg:$0x0] =	wrdreg $0x0  }
0xa8: {  	s5 =	sshll.u32 s28, $0x1;
	[dreg:$0x2] =	wrdreg s3  }
0xa9: {  	[dreg:$0x3] =	wrdreg s5  }
0xaa: {  	[dreg:$0x4] =	wrdreg $0xC0  }
0xab: {  	_ =	task [dreg:s7], $0x5FFFF  }
0xac: {  	[dreg:$0x1] =	wrdreg $0xFFFFFFFF  }
0xad: {  	[dreg:$0x0] =	wrdreg $0x60  }
0xae: {  	[dreg:$0x2] =	wrdreg s2  }
0xaf: {  	[dreg:$0x3] =	wrdreg s24  }
0xb0: {  	[dreg:$0x4] =	wrdreg $0x0  }
0xb1: {  	[dreg:$0x5] =	wrdreg $0x140000  }
0xb2: {  	[dreg:$0x6] =	wrdreg $0x151800  }
0xb3: {  	[dreg:$0x7] =	wrdreg $0x9  }
0xb4: {  	_ =	task.clear_ibuf [dreg:s7], $0x8FFFF;
	_ =	strace $0x90000046  }
0xb5: {  	s29 =	simm.s32 $0x9;
	_ =	strace $0x80000048  }
0xb6: {  	_ =	swait.ge [sflag:s29], $0x1  }
0xb7: {  	[sflag:s29] =	ssyncadd.s32 $0xFFFFFFFF  }
0xb8: {  	_ =	strace $0x90000048  }
0xb9: {  	_ =	sfence  }
0xba: {  	s30 =	sld [smem:$0x0];
	_ =	sdelay $0x2  }
0xbb: {  	s31 =	sshll.u32 s1, $0xD;
	s1 =	sshrl.u32 s1, $0x2  }
0xbc: {  	s3 =	sand.u32 $0x4000, s31;
	s1 =	sadd.s32 s1, s30  }
0xbd: {  	s0 =	sor.u32 s3, s0;
	s1 =	sshll.u32 s1, $0x11  }
0xbe: {  	s0 =	sor.u32 s1, s0  }
0xbf: {  	s0 =	sadd.s32 $0x8F2B, s0  }
0xc0: {  	[sflag:s0] =	ssyncadd.remote.s32 $0x1  }
0xc1: {  	_ =	sfence.sel $0xFFFF  }
0xc2: {  	[dreg:$0x0] =	wrdreg $0xFFFFFFFF;
	(pc) =	sbr.abs _section_cstart, $3  }
0xc3: {  	[dreg:$0x1] =	wrdreg $0xFFFFFFFF  }
0xc4: {  	_ =	task.clear_ibuf [dreg:s7], $0x2FFFF;
	_ =	strace $0x9FFFFFFF  }
0xc5: {  	(tm) =	ssettm $0x7FFFFFFF  }
tec
execute0_lowered:
.L_overlay_start_1:
0x0: {  	(tag) =	ssettag $0x1  }
0x1: {  	s0 =	rddreg [dreg:$0x0]  }
0x2: {  	s5 =	rddreg [dreg:$0x1]  }
0x3: {  	s1 =	rddreg [dreg:$0x2]  }
0x4: {  	s2 =	rddreg [dreg:$0x3]  }
0x5: {  	s3 =	rddreg [dreg:$0x4];
	s4 =	simm.s32 $0x0  }
0x6: {  	s20 =	stileid.u32;
	s13 =	srdreg.scid;
	s31 =	simm.s32 $0x16300  }
0x7: {  	s29 =	simm.s32 $0x7;
	s30 =	simm.s32 $0x4;
	[smem:$0x7FF] =	sst s4  }
0x8: {  	s6 =	sadd.s32 $0x2C00, s5;
	s7 =	sadd.s32 $0x2600, s5;
	s11 =	smul.u32 $0x2800, s20  }
0x9: {  	s8 =	sadd.s32 $0x2000, s5;
	s9 =	sadd.s32 $0x142000, s5;
	s28 =	smul.u32 $0x1180, s20  }
0xa: {  	s10 =	sadd.s32 $0x11A000, s5;
	s12 =	sadd.s32 $0x3200, s5;
	s19 =	smul.u32 $0x50000, s20  }
0xb: {  	s14 =	sadd.s32 $0x5A00, s5;
	s13 =	sand.u32 $0x1, s13;
	s23 =	smul.u32 $0xFA00, s20  }
0xc: {  	s25 =	smul.u32 $0x1F40, s20;
	_ =	strace $0x80000047;
	[dreg:$0x6] =	wrdreg s12  }
0xd: {  	s22 =	sshll.u32 s20, $0x6;
	[dreg:$0x7] =	wrdreg s14;
	s14 =	smul.u32 $0x280, s20  }
0xe: {  	s16 =	ssub.s32 $0x2, s13;
	s24 =	sor.u32 $0x1C0B, s22;
	p0 =	seq.s32 s13, $0x1  }
0xf: {  	p1 =	sne.s32 s13, $0x0;
	s13 =	simm.s32 $0x1EE80;
	s11 =	sadd.s32 s11, s5  }
0x10: {  	s15 =	sshrl.u32 s28, $0x3;
	s18 =	sshrl.u32 s16, $0x1;
	s21 =	sshrl.u32 s19, $0x2  }
0x11: {  	[dreg:$0x9] =	wrdreg s24;
	s26 =	sadd.s32 s28, s2;
	s12 =	sadd.s32 s28, s3  }
0x12: {  	s28 =	sshrl.u32 s23, $0x3;
	s17 =	sshrl.u32 s14, $0x3;
	[dreg:$0xa] =	wrdreg s26  }
0x13: {  	s15 =	sadd.s32 s15, s5;
	s16 =	ssub.s32 s16, s18;
	[dreg:$0xb] =	wrdreg s12  }
0x14: {  	s12 =	sadd.s32 s0, s28;
	s0 =	sadd.s32 s25, s0;
	s22 =	sadd.s32 s14, s3  }
0x15: {  	s23 =	sadd.s32 $0x33200, s11;
	s11 =	sadd.s32 $0xB200, s11;
	[dreg:$0xc] =	wrdreg s0  }
0x16: {  	s5 =	sadd.s32 s17, s5;
	s17 =	sadd.s32 s21, s1;
	[dreg:$0x11] =	wrdreg s23  }
0x17: {  	s18 =	sadd.s32 $0x1F00, s12;
	s21 =	sadd.s32 s14, s2;
	[dreg:$0x12] =	wrdreg s11  }
0x18: {  	s24 =	sadd.s32 $0x5E00, s15;
	s25 =	sadd.s32 $0x8200, s15;
	[dreg:$0x8] =	wrdreg s17  }
0x19: {  	s26 =	smax.u32 s16, $0x1;
	s28 =	sshrl.u32 s22, $0x3;
	[dreg:$0xe] =	wrdreg s18  }
0x1a: {  	s23 =	simm.s32 $0x2;
	s11 =	simm.s32 $0x16380;
	[dreg:$0x13] =	wrdreg s24  }
0x1b: {  	s16 =	simm.s32 $0x8;
	s14 =	simm.s32 $0xA;
	[dreg:$0x14] =	wrdreg s25  }
0x1c: {  	s17 =	sadd.s32 $0x1EC0, s12;
	s19 =	sadd.s32 $0xA600, s5;
	[dreg:$0x15] =	wrdreg s26  }
0x1d: {  	s20 =	sadd.s32 $0xAC00, s5;
	s0 =	sshrl.u32 s21, $0x3;
	[dreg:$0x17] =	wrdreg s28  }
.Ltmp0:
0x1e: {  	s21 =	simm.s32 $0x50;
	[dreg:$0xd] =	wrdreg s17;
	(pc) =	sbr.rel .LBB2_1-.Ltmp0, $4  }
0x1f: {  	s24 =	simm.s32 $0x19E80;
	s25 =	simm.s32 $0x3;
	[dreg:$0xf] =	wrdreg s19  }
0x20: {  	s18 =	simm.s32 $0x16580;
	s26 =	simm.s32 $0x9;
	[dreg:$0x10] =	wrdreg s20  }
0x21: {  	s12 =	simm.s32 $0x5;
	s5 =	simm.s32 $0x0;
	[dreg:$0x16] =	wrdreg s0  }
0x22: {  	v0 =	vimm.f32 $1.000000000e+00;
	v1 =	vimm.s32 $0x0;
	s0 =	simm.s32 $0x16500;
	s20 =	simm.s32 $0x1;
	s19 =	simm.s32 $0x6  }
.LBB2_8:
0x23: {  	s5 =	simm.s32 $0x17680  }
0x24: {  	[tilespmem:s5], [sflag:$0x7] =	stream.indirect.gather [hbm4b:s10+s21], $0x80, s31, s21, $0xb8;
	[tilespmem:$0x1EF00] =	vst v63  }
0x25: {  	_ =	swait.ge [sflag:s23], $0x180  }
0x26: {  	[sflag:s23] =	ssyncset.done $0x0  }
0x27: {  	[sflag:s23] =	ssyncadd.s32 $0xFFFFFE80  }
0x28: {  	[tilespmem:s24], [sflag:$0x8] =	stream.indirect.gather [hbm4b:s10+s21], $0x80, s0, s21, $0xb8;
	[tilespmem:$0x1EF00] =	vst v63  }
0x29: {  	_ =	swait.ge [sflag:s29], $0x2800  }
0x2a: {  	[sflag:s29] =	ssyncset.done $0x0  }
0x2b: {  	[sflag:s29] =	ssyncadd.s32 $0xFFFFD800  }
0x2c: {  	v2 =	vld [tilespmem:$0x16400]  }
0x2d: {  	v3 =	vld [tilespmem:$0x16410]  }
0x2e: {  	v4 =	vld [tilespmem:$0x16420]  }
0x2f: {  	v5 =	vld [tilespmem:$0x16430]  }
0x30: {  	v6 =	vld [tilespmem:$0x16440]  }
0x31: {  	[tilespmem:$0x16900] =	vst v2  }
0x32: {  	[tilespmem:$0x16910] =	vst v3  }
0x33: {  	[tilespmem:$0x16920] =	vst v4  }
0x34: {  	[tilespmem:$0x16930] =	vst v5  }
0x35: {  	[tilespmem:$0x16940] =	vst v6  }
0x36: {  	[spmem:s1] =	stream.indirect.scatter.add.f32 [tilespmem:s5], [sflag:$0xA], $0x80, s11, s21, $0xb8;
	[tilespmem:$0x1EF00] =	vst v63  }
0x37: {  	_ = 	snop  }
0x38: {  	[spmem:s2] =	stream.indirect.scatter.add.f32 [tilespmem:s13], [sflag:$0xA], $0x1, s11, s21, $0xb8;
	[tilespmem:$0x1EF00] =	vst v63  }
0x39: {  	s28 =	simm.s32 $0x16900  }
0x3a: {  	[spmem:s3] =	stream.indirect.scatter.add.f32 [tilespmem:s28], [sflag:$0xA], $0x1, s11, s21, $0xb8;
	[tilespmem:$0x1EF00] =	vst v63  }
0x3b: {  	_ =	swait.ge [sflag:s16], $0x2800  }
0x3c: {  	[sflag:s16] =	ssyncset.done $0x0  }
0x3d: {  	[sflag:s16] =	ssyncadd.s32 $0xFFFFD800  }
0x3e: {  	v2 =	vld [tilespmem:$0x16600]  }
0x3f: {  	v3 =	vld [tilespmem:$0x16610]  }
0x40: {  	v61 =	vld [tilespmem:$0x16620]  }
0x41: {  	v62 =	vld [tilespmem:$0x16630]  }
0x42: {  	v63 =	vld [tilespmem:$0x16640]  }
0x43: {  	[tilespmem:$0x16980] =	vst v2  }
0x44: {  	[tilespmem:$0x16990] =	vst v3  }
0x45: {  	[tilespmem:$0x169A0] =	vst v61  }
0x46: {  	[tilespmem:$0x169B0] =	vst v62  }
0x47: {  	[tilespmem:$0x169C0] =	vst v63  }
0x48: {  	[spmem:s1] =	stream.indirect.scatter.add.f32 [tilespmem:s24], [sflag:$0xA], $0x80, s18, s21, $0xb8;
	[tilespmem:$0x1EF00] =	vst v63  }
0x49: {  	_ = 	snop  }
0x4a: {  	[spmem:s2] =	stream.indirect.scatter.add.f32 [tilespmem:s13], [sflag:$0xA], $0x1, s18, s21, $0xb8;
	[tilespmem:$0x1EF00] =	vst v63  }
0x4b: {  	s15 =	simm.s32 $0x16980  }
0x4c: {  	[spmem:s3] =	stream.indirect.scatter.add.f32 [tilespmem:s15], [sflag:$0xA], $0x1, s18, s21, $0xb8;
	[tilespmem:$0x1EF00] =	vst v63  }
0x4d: {  	_ =	swait.ge [sflag:s14], $0x2800  }
0x4e: {  	[sflag:s14] =	ssyncset.done $0x0  }
0x4f: {  	[sflag:s14] =	ssyncadd.s32 $0xFFFFD800  }
0x50: {  	_ =	swait.ge [sflag:s14], $0x50  }
0x51: {  	[sflag:s14] =	ssyncset.done $0x0  }
0x52: {  	[sflag:s14] =	ssyncadd.s32 $0xFFFFFFB0  }
0x53: {  	_ =	swait.ge [sflag:s14], $0x50  }
0x54: {  	[sflag:s14] =	ssyncset.done $0x0  }
0x55: {  	[sflag:s14] =	ssyncadd.s32 $0xFFFFFFB0  }
0x56: {  	_ =	swait.ge [sflag:s14], $0x2800  }
0x57: {  	[sflag:s14] =	ssyncset.done $0x0  }
0x58: {  	[sflag:s14] =	ssyncadd.s32 $0xFFFFD800  }
0x59: {  	_ =	swait.ge [sflag:s14], $0x50  }
0x5a: {  	[sflag:s14] =	ssyncset.done $0x0  }
0x5b: {  	[sflag:s14] =	ssyncadd.s32 $0xFFFFFFB0  }
0x5c: {  	_ =	swait.ge [sflag:s14], $0x50  }
0x5d: {  	[sflag:s14] =	ssyncset.done $0x0  }
0x5e: {  	[sflag:s14] =	ssyncadd.s32 $0xFFFFFFB0  }
0x5f: {  	[bflag:$0x0] =	sbarrier.arrive $0xFFFF  }
0x60: {  	s5 =	rddreg [dreg:$0x9]  }
0x61: {  	s15 =	rddreg [dreg:$0x11]  }
0x62: {  	s28 =	simm.s32 $0xB;
	s17 =	rddreg [dreg:$0x19]  }
0x63: {  	[hbm:s15], [sflag:s5] =	dma.local [spmem:s17], $0x2800  }
0x64: {  	_ =	swait.ge [sflag:s28], $0x2800  }
0x65: {  	[sflag:s28] =	ssyncset.done $0x0;
	s17 =	rddreg [dreg:$0xf]  }
0x66: {  	s22 =	rddreg [dreg:$0x16];
	[sflag:s28] =	ssyncadd.s32 $0xFFFFD800  }
0x67: {  	[hbm:s17], [sflag:s5] =	dma.local [spmem:s22], $0x50  }
0x68: {  	_ =	swait.ge [sflag:s28], $0x50  }
0x69: {  	[sflag:s28] =	ssyncset.done $0x0;
	s17 =	rddreg [dreg:$0x10]  }
0x6a: {  	s22 =	rddreg [dreg:$0x17];
	[sflag:s28] =	ssyncadd.s32 $0xFFFFFFB0  }
0x6b: {  	[hbm:s17], [sflag:s5] =	dma.local [spmem:s22], $0x50  }
0x6c: {  	_ =	swait.ge [sflag:s28], $0x50  }
0x6d: {  	[sflag:s28] =	ssyncset.done $0x0  }
0x6e: {  	s15 =	rddreg [dreg:$0x18];
	[sflag:s28] =	ssyncadd.s32 $0xFFFFFFB0  }
.LBB2_9:
0x6f: {  	s15 =	sadd.s32 $0x1, s15;
	s5 =	rddreg [dreg:$0x15]  }
0x70: {  	p2 =	sne.s32 s15, s5  }
.Ltmp1:
0x71: {  	_ = 	snop;
	(pc) =	sbr.rel @!p2 .LBB2_10-.Ltmp1, $2  }
0x72: {  	_ =	sdelay $0x2  }
0x73: {  	s5 =	smov.u32 s15  }
.LBB2_1:
0x74: {  	[dreg:$0x18] =	wrdreg s5  }
0x75: {  	s17 =	rddreg [dreg:$0x8]  }
0x76: {  	s22 =	rddreg [dreg:$0x6]  }
0x77: {  	s15 =	rddreg [dreg:$0x9];
	s17 =	sshrl.u32 s17, $0x3  }
0x78: {  	s28 =	simm.s32 $0xB;
	[dreg:$0x19] =	wrdreg s17  }
0x79: {  	[spmem:s17], [sflag:s15] =	dma.local [hbm:s22], $0x2800  }
0x7a: {  	_ =	swait.ge [sflag:s28], $0x2800  }
0x7b: {  	s17 =	rddreg [dreg:$0xa]  }
0x7c: {  	[sflag:s28] =	ssyncset.done $0x0;
	s5 =	rddreg [dreg:$0x7];
	s22 =	sshrl.u32 s17, $0x3  }
0x7d: {  	[sflag:s28] =	ssyncadd.s32 $0xFFFFD800;
	[dreg:$0x1a] =	wrdreg s22  }
0x7e: {  	[spmem:s22], [sflag:s15] =	dma.local [hbm:s5], $0x230  }
0x7f: {  	_ =	swait.ge [sflag:s28], $0x230  }
0x80: {  	s22 =	rddreg [dreg:$0xb]  }
0x81: {  	[sflag:s28] =	ssyncset.done $0x0;
	s17 =	sshrl.u32 s22, $0x3  }
0x82: {  	[sflag:s28] =	ssyncadd.s32 $0xFFFFFDD0;
	[dreg:$0x1b] =	wrdreg s17  }
0x83: {  	[spmem:s17], [sflag:s15] =	dma.local [hbm:s5], $0x230  }
0x84: {  	_ =	swait.ge [sflag:s28], $0x230  }
0x85: {  	[sflag:s28] =	ssyncset.done $0x0  }
0x86: {  	[sflag:s28] =	ssyncadd.s32 $0xFFFFFDD0  }
0x87: {  	[tilespmem:$0x1EE80] =	vst v0  }
0x88: {  	[tilespmem:$0x1EE90] =	vst v0  }
.Ltmp2:
0x89: {  	[tilespmem:$0x1EEA0] =	vst v0;
	(pc) =	sbr.rel .LBB2_2-.Ltmp2, $4  }
0x8a: {  	[tilespmem:$0x1EEB0] =	vst v0  }
0x8b: {  	[tilespmem:$0x1EEC0] =	vst v0  }
0x8c: {  	[bflag:$0x0] =	sbarrier.arrive $0xFFFF  }
0x8d: {  	s5 =	simm.s32 $0x0;
	s28 =	simm.s32 $0x16700  }
.LBB2_4:
0x8e: {  	s15 =	simm.s32 $0x17680  }
0x8f: {  	[tilespmem:s15], [sflag:$0x7] =	stream.indirect.gather [hbm4b:s10+s21], $0x80, s31, s21, $0xb8;
	[tilespmem:$0x1EF00] =	vst v63  }
0x90: {  	_ =	swait.ge [sflag:s23], $0x180  }
0x91: {  	[sflag:s23] =	ssyncset.done $0x0  }
0x92: {  	[sflag:s23] =	ssyncadd.s32 $0xFFFFFE80  }
0x93: {  	[tilespmem:s24], [sflag:$0x8] =	stream.indirect.gather [hbm4b:s10+s21], $0x80, s0, s21, $0xb8;
	[tilespmem:$0x1EF00] =	vst v63  }
0x94: {  	_ =	swait.ge [sflag:s25], $0x180  }
0x95: {  	[sflag:s25] =	ssyncset.done $0x0  }
0x96: {  	s22 =	simm.s32 $0x1C680;
	[sflag:s25] =	ssyncadd.s32 $0xFFFFFE80  }
0x97: {  	[tilespmem:s22], [sflag:$0x9] =	stream.indirect.gather [hbm4b:s10+s21], $0x80, s28, s21, $0xb8;
	[tilespmem:$0x1EF00] =	vst v63  }
0x98: {  	_ =	swait.ge [sflag:s29], $0x2800  }
0x99: {  	[sflag:s29] =	ssyncset.done $0x0  }
0x9a: {  	[sflag:s29] =	ssyncadd.s32 $0xFFFFD800  }
0x9b: {  	v2 =	vld [tilespmem:$0x16400]  }
0x9c: {  	v3 =	vld [tilespmem:$0x16410]  }
0x9d: {  	v4 =	vld [tilespmem:$0x16420]  }
0x9e: {  	v5 =	vld [tilespmem:$0x16430]  }
0x9f: {  	v6 =	vld [tilespmem:$0x16440]  }
0xa0: {  	[tilespmem:$0x16900] =	vst v2  }
0xa1: {  	[tilespmem:$0x16910] =	vst v3  }
0xa2: {  	[tilespmem:$0x16920] =	vst v4  }
0xa3: {  	[tilespmem:$0x16930] =	vst v5  }
0xa4: {  	[tilespmem:$0x16940] =	vst v6  }
0xa5: {  	[spmem:s1] =	stream.indirect.scatter.add.f32 [tilespmem:s15], [sflag:$0xA], $0x80, s11, s21, $0xb8;
	[tilespmem:$0x1EF00] =	vst v63  }
0xa6: {  	_ = 	snop  }
0xa7: {  	[spmem:s2] =	stream.indirect.scatter.add.f32 [tilespmem:s13], [sflag:$0xA], $0x1, s11, s21, $0xb8;
	[tilespmem:$0x1EF00] =	vst v63  }
0xa8: {  	s17 =	simm.s32 $0x16900  }
0xa9: {  	[spmem:s3] =	stream.indirect.scatter.add.f32 [tilespmem:s17], [sflag:$0xA], $0x1, s11, s21, $0xb8;
	[tilespmem:$0x1EF00] =	vst v63  }
0xaa: {  	_ =	swait.ge [sflag:s16], $0x2800  }
0xab: {  	[sflag:s16] =	ssyncset.done $0x0  }
0xac: {  	[sflag:s16] =	ssyncadd.s32 $0xFFFFD800  }
0xad: {  	v2 =	vld [tilespmem:$0x16600]  }
0xae: {  	v3 =	vld [tilespmem:$0x16610]  }
0xaf: {  	v58 =	vld [tilespmem:$0x16620]  }
0xb0: {  	v59 =	vld [tilespmem:$0x16630]  }
0xb1: {  	v60 =	vld [tilespmem:$0x16640]  }
0xb2: {  	[tilespmem:$0x16980] =	vst v2  }
0xb3: {  	[tilespmem:$0x16990] =	vst v3  }
0xb4: {  	[tilespmem:$0x169A0] =	vst v58  }
0xb5: {  	[tilespmem:$0x169B0] =	vst v59  }
0xb6: {  	[tilespmem:$0x169C0] =	vst v60  }
0xb7: {  	[spmem:s1] =	stream.indirect.scatter.add.f32 [tilespmem:s24], [sflag:$0xA], $0x80, s18, s21, $0xb8;
	[tilespmem:$0x1EF00] =	vst v63  }
0xb8: {  	_ = 	snop  }
0xb9: {  	[spmem:s2] =	stream.indirect.scatter.add.f32 [tilespmem:s13], [sflag:$0xA], $0x1, s18, s21, $0xb8;
	[tilespmem:$0x1EF00] =	vst v63  }
0xba: {  	s17 =	simm.s32 $0x16980  }
0xbb: {  	[spmem:s3] =	stream.indirect.scatter.add.f32 [tilespmem:s17], [sflag:$0xA], $0x1, s18, s21, $0xb8;
	[tilespmem:$0x1EF00] =	vst v63  }
0xbc: {  	_ =	swait.ge [sflag:s26], $0x2800  }
0xbd: {  	[sflag:s26] =	ssyncset.done $0x0  }
0xbe: {  	[sflag:s26] =	ssyncadd.s32 $0xFFFFD800  }
0xbf: {  	v2 =	vld [tilespmem:$0x16800]  }
0xc0: {  	v3 =	vld [tilespmem:$0x16810]  }
0xc1: {  	v61 =	vld [tilespmem:$0x16820]  }
0xc2: {  	v62 =	vld [tilespmem:$0x16830]  }
0xc3: {  	v63 =	vld [tilespmem:$0x16840]  }
0xc4: {  	[tilespmem:$0x16A00] =	vst v2  }
0xc5: {  	[tilespmem:$0x16A10] =	vst v3  }
0xc6: {  	[tilespmem:$0x16A20] =	vst v61  }
0xc7: {  	[tilespmem:$0x16A30] =	vst v62  }
0xc8: {  	s15 =	simm.s32 $0x16780;
	s17 =	simm.s32 $0x16780;
	[tilespmem:$0x16A40] =	vst v63  }
.LBB2_5:
0xc9: {  	[spmem:s1] =	stream.indirect.scatter.add.f32 [tilespmem:s22], [sflag:$0xA], $0x80, s15, s21, $0xb8;
	[tilespmem:$0x1EF00] =	vst v63  }
0xca: {  	_ = 	snop  }
0xcb: {  	[spmem:s2] =	stream.indirect.scatter.add.f32 [tilespmem:s13], [sflag:$0xA], $0x1, s17, s21, $0xb8;
	[tilespmem:$0x1EF00] =	vst v63  }
0xcc: {  	s22 =	simm.s32 $0x16A00  }
0xcd: {  	[spmem:s3] =	stream.indirect.scatter.add.f32 [tilespmem:s22], [sflag:$0xA], $0x1, s17, s21, $0xb8;
	[tilespmem:$0x1EF00] =	vst v63  }
0xce: {  	_ =	swait.ge [sflag:s14], $0x2800  }
0xcf: {  	[sflag:s14] =	ssyncset.done $0x0  }
0xd0: {  	[sflag:s14] =	ssyncadd.s32 $0xFFFFD800  }
0xd1: {  	_ =	swait.ge [sflag:s14], $0x50  }
0xd2: {  	[sflag:s14] =	ssyncset.done $0x0  }
0xd3: {  	[sflag:s14] =	ssyncadd.s32 $0xFFFFFFB0  }
0xd4: {  	_ =	swait.ge [sflag:s14], $0x50  }
0xd5: {  	[sflag:s14] =	ssyncset.done $0x0  }
0xd6: {  	[sflag:s14] =	ssyncadd.s32 $0xFFFFFFB0  }
0xd7: {  	_ =	swait.ge [sflag:s14], $0x2800  }
0xd8: {  	[sflag:s14] =	ssyncset.done $0x0  }
0xd9: {  	[sflag:s14] =	ssyncadd.s32 $0xFFFFD800  }
0xda: {  	_ =	swait.ge [sflag:s14], $0x50  }
0xdb: {  	[sflag:s14] =	ssyncset.done $0x0  }
0xdc: {  	[sflag:s14] =	ssyncadd.s32 $0xFFFFFFB0  }
0xdd: {  	_ =	swait.ge [sflag:s14], $0x50  }
0xde: {  	[sflag:s14] =	ssyncset.done $0x0  }
0xdf: {  	[sflag:s14] =	ssyncadd.s32 $0xFFFFFFB0  }
0xe0: {  	_ =	swait.ge [sflag:s14], $0x2800  }
0xe1: {  	[sflag:s14] =	ssyncset.done $0x0  }
0xe2: {  	s5 =	sadd.s32 $0xC0, s5;
	[sflag:s14] =	ssyncadd.s32 $0xFFFFD800  }
0xe3: {  	p2 =	sne.s32 s5, $0x1EC0;
	_ =	swait.ge [sflag:s14], $0x50  }
.Ltmp3:
0xe4: {  	[sflag:s14] =	ssyncset.done $0x0;
	(pc) =	sbr.rel @!p2 .LBB2_6-.Ltmp3, $4  }
0xe5: {  	[sflag:s14] =	ssyncadd.s32 $0xFFFFFFB0  }
0xe6: {  	_ =	swait.ge [sflag:s14], $0x50  }
0xe7: {  	[sflag:s14] =	ssyncset.done $0x0  }
0xe8: {  	[sflag:s14] =	ssyncadd.s32 $0xFFFFFFB0  }
.LBB2_2:
0xe9: {  	s15 =	rddreg [dreg:$0xc]  }
0xea: {  	s15 =	sadd.s32 s5, s15  }
0xeb: {  	[tilespmem:s31], [sflag:$0x1] =	stream.linear.gather [hbm4b:s15+s4], $0x180, $0x38;
	[tilespmem:$0x1EF00] =	vst v63  }
0xec: {  	s17 =	sadd.s32 $0x40, s15  }
0xed: {  	[tilespmem:s0], [sflag:$0x2] =	stream.linear.gather [hbm4b:s17+s4], $0x180, $0x38;
	[tilespmem:$0x1EF00] =	vst v63  }
.Ltmp4:
0xee: {  	s15 =	sadd.s32 $0x80, s15;
	(pc) =	sbr.rel @p0 .LBB2_4-.Ltmp4, $4  }
0xef: {  	[tilespmem:s28], [sflag:$0x3] =	stream.linear.gather [hbm4b:s15+s4], $0x180, $0x38;
	[tilespmem:$0x1EF00] =	vst v63  }
0xf0: {  	_ =	swait.ge [sflag:s20], $0x180  }
0xf1: {  	[sflag:s20] =	ssyncset.done $0x0  }
0xf2: {  	[sflag:s20] =	ssyncadd.s32 $0xFFFFFE80  }
0xf3: {  	s15 =	simm.s32 $0x16D80  }
0xf4: {  	[tilespmem:s15], [sflag:$0x4] =	stream.indirect.gather [hbm4b:s6+s21], $0x1, s31, s21, $0xb8;
	[tilespmem:$0x1EF00] =	vst v63  }
0xf5: {  	s17 =	simm.s32 $0x16E00  }
0xf6: {  	[tilespmem:s17], [sflag:$0x4] =	stream.indirect.gather [hbm4b:s7+s21], $0x1, s31, s21, $0xb8;
	[tilespmem:$0x1EF00] =	vst v63  }
0xf7: {  	s22 =	simm.s32 $0x16E80  }
0xf8: {  	[tilespmem:s22], [sflag:$0x4] =	stream.indirect.gather [hbm4b:s8+s21], $0x1, s31, s21, $0xb8;
	[tilespmem:$0x1EF00] =	vst v63  }
0xf9: {  	s17 =	simm.s32 $0x16F00  }
0xfa: {  	[tilespmem:s17], [sflag:$0x4] =	stream.indirect.gather [hbm4b:s6+s21], $0x1, s11, s21, $0xb8;
	[tilespmem:$0x1EF00] =	vst v63  }
0xfb: {  	s22 =	simm.s32 $0x16F80  }
0xfc: {  	[tilespmem:s22], [sflag:$0x4] =	stream.indirect.gather [hbm4b:s7+s21], $0x1, s11, s21, $0xb8;
	[tilespmem:$0x1EF00] =	vst v63  }
0xfd: {  	s17 =	simm.s32 $0x17000  }
0xfe: {  	[tilespmem:s17], [sflag:$0x4] =	stream.indirect.gather [hbm4b:s8+s21], $0x1, s11, s21, $0xb8;
	[tilespmem:$0x1EF00] =	vst v63  }
0xff: {  	_ =	swait.ge [sflag:s23], $0x180  }
0x100: {  	[sflag:s23] =	ssyncset.done $0x0  }
0x101: {  	s22 =	simm.s32 $0x17080;
	[sflag:s23] =	ssyncadd.s32 $0xFFFFFE80  }
0x102: {  	[tilespmem:s22], [sflag:$0x5] =	stream.indirect.gather [hbm4b:s6+s21], $0x1, s0, s21, $0xb8;
	[tilespmem:$0x1EF00] =	vst v63  }
0x103: {  	s17 =	simm.s32 $0x17100  }
0x104: {  	[tilespmem:s17], [sflag:$0x5] =	stream.indirect.gather [hbm4b:s7+s21], $0x1, s0, s21, $0xb8;
	[tilespmem:$0x1EF00] =	vst v63  }
0x105: {  	s22 =	simm.s32 $0x17180  }
0x106: {  	[tilespmem:s22], [sflag:$0x5] =	stream.indirect.gather [hbm4b:s8+s21], $0x1, s0, s21, $0xb8;
	[tilespmem:$0x1EF00] =	vst v63  }
0x107: {  	s17 =	simm.s32 $0x17200  }
0x108: {  	[tilespmem:s17], [sflag:$0x5] =	stream.indirect.gather [hbm4b:s6+s21], $0x1, s18, s21, $0xb8;
	[tilespmem:$0x1EF00] =	vst v63  }
0x109: {  	s22 =	simm.s32 $0x17280  }
0x10a: {  	[tilespmem:s22], [sflag:$0x5] =	stream.indirect.gather [hbm4b:s7+s21], $0x1, s18, s21, $0xb8;
	[tilespmem:$0x1EF00] =	vst v63  }
0x10b: {  	s17 =	simm.s32 $0x17300  }
0x10c: {  	[tilespmem:s17], [sflag:$0x5] =	stream.indirect.gather [hbm4b:s8+s21], $0x1, s18, s21, $0xb8;
	[tilespmem:$0x1EF00] =	vst v63  }
0x10d: {  	_ =	swait.ge [sflag:s25], $0x180  }
0x10e: {  	[sflag:s25] =	ssyncset.done $0x0  }
0x10f: {  	s15 =	simm.s32 $0x16700;
	s17 =	simm.s32 $0x17380;
	[sflag:s25] =	ssyncadd.s32 $0xFFFFFE80  }
0x110: {  	[tilespmem:s17], [sflag:$0x6] =	stream.indirect.gather [hbm4b:s6+s21], $0x1, s15, s21, $0xb8;
	[tilespmem:$0x1EF00] =	vst v63  }
0x111: {  	s22 =	simm.s32 $0x17400  }
0x112: {  	[tilespmem:s22], [sflag:$0x6] =	stream.indirect.gather [hbm4b:s7+s21], $0x1, s15, s21, $0xb8;
	[tilespmem:$0x1EF00] =	vst v63  }
0x113: {  	s22 =	simm.s32 $0x17480  }
0x114: {  	[tilespmem:s22], [sflag:$0x6] =	stream.indirect.gather [hbm4b:s8+s21], $0x1, s15, s21, $0xb8;
	[tilespmem:$0x1EF00] =	vst v63  }
0x115: {  	s17 =	simm.s32 $0x16780;
	s22 =	simm.s32 $0x17500  }
0x116: {  	[tilespmem:s22], [sflag:$0x6] =	stream.indirect.gather [hbm4b:s6+s21], $0x1, s17, s21, $0xb8;
	[tilespmem:$0x1EF00] =	vst v63  }
0x117: {  	s22 =	simm.s32 $0x17580  }
0x118: {  	[tilespmem:s22], [sflag:$0x6] =	stream.indirect.gather [hbm4b:s7+s21], $0x1, s17, s21, $0xb8;
	[tilespmem:$0x1EF00] =	vst v63  }
0x119: {  	s22 =	simm.s32 $0x17600  }
0x11a: {  	[tilespmem:s22], [sflag:$0x6] =	stream.indirect.gather [hbm4b:s8+s21], $0x1, s17, s21, $0xb8;
	[tilespmem:$0x1EF00] =	vst v63  }
0x11b: {  	_ =	swait.ge [sflag:s30], $0x50  }
0x11c: {  	[sflag:s30] =	ssyncset.done $0x0  }
0x11d: {  	[sflag:s30] =	ssyncadd.s32 $0xFFFFFFB0  }
0x11e: {  	_ =	swait.ge [sflag:s30], $0x50  }
0x11f: {  	[sflag:s30] =	ssyncset.done $0x0  }
0x120: {  	[sflag:s30] =	ssyncadd.s32 $0xFFFFFFB0  }
0x121: {  	_ =	swait.ge [sflag:s30], $0x50  }
0x122: {  	[sflag:s30] =	ssyncset.done $0x0  }
0x123: {  	[sflag:s30] =	ssyncadd.s32 $0xFFFFFFB0  }
0x124: {  	_ =	swait.ge [sflag:s30], $0x50  }
0x125: {  	[sflag:s30] =	ssyncset.done $0x0  }
0x126: {  	[sflag:s30] =	ssyncadd.s32 $0xFFFFFFB0  }
0x127: {  	_ =	swait.ge [sflag:s30], $0x50  }
0x128: {  	[sflag:s30] =	ssyncset.done $0x0  }
0x129: {  	[sflag:s30] =	ssyncadd.s32 $0xFFFFFFB0  }
0x12a: {  	_ =	swait.ge [sflag:s30], $0x50  }
0x12b: {  	[sflag:s30] =	ssyncset.done $0x0  }
0x12c: {  	[sflag:s30] =	ssyncadd.s32 $0xFFFFFFB0  }
0x12d: {  	v2 =	vld [tilespmem:$0x16F00]  }
0x12e: {  	v3 =	vld [tilespmem:$0x16D80]  }
0x12f: {  	v4 =	vld [tilespmem:$0x16F80]  }
0x130: {  	v5 =	vld [tilespmem:$0x16E00]  }
0x131: {  	v6 =	vld [tilespmem:$0x17000]  }
0x132: {  	v7 =	vld [tilespmem:$0x16E80]  }
0x133: {  	v44 =	vld [tilespmem:$0x16F10]  }
0x134: {  	v45 =	vld [tilespmem:$0x16D90]  }
0x135: {  	v46 =	vld [tilespmem:$0x16F90]  }
0x136: {  	v10 =	vld [tilespmem:$0x16E10]  }
0x137: {  	v54 =	vld [tilespmem:$0x16F20]  }
0x138: {  	v56 =	vld [tilespmem:$0x16DA0]  }
0x139: {  	v27 =	vld [tilespmem:$0x16F30]  }
0x13a: {  	v28 =	vld [tilespmem:$0x16DB0]  }
0x13b: {  	v33 =	vld [tilespmem:$0x17030];
	v2 =	vsub.f32 v2, v3;
	v3 =	vsub.f32 v4, v5  }
0x13c: {  	v17 =	vld [tilespmem:$0x16EB0]  }
0x13d: {  	v24 =	vld [tilespmem:$0x16390];
	v42 =	vsub.f32 v6, v7;
	v43 =	vmul.f32 v2, v2;
	v3 =	vmul.f32 v3, v3  }
0x13e: {  	v12 =	vld [tilespmem:$0x17010];
	v47 =	vsub.f32 v46, v10  }
0x13f: {  	v4 =	vmul.f32 v42, v42;
	vm0 =	vlt.f32 v2, $0.0e+00;
	v2 =	vld [tilespmem:$0x16E90];
	v3 =	vadd.f32 v3, v43  }
0x140: {  	v30 =	vld [tilespmem:$0x16FB0];
	v18 =	vsub.f32 v54, v56;
	v34 =	vsub.f32 v27, v28  }
0x141: {  	v31 =	vld [tilespmem:$0x16E30];
	v36 =	vsub.f32 v33, v17;
	v6 =	vmul.f32 v47, v47;
	v3 =	vadd.f32 v4, v3  }
0x142: {  	v52 =	vld [tilespmem:$0x16380];
	v10 =	vmul.u32 $0x7, v24;
	v21 =	vmul.f32 v18, v18;
	v37 =	vmul.f32 v34, v34  }
0x143: {  	v62 =	vld [tilespmem:$0x17020];
	v40 =	vmul.f32 v36, v36;
	v4 =	vsub.f32 v44, v45;
	v8 =	vmul.f32 $8.117449280e-01, v3  }
0x144: {  	v63 =	vld [tilespmem:$0x16EA0];
	v2 =	vsub.f32 v12, v2;
	v9 =	vmul.f32 $3.887395260e-01, v3;
	v11 =	vmul.f32 $4.951556770e-02, v3  }
0x145: {  	v41 =	vld [tilespmem:$0x16320];
	v50 =	vmul.f32 v4, v4;
	vm6 =	veq.f32 v3, $0.0e+00;
	vm7 =	vlt.f32 v4, $0.0e+00  }
0x146: {  	v4 =	vsub.f32 v30, v31;
	v2 =	vmul.f32 v2, v2;
	vm1 =	vlt.f32 v43, v8  }
0x147: {  	vm2 =	vlt.f32 v43, v9;
	vm3 =	vlt.f32 v43, v11;
	vm14 =	vgt.f32 v43, v11  }
0x148: {  	v60 =	vld [tilespmem:$0x16FA0];
	vm4 =	vgt.f32 v43, v9;
	v6 =	vadd.f32 v6, v50;
	vm5 =	vgt.f32 v43, v8  }
0x149: {  	v23 =	vld [tilespmem:$0x16310];
	v9 =	vmul.u32 $0x7, v52;
	v8 =	vsub.f32 v62, v63;
	v4 =	vmul.f32 v4, v4  }
0x14a: {  	v3 =	vld [tilespmem:$0x16E20];
	v11 =	vmul.u32 $0x7, v41;
	vm1 =	vmor vm0, vm1;
	vm2 =	vmor vm0, vm2  }
0x14b: {  	vm13 =	vmor vm0, vm3;
	vm15 =	vmand vm0, vm14;
	v13 =	vsel vm1, $0x1, v1  }
0x14c: {  	v14 =	vsel vm2, $0x1, v1;
	v49 =	vsel vm13, $0x1, v1;
	v51 =	vsel vm15, $0x1, v1  }
0x14d: {  	vm1 =	vmand vm0, vm4;
	v2 =	vadd.f32 v2, v6;
	vm0 =	vmand vm0, vm5  }
0x14e: {  	v8 =	vmul.f32 v8, v8;
	v48 =	vadd.s32 v14, v13;
	v53 =	vsel vm1, $0x1, v1  }
0x14f: {  	v20 =	vld [tilespmem:$0x16300];
	v57 =	vsel vm0, $0x1, v1;
	v3 =	vsub.f32 v60, v3;
	v14 =	vmul.u32 $0x7, v23  }
0x150: {  	v7 =	vadd.s32 v49, v48;
	v58 =	vmul.f32 $8.117449280e-01, v2;
	v59 =	vmul.f32 $3.887395260e-01, v2  }
0x151: {  	v61 =	vmul.f32 $4.951556770e-02, v2;
	v7 =	vadd.s32 v51, v7;
	v3 =	vmul.f32 v3, v3  }
0x152: {  	v55 =	vadd.s32 v53, v7;
	vm8 =	vlt.f32 v50, v58;
	vm9 =	vlt.f32 v50, v59  }
0x153: {  	vm12 =	vlt.f32 v50, v61;
	vm13 =	vgt.f32 v50, v61;
	vm15 =	vgt.f32 v50, v59  }
0x154: {  	vm5 =	vgt.f32 v50, v58;
	v7 =	vmul.u32 $0x7, v20;
	v6 =	vadd.s32 v57, v55  }
0x155: {  	v39 =	vld [tilespmem:$0x163A0];
	vm10 =	vmor vm7, vm8;
	vm11 =	vmor vm7, vm9;
	vm1 =	vmor vm7, vm12  }
0x156: {  	v47 =	vld [tilespmem:$0x16FC0];
	vm14 =	vmand vm7, vm13;
	vm4 =	vmand vm7, vm15;
	v3 =	vadd.f32 v3, v21  }
0x157: {  	v48 =	vld [tilespmem:$0x16E40];
	vm0 =	vmand vm7, vm5;
	vm7 =	vlt.f32 v18, $0.0e+00;
	vm5 =	vlt.f32 v34, $0.0e+00  }
0x158: {  	v6 =	vsel vm6, $0x3, v6;
	v15 =	vsel vm10, $0x1, v1;
	v16 =	vsel vm11, $0x1, v1  }
0x159: {  	v51 =	vld [tilespmem:$0x16EC0];
	v19 =	vsel vm1, $0x1, v1;
	v22 =	vsel vm14, $0x1, v1;
	v25 =	vsel vm4, $0x1, v1  }
0x15a: {  	v50 =	vld [tilespmem:$0x17040];
	v26 =	vsel vm0, $0x1, v1;
	vm6 =	veq.f32 v2, $0.0e+00;
	v15 =	vadd.s32 v16, v15  }
0x15b: {  	v3 =	vadd.f32 v8, v3;
	v9 =	vadd.s32 v9, v6;
	v6 =	vadd.s32 v7, v6  }
0x15c: {  	v44 =	vld [tilespmem:$0x16F40];
	v16 =	vmul.u32 $0x7, v39;
	v7 =	vsub.f32 v47, v48;
	v5 =	vadd.s32 v19, v15  }
0x15d: {  	v45 =	vld [tilespmem:$0x16DC0];
	v5 =	vadd.s32 v22, v5;
	v2 =	vmul.f32 $8.117449280e-01, v3;
	v29 =	vmul.f32 $3.887395260e-01, v3  }
0x15e: {  	v32 =	vmul.f32 $4.951556770e-02, v3;
	vm4 =	veq.f32 v3, $0.0e+00;
	v5 =	vadd.s32 v25, v5  }
0x15f: {  	v54 =	vsub.f32 v50, v51;
	v7 =	vmul.f32 v7, v7;
	v5 =	vadd.s32 v26, v5  }
0x160: {  	vm8 =	vlt.f32 v21, v2;
	vm9 =	vlt.f32 v21, v29;
	vm10 =	vlt.f32 v21, v32  }
0x161: {  	vm11 =	vgt.f32 v21, v32;
	vm13 =	vgt.f32 v21, v29;
	vm15 =	vgt.f32 v21, v2  }
0x162: {  	v2 =	vadd.f32 v4, v37;
	v4 =	vsub.f32 v44, v45;
	v57 =	vmul.f32 v54, v54  }
0x163: {  	v5 =	vsel vm6, $0x3, v5;
	vm1 =	vmor vm7, vm8;
	vm2 =	vmor vm7, vm9  }
0x164: {  	vm12 =	vmand vm7, vm11;
	vm14 =	vmand vm7, vm13;
	vm0 =	vmand vm7, vm15  }
0x165: {  	v18 =	vsel vm1, $0x1, v1;
	v19 =	vsel vm2, $0x1, v1;
	vm1 =	vmor vm7, vm10  }
0x166: {  	v53 =	vld [tilespmem:$0x163B0];
	v38 =	vsel vm12, $0x1, v1;
	v42 =	vsel vm14, $0x1, v1;
	v43 =	vsel vm0, $0x1, v1  }
0x167: {  	v2 =	vadd.f32 v40, v2;
	v10 =	vadd.s32 v10, v5;
	v5 =	vadd.s32 v14, v5  }
0x168: {  	v55 =	vmul.f32 v4, v4;
	v18 =	vadd.s32 v19, v18;
	v35 =	vsel vm1, $0x1, v1  }
0x169: {  	vm15 =	vlt.f32 v4, $0.0e+00;
	v8 =	vadd.s32 v35, v18;
	v3 =	vmul.f32 $8.117449280e-01, v2  }
0x16a: {  	v46 =	vmul.f32 $3.887395260e-01, v2;
	v49 =	vmul.f32 $4.951556770e-02, v2;
	v8 =	vadd.s32 v38, v8  }
0x16b: {  	vm14 =	veq.f32 v2, $0.0e+00;
	v2 =	vmul.u32 $0x7, v53;
	v8 =	vadd.s32 v42, v8  }
0x16c: {  	vm6 =	vlt.f32 v37, v3;
	vm7 =	vlt.f32 v37, v46;
	vm8 =	vlt.f32 v37, v49  }
0x16d: {  	vm9 =	vgt.f32 v37, v49;
	vm11 =	vgt.f32 v37, v46;
	vm13 =	vgt.f32 v37, v3  }
0x16e: {  	v3 =	vadd.f32 v7, v55;
	v8 =	vadd.s32 v43, v8;
	vm1 =	vmor vm5, vm6  }
0x16f: {  	vm2 =	vmor vm5, vm7;
	vm10 =	vmand vm5, vm9;
	vm12 =	vmand vm5, vm11  }
0x170: {  	vm0 =	vmand vm5, vm13;
	v8 =	vsel vm4, $0x3, v8;
	v20 =	vsel vm1, $0x1, v1  }
0x171: {  	v18 =	vld [tilespmem:$0x16330];
	v21 =	vsel vm2, $0x1, v1;
	vm1 =	vmor vm5, vm8;
	v56 =	vsel vm10, $0x1, v1  }
0x172: {  	v58 =	vsel vm12, $0x1, v1;
	v59 =	vsel vm0, $0x1, v1;
	v3 =	vadd.f32 v57, v3  }
0x173: {  	v16 =	vadd.s32 v16, v8;
	v20 =	vadd.s32 v21, v20;
	v52 =	vsel vm1, $0x1, v1  }
0x174: {  	v8 =	vadd.s32 v11, v8;
	v12 =	vadd.s32 v52, v20;
	v61 =	vmul.f32 $8.117449280e-01, v3  }
0x175: {  	v62 =	vmul.f32 $3.887395260e-01, v3;
	v63 =	vmul.f32 $4.951556770e-02, v3;
	v12 =	vadd.s32 v56, v12  }
0x176: {  	v4 =	vmul.u32 $0x7, v18;
	v12 =	vadd.s32 v58, v12;
	vm6 =	vlt.f32 v55, v61  }
0x177: {  	vm7 =	vlt.f32 v55, v62;
	vm8 =	vlt.f32 v55, v63;
	vm10 =	vgt.f32 v55, v63  }
0x178: {  	vm11 =	vgt.f32 v55, v62;
	vm13 =	vgt.f32 v55, v61;
	v60 =	vadd.s32 v59, v12  }
0x179: {  	vm1 =	vmor vm15, vm6;
	vm2 =	vmor vm15, vm7;
	vm9 =	vmor vm15, vm8  }
0x17a: {  	[tilespmem:$0x16A80] =	vst v9;
	v21 =	vld [tilespmem:$0x163C0];
	vm12 =	vmand vm15, vm11;
	v19 =	vsel vm1, $0x1, v1;
	v20 =	vsel vm2, $0x1, v1  }
0x17b: {  	v23 =	vld [tilespmem:$0x16340];
	[tilespmem:$0x16C00] =	vst v6;
	v22 =	vsel vm9, $0x1, v1;
	vm1 =	vmand vm15, vm10;
	v14 =	vadd.s32 v20, v19  }
0x17c: {  	[tilespmem:$0x16A90] =	vst v10;
	vm0 =	vmand vm15, vm13;
	v25 =	vsel vm1, $0x1, v1;
	v24 =	vadd.s32 v22, v14  }
0x17d: {  	[tilespmem:$0x16C10] =	vst v5;
	v7 =	vsel vm14, $0x3, v60;
	v27 =	vsel vm12, $0x1, v1;
	v26 =	vadd.s32 v25, v24  }
0x17e: {  	[tilespmem:$0x16AA0] =	vst v16;
	v28 =	vsel vm0, $0x1, v1;
	vm14 =	veq.f32 v3, $0.0e+00;
	v5 =	vadd.s32 v27, v26  }
0x17f: {  	[tilespmem:$0x16C20] =	vst v8;
	v3 =	vmul.u32 $0x7, v21;
	v2 =	vadd.s32 v2, v7;
	v5 =	vadd.s32 v28, v5  }
0x180: {  	v30 =	vmul.u32 $0x7, v23;
	[tilespmem:$0x16AB0] =	vst v2;
	v2 =	vadd.s32 v4, v7;
	v29 =	vsel vm14, $0x3, v5  }
0x181: {  	[tilespmem:$0x16C30] =	vst v2;
	v2 =	vadd.s32 v3, v29  }
0x182: {  	[tilespmem:$0x16AC0] =	vst v2;
	v2 =	vadd.s32 v30, v29  }
0x183: {  	s17 =	simm.s32 $0x17680;
	s22 =	simm.s32 $0x16A80;
	[tilespmem:$0x16C40] =	vst v2  }
0x184: {  	[tilespmem:s17], [sflag:$0x7] =	stream.indirect.gather [hbm4b:s9+s21], $0x80, s22, s21, $0xb8;
	[tilespmem:$0x1EF00] =	vst v63  }
0x185: {  	v2 =	vld [tilespmem:$0x16400]  }
0x186: {  	v3 =	vld [tilespmem:$0x16410]  }
0x187: {  	v31 =	vld [tilespmem:$0x16420]  }
0x188: {  	v32 =	vld [tilespmem:$0x16430]  }
0x189: {  	v33 =	vld [tilespmem:$0x16440]  }
0x18a: {  	[tilespmem:$0x16900] =	vst v2  }
0x18b: {  	[tilespmem:$0x16910] =	vst v3  }
0x18c: {  	[tilespmem:$0x16920] =	vst v31  }
0x18d: {  	[tilespmem:$0x16930] =	vst v32  }
0x18e: {  	[tilespmem:$0x16940] =	vst v33  }
0x18f: {  	_ =	swait.ge [sflag:s12], $0x50  }
0x190: {  	[sflag:s12] =	ssyncset.done $0x0  }
0x191: {  	[sflag:s12] =	ssyncadd.s32 $0xFFFFFFB0  }
0x192: {  	_ =	swait.ge [sflag:s12], $0x50  }
0x193: {  	[sflag:s12] =	ssyncset.done $0x0  }
0x194: {  	[sflag:s12] =	ssyncadd.s32 $0xFFFFFFB0  }
0x195: {  	_ =	swait.ge [sflag:s12], $0x50  }
0x196: {  	[sflag:s12] =	ssyncset.done $0x0  }
0x197: {  	[sflag:s12] =	ssyncadd.s32 $0xFFFFFFB0  }
0x198: {  	_ =	swait.ge [sflag:s12], $0x50  }
0x199: {  	[sflag:s12] =	ssyncset.done $0x0  }
0x19a: {  	[sflag:s12] =	ssyncadd.s32 $0xFFFFFFB0  }
0x19b: {  	_ =	swait.ge [sflag:s12], $0x50  }
0x19c: {  	[sflag:s12] =	ssyncset.done $0x0  }
0x19d: {  	[sflag:s12] =	ssyncadd.s32 $0xFFFFFFB0  }
0x19e: {  	_ =	swait.ge [sflag:s12], $0x50  }
0x19f: {  	[sflag:s12] =	ssyncset.done $0x0  }
0x1a0: {  	[sflag:s12] =	ssyncadd.s32 $0xFFFFFFB0  }
0x1a1: {  	v2 =	vld [tilespmem:$0x17200]  }
0x1a2: {  	v3 =	vld [tilespmem:$0x17080]  }
0x1a3: {  	v34 =	vld [tilespmem:$0x17280]  }
0x1a4: {  	v35 =	vld [tilespmem:$0x17100]  }
0x1a5: {  	v36 =	vld [tilespmem:$0x17300]  }
0x1a6: {  	v37 =	vld [tilespmem:$0x17180]  }
0x1a7: {  	v40 =	vld [tilespmem:$0x17210]  }
0x1a8: {  	v41 =	vld [tilespmem:$0x17090]  }
0x1a9: {  	v42 =	vld [tilespmem:$0x17290]  }
0x1aa: {  	v45 =	vld [tilespmem:$0x17110]  }
0x1ab: {  	v57 =	vld [tilespmem:$0x17220]  }
0x1ac: {  	v59 =	vld [tilespmem:$0x170A0]  }
0x1ad: {  	v21 =	vld [tilespmem:$0x17320]  }
0x1ae: {  	v22 =	vld [tilespmem:$0x171A0];
	v2 =	vsub.f32 v2, v3;
	v3 =	vsub.f32 v34, v35  }
0x1af: {  	v55 =	vld [tilespmem:$0x16580]  }
0x1b0: {  	v47 =	vld [tilespmem:$0x17310];
	v38 =	vsub.f32 v36, v37;
	v39 =	vmul.f32 v2, v2;
	v3 =	vmul.f32 v3, v3  }
0x1b1: {  	vm15 =	vlt.f32 v2, $0.0e+00;
	v2 =	vld [tilespmem:$0x17190]  }
0x1b2: {  	v50 =	vsub.f32 v42, v45;
	v4 =	vmul.f32 v38, v38;
	v3 =	vadd.f32 v3, v39  }
0x1b3: {  	v31 =	vld [tilespmem:$0x17230];
	v25 =	vsub.f32 v57, v59;
	v8 =	vsub.f32 v21, v22  }
0x1b4: {  	v33 =	vld [tilespmem:$0x170B0];
	v9 =	vmul.u32 $0x7, v55;
	v6 =	vmul.f32 v50, v50;
	v3 =	vadd.f32 v4, v3  }
0x1b5: {  	v34 =	vld [tilespmem:$0x172B0];
	v28 =	vmul.f32 v25, v25;
	v8 =	vmul.f32 v8, v8;
	v4 =	vsub.f32 v40, v41  }
0x1b6: {  	v36 =	vld [tilespmem:$0x17130];
	v2 =	vsub.f32 v47, v2;
	v43 =	vmul.f32 $8.117449280e-01, v3;
	v44 =	vmul.f32 $3.887395260e-01, v3  }
0x1b7: {  	v46 =	vmul.f32 $4.951556770e-02, v3;
	v53 =	vmul.f32 v4, v4;
	vm13 =	veq.f32 v3, $0.0e+00  }
0x1b8: {  	v40 =	vld [tilespmem:$0x16590];
	v2 =	vmul.f32 v2, v2;
	vm5 =	vlt.f32 v39, v43;
	vm6 =	vlt.f32 v39, v44  }
0x1b9: {  	vm7 =	vlt.f32 v39, v46;
	vm9 =	vgt.f32 v39, v46;
	vm11 =	vgt.f32 v39, v44  }
0x1ba: {  	v63 =	vld [tilespmem:$0x172A0];
	v6 =	vadd.f32 v6, v53;
	vm12 =	vgt.f32 v39, v43;
	v43 =	vsub.f32 v31, v33  }
0x1bb: {  	v3 =	vld [tilespmem:$0x17120];
	v44 =	vsub.f32 v34, v36;
	vm1 =	vmor vm15, vm5;
	vm2 =	vmor vm15, vm6  }
0x1bc: {  	v38 =	vld [tilespmem:$0x17330];
	vm8 =	vmor vm15, vm7;
	vm10 =	vmand vm15, vm9;
	vm0 =	vmand vm15, vm12  }
0x1bd: {  	v47 =	vld [tilespmem:$0x16510];
	v16 =	vmul.u32 $0x7, v40;
	v48 =	vsel vm1, $0x1, v1;
	v49 =	vsel vm2, $0x1, v1  }
0x1be: {  	v39 =	vld [tilespmem:$0x171B0];
	v52 =	vsel vm8, $0x1, v1;
	v54 =	vsel vm10, $0x1, v1;
	vm1 =	vmand vm15, vm11  }
0x1bf: {  	v2 =	vadd.f32 v2, v6;
	v60 =	vsel vm0, $0x1, v1;
	vm0 =	vlt.f32 v4, $0.0e+00  }
0x1c0: {  	v51 =	vadd.s32 v49, v48;
	v56 =	vsel vm1, $0x1, v1;
	v3 =	vsub.f32 v63, v3  }
0x1c1: {  	v27 =	vld [tilespmem:$0x16500];
	v48 =	vmul.f32 v43, v43;
	v7 =	vadd.s32 v52, v51;
	v61 =	vmul.f32 $8.117449280e-01, v2  }
0x1c2: {  	v62 =	vmul.f32 $3.887395260e-01, v2;
	v20 =	vmul.f32 $4.951556770e-02, v2;
	v7 =	vadd.s32 v54, v7  }
0x1c3: {  	v3 =	vmul.f32 v3, v3;
	v4 =	vsub.f32 v38, v39;
	v54 =	vmul.u32 $0x7, v47  }
0x1c4: {  	v58 =	vadd.s32 v56, v7;
	vm14 =	vlt.f32 v53, v61;
	vm15 =	vlt.f32 v53, v62  }
0x1c5: {  	vm8 =	vlt.f32 v53, v20;
	vm9 =	vgt.f32 v53, v20;
	vm11 =	vgt.f32 v53, v62  }
0x1c6: {  	v7 =	vmul.u32 $0x7, v27;
	v6 =	vadd.s32 v60, v58;
	vm6 =	vmor vm0, vm14  }
0x1c7: {  	vm7 =	vmor vm0, vm15;
	vm1 =	vmor vm0, vm8;
	vm10 =	vmand vm0, vm9  }
0x1c8: {  	vm12 =	vmand vm0, vm11;
	v3 =	vadd.f32 v3, v28;
	vm14 =	veq.f32 v2, $0.0e+00  }
0x1c9: {  	v52 =	vld [tilespmem:$0x165A0];
	vm15 =	vlt.f32 v25, $0.0e+00;
	v4 =	vmul.f32 v4, v4;
	v6 =	vsel vm13, $0x3, v6  }
0x1ca: {  	v23 =	vsel vm6, $0x1, v1;
	v24 =	vsel vm7, $0x1, v1;
	v26 =	vsel vm1, $0x1, v1  }
0x1cb: {  	v29 =	vsel vm10, $0x1, v1;
	vm13 =	vgt.f32 v53, v61;
	v30 =	vsel vm12, $0x1, v1  }
0x1cc: {  	v15 =	vadd.s32 v24, v23;
	vm0 =	vmand vm0, vm13;
	v3 =	vadd.f32 v8, v3  }
0x1cd: {  	v9 =	vadd.s32 v9, v6;
	v6 =	vadd.s32 v7, v6;
	v8 =	vmul.f32 v44, v44  }
0x1ce: {  	vm13 =	vlt.f32 v43, $0.0e+00;
	v63 =	vmul.u32 $0x7, v52;
	v5 =	vadd.s32 v26, v15  }
0x1cf: {  	v32 =	vsel vm0, $0x1, v1;
	v5 =	vadd.s32 v29, v5;
	v2 =	vmul.f32 $8.117449280e-01, v3  }
0x1d0: {  	v35 =	vmul.f32 $3.887395260e-01, v3;
	v37 =	vmul.f32 $4.951556770e-02, v3;
	v5 =	vadd.s32 v30, v5  }
0x1d1: {  	v8 =	vadd.f32 v8, v48;
	vm12 =	veq.f32 v3, $0.0e+00;
	v5 =	vadd.s32 v32, v5  }
0x1d2: {  	vm4 =	vlt.f32 v28, v2;
	vm5 =	vlt.f32 v28, v35;
	vm6 =	vlt.f32 v28, v37  }
0x1d3: {  	vm8 =	vgt.f32 v28, v37;
	vm10 =	vgt.f32 v28, v35;
	vm11 =	vgt.f32 v28, v2  }
0x1d4: {  	v51 =	vld [tilespmem:$0x16520];
	v2 =	vadd.f32 v4, v8;
	v5 =	vsel vm14, $0x3, v5;
	vm1 =	vmor vm15, vm4  }
0x1d5: {  	v62 =	vld [tilespmem:$0x17140];
	vm2 =	vmor vm15, vm5;
	vm7 =	vmor vm15, vm6;
	vm9 =	vmand vm15, vm8  }
0x1d6: {  	v3 =	vld [tilespmem:$0x172C0];
	vm0 =	vmand vm15, vm11;
	v41 =	vsel vm1, $0x1, v1;
	v42 =	vsel vm2, $0x1, v1  }
0x1d7: {  	v36 =	vld [tilespmem:$0x16530];
	v46 =	vsel vm7, $0x1, v1;
	v49 =	vsel vm9, $0x1, v1;
	v50 =	vadd.s32 v16, v5  }
0x1d8: {  	v56 =	vld [tilespmem:$0x17240];
	vm1 =	vmand vm15, vm10;
	v57 =	vsel vm0, $0x1, v1;
	v58 =	vmul.f32 $8.117449280e-01, v2  }
0x1d9: {  	v30 =	vld [tilespmem:$0x165B0];
	v59 =	vmul.f32 $3.887395260e-01, v2;
	v4 =	vadd.s32 v54, v5;
	v27 =	vmul.f32 $4.951556770e-02, v2  }
0x1da: {  	v60 =	vld [tilespmem:$0x170C0];
	v16 =	vmul.u32 $0x7, v51;
	vm11 =	veq.f32 v2, $0.0e+00;
	v45 =	vadd.s32 v42, v41  }
0x1db: {  	v24 =	vld [tilespmem:$0x17340];
	v53 =	vsel vm1, $0x1, v1;
	v3 =	vsub.f32 v3, v62;
	v10 =	vadd.s32 v46, v45  }
0x1dc: {  	v28 =	vld [tilespmem:$0x171C0];
	vm14 =	vlt.f32 v48, v58;
	vm15 =	vlt.f32 v48, v59;
	vm5 =	vlt.f32 v48, v27  }
0x1dd: {  	vm6 =	vgt.f32 v48, v27;
	vm8 =	vgt.f32 v48, v59;
	vm10 =	vgt.f32 v48, v58  }
0x1de: {  	v2 =	vmul.u32 $0x7, v30;
	v46 =	vmul.u32 $0x7, v36;
	v10 =	vadd.s32 v49, v10  }
0x1df: {  	vm2 =	vmor vm13, vm14;
	vm3 =	vmor vm13, vm15;
	vm1 =	vmor vm13, vm5  }
0x1e0: {  	vm7 =	vmand vm13, vm6;
	v55 =	vadd.s32 v53, v10;
	v10 =	vsub.f32 v56, v60  }
0x1e1: {  	v11 =	vsub.f32 v24, v28;
	v3 =	vmul.f32 v3, v3;
	vm9 =	vmand vm13, vm8  }
0x1e2: {  	vm0 =	vmand vm13, vm10;
	v25 =	vsel vm2, $0x1, v1;
	v18 =	vmul.f32 v10, v10  }
0x1e3: {  	v26 =	vsel vm3, $0x1, v1;
	v29 =	vsel vm1, $0x1, v1;
	v31 =	vsel vm7, $0x1, v1  }
0x1e4: {  	v32 =	vsel vm9, $0x1, v1;
	v11 =	vmul.f32 v11, v11;
	v3 =	vadd.f32 v3, v18  }
0x1e5: {  	v33 =	vsel vm0, $0x1, v1;
	v61 =	vadd.s32 v57, v55;
	v12 =	vadd.s32 v26, v25  }
0x1e6: {  	v5 =	vsel vm12, $0x3, v61;
	v7 =	vadd.s32 v29, v12;
	v3 =	vadd.f32 v11, v3  }
0x1e7: {  	vm12 =	vlt.f32 v10, $0.0e+00;
	v8 =	vadd.s32 v63, v5;
	v7 =	vadd.s32 v31, v7  }
0x1e8: {  	v7 =	vadd.s32 v32, v7;
	v11 =	vmul.f32 $8.117449280e-01, v3;
	v34 =	vmul.f32 $3.887395260e-01, v3  }
0x1e9: {  	v5 =	vadd.s32 v16, v5;
	v7 =	vadd.s32 v33, v7;
	v35 =	vmul.f32 $4.951556770e-02, v3  }
0x1ea: {  	v7 =	vsel vm11, $0x3, v7;
	vm13 =	vlt.f32 v18, v11;
	vm14 =	vlt.f32 v18, v34  }
0x1eb: {  	vm15 =	vlt.f32 v18, v35;
	vm5 =	vgt.f32 v18, v35;
	vm6 =	vgt.f32 v18, v34  }
0x1ec: {  	vm8 =	vgt.f32 v18, v11;
	vm1 =	vmor vm12, vm13;
	vm2 =	vmor vm12, vm14  }
0x1ed: {  	v39 =	vld [tilespmem:$0x165C0];
	[tilespmem:$0x16B00] =	vst v9;
	vm4 =	vmor vm12, vm15;
	v37 =	vsel vm1, $0x1, v1;
	v38 =	vsel vm2, $0x1, v1  }
0x1ee: {  	[tilespmem:$0x16C80] =	vst v6;
	v41 =	vld [tilespmem:$0x16540];
	v40 =	vsel vm4, $0x1, v1;
	vm1 =	vmand vm12, vm5;
	v15 =	vadd.s32 v38, v37  }
0x1ef: {  	[tilespmem:$0x16B10] =	vst v50;
	vm7 =	vmand vm12, vm6;
	v43 =	vsel vm1, $0x1, v1;
	v42 =	vadd.s32 v40, v15  }
0x1f0: {  	[tilespmem:$0x16C90] =	vst v4;
	vm0 =	vmand vm12, vm8;
	v45 =	vsel vm7, $0x1, v1;
	v44 =	vadd.s32 v43, v42  }
0x1f1: {  	[tilespmem:$0x16B20] =	vst v8;
	v2 =	vadd.s32 v2, v7;
	v47 =	vsel vm0, $0x1, v1;
	v4 =	vadd.s32 v45, v44  }
0x1f2: {  	[tilespmem:$0x16CA0] =	vst v5;
	vm9 =	veq.f32 v3, $0.0e+00;
	v3 =	vmul.u32 $0x7, v39;
	v4 =	vadd.s32 v47, v4  }
0x1f3: {  	v48 =	vmul.u32 $0x7, v41;
	[tilespmem:$0x16B30] =	vst v2;
	v2 =	vadd.s32 v46, v7;
	v4 =	vsel vm9, $0x3, v4  }
0x1f4: {  	[tilespmem:$0x16CB0] =	vst v2;
	v2 =	vadd.s32 v3, v4  }
0x1f5: {  	[tilespmem:$0x16B40] =	vst v2;
	v2 =	vadd.s32 v48, v4  }
0x1f6: {  	s22 =	simm.s32 $0x16B00;
	[tilespmem:$0x16CC0] =	vst v2  }
0x1f7: {  	[tilespmem:s24], [sflag:$0x8] =	stream.indirect.gather [hbm4b:s9+s21], $0x80, s22, s21, $0xb8;
	[tilespmem:$0x1EF00] =	vst v63  }
0x1f8: {  	v2 =	vld [tilespmem:$0x16600]  }
0x1f9: {  	v3 =	vld [tilespmem:$0x16610]  }
0x1fa: {  	v49 =	vld [tilespmem:$0x16620]  }
0x1fb: {  	v50 =	vld [tilespmem:$0x16630]  }
0x1fc: {  	v51 =	vld [tilespmem:$0x16640]  }
0x1fd: {  	[tilespmem:$0x16980] =	vst v2  }
0x1fe: {  	[tilespmem:$0x16990] =	vst v3  }
0x1ff: {  	[tilespmem:$0x169A0] =	vst v49  }
0x200: {  	[tilespmem:$0x169B0] =	vst v50  }
0x201: {  	[tilespmem:$0x169C0] =	vst v51  }
0x202: {  	_ =	swait.ge [sflag:s19], $0x50  }
0x203: {  	[sflag:s19] =	ssyncset.done $0x0  }
0x204: {  	[sflag:s19] =	ssyncadd.s32 $0xFFFFFFB0  }
0x205: {  	_ =	swait.ge [sflag:s19], $0x50  }
0x206: {  	[sflag:s19] =	ssyncset.done $0x0  }
0x207: {  	[sflag:s19] =	ssyncadd.s32 $0xFFFFFFB0  }
0x208: {  	_ =	swait.ge [sflag:s19], $0x50  }
0x209: {  	[sflag:s19] =	ssyncset.done $0x0  }
0x20a: {  	[sflag:s19] =	ssyncadd.s32 $0xFFFFFFB0  }
0x20b: {  	_ =	swait.ge [sflag:s19], $0x50  }
0x20c: {  	[sflag:s19] =	ssyncset.done $0x0  }
0x20d: {  	[sflag:s19] =	ssyncadd.s32 $0xFFFFFFB0  }
0x20e: {  	_ =	swait.ge [sflag:s19], $0x50  }
0x20f: {  	[sflag:s19] =	ssyncset.done $0x0  }
0x210: {  	[sflag:s19] =	ssyncadd.s32 $0xFFFFFFB0  }
0x211: {  	_ =	swait.ge [sflag:s19], $0x50  }
0x212: {  	[sflag:s19] =	ssyncset.done $0x0  }
0x213: {  	[sflag:s19] =	ssyncadd.s32 $0xFFFFFFB0  }
0x214: {  	v2 =	vld [tilespmem:$0x17500]  }
0x215: {  	v3 =	vld [tilespmem:$0x17380]  }
0x216: {  	v52 =	vld [tilespmem:$0x17580]  }
0x217: {  	v53 =	vld [tilespmem:$0x17400]  }
0x218: {  	v54 =	vld [tilespmem:$0x17600]  }
0x219: {  	v55 =	vld [tilespmem:$0x17480]  }
0x21a: {  	v58 =	vld [tilespmem:$0x17510]  }
0x21b: {  	v59 =	vld [tilespmem:$0x17390]  }
0x21c: {  	v60 =	vld [tilespmem:$0x17590]  }
0x21d: {  	v22 =	vld [tilespmem:$0x17520]  }
0x21e: {  	v23 =	vld [tilespmem:$0x173A0]  }
0x21f: {  	v26 =	vld [tilespmem:$0x17620]  }
0x220: {  	v29 =	vld [tilespmem:$0x174A0]  }
0x221: {  	v40 =	vld [tilespmem:$0x175B0]  }
0x222: {  	v43 =	vld [tilespmem:$0x17430]  }
0x223: {  	v46 =	vld [tilespmem:$0x17630]  }
0x224: {  	v47 =	vld [tilespmem:$0x174B0];
	v2 =	vsub.f32 v2, v3;
	v3 =	vsub.f32 v52, v53  }
0x225: {  	v61 =	vld [tilespmem:$0x17410];
	v56 =	vsub.f32 v54, v55  }
0x226: {  	v16 =	vld [tilespmem:$0x17610];
	v6 =	vsub.f32 v58, v59;
	v57 =	vmul.f32 v2, v2;
	v3 =	vmul.f32 v3, v3  }
0x227: {  	v32 =	vsub.f32 v22, v23;
	v5 =	vsub.f32 v26, v29;
	vm10 =	vlt.f32 v2, $0.0e+00;
	v2 =	vld [tilespmem:$0x17490]  }
0x228: {  	v50 =	vsub.f32 v40, v43;
	v4 =	vmul.f32 v56, v56;
	v3 =	vadd.f32 v3, v57  }
0x229: {  	v20 =	vmul.f32 v6, v6;
	vm6 =	vlt.f32 v6, $0.0e+00;
	v6 =	vsub.f32 v46, v47  }
0x22a: {  	v34 =	vmul.f32 v32, v32;
	v5 =	vmul.f32 v5, v5;
	v3 =	vadd.f32 v4, v3  }
0x22b: {  	v8 =	vmul.f32 v50, v50;
	v6 =	vmul.f32 v6, v6;
	v4 =	vsub.f32 v60, v61  }
0x22c: {  	v2 =	vsub.f32 v16, v2;
	v62 =	vmul.f32 $8.117449280e-01, v3;
	v63 =	vmul.f32 $3.887395260e-01, v3  }
0x22d: {  	v17 =	vmul.f32 $4.951556770e-02, v3;
	v4 =	vmul.f32 v4, v4  }
0x22e: {  	vm9 =	veq.f32 v3, $0.0e+00;
	v2 =	vmul.f32 v2, v2;
	vm11 =	vlt.f32 v57, v62  }
0x22f: {  	vm12 =	vlt.f32 v57, v63;
	vm13 =	vlt.f32 v57, v17;
	vm15 =	vgt.f32 v57, v17  }
0x230: {  	v4 =	vadd.f32 v4, v20;
	vm4 =	vgt.f32 v57, v63;
	vm5 =	vgt.f32 v57, v62  }
0x231: {  	v59 =	vld [tilespmem:$0x175C0];
	vm1 =	vmor vm10, vm11;
	vm2 =	vmor vm10, vm12;
	vm14 =	vmor vm10, vm13  }
0x232: {  	v62 =	vld [tilespmem:$0x17440];
	vm0 =	vmand vm10, vm5;
	v18 =	vsel vm1, $0x1, v1;
	v19 =	vsel vm2, $0x1, v1  }
0x233: {  	v21 =	vsel vm14, $0x1, v1;
	vm1 =	vmand vm10, vm15;
	v4 =	vadd.f32 v2, v4  }
0x234: {  	v24 =	vld [tilespmem:$0x175A0];
	v30 =	vsel vm0, $0x1, v1;
	vm15 =	vlt.f32 v32, $0.0e+00;
	v7 =	vadd.s32 v19, v18  }
0x235: {  	v2 =	vld [tilespmem:$0x17420];
	v25 =	vsel vm1, $0x1, v1;
	vm1 =	vmand vm10, vm4;
	v7 =	vadd.s32 v21, v7  }
0x236: {  	v27 =	vsel vm1, $0x1, v1;
	v28 =	vmul.f32 $8.117449280e-01, v4;
	v31 =	vmul.f32 $3.887395260e-01, v4  }
0x237: {  	v33 =	vmul.f32 $4.951556770e-02, v4;
	v7 =	vadd.s32 v25, v7;
	v10 =	vsub.f32 v59, v62  }
0x238: {  	v7 =	vadd.s32 v27, v7;
	vm7 =	vlt.f32 v20, v28;
	vm8 =	vlt.f32 v20, v31  }
0x239: {  	vm10 =	vlt.f32 v20, v33;
	vm11 =	vgt.f32 v20, v33;
	vm12 =	vgt.f32 v20, v31  }
0x23a: {  	v37 =	vld [tilespmem:$0x17530];
	vm14 =	vgt.f32 v20, v28;
	v7 =	vadd.s32 v30, v7;
	v2 =	vsub.f32 v24, v2  }
0x23b: {  	v39 =	vld [tilespmem:$0x173B0];
	vm1 =	vmor vm6, vm7;
	vm2 =	vmor vm6, vm8;
	vm13 =	vmand vm6, vm12  }
0x23c: {  	v3 =	vsel vm1, $0x1, v1;
	v35 =	vsel vm2, $0x1, v1;
	v2 =	vmul.f32 v2, v2  }
0x23d: {  	v33 =	vld [tilespmem:$0x16700];
	vm0 =	vmand vm6, vm14;
	vm1 =	vmor vm6, vm10;
	v3 =	vadd.s32 v35, v3  }
0x23e: {  	v38 =	vsel vm1, $0x1, v1;
	vm1 =	vmand vm6, vm11;
	v36 =	vadd.f32 v2, v34  }
0x23f: {  	v10 =	vmul.f32 v10, v10;
	v3 =	vadd.s32 v38, v3;
	v41 =	vsel vm1, $0x1, v1;
	v38 =	vld [tilespmem:$0x16790]  }
0x240: {  	v2 =	vsel vm9, $0x3, v7;
	v7 =	vsub.f32 v37, v39;
	v5 =	vadd.f32 v5, v36  }
0x241: {  	v55 =	vld [tilespmem:$0x17540];
	v44 =	vsel vm13, $0x1, v1;
	v53 =	vsel vm0, $0x1, v1;
	v3 =	vadd.s32 v41, v3  }
0x242: {  	v57 =	vld [tilespmem:$0x173C0];
	v46 =	vmul.u32 $0x7, v33;
	v52 =	vmul.f32 v7, v7;
	v42 =	vmul.f32 $8.117449280e-01, v5  }
0x243: {  	v3 =	vadd.s32 v44, v3;
	v36 =	vld [tilespmem:$0x16710];
	v45 =	vmul.f32 $3.887395260e-01, v5;
	v48 =	vmul.f32 $4.951556770e-02, v5  }
0x244: {  	v3 =	vadd.s32 v53, v3;
	v53 =	vld [tilespmem:$0x167C0];
	v8 =	vadd.f32 v8, v52;
	v47 =	vmul.u32 $0x7, v38  }
0x245: {  	vm6 =	vlt.f32 v34, v42;
	vm7 =	vlt.f32 v34, v45;
	vm9 =	vlt.f32 v34, v48  }
0x246: {  	vm11 =	vgt.f32 v34, v48;
	vm12 =	vgt.f32 v34, v45;
	v6 =	vadd.f32 v6, v8  }
0x247: {  	v22 =	vld [tilespmem:$0x174C0];
	vm13 =	vgt.f32 v34, v42;
	v8 =	vsub.f32 v55, v57;
	vm2 =	vmor vm15, vm6  }
0x248: {  	v20 =	vld [tilespmem:$0x17640];
	vm8 =	vmor vm15, vm7;
	vm10 =	vmor vm15, vm9;
	vm0 =	vmand vm15, vm11  }
0x249: {  	vm1 =	vmand vm15, vm13;
	v48 =	vmul.u32 $0x7, v36;
	v59 =	vmul.u32 $0x7, v53  }
0x24a: {  	v49 =	vsel vm2, $0x1, v1;
	v51 =	vsel vm8, $0x1, v1;
	v54 =	vsel vm10, $0x1, v1  }
0x24b: {  	v56 =	vsel vm0, $0x1, v1;
	vm0 =	veq.f32 v4, $0.0e+00;
	vm2 =	vmand vm15, vm12  }
0x24c: {  	v61 =	vmul.f32 $8.117449280e-01, v6;
	v63 =	vmul.f32 $3.887395260e-01, v6;
	v21 =	vsel vm1, $0x1, v1  }
0x24d: {  	v40 =	vld [tilespmem:$0x16720];
	vm1 =	vlt.f32 v7, $0.0e+00;
	v23 =	vmul.f32 $4.951556770e-02, v6;
	v7 =	vsub.f32 v20, v22  }
0x24e: {  	v26 =	vmul.f32 v8, v8;
	v12 =	vadd.s32 v51, v49;
	v60 =	vsel vm2, $0x1, v1  }
0x24f: {  	v3 =	vsel vm0, $0x3, v3;
	v12 =	vadd.s32 v54, v12;
	vm14 =	vlt.f32 v52, v61  }
0x250: {  	v34 =	vld [tilespmem:$0x16780];
	vm15 =	vlt.f32 v52, v63;
	vm7 =	vlt.f32 v52, v23;
	vm9 =	vgt.f32 v52, v23  }
0x251: {  	v42 =	vld [tilespmem:$0x167A0];
	vm11 =	vgt.f32 v52, v63;
	v10 =	vadd.f32 v10, v26;
	v7 =	vmul.f32 v7, v7  }
0x252: {  	vm13 =	vgt.f32 v52, v61;
	v50 =	vadd.s32 v47, v3;
	v52 =	vmul.u32 $0x7, v40  }
0x253: {  	v58 =	vadd.s32 v56, v12;
	vm2 =	vmor vm1, vm14;
	vm6 =	vmor vm1, vm15  }
0x254: {  	vm8 =	vmor vm1, vm7;
	vm10 =	vmand vm1, vm9;
	vm12 =	vmand vm1, vm11  }
0x255: {  	vm14 =	veq.f32 v5, $0.0e+00;
	vm1 =	vmand vm1, vm13;
	vm15 =	vlt.f32 v8, $0.0e+00  }
0x256: {  	vm7 =	veq.f32 v6, $0.0e+00;
	v9 =	vmul.u32 $0x7, v34;
	v51 =	vmul.u32 $0x7, v42  }
0x257: {  	v43 =	vld [tilespmem:$0x167B0];
	v4 =	vadd.s32 v60, v58;
	v24 =	vsel vm2, $0x1, v1;
	v25 =	vsel vm6, $0x1, v1  }
0x258: {  	v49 =	vld [tilespmem:$0x16730];
	v27 =	vsel vm8, $0x1, v1;
	v29 =	vsel vm10, $0x1, v1;
	v30 =	vsel vm12, $0x1, v1  }
0x259: {  	v7 =	vadd.f32 v7, v10;
	v32 =	vsel vm1, $0x1, v1;
	v4 =	vadd.s32 v21, v4  }
0x25a: {  	v13 =	vadd.s32 v25, v24;
	v9 =	vadd.s32 v9, v2;
	v2 =	vadd.s32 v46, v2  }
0x25b: {  	v28 =	vadd.s32 v27, v13;
	v10 =	vmul.f32 $8.117449280e-01, v7;
	v4 =	vsel vm14, $0x3, v4  }
0x25c: {  	v35 =	vmul.f32 $3.887395260e-01, v7;
	v37 =	vmul.f32 $4.951556770e-02, v7;
	[tilespmem:$0x16D00] =	vst v2;
	v2 =	vadd.s32 v48, v3  }
0x25d: {  	v3 =	vmul.u32 $0x7, v43;
	v57 =	vmul.u32 $0x7, v49;
	v31 =	vadd.s32 v29, v28  }
0x25e: {  	v55 =	vadd.s32 v51, v4;
	v4 =	vadd.s32 v52, v4;
	v5 =	vadd.s32 v30, v31  }
0x25f: {  	vm6 =	vlt.f32 v26, v10;
	vm8 =	vlt.f32 v26, v35;
	vm9 =	vlt.f32 v26, v37  }
0x260: {  	vm10 =	vgt.f32 v26, v37;
	vm13 =	vgt.f32 v26, v35;
	vm1 =	vmor vm15, vm6  }
0x261: {  	vm14 =	vgt.f32 v26, v10;
	v39 =	vsel vm1, $0x1, v1;
	vm1 =	vmor vm15, vm8  }
0x262: {  	v5 =	vadd.s32 v32, v5;
	vm11 =	vmor vm15, vm9;
	v41 =	vsel vm1, $0x1, v1  }
0x263: {  	v54 =	vld [tilespmem:$0x16740];
	[tilespmem:$0x16B90] =	vst v50;
	vm12 =	vmand vm15, vm10;
	v44 =	vsel vm11, $0x1, v1;
	v6 =	vadd.s32 v41, v39  }
0x264: {  	[tilespmem:$0x16B80] =	vst v9;
	v45 =	vsel vm12, $0x1, v1;
	vm1 =	vmand vm15, vm13;
	v6 =	vadd.s32 v44, v6  }
0x265: {  	[tilespmem:$0x16D10] =	vst v2;
	vm0 =	vmand vm15, vm14;
	v56 =	vsel vm1, $0x1, v1;
	v2 =	vadd.s32 v45, v6  }
0x266: {  	[tilespmem:$0x16BA0] =	vst v55;
	v5 =	vsel vm7, $0x3, v5;
	v58 =	vsel vm0, $0x1, v1;
	v2 =	vadd.s32 v56, v2  }
0x267: {  	[tilespmem:$0x16D20] =	vst v4;
	v3 =	vadd.s32 v3, v5;
	vm15 =	veq.f32 v7, $0.0e+00;
	v2 =	vadd.s32 v58, v2  }
0x268: {  	v60 =	vmul.u32 $0x7, v54;
	[tilespmem:$0x16BB0] =	vst v3;
	v3 =	vadd.s32 v57, v5;
	v2 =	vsel vm15, $0x3, v2  }
0x269: {  	[tilespmem:$0x16D30] =	vst v3;
	v3 =	vadd.s32 v59, v2  }
0x26a: {  	v2 =	vadd.s32 v60, v2;
	[tilespmem:$0x16BC0] =	vst v3  }
0x26b: {  	s22 =	simm.s32 $0x1C680;
	s24 =	simm.s32 $0x16B80;
	[tilespmem:$0x16D40] =	vst v2  }
0x26c: {  	[tilespmem:s22], [sflag:$0x9] =	stream.indirect.gather [hbm4b:s9+s21], $0x80, s24, s21, $0xb8;
	[tilespmem:$0x1EF00] =	vst v63  }
0x26d: {  	v2 =	vld [tilespmem:$0x16800]  }
0x26e: {  	v3 =	vld [tilespmem:$0x16810]  }
0x26f: {  	v61 =	vld [tilespmem:$0x16820]  }
0x270: {  	v62 =	vld [tilespmem:$0x16830]  }
0x271: {  	v63 =	vld [tilespmem:$0x16840]  }
0x272: {  	[tilespmem:$0x16A00] =	vst v2  }
0x273: {  	[tilespmem:$0x16A10] =	vst v3  }
0x274: {  	[tilespmem:$0x16A20] =	vst v61  }
0x275: {  	[tilespmem:$0x16A30] =	vst v62  }
0x276: {  	[tilespmem:$0x16A40] =	vst v63  }
0x277: {  	_ =	swait.ge [sflag:s29], $0x2800  }
0x278: {  	[sflag:s29] =	ssyncset.done $0x0  }
0x279: {  	[sflag:s29] =	ssyncadd.s32 $0xFFFFD800  }
0x27a: {  	[spmem:s1] =	stream.indirect.scatter.add.f32 [tilespmem:s17], [sflag:$0xA], $0x80, s31, s21, $0xb8;
	[tilespmem:$0x1EF00] =	vst v63  }
0x27b: {  	s24 =	simm.s32 $0x16C00  }
0x27c: {  	[spmem:s2] =	stream.indirect.scatter.add.f32 [tilespmem:s13], [sflag:$0xA], $0x1, s24, s21, $0xb8;
	[tilespmem:$0x1EF00] =	vst v63  }
0x27d: {  	s17 =	simm.s32 $0x16900  }
0x27e: {  	[spmem:s3] =	stream.indirect.scatter.add.f32 [tilespmem:s17], [sflag:$0xA], $0x1, s24, s21, $0xb8;
	[tilespmem:$0x1EF00] =	vst v63  }
0x27f: {  	_ =	swait.ge [sflag:s16], $0x2800  }
0x280: {  	[sflag:s16] =	ssyncset.done $0x0  }
0x281: {  	s24 =	simm.s32 $0x19E80;
	[sflag:s16] =	ssyncadd.s32 $0xFFFFD800  }
0x282: {  	[spmem:s1] =	stream.indirect.scatter.add.f32 [tilespmem:s24], [sflag:$0xA], $0x80, s0, s21, $0xb8;
	[tilespmem:$0x1EF00] =	vst v63  }
0x283: {  	s28 =	simm.s32 $0x16C80  }
0x284: {  	[spmem:s2] =	stream.indirect.scatter.add.f32 [tilespmem:s13], [sflag:$0xA], $0x1, s28, s21, $0xb8;
	[tilespmem:$0x1EF00] =	vst v63  }
.Ltmp5:
0x285: {  	s17 =	simm.s32 $0x16980;
	(pc) =	sbr.rel .LBB2_5-.Ltmp5, $4  }
0x286: {  	[spmem:s3] =	stream.indirect.scatter.add.f32 [tilespmem:s17], [sflag:$0xA], $0x1, s28, s21, $0xb8;
	[tilespmem:$0x1EF00] =	vst v63  }
0x287: {  	_ =	swait.ge [sflag:s26], $0x2800  }
0x288: {  	[sflag:s26] =	ssyncset.done $0x0  }
0x289: {  	s28 =	simm.s32 $0x16700;
	s17 =	simm.s32 $0x16D00;
	[sflag:s26] =	ssyncadd.s32 $0xFFFFD800  }
.LBB2_6:
0x28a: {  	s5 =	rddreg [dreg:$0xd]  }
0x28b: {  	[tilespmem:s31], [sflag:$0x1] =	stream.linear.gather [hbm4b:s5+s4], $0x180, $0x38;
	[tilespmem:$0x1EF00] =	vst v63  }
.Ltmp6:
0x28c: {  	s28 =	rddreg [dreg:$0xe];
	(pc) =	sbr.rel @p1 .LBB2_8-.Ltmp6, $4  }
0x28d: {  	[tilespmem:s0], [sflag:$0x2] =	stream.linear.gather [hbm4b:s28+s4], $0x180, $0x38;
	[tilespmem:$0x1EF00] =	vst v63  }
0x28e: {  	_ =	swait.ge [sflag:s20], $0x180  }
0x28f: {  	[sflag:s20] =	ssyncset.done $0x0  }
0x290: {  	[sflag:s20] =	ssyncadd.s32 $0xFFFFFE80  }
0x291: {  	s5 =	simm.s32 $0x16D80  }
0x292: {  	[tilespmem:s5], [sflag:$0x4] =	stream.indirect.gather [hbm4b:s6+s21], $0x1, s31, s21, $0xb8;
	[tilespmem:$0x1EF00] =	vst v63  }
0x293: {  	s15 =	simm.s32 $0x16E00  }
0x294: {  	[tilespmem:s15], [sflag:$0x4] =	stream.indirect.gather [hbm4b:s7+s21], $0x1, s31, s21, $0xb8;
	[tilespmem:$0x1EF00] =	vst v63  }
0x295: {  	s17 =	simm.s32 $0x16E80  }
0x296: {  	[tilespmem:s17], [sflag:$0x4] =	stream.indirect.gather [hbm4b:s8+s21], $0x1, s31, s21, $0xb8;
	[tilespmem:$0x1EF00] =	vst v63  }
0x297: {  	s22 =	simm.s32 $0x16F00  }
0x298: {  	[tilespmem:s22], [sflag:$0x4] =	stream.indirect.gather [hbm4b:s6+s21], $0x1, s11, s21, $0xb8;
	[tilespmem:$0x1EF00] =	vst v63  }
0x299: {  	s28 =	simm.s32 $0x16F80  }
0x29a: {  	[tilespmem:s28], [sflag:$0x4] =	stream.indirect.gather [hbm4b:s7+s21], $0x1, s11, s21, $0xb8;
	[tilespmem:$0x1EF00] =	vst v63  }
0x29b: {  	s15 =	simm.s32 $0x17000  }
0x29c: {  	[tilespmem:s15], [sflag:$0x4] =	stream.indirect.gather [hbm4b:s8+s21], $0x1, s11, s21, $0xb8;
	[tilespmem:$0x1EF00] =	vst v63  }
0x29d: {  	_ =	swait.ge [sflag:s23], $0x180  }
0x29e: {  	[sflag:s23] =	ssyncset.done $0x0  }
0x29f: {  	s17 =	simm.s32 $0x17080;
	[sflag:s23] =	ssyncadd.s32 $0xFFFFFE80  }
0x2a0: {  	[tilespmem:s17], [sflag:$0x5] =	stream.indirect.gather [hbm4b:s6+s21], $0x1, s0, s21, $0xb8;
	[tilespmem:$0x1EF00] =	vst v63  }
0x2a1: {  	s22 =	simm.s32 $0x17100  }
0x2a2: {  	[tilespmem:s22], [sflag:$0x5] =	stream.indirect.gather [hbm4b:s7+s21], $0x1, s0, s21, $0xb8;
	[tilespmem:$0x1EF00] =	vst v63  }
0x2a3: {  	s28 =	simm.s32 $0x17180  }
0x2a4: {  	[tilespmem:s28], [sflag:$0x5] =	stream.indirect.gather [hbm4b:s8+s21], $0x1, s0, s21, $0xb8;
	[tilespmem:$0x1EF00] =	vst v63  }
0x2a5: {  	s15 =	simm.s32 $0x17200  }
0x2a6: {  	[tilespmem:s15], [sflag:$0x5] =	stream.indirect.gather [hbm4b:s6+s21], $0x1, s18, s21, $0xb8;
	[tilespmem:$0x1EF00] =	vst v63  }
0x2a7: {  	s17 =	simm.s32 $0x17280  }
0x2a8: {  	[tilespmem:s17], [sflag:$0x5] =	stream.indirect.gather [hbm4b:s7+s21], $0x1, s18, s21, $0xb8;
	[tilespmem:$0x1EF00] =	vst v63  }
0x2a9: {  	s22 =	simm.s32 $0x17300  }
0x2aa: {  	[tilespmem:s22], [sflag:$0x5] =	stream.indirect.gather [hbm4b:s8+s21], $0x1, s18, s21, $0xb8;
	[tilespmem:$0x1EF00] =	vst v63  }
0x2ab: {  	_ =	swait.ge [sflag:s30], $0x50  }
0x2ac: {  	[sflag:s30] =	ssyncset.done $0x0  }
0x2ad: {  	[sflag:s30] =	ssyncadd.s32 $0xFFFFFFB0  }
0x2ae: {  	_ =	swait.ge [sflag:s30], $0x50  }
0x2af: {  	[sflag:s30] =	ssyncset.done $0x0  }
0x2b0: {  	[sflag:s30] =	ssyncadd.s32 $0xFFFFFFB0  }
0x2b1: {  	_ =	swait.ge [sflag:s30], $0x50  }
0x2b2: {  	[sflag:s30] =	ssyncset.done $0x0  }
0x2b3: {  	[sflag:s30] =	ssyncadd.s32 $0xFFFFFFB0  }
0x2b4: {  	_ =	swait.ge [sflag:s30], $0x50  }
0x2b5: {  	[sflag:s30] =	ssyncset.done $0x0  }
0x2b6: {  	[sflag:s30] =	ssyncadd.s32 $0xFFFFFFB0  }
0x2b7: {  	_ =	swait.ge [sflag:s30], $0x50  }
0x2b8: {  	[sflag:s30] =	ssyncset.done $0x0  }
0x2b9: {  	[sflag:s30] =	ssyncadd.s32 $0xFFFFFFB0  }
0x2ba: {  	_ =	swait.ge [sflag:s30], $0x50  }
0x2bb: {  	[sflag:s30] =	ssyncset.done $0x0  }
0x2bc: {  	[sflag:s30] =	ssyncadd.s32 $0xFFFFFFB0  }
0x2bd: {  	v2 =	vld [tilespmem:$0x16F00]  }
0x2be: {  	v3 =	vld [tilespmem:$0x16D80]  }
0x2bf: {  	v4 =	vld [tilespmem:$0x16F80]  }
0x2c0: {  	v5 =	vld [tilespmem:$0x16E00]  }
0x2c1: {  	v6 =	vld [tilespmem:$0x17000]  }
0x2c2: {  	v7 =	vld [tilespmem:$0x16E80]  }
0x2c3: {  	v55 =	vld [tilespmem:$0x16F10]  }
0x2c4: {  	v56 =	vld [tilespmem:$0x16D90]  }
0x2c5: {  	v57 =	vld [tilespmem:$0x16F90]  }
0x2c6: {  	v10 =	vld [tilespmem:$0x16E10]  }
0x2c7: {  	v20 =	vld [tilespmem:$0x16F20]  }
0x2c8: {  	v22 =	vld [tilespmem:$0x16DA0]  }
0x2c9: {  	v36 =	vld [tilespmem:$0x16F30]  }
0x2ca: {  	v38 =	vld [tilespmem:$0x16DB0]  }
0x2cb: {  	v39 =	vld [tilespmem:$0x16FB0];
	v2 =	vsub.f32 v2, v3;
	v3 =	vsub.f32 v4, v5  }
0x2cc: {  	v41 =	vld [tilespmem:$0x16E30]  }
0x2cd: {  	v12 =	vld [tilespmem:$0x17010];
	v53 =	vsub.f32 v6, v7;
	v54 =	vmul.f32 v2, v2;
	v3 =	vmul.f32 v3, v3  }
0x2ce: {  	vm0 =	vlt.f32 v2, $0.0e+00;
	v2 =	vld [tilespmem:$0x16E90]  }
0x2cf: {  	v50 =	vld [tilespmem:$0x16310];
	v58 =	vsub.f32 v57, v10;
	v4 =	vmul.f32 v53, v53;
	v3 =	vadd.f32 v3, v54  }
0x2d0: {  	v30 =	vsub.f32 v20, v22;
	v46 =	vsub.f32 v36, v38  }
0x2d1: {  	v63 =	vld [tilespmem:$0x16380];
	v47 =	vsub.f32 v39, v41;
	v6 =	vmul.f32 v58, v58;
	v3 =	vadd.f32 v4, v3  }
0x2d2: {  	v28 =	vld [tilespmem:$0x17020];
	v33 =	vmul.f32 v30, v30;
	v51 =	vmul.f32 v46, v46;
	v4 =	vsub.f32 v55, v56  }
0x2d3: {  	v29 =	vld [tilespmem:$0x16EA0];
	v2 =	vsub.f32 v12, v2;
	v8 =	vmul.f32 $8.117449280e-01, v3;
	v9 =	vmul.f32 $3.887395260e-01, v3  }
0x2d4: {  	v57 =	vmul.u32 $0x7, v50;
	v11 =	vmul.f32 $4.951556770e-02, v3;
	v61 =	vmul.f32 v4, v4  }
0x2d5: {  	v26 =	vld [tilespmem:$0x16FA0];
	vm13 =	veq.f32 v3, $0.0e+00;
	v2 =	vmul.f32 v2, v2;
	vm1 =	vlt.f32 v54, v8  }
0x2d6: {  	v43 =	vld [tilespmem:$0x17030];
	vm2 =	vlt.f32 v54, v9;
	vm3 =	vlt.f32 v54, v11;
	vm9 =	vgt.f32 v54, v11  }
0x2d7: {  	v44 =	vld [tilespmem:$0x16EB0];
	vm11 =	vgt.f32 v54, v9;
	v6 =	vadd.f32 v6, v61;
	vm12 =	vgt.f32 v54, v8  }
0x2d8: {  	v55 =	vld [tilespmem:$0x163A0];
	v9 =	vmul.u32 $0x7, v63;
	v8 =	vsub.f32 v28, v29;
	vm1 =	vmor vm0, vm1  }
0x2d9: {  	v3 =	vld [tilespmem:$0x16E20];
	vm2 =	vmor vm0, vm2;
	vm8 =	vmor vm0, vm3;
	vm10 =	vmand vm0, vm9  }
0x2da: {  	v13 =	vsel vm1, $0x1, v1;
	v14 =	vsel vm2, $0x1, v1;
	v60 =	vsel vm8, $0x1, v1  }
0x2db: {  	v62 =	vsel vm10, $0x1, v1;
	vm1 =	vmand vm0, vm11;
	v2 =	vadd.f32 v2, v6  }
0x2dc: {  	vm0 =	vmand vm0, vm12;
	v8 =	vmul.f32 v8, v8;
	v59 =	vadd.s32 v14, v13  }
0x2dd: {  	v19 =	vsel vm1, $0x1, v1;
	v23 =	vsel vm0, $0x1, v1;
	vm0 =	vlt.f32 v4, $0.0e+00  }
0x2de: {  	v32 =	vld [tilespmem:$0x16300];
	v3 =	vsub.f32 v26, v3;
	v4 =	vsub.f32 v43, v44;
	v26 =	vmul.u32 $0x7, v55  }
0x2df: {  	v7 =	vadd.s32 v60, v59;
	v24 =	vmul.f32 $8.117449280e-01, v2;
	v25 =	vmul.f32 $3.887395260e-01, v2  }
0x2e0: {  	v27 =	vmul.f32 $4.951556770e-02, v2;
	v7 =	vadd.s32 v62, v7;
	v3 =	vmul.f32 v3, v3  }
0x2e1: {  	v4 =	vmul.f32 v4, v4;
	v21 =	vadd.s32 v19, v7;
	vm14 =	vlt.f32 v61, v24  }
0x2e2: {  	vm15 =	vlt.f32 v61, v25;
	vm8 =	vlt.f32 v61, v27;
	vm9 =	vgt.f32 v61, v27  }
0x2e3: {  	vm11 =	vgt.f32 v61, v25;
	v7 =	vmul.u32 $0x7, v32;
	v6 =	vadd.s32 v23, v21  }
0x2e4: {  	vm6 =	vmor vm0, vm14;
	vm7 =	vmor vm0, vm15;
	vm1 =	vmor vm0, vm8  }
0x2e5: {  	v45 =	vld [tilespmem:$0x16390];
	vm10 =	vmand vm0, vm9;
	vm12 =	vmand vm0, vm11;
	v3 =	vadd.f32 v3, v33  }
0x2e6: {  	v36 =	vld [tilespmem:$0x16330];
	vm14 =	veq.f32 v2, $0.0e+00;
	vm15 =	vlt.f32 v30, $0.0e+00;
	v6 =	vsel vm13, $0x3, v6  }
0x2e7: {  	v15 =	vsel vm6, $0x1, v1;
	v16 =	vsel vm7, $0x1, v1;
	v31 =	vsel vm1, $0x1, v1  }
0x2e8: {  	v34 =	vsel vm10, $0x1, v1;
	vm13 =	vgt.f32 v61, v24;
	v35 =	vsel vm12, $0x1, v1  }
0x2e9: {  	v27 =	vld [tilespmem:$0x17040];
	v15 =	vadd.s32 v16, v15;
	vm0 =	vmand vm0, vm13;
	v3 =	vadd.f32 v8, v3  }
0x2ea: {  	v21 =	vld [tilespmem:$0x16EC0];
	v9 =	vadd.s32 v9, v6;
	v6 =	vadd.s32 v7, v6;
	v8 =	vmul.f32 v47, v47  }
0x2eb: {  	v16 =	vmul.u32 $0x7, v45;
	vm13 =	vlt.f32 v46, $0.0e+00;
	v46 =	vmul.u32 $0x7, v36  }
0x2ec: {  	v5 =	vadd.s32 v31, v15;
	v37 =	vsel vm0, $0x1, v1;
	v2 =	vmul.f32 $8.117449280e-01, v3  }
0x2ed: {  	v5 =	vadd.s32 v34, v5;
	v40 =	vmul.f32 $3.887395260e-01, v3;
	v42 =	vmul.f32 $4.951556770e-02, v3  }
0x2ee: {  	v8 =	vadd.f32 v8, v51;
	vm12 =	veq.f32 v3, $0.0e+00;
	v5 =	vadd.s32 v35, v5  }
0x2ef: {  	v11 =	vsub.f32 v27, v21;
	v5 =	vadd.s32 v37, v5;
	vm4 =	vlt.f32 v33, v2  }
0x2f0: {  	vm5 =	vlt.f32 v33, v40;
	vm6 =	vlt.f32 v33, v42;
	vm8 =	vgt.f32 v33, v42  }
0x2f1: {  	v54 =	vld [tilespmem:$0x16320];
	vm10 =	vgt.f32 v33, v40;
	vm11 =	vgt.f32 v33, v2;
	v2 =	vadd.f32 v4, v8  }
0x2f2: {  	v25 =	vld [tilespmem:$0x16E40];
	v5 =	vsel vm14, $0x3, v5;
	vm1 =	vmor vm15, vm4;
	vm2 =	vmor vm15, vm5  }
0x2f3: {  	v30 =	vld [tilespmem:$0x163B0];
	vm7 =	vmor vm15, vm6;
	vm9 =	vmand vm15, vm8;
	vm0 =	vmand vm15, vm11  }
0x2f4: {  	v3 =	vld [tilespmem:$0x16FC0];
	v11 =	vmul.f32 v11, v11;
	v17 =	vsel vm1, $0x1, v1;
	v18 =	vsel vm2, $0x1, v1  }
0x2f5: {  	v49 =	vsel vm7, $0x1, v1;
	v52 =	vsel vm9, $0x1, v1;
	v53 =	vadd.s32 v16, v5  }
0x2f6: {  	vm1 =	vmand vm15, vm10;
	v60 =	vsel vm0, $0x1, v1;
	v61 =	vmul.f32 $8.117449280e-01, v2  }
0x2f7: {  	v63 =	vld [tilespmem:$0x16DC0];
	v62 =	vmul.f32 $3.887395260e-01, v2;
	v4 =	vadd.s32 v57, v5;
	v20 =	vmul.f32 $4.951556770e-02, v2  }
0x2f8: {  	v59 =	vld [tilespmem:$0x16F40];
	v16 =	vmul.u32 $0x7, v54;
	vm11 =	veq.f32 v2, $0.0e+00;
	v2 =	vmul.u32 $0x7, v30  }
0x2f9: {  	v48 =	vadd.s32 v18, v17;
	v56 =	vsel vm1, $0x1, v1;
	v3 =	vsub.f32 v3, v25  }
0x2fa: {  	v10 =	vadd.s32 v49, v48;
	vm14 =	vlt.f32 v51, v61;
	vm15 =	vlt.f32 v51, v62  }
0x2fb: {  	vm5 =	vlt.f32 v51, v20;
	vm6 =	vgt.f32 v51, v20;
	vm8 =	vgt.f32 v51, v62  }
0x2fc: {  	vm10 =	vgt.f32 v51, v61;
	v10 =	vadd.s32 v52, v10;
	vm2 =	vmor vm13, vm14  }
0x2fd: {  	vm3 =	vmor vm13, vm15;
	v58 =	vadd.s32 v56, v10;
	v10 =	vsub.f32 v59, v63  }
0x2fe: {  	vm1 =	vmor vm13, vm5;
	vm7 =	vmand vm13, vm6;
	v3 =	vmul.f32 v3, v3  }
0x2ff: {  	vm9 =	vmand vm13, vm8;
	vm0 =	vmand vm13, vm10;
	v18 =	vmul.f32 v10, v10  }
0x300: {  	v28 =	vsel vm2, $0x1, v1;
	v19 =	vsel vm3, $0x1, v1;
	v29 =	vsel vm1, $0x1, v1  }
0x301: {  	v31 =	vsel vm7, $0x1, v1;
	v32 =	vsel vm9, $0x1, v1;
	v3 =	vadd.f32 v3, v18  }
0x302: {  	v33 =	vsel vm0, $0x1, v1;
	v24 =	vadd.s32 v60, v58;
	v12 =	vadd.s32 v19, v28  }
0x303: {  	v5 =	vsel vm12, $0x3, v24;
	v7 =	vadd.s32 v29, v12;
	v3 =	vadd.f32 v11, v3  }
0x304: {  	vm12 =	vlt.f32 v10, $0.0e+00;
	v8 =	vadd.s32 v26, v5;
	v7 =	vadd.s32 v31, v7  }
0x305: {  	v7 =	vadd.s32 v32, v7;
	v11 =	vmul.f32 $8.117449280e-01, v3;
	v34 =	vmul.f32 $3.887395260e-01, v3  }
0x306: {  	v5 =	vadd.s32 v16, v5;
	v7 =	vadd.s32 v33, v7;
	v35 =	vmul.f32 $4.951556770e-02, v3  }
0x307: {  	v7 =	vsel vm11, $0x3, v7;
	vm13 =	vlt.f32 v18, v11;
	vm14 =	vlt.f32 v18, v34  }
0x308: {  	vm15 =	vlt.f32 v18, v35;
	vm5 =	vgt.f32 v18, v35;
	vm6 =	vgt.f32 v18, v34  }
0x309: {  	vm8 =	vgt.f32 v18, v11;
	vm1 =	vmor vm12, vm13;
	vm2 =	vmor vm12, vm14  }
0x30a: {  	v39 =	vld [tilespmem:$0x163C0];
	[tilespmem:$0x16A80] =	vst v9;
	vm4 =	vmor vm12, vm15;
	v37 =	vsel vm1, $0x1, v1;
	v38 =	vsel vm2, $0x1, v1  }
0x30b: {  	v41 =	vld [tilespmem:$0x16340];
	[tilespmem:$0x16C00] =	vst v6;
	v40 =	vsel vm4, $0x1, v1;
	vm1 =	vmand vm12, vm5;
	v15 =	vadd.s32 v38, v37  }
0x30c: {  	[tilespmem:$0x16A90] =	vst v53;
	vm7 =	vmand vm12, vm6;
	v43 =	vsel vm1, $0x1, v1;
	v42 =	vadd.s32 v40, v15  }
0x30d: {  	[tilespmem:$0x16C10] =	vst v4;
	vm0 =	vmand vm12, vm8;
	v45 =	vsel vm7, $0x1, v1;
	v44 =	vadd.s32 v43, v42  }
0x30e: {  	[tilespmem:$0x16AA0] =	vst v8;
	v2 =	vadd.s32 v2, v7;
	v47 =	vsel vm0, $0x1, v1;
	v4 =	vadd.s32 v45, v44  }
0x30f: {  	[tilespmem:$0x16C20] =	vst v5;
	vm9 =	veq.f32 v3, $0.0e+00;
	v3 =	vmul.u32 $0x7, v39;
	v4 =	vadd.s32 v47, v4  }
0x310: {  	v48 =	vmul.u32 $0x7, v41;
	[tilespmem:$0x16AB0] =	vst v2;
	v2 =	vadd.s32 v46, v7;
	v4 =	vsel vm9, $0x3, v4  }
0x311: {  	[tilespmem:$0x16C30] =	vst v2;
	v2 =	vadd.s32 v3, v4  }
0x312: {  	[tilespmem:$0x16AC0] =	vst v2;
	v2 =	vadd.s32 v48, v4  }
0x313: {  	s28 =	simm.s32 $0x17680;
	s15 =	simm.s32 $0x16A80;
	[tilespmem:$0x16C40] =	vst v2  }
0x314: {  	[tilespmem:s28], [sflag:$0x7] =	stream.indirect.gather [hbm4b:s9+s21], $0x80, s15, s21, $0xb8;
	[tilespmem:$0x1EF00] =	vst v63  }
0x315: {  	v2 =	vld [tilespmem:$0x16400]  }
0x316: {  	v3 =	vld [tilespmem:$0x16410]  }
0x317: {  	v49 =	vld [tilespmem:$0x16420]  }
0x318: {  	v50 =	vld [tilespmem:$0x16430]  }
0x319: {  	v51 =	vld [tilespmem:$0x16440]  }
0x31a: {  	[tilespmem:$0x16900] =	vst v2  }
0x31b: {  	[tilespmem:$0x16910] =	vst v3  }
0x31c: {  	[tilespmem:$0x16920] =	vst v49  }
0x31d: {  	[tilespmem:$0x16930] =	vst v50  }
0x31e: {  	[tilespmem:$0x16940] =	vst v51  }
0x31f: {  	_ =	swait.ge [sflag:s12], $0x50  }
0x320: {  	[sflag:s12] =	ssyncset.done $0x0  }
0x321: {  	[sflag:s12] =	ssyncadd.s32 $0xFFFFFFB0  }
0x322: {  	_ =	swait.ge [sflag:s12], $0x50  }
0x323: {  	[sflag:s12] =	ssyncset.done $0x0  }
0x324: {  	[sflag:s12] =	ssyncadd.s32 $0xFFFFFFB0  }
0x325: {  	_ =	swait.ge [sflag:s12], $0x50  }
0x326: {  	[sflag:s12] =	ssyncset.done $0x0  }
0x327: {  	[sflag:s12] =	ssyncadd.s32 $0xFFFFFFB0  }
0x328: {  	_ =	swait.ge [sflag:s12], $0x50  }
0x329: {  	[sflag:s12] =	ssyncset.done $0x0  }
0x32a: {  	[sflag:s12] =	ssyncadd.s32 $0xFFFFFFB0  }
0x32b: {  	_ =	swait.ge [sflag:s12], $0x50  }
0x32c: {  	[sflag:s12] =	ssyncset.done $0x0  }
0x32d: {  	[sflag:s12] =	ssyncadd.s32 $0xFFFFFFB0  }
0x32e: {  	_ =	swait.ge [sflag:s12], $0x50  }
0x32f: {  	[sflag:s12] =	ssyncset.done $0x0  }
0x330: {  	[sflag:s12] =	ssyncadd.s32 $0xFFFFFFB0  }
0x331: {  	v2 =	vld [tilespmem:$0x17200]  }
0x332: {  	v3 =	vld [tilespmem:$0x17080]  }
0x333: {  	v52 =	vld [tilespmem:$0x17280]  }
0x334: {  	v53 =	vld [tilespmem:$0x17100]  }
0x335: {  	v54 =	vld [tilespmem:$0x17300]  }
0x336: {  	v55 =	vld [tilespmem:$0x17180]  }
0x337: {  	v58 =	vld [tilespmem:$0x17210]  }
0x338: {  	v59 =	vld [tilespmem:$0x17090]  }
0x339: {  	v60 =	vld [tilespmem:$0x17290]  }
0x33a: {  	v22 =	vld [tilespmem:$0x17220]  }
0x33b: {  	v23 =	vld [tilespmem:$0x170A0]  }
0x33c: {  	v26 =	vld [tilespmem:$0x17320]  }
0x33d: {  	v29 =	vld [tilespmem:$0x171A0]  }
0x33e: {  	v40 =	vld [tilespmem:$0x172B0]  }
0x33f: {  	v43 =	vld [tilespmem:$0x17130]  }
0x340: {  	v46 =	vld [tilespmem:$0x17330]  }
0x341: {  	v47 =	vld [tilespmem:$0x171B0];
	v2 =	vsub.f32 v2, v3;
	v3 =	vsub.f32 v52, v53  }
0x342: {  	v61 =	vld [tilespmem:$0x17110];
	v56 =	vsub.f32 v54, v55  }
0x343: {  	v16 =	vld [tilespmem:$0x17310];
	v6 =	vsub.f32 v58, v59;
	v57 =	vmul.f32 v2, v2;
	v3 =	vmul.f32 v3, v3  }
0x344: {  	v32 =	vsub.f32 v22, v23;
	v5 =	vsub.f32 v26, v29;
	vm10 =	vlt.f32 v2, $0.0e+00;
	v2 =	vld [tilespmem:$0x17190]  }
0x345: {  	v50 =	vsub.f32 v40, v43;
	v4 =	vmul.f32 v56, v56;
	v3 =	vadd.f32 v3, v57  }
0x346: {  	v20 =	vmul.f32 v6, v6;
	vm6 =	vlt.f32 v6, $0.0e+00;
	v6 =	vsub.f32 v46, v47  }
0x347: {  	v34 =	vmul.f32 v32, v32;
	v5 =	vmul.f32 v5, v5;
	v3 =	vadd.f32 v4, v3  }
0x348: {  	v8 =	vmul.f32 v50, v50;
	v6 =	vmul.f32 v6, v6;
	v4 =	vsub.f32 v60, v61  }
0x349: {  	v2 =	vsub.f32 v16, v2;
	v62 =	vmul.f32 $8.117449280e-01, v3;
	v63 =	vmul.f32 $3.887395260e-01, v3  }
0x34a: {  	v17 =	vmul.f32 $4.951556770e-02, v3;
	v4 =	vmul.f32 v4, v4  }
0x34b: {  	vm9 =	veq.f32 v3, $0.0e+00;
	v2 =	vmul.f32 v2, v2;
	vm11 =	vlt.f32 v57, v62  }
0x34c: {  	vm12 =	vlt.f32 v57, v63;
	vm13 =	vlt.f32 v57, v17;
	vm15 =	vgt.f32 v57, v17  }
0x34d: {  	v4 =	vadd.f32 v4, v20;
	vm4 =	vgt.f32 v57, v63;
	vm5 =	vgt.f32 v57, v62  }
0x34e: {  	v59 =	vld [tilespmem:$0x172C0];
	vm1 =	vmor vm10, vm11;
	vm2 =	vmor vm10, vm12;
	vm14 =	vmor vm10, vm13  }
0x34f: {  	v62 =	vld [tilespmem:$0x17140];
	vm0 =	vmand vm10, vm5;
	v18 =	vsel vm1, $0x1, v1;
	v19 =	vsel vm2, $0x1, v1  }
0x350: {  	v21 =	vsel vm14, $0x1, v1;
	vm1 =	vmand vm10, vm15;
	v4 =	vadd.f32 v2, v4  }
0x351: {  	v24 =	vld [tilespmem:$0x172A0];
	v30 =	vsel vm0, $0x1, v1;
	vm15 =	vlt.f32 v32, $0.0e+00;
	v7 =	vadd.s32 v19, v18  }
0x352: {  	v2 =	vld [tilespmem:$0x17120];
	v25 =	vsel vm1, $0x1, v1;
	vm1 =	vmand vm10, vm4;
	v7 =	vadd.s32 v21, v7  }
0x353: {  	v27 =	vsel vm1, $0x1, v1;
	v28 =	vmul.f32 $8.117449280e-01, v4;
	v31 =	vmul.f32 $3.887395260e-01, v4  }
0x354: {  	v33 =	vmul.f32 $4.951556770e-02, v4;
	v7 =	vadd.s32 v25, v7;
	v10 =	vsub.f32 v59, v62  }
0x355: {  	v7 =	vadd.s32 v27, v7;
	vm7 =	vlt.f32 v20, v28;
	vm8 =	vlt.f32 v20, v31  }
0x356: {  	vm10 =	vlt.f32 v20, v33;
	vm11 =	vgt.f32 v20, v33;
	vm12 =	vgt.f32 v20, v31  }
0x357: {  	v37 =	vld [tilespmem:$0x17230];
	vm14 =	vgt.f32 v20, v28;
	v7 =	vadd.s32 v30, v7;
	v2 =	vsub.f32 v24, v2  }
0x358: {  	v39 =	vld [tilespmem:$0x170B0];
	vm1 =	vmor vm6, vm7;
	vm2 =	vmor vm6, vm8;
	vm13 =	vmand vm6, vm12  }
0x359: {  	v3 =	vsel vm1, $0x1, v1;
	v35 =	vsel vm2, $0x1, v1;
	v2 =	vmul.f32 v2, v2  }
0x35a: {  	v33 =	vld [tilespmem:$0x16500];
	vm0 =	vmand vm6, vm14;
	vm1 =	vmor vm6, vm10;
	v3 =	vadd.s32 v35, v3  }
0x35b: {  	v38 =	vsel vm1, $0x1, v1;
	vm1 =	vmand vm6, vm11;
	v36 =	vadd.f32 v2, v34  }
0x35c: {  	v10 =	vmul.f32 v10, v10;
	v3 =	vadd.s32 v38, v3;
	v41 =	vsel vm1, $0x1, v1;
	v38 =	vld [tilespmem:$0x16590]  }
0x35d: {  	v2 =	vsel vm9, $0x3, v7;
	v7 =	vsub.f32 v37, v39;
	v5 =	vadd.f32 v5, v36  }
0x35e: {  	v55 =	vld [tilespmem:$0x17240];
	v44 =	vsel vm13, $0x1, v1;
	v53 =	vsel vm0, $0x1, v1;
	v3 =	vadd.s32 v41, v3  }
0x35f: {  	v57 =	vld [tilespmem:$0x170C0];
	v46 =	vmul.u32 $0x7, v33;
	v52 =	vmul.f32 v7, v7;
	v42 =	vmul.f32 $8.117449280e-01, v5  }
0x360: {  	v3 =	vadd.s32 v44, v3;
	v36 =	vld [tilespmem:$0x16510];
	v45 =	vmul.f32 $3.887395260e-01, v5;
	v48 =	vmul.f32 $4.951556770e-02, v5  }
0x361: {  	v3 =	vadd.s32 v53, v3;
	v53 =	vld [tilespmem:$0x165C0];
	v8 =	vadd.f32 v8, v52;
	v47 =	vmul.u32 $0x7, v38  }
0x362: {  	vm6 =	vlt.f32 v34, v42;
	vm7 =	vlt.f32 v34, v45;
	vm9 =	vlt.f32 v34, v48  }
0x363: {  	vm11 =	vgt.f32 v34, v48;
	vm12 =	vgt.f32 v34, v45;
	v6 =	vadd.f32 v6, v8  }
0x364: {  	v22 =	vld [tilespmem:$0x171C0];
	vm13 =	vgt.f32 v34, v42;
	v8 =	vsub.f32 v55, v57;
	vm2 =	vmor vm15, vm6  }
0x365: {  	v20 =	vld [tilespmem:$0x17340];
	vm8 =	vmor vm15, vm7;
	vm10 =	vmor vm15, vm9;
	vm0 =	vmand vm15, vm11  }
0x366: {  	vm1 =	vmand vm15, vm13;
	v48 =	vmul.u32 $0x7, v36;
	v59 =	vmul.u32 $0x7, v53  }
0x367: {  	v49 =	vsel vm2, $0x1, v1;
	v51 =	vsel vm8, $0x1, v1;
	v54 =	vsel vm10, $0x1, v1  }
0x368: {  	v56 =	vsel vm0, $0x1, v1;
	vm0 =	veq.f32 v4, $0.0e+00;
	vm2 =	vmand vm15, vm12  }
0x369: {  	v61 =	vmul.f32 $8.117449280e-01, v6;
	v63 =	vmul.f32 $3.887395260e-01, v6;
	v21 =	vsel vm1, $0x1, v1  }
0x36a: {  	v40 =	vld [tilespmem:$0x16520];
	vm1 =	vlt.f32 v7, $0.0e+00;
	v23 =	vmul.f32 $4.951556770e-02, v6;
	v7 =	vsub.f32 v20, v22  }
0x36b: {  	v26 =	vmul.f32 v8, v8;
	v12 =	vadd.s32 v51, v49;
	v60 =	vsel vm2, $0x1, v1  }
0x36c: {  	v3 =	vsel vm0, $0x3, v3;
	v12 =	vadd.s32 v54, v12;
	vm14 =	vlt.f32 v52, v61  }
0x36d: {  	v34 =	vld [tilespmem:$0x16580];
	vm15 =	vlt.f32 v52, v63;
	vm7 =	vlt.f32 v52, v23;
	vm9 =	vgt.f32 v52, v23  }
0x36e: {  	v42 =	vld [tilespmem:$0x165A0];
	vm11 =	vgt.f32 v52, v63;
	v10 =	vadd.f32 v10, v26;
	v7 =	vmul.f32 v7, v7  }
0x36f: {  	vm13 =	vgt.f32 v52, v61;
	v50 =	vadd.s32 v47, v3;
	v52 =	vmul.u32 $0x7, v40  }
0x370: {  	v58 =	vadd.s32 v56, v12;
	vm2 =	vmor vm1, vm14;
	vm6 =	vmor vm1, vm15  }
0x371: {  	vm8 =	vmor vm1, vm7;
	vm10 =	vmand vm1, vm9;
	vm12 =	vmand vm1, vm11  }
0x372: {  	vm14 =	veq.f32 v5, $0.0e+00;
	vm1 =	vmand vm1, vm13;
	vm15 =	vlt.f32 v8, $0.0e+00  }
0x373: {  	vm7 =	veq.f32 v6, $0.0e+00;
	v9 =	vmul.u32 $0x7, v34;
	v51 =	vmul.u32 $0x7, v42  }
0x374: {  	v43 =	vld [tilespmem:$0x165B0];
	v4 =	vadd.s32 v60, v58;
	v24 =	vsel vm2, $0x1, v1;
	v25 =	vsel vm6, $0x1, v1  }
0x375: {  	v49 =	vld [tilespmem:$0x16530];
	v27 =	vsel vm8, $0x1, v1;
	v29 =	vsel vm10, $0x1, v1;
	v30 =	vsel vm12, $0x1, v1  }
0x376: {  	v7 =	vadd.f32 v7, v10;
	v32 =	vsel vm1, $0x1, v1;
	v4 =	vadd.s32 v21, v4  }
0x377: {  	v13 =	vadd.s32 v25, v24;
	v9 =	vadd.s32 v9, v2;
	v2 =	vadd.s32 v46, v2  }
0x378: {  	v28 =	vadd.s32 v27, v13;
	v10 =	vmul.f32 $8.117449280e-01, v7;
	v4 =	vsel vm14, $0x3, v4  }
0x379: {  	v35 =	vmul.f32 $3.887395260e-01, v7;
	v37 =	vmul.f32 $4.951556770e-02, v7;
	[tilespmem:$0x16C80] =	vst v2;
	v2 =	vadd.s32 v48, v3  }
0x37a: {  	v3 =	vmul.u32 $0x7, v43;
	v57 =	vmul.u32 $0x7, v49;
	v31 =	vadd.s32 v29, v28  }
0x37b: {  	v55 =	vadd.s32 v51, v4;
	v4 =	vadd.s32 v52, v4;
	v5 =	vadd.s32 v30, v31  }
0x37c: {  	vm6 =	vlt.f32 v26, v10;
	vm8 =	vlt.f32 v26, v35;
	vm9 =	vlt.f32 v26, v37  }
0x37d: {  	vm10 =	vgt.f32 v26, v37;
	vm13 =	vgt.f32 v26, v35;
	vm1 =	vmor vm15, vm6  }
0x37e: {  	vm14 =	vgt.f32 v26, v10;
	v39 =	vsel vm1, $0x1, v1;
	vm1 =	vmor vm15, vm8  }
0x37f: {  	v5 =	vadd.s32 v32, v5;
	vm11 =	vmor vm15, vm9;
	v41 =	vsel vm1, $0x1, v1  }
0x380: {  	v54 =	vld [tilespmem:$0x16540];
	[tilespmem:$0x16B10] =	vst v50;
	vm12 =	vmand vm15, vm10;
	v44 =	vsel vm11, $0x1, v1;
	v6 =	vadd.s32 v41, v39  }
0x381: {  	[tilespmem:$0x16B00] =	vst v9;
	v45 =	vsel vm12, $0x1, v1;
	vm1 =	vmand vm15, vm13;
	v6 =	vadd.s32 v44, v6  }
0x382: {  	[tilespmem:$0x16C90] =	vst v2;
	vm0 =	vmand vm15, vm14;
	v56 =	vsel vm1, $0x1, v1;
	v2 =	vadd.s32 v45, v6  }
0x383: {  	[tilespmem:$0x16B20] =	vst v55;
	v5 =	vsel vm7, $0x3, v5;
	v58 =	vsel vm0, $0x1, v1;
	v2 =	vadd.s32 v56, v2  }
0x384: {  	[tilespmem:$0x16CA0] =	vst v4;
	v3 =	vadd.s32 v3, v5;
	vm15 =	veq.f32 v7, $0.0e+00;
	v2 =	vadd.s32 v58, v2  }
0x385: {  	v60 =	vmul.u32 $0x7, v54;
	[tilespmem:$0x16B30] =	vst v3;
	v3 =	vadd.s32 v57, v5;
	v2 =	vsel vm15, $0x3, v2  }
0x386: {  	[tilespmem:$0x16CB0] =	vst v3;
	v3 =	vadd.s32 v59, v2  }
0x387: {  	v2 =	vadd.s32 v60, v2;
	[tilespmem:$0x16B40] =	vst v3  }
0x388: {  	s17 =	simm.s32 $0x16B00;
	[tilespmem:$0x16CC0] =	vst v2  }
0x389: {  	[tilespmem:s24], [sflag:$0x8] =	stream.indirect.gather [hbm4b:s9+s21], $0x80, s17, s21, $0xb8;
	[tilespmem:$0x1EF00] =	vst v63  }
0x38a: {  	v2 =	vld [tilespmem:$0x16600]  }
0x38b: {  	v3 =	vld [tilespmem:$0x16610]  }
0x38c: {  	v61 =	vld [tilespmem:$0x16620]  }
0x38d: {  	v62 =	vld [tilespmem:$0x16630]  }
0x38e: {  	v63 =	vld [tilespmem:$0x16640]  }
0x38f: {  	[tilespmem:$0x16980] =	vst v2  }
0x390: {  	[tilespmem:$0x16990] =	vst v3  }
0x391: {  	[tilespmem:$0x169A0] =	vst v61  }
0x392: {  	[tilespmem:$0x169B0] =	vst v62  }
0x393: {  	[tilespmem:$0x169C0] =	vst v63  }
0x394: {  	_ =	swait.ge [sflag:s29], $0x2800  }
0x395: {  	[sflag:s29] =	ssyncset.done $0x0  }
0x396: {  	[sflag:s29] =	ssyncadd.s32 $0xFFFFD800  }
0x397: {  	[spmem:s1] =	stream.indirect.scatter.add.f32 [tilespmem:s28], [sflag:$0xA], $0x80, s31, s21, $0xb8;
	[tilespmem:$0x1EF00] =	vst v63  }
0x398: {  	s22 =	simm.s32 $0x16C00  }
0x399: {  	[spmem:s2] =	stream.indirect.scatter.add.f32 [tilespmem:s13], [sflag:$0xA], $0x1, s22, s21, $0xb8;
	[tilespmem:$0x1EF00] =	vst v63  }
0x39a: {  	s28 =	simm.s32 $0x16900  }
0x39b: {  	[spmem:s3] =	stream.indirect.scatter.add.f32 [tilespmem:s28], [sflag:$0xA], $0x1, s22, s21, $0xb8;
	[tilespmem:$0x1EF00] =	vst v63  }
0x39c: {  	_ =	swait.ge [sflag:s16], $0x2800  }
0x39d: {  	[sflag:s16] =	ssyncset.done $0x0  }
0x39e: {  	[sflag:s16] =	ssyncadd.s32 $0xFFFFD800  }
0x39f: {  	[spmem:s1] =	stream.indirect.scatter.add.f32 [tilespmem:s24], [sflag:$0xA], $0x80, s0, s21, $0xb8;
	[tilespmem:$0x1EF00] =	vst v63  }
0x3a0: {  	s5 =	simm.s32 $0x16C80  }
0x3a1: {  	[spmem:s2] =	stream.indirect.scatter.add.f32 [tilespmem:s13], [sflag:$0xA], $0x1, s5, s21, $0xb8;
	[tilespmem:$0x1EF00] =	vst v63  }
0x3a2: {  	s17 =	simm.s32 $0x16980  }
0x3a3: {  	[spmem:s3] =	stream.indirect.scatter.add.f32 [tilespmem:s17], [sflag:$0xA], $0x1, s5, s21, $0xb8;
	[tilespmem:$0x1EF00] =	vst v63  }
0x3a4: {  	_ =	swait.ge [sflag:s14], $0x2800  }
0x3a5: {  	[sflag:s14] =	ssyncset.done $0x0  }
0x3a6: {  	[sflag:s14] =	ssyncadd.s32 $0xFFFFD800  }
0x3a7: {  	_ =	swait.ge [sflag:s14], $0x50  }
0x3a8: {  	[sflag:s14] =	ssyncset.done $0x0  }
0x3a9: {  	[sflag:s14] =	ssyncadd.s32 $0xFFFFFFB0  }
0x3aa: {  	_ =	swait.ge [sflag:s14], $0x50  }
0x3ab: {  	[sflag:s14] =	ssyncset.done $0x0  }
0x3ac: {  	[sflag:s14] =	ssyncadd.s32 $0xFFFFFFB0  }
0x3ad: {  	_ =	swait.ge [sflag:s14], $0x2800  }
0x3ae: {  	[sflag:s14] =	ssyncset.done $0x0  }
0x3af: {  	[sflag:s14] =	ssyncadd.s32 $0xFFFFD800  }
0x3b0: {  	_ =	swait.ge [sflag:s14], $0x50  }
0x3b1: {  	[sflag:s14] =	ssyncset.done $0x0  }
0x3b2: {  	[sflag:s14] =	ssyncadd.s32 $0xFFFFFFB0  }
0x3b3: {  	_ =	swait.ge [sflag:s14], $0x50  }
0x3b4: {  	[sflag:s14] =	ssyncset.done $0x0  }
0x3b5: {  	[sflag:s14] =	ssyncadd.s32 $0xFFFFFFB0  }
0x3b6: {  	[bflag:$0x0] =	sbarrier.arrive $0xFFFF  }
0x3b7: {  	s5 =	rddreg [dreg:$0x9]  }
0x3b8: {  	s22 =	rddreg [dreg:$0x12]  }
0x3b9: {  	s17 =	rddreg [dreg:$0x19]  }
0x3ba: {  	[hbm:s22], [sflag:s5] =	dma.local [spmem:s17], $0x2800  }
0x3bb: {  	s17 =	simm.s32 $0xB  }
0x3bc: {  	_ =	swait.ge [sflag:s17], $0x2800  }
0x3bd: {  	[sflag:s17] =	ssyncset.done $0x0;
	s28 =	rddreg [dreg:$0x13]  }
0x3be: {  	s22 =	rddreg [dreg:$0x1a];
	[sflag:s17] =	ssyncadd.s32 $0xFFFFD800  }
0x3bf: {  	[hbm:s28], [sflag:s5] =	dma.local [spmem:s22], $0x230  }
0x3c0: {  	_ =	swait.ge [sflag:s17], $0x230  }
0x3c1: {  	[sflag:s17] =	ssyncset.done $0x0;
	s22 =	rddreg [dreg:$0x14]  }
.Ltmp7:
0x3c2: {  	s28 =	rddreg [dreg:$0x1b];
	[sflag:s17] =	ssyncadd.s32 $0xFFFFFDD0;
	(pc) =	sbr.rel .LBB2_9-.Ltmp7, $4  }
0x3c3: {  	[hbm:s22], [sflag:s5] =	dma.local [spmem:s28], $0x230  }
0x3c4: {  	_ =	swait.ge [sflag:s17], $0x230  }
0x3c5: {  	[sflag:s17] =	ssyncset.done $0x0  }
0x3c6: {  	s15 =	rddreg [dreg:$0x18];
	[sflag:s17] =	ssyncadd.s32 $0xFFFFFDD0  }
.LBB2_10:
0x3c7: {  	_ =	sfence.sel $0x180000  }
0x3c8: {  	[bflag:$0x0] =	sbarrier.arrive $0xFFFF  }
0x3c9: {  	_ =	strace $0x90000047  }
0x3ca: {  	s0 =	stileid.u32;
	[bflag:$0x2] =	sbarrier.arrive $0xFFFF  }
0x3cb: {  	p0 =	sne.s32 s0, $0x0;
	s0 =	rddreg [dreg:$0x5]  }
0x3cc: {  	s0 =	sadd.s32 @!p0 $0x100000, s0  }
0x3cd: {  	[sflag:s0] =	ssyncadd.tile.s32 @!p0 $0x1;
	_ =	shalt  }
.Lfunc_end2:
_tile_overlayer_lowered:
.L_overlay_start_2:
0x3ce: {  	(tag) =	ssettag $0x2  }
0x3cf: {  	s0 =	rddreg [dreg:$0x0];
	s2 =	stileid.u32  }
0x3d0: {  	s1 =	rddreg [dreg:$0x1];
	p0 =	sne.s32 s2, $0x0  }
0x3d1: {  	s3 =	rddreg [dreg:$0x2];
	[bflag:$0x3] =	sbarrier.arrive $0xFFFF;
	s2 =	simm.s32 @!p0 $0x1C0B  }
0x3d2: {  	[timem:s3], [sflag:s2] =	dma.local @!p0 [hbm:s0], s1  }
0x3d3: {  	s0 =	simm.s32 @!p0 $0xB  }
0x3d4: {  	_ =	swait.ge @!p0 [sflag:s0], s1  }
0x3d5: {  	s1 =	ssub.s32 @!p0 $0x0, s1;
	[sflag:s0] =	ssyncset.done @!p0 $0x0  }
0x3d6: {  	[sflag:s0] =	ssyncadd.s32 @!p0 s1  }
0x3d7: {  	[bflag:$0x3] =	sbarrier.arrive $0xFFFF  }
0x3d8: {  	_ =	shalt  }

</sc_bundles>
